<compile_context>
chip_gen: v7x
topology: tpu7x:2x2x1
jax: 0.10.2.dev20260603
libtpu: 0.0.44.dev20260713+nightly
codegen_flags: <defaults>
</compile_context>

<pallas_src>
import functools

import jax
import jax.numpy as jnp
from jax import lax
from jax.experimental import pallas as pl
from jax.experimental.pallas import tpu as pltpu
from jax.experimental.pallas import tpu_sc as plsc

N = 10000
E = 320000
D = 128
NC = 2
NS = 16
NW = NC * NS
CH = 80
SB = 6
E_TILE = 10080
E_PAD = NW * E_TILE
N_CH = E_TILE // CH
NB = N_CH // SB
BLK = SB * CH
NP = 10240
ROWS_TILE = NP // NS
ZC = ROWS_TILE // CH
DM = NP // D
NRT = 10
DRT = DM // NRT


def _sc_segment_sum(with_deg):
  mesh = plsc.VectorSubcoreMesh(core_axis_name="c", subcore_axis_name="s",
                                num_cores=NC, num_subcores=NS)
  out_type = [jax.ShapeDtypeStruct((NC, NP, D), jnp.float32)]
  scratch = [
      pltpu.VMEM((BLK + CH,), jnp.int32),
      pltpu.VMEM((BLK,), jnp.int32),
      pltpu.VMEM((CH,), jnp.int32),
      pltpu.VMEM((CH, D), jnp.float32),
      pltpu.VMEM((CH, D), jnp.float32),
      pltpu.VMEM_SHARED((NP, D), jnp.float32),
      pltpu.SemaphoreType.DMA,
      pltpu.SemaphoreType.DMA,
      pltpu.SemaphoreType.DMA,
      pltpu.SemaphoreType.DMA,
  ]
  if with_deg:
    out_type.append(jax.ShapeDtypeStruct((NC, NRT, DRT, D), jnp.float32))
    scratch += [
        pltpu.VMEM((DM, D), jnp.float32),
        pltpu.VMEM((DRT, D), jnp.float32),
        pltpu.VMEM((DRT, D), jnp.float32),
    ]

  def body(x_hbm, src_hbm, dst_hbm, *refs):
    if with_deg:
      (out_hbm, deg_hbm, src_blk, dst_blk, dst_cur, rows_a, rows_b, acc_sh,
       sem_a, sem_b, sem_z, sem_s, deg_t, tbuf, dacc) = refs
    else:
      (out_hbm, src_blk, dst_blk, dst_cur, rows_a, rows_b, acc_sh,
       sem_a, sem_b, sem_z, sem_s) = refs
    rows = (rows_a, rows_b)
    sems = (sem_a, sem_b)
    c = lax.axis_index("c")
    s = lax.axis_index("s")
    zvec = jnp.zeros((16,), jnp.float32)
    ones16 = jnp.full((16,), 1.0, jnp.float32)

    def zero_row(i, _):
      def zero_block(j, _):
        rows_a[i, pl.ds(j * 16, 16)] = zvec
        return 0
      return lax.fori_loop(0, D // 16, zero_block, 0)
    lax.fori_loop(0, CH, zero_row, 0)
    stripe0 = s * ROWS_TILE
    zcopies = [
        pltpu.async_copy(rows_a, acc_sh.at[pl.ds(stripe0 + q * CH, CH)], sem_z)
        for q in range(ZC)
    ]
    if with_deg:
      def zero_deg(i, _):
        def zb(j, _):
          deg_t[i, pl.ds(j * 16, 16)] = zvec
          return 0
        return lax.fori_loop(0, D // 16, zb, 0)
      lax.fori_loop(0, DM, zero_deg, 0)
    for cp in zcopies:
      cp.wait()
    plsc.subcore_barrier()

    ebase = (c * NS + s) * E_TILE
    bnd = pl.ds(BLK, CH)

    pltpu.sync_copy(src_hbm.at[pl.ds(ebase, CH)], src_blk.at[bnd])
    pltpu.async_copy(x_hbm.at[src_blk.at[bnd]], rows_a, sem_a)

    def block_step(b, _):
      off = pl.multiple_of(ebase + b * BLK, 8)
      pltpu.sync_copy(src_hbm.at[pl.ds(off, BLK)], src_blk.at[pl.ds(0, BLK)])
      pltpu.sync_copy(dst_hbm.at[pl.ds(off, BLK)], dst_blk)
      for j in range(SB):
        p, pn = j % 2, (j + 1) % 2
        src_j = bnd if j == 0 else pl.ds(j * CH, CH)
        pltpu.make_async_copy(x_hbm.at[src_blk.at[src_j]], rows[p],
                              sems[p]).wait()
        if j < SB - 1:
          pltpu.async_copy(x_hbm.at[src_blk.at[pl.ds((j + 1) * CH, CH)]],
                           rows[pn], sems[pn])
        else:
          @pl.when(b < NB - 1)
          def _():
            boff = pl.multiple_of(ebase + (b + 1) * BLK, 8)
            pltpu.sync_copy(src_hbm.at[pl.ds(boff, CH)], src_blk.at[bnd])
            pltpu.async_copy(x_hbm.at[src_blk.at[bnd]], rows[pn], sems[pn])
        for k in range(CH // 16):
          dst_cur[pl.ds(k * 16, 16)] = dst_blk[pl.ds(j * CH + k * 16, 16)]
        sc_copy = pltpu.async_copy(rows[p], acc_sh.at[dst_cur], add=True,
                                   sem=sem_s)
        if with_deg:
          for k in range(CH // 16):
            idx = dst_cur[pl.ds(k * 16, 16)]
            row_i = lax.shift_right_logical(idx, 7)
            col_i = lax.bitwise_and(idx, 127)
            plsc.addupdate_scatter(deg_t, [row_i, col_i], ones16)
        sc_copy.wait()
      return 0

    lax.fori_loop(0, NB, block_step, 0)
    plsc.subcore_barrier()

    pltpu.sync_copy(acc_sh.at[pl.ds(stripe0, ROWS_TILE)],
                    out_hbm.at[c, pl.ds(stripe0, ROWS_TILE)])

    if with_deg:
      plsc.subcore_barrier()
      pltpu.sync_copy(deg_t, acc_sh.at[pl.ds(s * DM, DM)])
      plsc.subcore_barrier()

      @pl.when(s < NRT)
      def _():
        def zf(i, _):
          def zb(j, _):
            dacc[i, pl.ds(j * 16, 16)] = zvec
            return 0
          return lax.fori_loop(0, D // 16, zb, 0)
        lax.fori_loop(0, DRT, zf, 0)
        for t in range(NS):
          pltpu.sync_copy(acc_sh.at[pl.ds(t * DM + s * DRT, DRT)], tbuf)
          def red(i, _):
            def rb(j, _):
              sl = pl.ds(j * 16, 16)
              dacc[i, sl] = dacc[i, sl] + tbuf[i, sl]
              return 0
            return lax.fori_loop(0, D // 16, rb, 0)
          lax.fori_loop(0, DRT, red, 0)
        pltpu.sync_copy(dacc, deg_hbm.at[c, s])

  return pl.kernel(
      body, out_type=out_type, mesh=mesh, scratch_types=scratch,
      compiler_params=pltpu.CompilerParams(needs_layout_passes=False))


_sc_pass_deg = _sc_segment_sum(with_deg=True)
_sc_pass = _sc_segment_sum(with_deg=False)


def _tc_layer_body(relu, sums_ref, degs_ref, h_ref, wl_ref, bl_ref, wr_ref,
                   o_ref):
  ssum = sums_ref[0] + sums_ref[1]
  deg = degs_ref[0] + degs_ref[1]
  agg = ssum / jnp.maximum(deg, 1.0)
  out = (jnp.dot(agg, wl_ref[...], preferred_element_type=jnp.float32)
         + bl_ref[...]
         + jnp.dot(h_ref[...], wr_ref[...], preferred_element_type=jnp.float32))
  nrm = jnp.sqrt(jnp.sum(out * out, axis=1, keepdims=True))
  out = out / jnp.maximum(nrm, 1e-12)
  if relu:
    out = jnp.maximum(out, 0.0)
  o_ref[...] = out


def _tc_layer(sums, degs, h, wl, bl, wr, relu, bn=1000):
  grid = N // bn
  return pl.pallas_call(
      functools.partial(_tc_layer_body, relu),
      grid=(grid,),
      in_specs=[
          pl.BlockSpec((NC, bn, D), lambda i: (0, i, 0)),
          pl.BlockSpec((NC, bn, 1), lambda i: (0, i, 0)),
          pl.BlockSpec((bn, D), lambda i: (i, 0)),
          pl.BlockSpec((D, D), lambda i: (0, 0)),
          pl.BlockSpec((1, D), lambda i: (0, 0)),
          pl.BlockSpec((D, D), lambda i: (0, 0)),
      ],
      out_specs=pl.BlockSpec((bn, D), lambda i: (i, 0)),
      out_shape=jax.ShapeDtypeStruct((N, D), jnp.float32),
  )(sums, degs, h, wl, bl, wr)


def kernel(x, edge_index, edge_attr, W1l, b1, W1r, W2l, b2, W2r):
  src = edge_index[0].astype(jnp.int32)
  dst = edge_index[1].astype(jnp.int32)
  npad = E_PAD - E
  src_p = jnp.concatenate([src, jnp.zeros((npad,), jnp.int32)])
  dst_p = jnp.concatenate([dst, jnp.full((npad,), N, jnp.int32)])
  b1r = b1.reshape(1, D)
  b2r = b2.reshape(1, D)

  sums1, degs = _sc_pass_deg(x, src_p, dst_p)
  degs3 = degs.reshape(NC, NP, 1)
  h1 = _tc_layer(sums1, degs3, x, W1l, b1r, W1r, relu=True)
  (sums2,) = _sc_pass(h1, src_p, dst_p)
  h2 = _tc_layer(sums2, degs3, h1, W2l, b2r, W2r, relu=False)
  return h2

# --- scband reference (transcript-rebuilt; emitter-appended) ---
"""Pipeline reference for scband-graph-sage-encoder-15985868275834 (READ-ONLY COPY).

The authoritative reference and input builder live on the scoring server;
editing this copy changes nothing except your own understanding.
"""

import jax, jax.numpy as jnp
import numpy as np

N_NODES = 10000
N_EDGES = 320000
D_IN = 128
D_HID = 128


def setup_inputs(seed: int = 0) -> dict:
    key = jax.random.key(seed)
    ks = jax.random.split(key, 10)
    x = jax.random.normal(ks[0], (N_NODES, D_IN), dtype=jnp.float32)
    edge_index = jax.random.randint(ks[1], (2, N_EDGES), 0, N_NODES, dtype=jnp.int64)
    edge_attr = jax.random.uniform(ks[2], (N_EDGES, 1), dtype=jnp.float32)
    # SAGEConv params: lin_l (applied to mean-aggregated neighbors, with bias),
    # lin_r (applied to root features, no bias). Two layers.
    s1 = 1.0 / np.sqrt(D_IN)
    s2 = 1.0 / np.sqrt(D_HID)
    W1l = jax.random.uniform(ks[3], (D_IN, D_HID), jnp.float32, -s1, s1)
    b1 = jax.random.uniform(ks[4], (D_HID,), jnp.float32, -s1, s1)
    W1r = jax.random.uniform(ks[5], (D_IN, D_HID), jnp.float32, -s1, s1)
    W2l = jax.random.uniform(ks[6], (D_HID, D_HID), jnp.float32, -s2, s2)
    b2 = jax.random.uniform(ks[7], (D_HID,), jnp.float32, -s2, s2)
    W2r = jax.random.uniform(ks[8], (D_HID, D_HID), jnp.float32, -s2, s2)
    return {"x": x, "edge_index": edge_index, "edge_attr": edge_attr,
            "W1l": W1l, "b1": b1, "W1r": W1r, "W2l": W2l, "b2": b2, "W2r": W2r}


def _sage_conv(x, src, dst, Wl, bl, Wr, n_nodes):
    # mean aggregation of source messages at destination nodes
    msgs = jnp.take(x, src, axis=0)
    summed = jax.ops.segment_sum(msgs, dst, num_segments=n_nodes)
    cnt = jax.ops.segment_sum(jnp.ones((src.shape[0], 1), x.dtype), dst, num_segments=n_nodes)
    agg = summed / jnp.maximum(cnt, 1.0)
    out = agg @ Wl + bl + x @ Wr
    # normalize=True -> L2 normalize (F.normalize, eps=1e-12)
    norm = jnp.linalg.norm(out, axis=-1, keepdims=True)
    return out / jnp.maximum(norm, 1e-12)


def reference(x, edge_index, edge_attr, W1l, b1, W1r, W2l, b2, W2r):
    # edge_attr is accepted by forward but not passed into SAGEConv -> unused
    src = edge_index[0]
    dst = edge_index[1]
    h = _sage_conv(x, src, dst, W1l, b1, W1r, N_NODES)
    h = jax.nn.relu(h)  # relu between layers; dropout=0.0
    h = _sage_conv(h, src, dst, W2l, b2, W2r, N_NODES)
    return h

if __name__ == "__main__":
    import jax
    _d = setup_inputs()
    print(jax.jit(kernel)(*tuple(_d.values())))

</pallas_src>

<mosaic_0001>
#map = affine_map<(d0, d1) -> (0, 0)>
#map1 = affine_map<(d0, d1) -> (0)>
#map2 = affine_map<(d0, d1) -> (0, 0, 0)>
#map3 = affine_map<(d0, d1) -> (0, 0, 0, 0)>
module attributes {stable_mosaic.version = 14 : i64} {
  func.func @body(%arg0: i32, %arg1: i32, %arg2: memref<10000x128xf32, #tpu.memory_space<hbm>>, %arg3: memref<322560xi32, #tpu.memory_space<hbm>>, %arg4: memref<322560xi32, #tpu.memory_space<hbm>>, %arg5: memref<2x10240x128xf32, #tpu.memory_space<hbm>>, %arg6: memref<2x10x8x128xf32, #tpu.memory_space<hbm>>, %arg7: memref<560xi32, #tpu.memory_space<vmem>>, %arg8: memref<480xi32, #tpu.memory_space<vmem>>, %arg9: memref<80xi32, #tpu.memory_space<vmem>>, %arg10: memref<80x128xf32, #tpu.memory_space<vmem>>, %arg11: memref<80x128xf32, #tpu.memory_space<vmem>>, %arg12: memref<10240x128xf32, #tpu.memory_space<vmem_shared>>, %arg13: memref<!tpu.dma_semaphore, #tpu.memory_space<semaphore_mem>>, %arg14: memref<!tpu.dma_semaphore, #tpu.memory_space<semaphore_mem>>, %arg15: memref<!tpu.dma_semaphore, #tpu.memory_space<semaphore_mem>>, %arg16: memref<!tpu.dma_semaphore, #tpu.memory_space<semaphore_mem>>, %arg17: memref<80x128xf32, #tpu.memory_space<vmem>>, %arg18: memref<8x128xf32, #tpu.memory_space<vmem>>, %arg19: memref<8x128xf32, #tpu.memory_space<vmem>>) attributes {dimension_semantics = [#tpu.dimension_semantics<core_parallel>, #tpu.dimension_semantics<subcore_parallel>], iteration_bounds = array<i64: 2, 16>, scalar_prefetch = 0 : i64, scratch_operands = 13 : i64, tpu.core_type = #tpu.core_type<sc_vector_subcore>, window_params = [{transform_indices = #map}, {transform_indices = #map1}, {transform_indices = #map1}, {transform_indices = #map2}, {transform_indices = #map3}]} {
    %broadcast_in_dim3A = arith.constant 0.000000e+00 : f32
    %broadcast_in_dim3A_0 = vector.broadcast %broadcast_in_dim3A : f32 to vector<16xf32>
    %broadcast_in_dim3A_1 = arith.constant 1.000000e+00 : f32
    %broadcast_in_dim3A_2 = vector.broadcast %broadcast_in_dim3A_1 : f32 to vector<16xf32>
    %scan3A = arith.constant 0 : i32
    %scan3A_3 = arith.constant 0 : i32
    %scan3A_4 = arith.constant 80 : i32
    %scan3A_5 = arith.addi %scan3A_3, %scan3A_4 : i32
    %scan3A_6 = arith.constant 1 : i32
    %scan3A_7 = scf.for %scan3A_118 = %scan3A_3 to %scan3A_5 step %scan3A_6 iter_args(%scan3A_119 = %scan3A) -> (i32)  : i32 {
      %scan3A_120 = arith.constant 0 : i32
      %scan3A_121 = arith.constant 0 : i32
      %scan3A_122 = arith.constant 8 : i32
      %scan3A_123 = arith.addi %scan3A_121, %scan3A_122 : i32
      %scan3A_124 = arith.constant 1 : i32
      %scan3A_125 = scf.for %scan3A_127 = %scan3A_121 to %scan3A_123 step %scan3A_124 iter_args(%scan3A_128 = %scan3A_120) -> (i32)  : i32 {
        %mul3A_129 = arith.constant 16 : i32
        %mul3A_130 = arith.muli %scan3A_127, %mul3A_129 : i32
        %swap3A = arith.index_cast %scan3A_118 : i32 to index
        %swap3A_131 = arith.index_cast %mul3A_130 : i32 to index
        %swap3A_132 = tpu.vector_load %arg10[%swap3A, %swap3A_131] {strides = array<i32>} : memref<80x128xf32, #tpu.memory_space<vmem>>, vector<16xf32>,
        tpu.vector_store %arg10[%swap3A, %swap3A_131], %broadcast_in_dim3A_0 {strides = array<i32>} : memref<80x128xf32, #tpu.memory_space<vmem>>, vector<16xf32>,
        %scan3A_133 = arith.constant 0 : i32
        scf.yield %scan3A_133 : i32
      }
      %scan3A_126 = arith.constant 8 : i32
      scf.yield %scan3A_125 : i32
    }
    %scan3A_8 = arith.constant 80 : i32
    %mul3A = arith.constant 640 : i32
    %mul3A_9 = arith.muli %arg1, %mul3A : i32
    %add3A = arith.constant 0 : i32
    %add3A_10 = arith.addi %mul3A_9, %add3A : i32
    %dma_start3A = arith.constant 0 : i32
    %dma_start3A_11 = tpu.memref_slice %arg12[%add3A_10, %dma_start3A] : memref<10240x128xf32, #tpu.memory_space<vmem_shared>> -> memref<80x128xf32, #tpu.memory_space<vmem_shared>>
    %dma_start3A_12 = arith.constant 0 : i32
    %dma_start3A_13 = tpu.memref_slice %arg12[%add3A_10, %dma_start3A_12] : memref<10240x128xf32, #tpu.memory_space<vmem_shared>> -> memref<80x128xf32, #tpu.memory_space<vmem_shared>>
    tpu.enqueue_dma source(%arg10 : memref<80x128xf32, #tpu.memory_space<vmem>>) target(%dma_start3A_13 : memref<80x128xf32, #tpu.memory_space<vmem_shared>>) target_semaphore(%arg15 : memref<!tpu.dma_semaphore, #tpu.memory_space<semaphore_mem>>)
    %add3A_14 = arith.constant 80 : i32
    %add3A_15 = arith.addi %mul3A_9, %add3A_14 : i32
    %dma_start3A_16 = arith.constant 0 : i32
    %dma_start3A_17 = tpu.memref_slice %arg12[%add3A_15, %dma_start3A_16] : memref<10240x128xf32, #tpu.memory_space<vmem_shared>> -> memref<80x128xf32, #tpu.memory_space<vmem_shared>>
    %dma_start3A_18 = arith.constant 0 : i32
    %dma_start3A_19 = tpu.memref_slice %arg12[%add3A_15, %dma_start3A_18] : memref<10240x128xf32, #tpu.memory_space<vmem_shared>> -> memref<80x128xf32, #tpu.memory_space<vmem_shared>>
    tpu.enqueue_dma source(%arg10 : memref<80x128xf32, #tpu.memory_space<vmem>>) target(%dma_start3A_19 : memref<80x128xf32, #tpu.memory_space<vmem_shared>>) target_semaphore(%arg15 : memref<!tpu.dma_semaphore, #tpu.memory_space<semaphore_mem>>)
    %add3A_20 = arith.constant 160 : i32
    %add3A_21 = arith.addi %mul3A_9, %add3A_20 : i32
    %dma_start3A_22 = arith.constant 0 : i32
    %dma_start3A_23 = tpu.memref_slice %arg12[%add3A_21, %dma_start3A_22] : memref<10240x128xf32, #tpu.memory_space<vmem_shared>> -> memref<80x128xf32, #tpu.memory_space<vmem_shared>>
    %dma_start3A_24 = arith.constant 0 : i32
    %dma_start3A_25 = tpu.memref_slice %arg12[%add3A_21, %dma_start3A_24] : memref<10240x128xf32, #tpu.memory_space<vmem_shared>> -> memref<80x128xf32, #tpu.memory_space<vmem_shared>>
    tpu.enqueue_dma source(%arg10 : memref<80x128xf32, #tpu.memory_space<vmem>>) target(%dma_start3A_25 : memref<80x128xf32, #tpu.memory_space<vmem_shared>>) target_semaphore(%arg15 : memref<!tpu.dma_semaphore, #tpu.memory_space<semaphore_mem>>)
    %add3A_26 = arith.constant 240 : i32
    %add3A_27 = arith.addi %mul3A_9, %add3A_26 : i32
    %dma_start3A_28 = arith.constant 0 : i32
    %dma_start3A_29 = tpu.memref_slice %arg12[%add3A_27, %dma_start3A_28] : memref<10240x128xf32, #tpu.memory_space<vmem_shared>> -> memref<80x128xf32, #tpu.memory_space<vmem_shared>>
    %dma_start3A_30 = arith.constant 0 : i32
    %dma_start3A_31 = tpu.memref_slice %arg12[%add3A_27, %dma_start3A_30] : memref<10240x128xf32, #tpu.memory_space<vmem_shared>> -> memref<80x128xf32, #tpu.memory_space<vmem_shared>>
    tpu.enqueue_dma source(%arg10 : memref<80x128xf32, #tpu.memory_space<vmem>>) target(%dma_start3A_31 : memref<80x128xf32, #tpu.memory_space<vmem_shared>>) target_semaphore(%arg15 : memref<!tpu.dma_semaphore, #tpu.memory_space<semaphore_mem>>)
    %add3A_32 = arith.constant 320 : i32
    %add3A_33 = arith.addi %mul3A_9, %add3A_32 : i32
    %dma_start3A_34 = arith.constant 0 : i32
    %dma_start3A_35 = tpu.memref_slice %arg12[%add3A_33, %dma_start3A_34] : memref<10240x128xf32, #tpu.memory_space<vmem_shared>> -> memref<80x128xf32, #tpu.memory_space<vmem_shared>>
    %dma_start3A_36 = arith.constant 0 : i32
    %dma_start3A_37 = tpu.memref_slice %arg12[%add3A_33, %dma_start3A_36] : memref<10240x128xf32, #tpu.memory_space<vmem_shared>> -> memref<80x128xf32, #tpu.memory_space<vmem_shared>>
    tpu.enqueue_dma source(%arg10 : memref<80x128xf32, #tpu.memory_space<vmem>>) target(%dma_start3A_37 : memref<80x128xf32, #tpu.memory_space<vmem_shared>>) target_semaphore(%arg15 : memref<!tpu.dma_semaphore, #tpu.memory_space<semaphore_mem>>)
    %add3A_38 = arith.constant 400 : i32
    %add3A_39 = arith.addi %mul3A_9, %add3A_38 : i32
    %dma_start3A_40 = arith.constant 0 : i32
    %dma_start3A_41 = tpu.memref_slice %arg12[%add3A_39, %dma_start3A_40] : memref<10240x128xf32, #tpu.memory_space<vmem_shared>> -> memref<80x128xf32, #tpu.memory_space<vmem_shared>>
    %dma_start3A_42 = arith.constant 0 : i32
    %dma_start3A_43 = tpu.memref_slice %arg12[%add3A_39, %dma_start3A_42] : memref<10240x128xf32, #tpu.memory_space<vmem_shared>> -> memref<80x128xf32, #tpu.memory_space<vmem_shared>>
    tpu.enqueue_dma source(%arg10 : memref<80x128xf32, #tpu.memory_space<vmem>>) target(%dma_start3A_43 : memref<80x128xf32, #tpu.memory_space<vmem_shared>>) target_semaphore(%arg15 : memref<!tpu.dma_semaphore, #tpu.memory_space<semaphore_mem>>)
    %add3A_44 = arith.constant 480 : i32
    %add3A_45 = arith.addi %mul3A_9, %add3A_44 : i32
    %dma_start3A_46 = arith.constant 0 : i32
    %dma_start3A_47 = tpu.memref_slice %arg12[%add3A_45, %dma_start3A_46] : memref<10240x128xf32, #tpu.memory_space<vmem_shared>> -> memref<80x128xf32, #tpu.memory_space<vmem_shared>>
    %dma_start3A_48 = arith.constant 0 : i32
    %dma_start3A_49 = tpu.memref_slice %arg12[%add3A_45, %dma_start3A_48] : memref<10240x128xf32, #tpu.memory_space<vmem_shared>> -> memref<80x128xf32, #tpu.memory_space<vmem_shared>>
    tpu.enqueue_dma source(%arg10 : memref<80x128xf32, #tpu.memory_space<vmem>>) target(%dma_start3A_49 : memref<80x128xf32, #tpu.memory_space<vmem_shared>>) target_semaphore(%arg15 : memref<!tpu.dma_semaphore, #tpu.memory_space<semaphore_mem>>)
    %add3A_50 = arith.constant 560 : i32
    %add3A_51 = arith.addi %mul3A_9, %add3A_50 : i32
    %dma_start3A_52 = arith.constant 0 : i32
    %dma_start3A_53 = tpu.memref_slice %arg12[%add3A_51, %dma_start3A_52] : memref<10240x128xf32, #tpu.memory_space<vmem_shared>> -> memref<80x128xf32, #tpu.memory_space<vmem_shared>>
    %dma_start3A_54 = arith.constant 0 : i32
    %dma_start3A_55 = tpu.memref_slice %arg12[%add3A_51, %dma_start3A_54] : memref<10240x128xf32, #tpu.memory_space<vmem_shared>> -> memref<80x128xf32, #tpu.memory_space<vmem_shared>>
    tpu.enqueue_dma source(%arg10 : memref<80x128xf32, #tpu.memory_space<vmem>>) target(%dma_start3A_55 : memref<80x128xf32, #tpu.memory_space<vmem_shared>>) target_semaphore(%arg15 : memref<!tpu.dma_semaphore, #tpu.memory_space<semaphore_mem>>)
    %scan3A_56 = arith.constant 0 : i32
    %scan3A_57 = arith.constant 0 : i32
    %scan3A_58 = arith.constant 80 : i32
    %scan3A_59 = arith.addi %scan3A_57, %scan3A_58 : i32
    %scan3A_60 = arith.constant 1 : i32
    %scan3A_61 = scf.for %scan3A_118 = %scan3A_57 to %scan3A_59 step %scan3A_60 iter_args(%scan3A_119 = %scan3A_56) -> (i32)  : i32 {
      %scan3A_120 = arith.constant 0 : i32
      %scan3A_121 = arith.constant 0 : i32
      %scan3A_122 = arith.constant 8 : i32
      %scan3A_123 = arith.addi %scan3A_121, %scan3A_122 : i32
      %scan3A_124 = arith.constant 1 : i32
      %scan3A_125 = scf.for %scan3A_127 = %scan3A_121 to %scan3A_123 step %scan3A_124 iter_args(%scan3A_128 = %scan3A_120) -> (i32)  : i32 {
        %mul3A_129 = arith.constant 16 : i32
        %mul3A_130 = arith.muli %scan3A_127, %mul3A_129 : i32
        %swap3A = arith.index_cast %scan3A_118 : i32 to index
        %swap3A_131 = arith.index_cast %mul3A_130 : i32 to index
        %swap3A_132 = tpu.vector_load %arg17[%swap3A, %swap3A_131] {strides = array<i32>} : memref<80x128xf32, #tpu.memory_space<vmem>>, vector<16xf32>,
        tpu.vector_store %arg17[%swap3A, %swap3A_131], %broadcast_in_dim3A_0 {strides = array<i32>} : memref<80x128xf32, #tpu.memory_space<vmem>>, vector<16xf32>,
        %scan3A_133 = arith.constant 0 : i32
        scf.yield %scan3A_133 : i32
      }
      %scan3A_126 = arith.constant 8 : i32
      scf.yield %scan3A_125 : i32
    }
    %scan3A_62 = arith.constant 80 : i32
    %dma_wait3A = arith.constant 0 : i32
    %dma_wait3A_63 = tpu.memref_slice %arg12[%add3A_10, %dma_wait3A] : memref<10240x128xf32, #tpu.memory_space<vmem_shared>> -> memref<80x128xf32, #tpu.memory_space<vmem_shared>>
    %dma_wait3A_64 = arith.constant 0 : i32
    %dma_wait3A_65 = tpu.memref_slice %arg12[%add3A_10, %dma_wait3A_64] : memref<10240x128xf32, #tpu.memory_space<vmem_shared>> -> memref<80x128xf32, #tpu.memory_space<vmem_shared>>
    tpu.wait_dma2 semaphore(%arg15 : memref<!tpu.dma_semaphore, #tpu.memory_space<semaphore_mem>>) src(%arg10 : memref<80x128xf32, #tpu.memory_space<vmem>>) dst(%dma_wait3A_65 : memref<80x128xf32, #tpu.memory_space<vmem_shared>>)
    %dma_wait3A_66 = arith.constant 0 : i32
    %dma_wait3A_67 = tpu.memref_slice %arg12[%add3A_15, %dma_wait3A_66] : memref<10240x128xf32, #tpu.memory_space<vmem_shared>> -> memref<80x128xf32, #tpu.memory_space<vmem_shared>>
    %dma_wait3A_68 = arith.constant 0 : i32
    %dma_wait3A_69 = tpu.memref_slice %arg12[%add3A_15, %dma_wait3A_68] : memref<10240x128xf32, #tpu.memory_space<vmem_shared>> -> memref<80x128xf32, #tpu.memory_space<vmem_shared>>
    tpu.wait_dma2 semaphore(%arg15 : memref<!tpu.dma_semaphore, #tpu.memory_space<semaphore_mem>>) src(%arg10 : memref<80x128xf32, #tpu.memory_space<vmem>>) dst(%dma_wait3A_69 : memref<80x128xf32, #tpu.memory_space<vmem_shared>>)
    %dma_wait3A_70 = arith.constant 0 : i32
    %dma_wait3A_71 = tpu.memref_slice %arg12[%add3A_21, %dma_wait3A_70] : memref<10240x128xf32, #tpu.memory_space<vmem_shared>> -> memref<80x128xf32, #tpu.memory_space<vmem_shared>>
    %dma_wait3A_72 = arith.constant 0 : i32
    %dma_wait3A_73 = tpu.memref_slice %arg12[%add3A_21, %dma_wait3A_72] : memref<10240x128xf32, #tpu.memory_space<vmem_shared>> -> memref<80x128xf32, #tpu.memory_space<vmem_shared>>
    tpu.wait_dma2 semaphore(%arg15 : memref<!tpu.dma_semaphore, #tpu.memory_space<semaphore_mem>>) src(%arg10 : memref<80x128xf32, #tpu.memory_space<vmem>>) dst(%dma_wait3A_73 : memref<80x128xf32, #tpu.memory_space<vmem_shared>>)
    %dma_wait3A_74 = arith.constant 0 : i32
    %dma_wait3A_75 = tpu.memref_slice %arg12[%add3A_27, %dma_wait3A_74] : memref<10240x128xf32, #tpu.memory_space<vmem_shared>> -> memref<80x128xf32, #tpu.memory_space<vmem_shared>>
    %dma_wait3A_76 = arith.constant 0 : i32
    %dma_wait3A_77 = tpu.memref_slice %arg12[%add3A_27, %dma_wait3A_76] : memref<10240x128xf32, #tpu.memory_space<vmem_shared>> -> memref<80x128xf32, #tpu.memory_space<vmem_shared>>
    tpu.wait_dma2 semaphore(%arg15 : memref<!tpu.dma_semaphore, #tpu.memory_space<semaphore_mem>>) src(%arg10 : memref<80x128xf32, #tpu.memory_space<vmem>>) dst(%dma_wait3A_77 : memref<80x128xf32, #tpu.memory_space<vmem_shared>>)
    %dma_wait3A_78 = arith.constant 0 : i32
    %dma_wait3A_79 = tpu.memref_slice %arg12[%add3A_33, %dma_wait3A_78] : memref<10240x128xf32, #tpu.memory_space<vmem_shared>> -> memref<80x128xf32, #tpu.memory_space<vmem_shared>>
    %dma_wait3A_80 = arith.constant 0 : i32
    %dma_wait3A_81 = tpu.memref_slice %arg12[%add3A_33, %dma_wait3A_80] : memref<10240x128xf32, #tpu.memory_space<vmem_shared>> -> memref<80x128xf32, #tpu.memory_space<vmem_shared>>
    tpu.wait_dma2 semaphore(%arg15 : memref<!tpu.dma_semaphore, #tpu.memory_space<semaphore_mem>>) src(%arg10 : memref<80x128xf32, #tpu.memory_space<vmem>>) dst(%dma_wait3A_81 : memref<80x128xf32, #tpu.memory_space<vmem_shared>>)
    %dma_wait3A_82 = arith.constant 0 : i32
    %dma_wait3A_83 = tpu.memref_slice %arg12[%add3A_39, %dma_wait3A_82] : memref<10240x128xf32, #tpu.memory_space<vmem_shared>> -> memref<80x128xf32, #tpu.memory_space<vmem_shared>>
    %dma_wait3A_84 = arith.constant 0 : i32
    %dma_wait3A_85 = tpu.memref_slice %arg12[%add3A_39, %dma_wait3A_84] : memref<10240x128xf32, #tpu.memory_space<vmem_shared>> -> memref<80x128xf32, #tpu.memory_space<vmem_shared>>
    tpu.wait_dma2 semaphore(%arg15 : memref<!tpu.dma_semaphore, #tpu.memory_space<semaphore_mem>>) src(%arg10 : memref<80x128xf32, #tpu.memory_space<vmem>>) dst(%dma_wait3A_85 : memref<80x128xf32, #tpu.memory_space<vmem_shared>>)
    %dma_wait3A_86 = arith.constant 0 : i32
    %dma_wait3A_87 = tpu.memref_slice %arg12[%add3A_45, %dma_wait3A_86] : memref<10240x128xf32, #tpu.memory_space<vmem_shared>> -> memref<80x128xf32, #tpu.memory_space<vmem_shared>>
    %dma_wait3A_88 = arith.constant 0 : i32
    %dma_wait3A_89 = tpu.memref_slice %arg12[%add3A_45, %dma_wait3A_88] : memref<10240x128xf32, #tpu.memory_space<vmem_shared>> -> memref<80x128xf32, #tpu.memory_space<vmem_shared>>
    tpu.wait_dma2 semaphore(%arg15 : memref<!tpu.dma_semaphore, #tpu.memory_space<semaphore_mem>>) src(%arg10 : memref<80x128xf32, #tpu.memory_space<vmem>>) dst(%dma_wait3A_89 : memref<80x128xf32, #tpu.memory_space<vmem_shared>>)
    %dma_wait3A_90 = arith.constant 0 : i32
    %dma_wait3A_91 = tpu.memref_slice %arg12[%add3A_51, %dma_wait3A_90] : memref<10240x128xf32, #tpu.memory_space<vmem_shared>> -> memref<80x128xf32, #tpu.memory_space<vmem_shared>>
    %dma_wait3A_92 = arith.constant 0 : i32
    %dma_wait3A_93 = tpu.memref_slice %arg12[%add3A_51, %dma_wait3A_92] : memref<10240x128xf32, #tpu.memory_space<vmem_shared>> -> memref<80x128xf32, #tpu.memory_space<vmem_shared>>
    tpu.wait_dma2 semaphore(%arg15 : memref<!tpu.dma_semaphore, #tpu.memory_space<semaphore_mem>>) src(%arg10 : memref<80x128xf32, #tpu.memory_space<vmem>>) dst(%dma_wait3A_93 : memref<80x128xf32, #tpu.memory_space<vmem_shared>>)
    %barrier3A = arith.constant 0 : index
    tpu.barrier barrier_id(%barrier3A)
    %mul3A_94 = arith.constant 16 : i32
    %mul3A_95 = arith.muli %arg0, %mul3A_94 : i32
    %add3A_96 = arith.addi %mul3A_95, %arg1 : i32
    %mul3A_97 = arith.constant 10080 : i32
    %mul3A_98 = arith.muli %add3A_96, %mul3A_97 : i32
    "tpu.region"() ({
      %run_scoped3A = tpu.sem_alloc : memref<!tpu.dma_semaphore, #tpu.memory_space<semaphore_mem>>
      %dma_start3A_118 = arith.constant 480 : i32
      %dma_start3A_119 = tpu.memref_slice %arg7[%dma_start3A_118] : memref<560xi32, #tpu.memory_space<vmem>> -> memref<80xi32, #tpu.memory_space<vmem>>
      %dma_start3A_120 = tpu.memref_slice %arg3[%mul3A_98] : memref<322560xi32, #tpu.memory_space<hbm>> -> memref<80xi32, #tpu.memory_space<hbm>>
      %dma_start3A_121 = arith.constant 480 : i32
      %dma_start3A_122 = tpu.memref_slice %arg7[%dma_start3A_121] : memref<560xi32, #tpu.memory_space<vmem>> -> memref<80xi32, #tpu.memory_space<vmem>>
      %dma_start3A_123 = tpu.memref_slice %arg3[%mul3A_98] : memref<322560xi32, #tpu.memory_space<hbm>> -> memref<80xi32, #tpu.memory_space<hbm>>
      tpu.enqueue_dma source(%dma_start3A_123 : memref<80xi32, #tpu.memory_space<hbm>>) target(%dma_start3A_122 : memref<80xi32, #tpu.memory_space<vmem>>) target_semaphore(%run_scoped3A : memref<!tpu.dma_semaphore, #tpu.memory_space<semaphore_mem>>)
      %dma_wait3A_124 = arith.constant 480 : i32
      %dma_wait3A_125 = tpu.memref_slice %arg7[%dma_wait3A_124] : memref<560xi32, #tpu.memory_space<vmem>> -> memref<80xi32, #tpu.memory_space<vmem>>
      %dma_wait3A_126 = tpu.memref_slice %arg3[%mul3A_98] : memref<322560xi32, #tpu.memory_space<hbm>> -> memref<80xi32, #tpu.memory_space<hbm>>
      %dma_wait3A_127 = arith.constant 480 : i32
      %dma_wait3A_128 = tpu.memref_slice %arg7[%dma_wait3A_127] : memref<560xi32, #tpu.memory_space<vmem>> -> memref<80xi32, #tpu.memory_space<vmem>>
      %dma_wait3A_129 = tpu.memref_slice %arg3[%mul3A_98] : memref<322560xi32, #tpu.memory_space<hbm>> -> memref<80xi32, #tpu.memory_space<hbm>>
      tpu.wait_dma2 semaphore(%run_scoped3A : memref<!tpu.dma_semaphore, #tpu.memory_space<semaphore_mem>>) src(%dma_wait3A_129 : memref<80xi32, #tpu.memory_space<hbm>>) dst(%dma_wait3A_128 : memref<80xi32, #tpu.memory_space<vmem>>)
      tpu.yield
    }) : () -> ()
    %dma_start3A_99 = arith.constant 480 : i32
    %dma_start3A_100 = tpu.memref_slice %arg7[%dma_start3A_99] : memref<560xi32, #tpu.memory_space<vmem>> -> memref<80xi32, #tpu.memory_space<vmem>>
    %dma_start3A_101 = arith.constant 0 : i32
    %dma_start3A_102 = arith.constant 0 : i32
    %dma_start3A_103 = tpu.memref_slice %arg2[%dma_start3A_101, %dma_start3A_102] : memref<10000x128xf32, #tpu.memory_space<hbm>> -> memref<10000x128xf32, #tpu.memory_space<hbm>>
    tpu.enqueue_indirect_dma source(%dma_start3A_103 : memref<10000x128xf32, #tpu.memory_space<hbm>>) target(%arg10 : memref<80x128xf32, #tpu.memory_space<vmem>>) offsets(%dma_start3A_100 : memref<80xi32, #tpu.memory_space<vmem>>) semaphore(%arg13 : memref<!tpu.dma_semaphore, #tpu.memory_space<semaphore_mem>>)
    %scan3A_104 = arith.constant 0 : i32
    %scan3A_105 = arith.constant 0 : i32
    %scan3A_106 = arith.constant 21 : i32
    %scan3A_107 = arith.addi %scan3A_105, %scan3A_106 : i32
    %scan3A_108 = arith.constant 1 : i32
    %scan3A_109 = scf.for %scan3A_118 = %scan3A_105 to %scan3A_107 step %scan3A_108 iter_args(%scan3A_119 = %scan3A_104) -> (i32)  : i32 {
      %mul3A_120 = arith.constant 480 : i32
      %mul3A_121 = arith.muli %scan3A_118, %mul3A_120 : i32
      %add3A_122 = arith.addi %mul3A_98, %mul3A_121 : i32
      %multiple_of3A = tpu.assume_multiple %add3A_122, 8 : i32
      "tpu.region"() ({
        %run_scoped3A = tpu.sem_alloc : memref<!tpu.dma_semaphore, #tpu.memory_space<semaphore_mem>>
        %dma_start3A_576 = arith.constant 0 : i32
        %dma_start3A_577 = tpu.memref_slice %arg7[%dma_start3A_576] : memref<560xi32, #tpu.memory_space<vmem>> -> memref<480xi32, #tpu.memory_space<vmem>>
        %dma_start3A_578 = tpu.memref_slice %arg3[%multiple_of3A] : memref<322560xi32, #tpu.memory_space<hbm>> -> memref<480xi32, #tpu.memory_space<hbm>>
        %dma_start3A_579 = arith.constant 0 : i32
        %dma_start3A_580 = tpu.memref_slice %arg7[%dma_start3A_579] : memref<560xi32, #tpu.memory_space<vmem>> -> memref<480xi32, #tpu.memory_space<vmem>>
        %dma_start3A_581 = tpu.memref_slice %arg3[%multiple_of3A] : memref<322560xi32, #tpu.memory_space<hbm>> -> memref<480xi32, #tpu.memory_space<hbm>>
        tpu.enqueue_dma source(%dma_start3A_581 : memref<480xi32, #tpu.memory_space<hbm>>) target(%dma_start3A_580 : memref<480xi32, #tpu.memory_space<vmem>>) target_semaphore(%run_scoped3A : memref<!tpu.dma_semaphore, #tpu.memory_space<semaphore_mem>>)
        %dma_wait3A_582 = arith.constant 0 : i32
        %dma_wait3A_583 = tpu.memref_slice %arg7[%dma_wait3A_582] : memref<560xi32, #tpu.memory_space<vmem>> -> memref<480xi32, #tpu.memory_space<vmem>>
        %dma_wait3A_584 = tpu.memref_slice %arg3[%multiple_of3A] : memref<322560xi32, #tpu.memory_space<hbm>> -> memref<480xi32, #tpu.memory_space<hbm>>
        %dma_wait3A_585 = arith.constant 0 : i32
        %dma_wait3A_586 = tpu.memref_slice %arg7[%dma_wait3A_585] : memref<560xi32, #tpu.memory_space<vmem>> -> memref<480xi32, #tpu.memory_space<vmem>>
        %dma_wait3A_587 = tpu.memref_slice %arg3[%multiple_of3A] : memref<322560xi32, #tpu.memory_space<hbm>> -> memref<480xi32, #tpu.memory_space<hbm>>
        tpu.wait_dma2 semaphore(%run_scoped3A : memref<!tpu.dma_semaphore, #tpu.memory_space<semaphore_mem>>) src(%dma_wait3A_587 : memref<480xi32, #tpu.memory_space<hbm>>) dst(%dma_wait3A_586 : memref<480xi32, #tpu.memory_space<vmem>>)
        tpu.yield
      }) : () -> ()
      "tpu.region"() ({
        %run_scoped3A = tpu.sem_alloc : memref<!tpu.dma_semaphore, #tpu.memory_space<semaphore_mem>>
        %dma_start3A_576 = tpu.memref_slice %arg4[%multiple_of3A] : memref<322560xi32, #tpu.memory_space<hbm>> -> memref<480xi32, #tpu.memory_space<hbm>>
        %dma_start3A_577 = tpu.memref_slice %arg4[%multiple_of3A] : memref<322560xi32, #tpu.memory_space<hbm>> -> memref<480xi32, #tpu.memory_space<hbm>>
        tpu.enqueue_dma source(%dma_start3A_577 : memref<480xi32, #tpu.memory_space<hbm>>) target(%arg8 : memref<480xi32, #tpu.memory_space<vmem>>) target_semaphore(%run_scoped3A : memref<!tpu.dma_semaphore, #tpu.memory_space<semaphore_mem>>)
        %dma_wait3A_578 = tpu.memref_slice %arg4[%multiple_of3A] : memref<322560xi32, #tpu.memory_space<hbm>> -> memref<480xi32, #tpu.memory_space<hbm>>
        %dma_wait3A_579 = tpu.memref_slice %arg4[%multiple_of3A] : memref<322560xi32, #tpu.memory_space<hbm>> -> memref<480xi32, #tpu.memory_space<hbm>>
        tpu.wait_dma2 semaphore(%run_scoped3A : memref<!tpu.dma_semaphore, #tpu.memory_space<semaphore_mem>>) src(%dma_wait3A_579 : memref<480xi32, #tpu.memory_space<hbm>>) dst(%arg8 : memref<480xi32, #tpu.memory_space<vmem>>)
        tpu.yield
      }) : () -> ()
      %dma_wait3A_123 = arith.constant 480 : i32
      %dma_wait3A_124 = tpu.memref_slice %arg7[%dma_wait3A_123] : memref<560xi32, #tpu.memory_space<vmem>> -> memref<80xi32, #tpu.memory_space<vmem>>
      %dma_wait3A_125 = arith.constant 0 : i32
      %dma_wait3A_126 = arith.constant 0 : i32
      %dma_wait3A_127 = tpu.memref_slice %arg2[%dma_wait3A_125, %dma_wait3A_126] : memref<10000x128xf32, #tpu.memory_space<hbm>> -> memref<10000x128xf32, #tpu.memory_space<hbm>>
      tpu.wait_indirect_dma semaphore(%arg13 : memref<!tpu.dma_semaphore, #tpu.memory_space<semaphore_mem>>) src(%dma_wait3A_127 : memref<10000x128xf32, #tpu.memory_space<hbm>>) dst(%arg10 : memref<80x128xf32, #tpu.memory_space<vmem>>)
      %dma_start3A_128 = arith.constant 80 : i32
      %dma_start3A_129 = tpu.memref_slice %arg7[%dma_start3A_128] : memref<560xi32, #tpu.memory_space<vmem>> -> memref<80xi32, #tpu.memory_space<vmem>>
      %dma_start3A_130 = arith.constant 0 : i32
      %dma_start3A_131 = arith.constant 0 : i32
      %dma_start3A_132 = tpu.memref_slice %arg2[%dma_start3A_130, %dma_start3A_131] : memref<10000x128xf32, #tpu.memory_space<hbm>> -> memref<10000x128xf32, #tpu.memory_space<hbm>>
      tpu.enqueue_indirect_dma source(%dma_start3A_132 : memref<10000x128xf32, #tpu.memory_space<hbm>>) target(%arg11 : memref<80x128xf32, #tpu.memory_space<vmem>>) offsets(%dma_start3A_129 : memref<80xi32, #tpu.memory_space<vmem>>) semaphore(%arg14 : memref<!tpu.dma_semaphore, #tpu.memory_space<semaphore_mem>>)
      %get3A = arith.constant 0 : index
      %get3A_133 = tpu.vector_load %arg8[%get3A] {strides = array<i32>} : memref<480xi32, #tpu.memory_space<vmem>>, vector<16xi32>,
      %swap3A = arith.constant 0 : index
      %swap3A_134 = tpu.vector_load %arg9[%swap3A] {strides = array<i32>} : memref<80xi32, #tpu.memory_space<vmem>>, vector<16xi32>,
      tpu.vector_store %arg9[%swap3A], %get3A_133 {strides = array<i32>} : memref<80xi32, #tpu.memory_space<vmem>>, vector<16xi32>,
      %get3A_135 = arith.constant 16 : index
      %get3A_136 = tpu.vector_load %arg8[%get3A_135] {strides = array<i32>} : memref<480xi32, #tpu.memory_space<vmem>>, vector<16xi32>,
      %swap3A_137 = arith.constant 16 : index
      %swap3A_138 = tpu.vector_load %arg9[%swap3A_137] {strides = array<i32>} : memref<80xi32, #tpu.memory_space<vmem>>, vector<16xi32>,
      tpu.vector_store %arg9[%swap3A_137], %get3A_136 {strides = array<i32>} : memref<80xi32, #tpu.memory_space<vmem>>, vector<16xi32>,
      %get3A_139 = arith.constant 32 : index
      %get3A_140 = tpu.vector_load %arg8[%get3A_139] {strides = array<i32>} : memref<480xi32, #tpu.memory_space<vmem>>, vector<16xi32>,
      %swap3A_141 = arith.constant 32 : index
      %swap3A_142 = tpu.vector_load %arg9[%swap3A_141] {strides = array<i32>} : memref<80xi32, #tpu.memory_space<vmem>>, vector<16xi32>,
      tpu.vector_store %arg9[%swap3A_141], %get3A_140 {strides = array<i32>} : memref<80xi32, #tpu.memory_space<vmem>>, vector<16xi32>,
      %get3A_143 = arith.constant 48 : index
      %get3A_144 = tpu.vector_load %arg8[%get3A_143] {strides = array<i32>} : memref<480xi32, #tpu.memory_space<vmem>>, vector<16xi32>,
      %swap3A_145 = arith.constant 48 : index
      %swap3A_146 = tpu.vector_load %arg9[%swap3A_145] {strides = array<i32>} : memref<80xi32, #tpu.memory_space<vmem>>, vector<16xi32>,
      tpu.vector_store %arg9[%swap3A_145], %get3A_144 {strides = array<i32>} : memref<80xi32, #tpu.memory_space<vmem>>, vector<16xi32>,
      %get3A_147 = arith.constant 64 : index
      %get3A_148 = tpu.vector_load %arg8[%get3A_147] {strides = array<i32>} : memref<480xi32, #tpu.memory_space<vmem>>, vector<16xi32>,
      %swap3A_149 = arith.constant 64 : index
      %swap3A_150 = tpu.vector_load %arg9[%swap3A_149] {strides = array<i32>} : memref<80xi32, #tpu.memory_space<vmem>>, vector<16xi32>,
      tpu.vector_store %arg9[%swap3A_149], %get3A_148 {strides = array<i32>} : memref<80xi32, #tpu.memory_space<vmem>>, vector<16xi32>,
      %dma_start3A_151 = arith.constant 0 : i32
      %dma_start3A_152 = arith.constant 0 : i32
      %dma_start3A_153 = tpu.memref_slice %arg12[%dma_start3A_151, %dma_start3A_152] : memref<10240x128xf32, #tpu.memory_space<vmem_shared>> -> memref<10240x128xf32, #tpu.memory_space<vmem_shared>>
      tpu.enqueue_indirect_dma source(%arg10 : memref<80x128xf32, #tpu.memory_space<vmem>>) target(%dma_start3A_153 : memref<10240x128xf32, #tpu.memory_space<vmem_shared>>) offsets(%arg9 : memref<80xi32, #tpu.memory_space<vmem>>) semaphore(%arg16 : memref<!tpu.dma_semaphore, #tpu.memory_space<semaphore_mem>>) {add = true}
      %get3A_154 = arith.constant 0 : index
      %get3A_155 = tpu.vector_load %arg9[%get3A_154] {strides = array<i32>} : memref<80xi32, #tpu.memory_space<vmem>>, vector<16xi32>,
      %shift_right_logical3A = arith.constant 7 : i32
      %shift_right_logical3A_156 = vector.broadcast %shift_right_logical3A : i32 to vector<16xi32>
      %shift_right_logical3A_157 = arith.shrui %get3A_155, %shift_right_logical3A_156 : vector<16xi32>
      %and3A = arith.constant 127 : i32
      %and3A_158 = vector.broadcast %and3A : i32 to vector<16xi32>
      %and3A_159 = arith.andi %get3A_155, %and3A_158 : vector<16xi32>
      tpu.vector_store_idx %arg17[%shift_right_logical3A_157, %and3A_159], %broadcast_in_dim3A_2 {add = true} : memref<80x128xf32, #tpu.memory_space<vmem>>[vector<16xi32>, vector<16xi32>], vector<16xf32>,
      %get3A_160 = arith.constant 16 : index
      %get3A_161 = tpu.vector_load %arg9[%get3A_160] {strides = array<i32>} : memref<80xi32, #tpu.memory_space<vmem>>, vector<16xi32>,
      %shift_right_logical3A_162 = arith.constant 7 : i32
      %shift_right_logical3A_163 = vector.broadcast %shift_right_logical3A_162 : i32 to vector<16xi32>
      %shift_right_logical3A_164 = arith.shrui %get3A_161, %shift_right_logical3A_163 : vector<16xi32>
      %and3A_165 = arith.constant 127 : i32
      %and3A_166 = vector.broadcast %and3A_165 : i32 to vector<16xi32>
      %and3A_167 = arith.andi %get3A_161, %and3A_166 : vector<16xi32>
      tpu.vector_store_idx %arg17[%shift_right_logical3A_164, %and3A_167], %broadcast_in_dim3A_2 {add = true} : memref<80x128xf32, #tpu.memory_space<vmem>>[vector<16xi32>, vector<16xi32>], vector<16xf32>,
      %get3A_168 = arith.constant 32 : index
      %get3A_169 = tpu.vector_load %arg9[%get3A_168] {strides = array<i32>} : memref<80xi32, #tpu.memory_space<vmem>>, vector<16xi32>,
      %shift_right_logical3A_170 = arith.constant 7 : i32
      %shift_right_logical3A_171 = vector.broadcast %shift_right_logical3A_170 : i32 to vector<16xi32>
      %shift_right_logical3A_172 = arith.shrui %get3A_169, %shift_right_logical3A_171 : vector<16xi32>
      %and3A_173 = arith.constant 127 : i32
      %and3A_174 = vector.broadcast %and3A_173 : i32 to vector<16xi32>
      %and3A_175 = arith.andi %get3A_169, %and3A_174 : vector<16xi32>
      tpu.vector_store_idx %arg17[%shift_right_logical3A_172, %and3A_175], %broadcast_in_dim3A_2 {add = true} : memref<80x128xf32, #tpu.memory_space<vmem>>[vector<16xi32>, vector<16xi32>], vector<16xf32>,
      %get3A_176 = arith.constant 48 : index
      %get3A_177 = tpu.vector_load %arg9[%get3A_176] {strides = array<i32>} : memref<80xi32, #tpu.memory_space<vmem>>, vector<16xi32>,
      %shift_right_logical3A_178 = arith.constant 7 : i32
      %shift_right_logical3A_179 = vector.broadcast %shift_right_logical3A_178 : i32 to vector<16xi32>
      %shift_right_logical3A_180 = arith.shrui %get3A_177, %shift_right_logical3A_179 : vector<16xi32>
      %and3A_181 = arith.constant 127 : i32
      %and3A_182 = vector.broadcast %and3A_181 : i32 to vector<16xi32>
      %and3A_183 = arith.andi %get3A_177, %and3A_182 : vector<16xi32>
      tpu.vector_store_idx %arg17[%shift_right_logical3A_180, %and3A_183], %broadcast_in_dim3A_2 {add = true} : memref<80x128xf32, #tpu.memory_space<vmem>>[vector<16xi32>, vector<16xi32>], vector<16xf32>,
      %get3A_184 = arith.constant 64 : index
      %get3A_185 = tpu.vector_load %arg9[%get3A_184] {strides = array<i32>} : memref<80xi32, #tpu.memory_space<vmem>>, vector<16xi32>,
      %shift_right_logical3A_186 = arith.constant 7 : i32
      %shift_right_logical3A_187 = vector.broadcast %shift_right_logical3A_186 : i32 to vector<16xi32>
      %shift_right_logical3A_188 = arith.shrui %get3A_185, %shift_right_logical3A_187 : vector<16xi32>
      %and3A_189 = arith.constant 127 : i32
      %and3A_190 = vector.broadcast %and3A_189 : i32 to vector<16xi32>
      %and3A_191 = arith.andi %get3A_185, %and3A_190 : vector<16xi32>
      tpu.vector_store_idx %arg17[%shift_right_logical3A_188, %and3A_191], %broadcast_in_dim3A_2 {add = true} : memref<80x128xf32, #tpu.memory_space<vmem>>[vector<16xi32>, vector<16xi32>], vector<16xf32>,
      %dma_wait3A_192 = arith.constant 0 : i32
      %dma_wait3A_193 = arith.constant 0 : i32
      %dma_wait3A_194 = tpu.memref_slice %arg12[%dma_wait3A_192, %dma_wait3A_193] : memref<10240x128xf32, #tpu.memory_space<vmem_shared>> -> memref<10240x128xf32, #tpu.memory_space<vmem_shared>>
      tpu.wait_indirect_dma semaphore(%arg16 : memref<!tpu.dma_semaphore, #tpu.memory_space<semaphore_mem>>) src(%arg10 : memref<80x128xf32, #tpu.memory_space<vmem>>) dst(%dma_wait3A_194 : memref<10240x128xf32, #tpu.memory_space<vmem_shared>>)
      %dma_wait3A_195 = arith.constant 80 : i32
      %dma_wait3A_196 = tpu.memref_slice %arg7[%dma_wait3A_195] : memref<560xi32, #tpu.memory_space<vmem>> -> memref<80xi32, #tpu.memory_space<vmem>>
      %dma_wait3A_197 = arith.constant 0 : i32
      %dma_wait3A_198 = arith.constant 0 : i32
      %dma_wait3A_199 = tpu.memref_slice %arg2[%dma_wait3A_197, %dma_wait3A_198] : memref<10000x128xf32, #tpu.memory_space<hbm>> -> memref<10000x128xf32, #tpu.memory_space<hbm>>
      tpu.wait_indirect_dma semaphore(%arg14 : memref<!tpu.dma_semaphore, #tpu.memory_space<semaphore_mem>>) src(%dma_wait3A_199 : memref<10000x128xf32, #tpu.memory_space<hbm>>) dst(%arg11 : memref<80x128xf32, #tpu.memory_space<vmem>>)
      %dma_start3A_200 = arith.constant 160 : i32
      %dma_start3A_201 = tpu.memref_slice %arg7[%dma_start3A_200] : memref<560xi32, #tpu.memory_space<vmem>> -> memref<80xi32, #tpu.memory_space<vmem>>
      %dma_start3A_202 = arith.constant 0 : i32
      %dma_start3A_203 = arith.constant 0 : i32
      %dma_start3A_204 = tpu.memref_slice %arg2[%dma_start3A_202, %dma_start3A_203] : memref<10000x128xf32, #tpu.memory_space<hbm>> -> memref<10000x128xf32, #tpu.memory_space<hbm>>
      tpu.enqueue_indirect_dma source(%dma_start3A_204 : memref<10000x128xf32, #tpu.memory_space<hbm>>) target(%arg10 : memref<80x128xf32, #tpu.memory_space<vmem>>) offsets(%dma_start3A_201 : memref<80xi32, #tpu.memory_space<vmem>>) semaphore(%arg13 : memref<!tpu.dma_semaphore, #tpu.memory_space<semaphore_mem>>)
      %get3A_205 = arith.constant 80 : index
      %get3A_206 = tpu.vector_load %arg8[%get3A_205] {strides = array<i32>} : memref<480xi32, #tpu.memory_space<vmem>>, vector<16xi32>,
      %swap3A_207 = arith.constant 0 : index
      %swap3A_208 = tpu.vector_load %arg9[%swap3A_207] {strides = array<i32>} : memref<80xi32, #tpu.memory_space<vmem>>, vector<16xi32>,
      tpu.vector_store %arg9[%swap3A_207], %get3A_206 {strides = array<i32>} : memref<80xi32, #tpu.memory_space<vmem>>, vector<16xi32>,
      %get3A_209 = arith.constant 96 : index
      %get3A_210 = tpu.vector_load %arg8[%get3A_209] {strides = array<i32>} : memref<480xi32, #tpu.memory_space<vmem>>, vector<16xi32>,
      %swap3A_211 = arith.constant 16 : index
      %swap3A_212 = tpu.vector_load %arg9[%swap3A_211] {strides = array<i32>} : memref<80xi32, #tpu.memory_space<vmem>>, vector<16xi32>,
      tpu.vector_store %arg9[%swap3A_211], %get3A_210 {strides = array<i32>} : memref<80xi32, #tpu.memory_space<vmem>>, vector<16xi32>,
      %get3A_213 = arith.constant 112 : index
      %get3A_214 = tpu.vector_load %arg8[%get3A_213] {strides = array<i32>} : memref<480xi32, #tpu.memory_space<vmem>>, vector<16xi32>,
      %swap3A_215 = arith.constant 32 : index
      %swap3A_216 = tpu.vector_load %arg9[%swap3A_215] {strides = array<i32>} : memref<80xi32, #tpu.memory_space<vmem>>, vector<16xi32>,
      tpu.vector_store %arg9[%swap3A_215], %get3A_214 {strides = array<i32>} : memref<80xi32, #tpu.memory_space<vmem>>, vector<16xi32>,
      %get3A_217 = arith.constant 128 : index
      %get3A_218 = tpu.vector_load %arg8[%get3A_217] {strides = array<i32>} : memref<480xi32, #tpu.memory_space<vmem>>, vector<16xi32>,
      %swap3A_219 = arith.constant 48 : index
      %swap3A_220 = tpu.vector_load %arg9[%swap3A_219] {strides = array<i32>} : memref<80xi32, #tpu.memory_space<vmem>>, vector<16xi32>,
      tpu.vector_store %arg9[%swap3A_219], %get3A_218 {strides = array<i32>} : memref<80xi32, #tpu.memory_space<vmem>>, vector<16xi32>,
      %get3A_221 = arith.constant 144 : index
      %get3A_222 = tpu.vector_load %arg8[%get3A_221] {strides = array<i32>} : memref<480xi32, #tpu.memory_space<vmem>>, vector<16xi32>,
      %swap3A_223 = arith.constant 64 : index
      %swap3A_224 = tpu.vector_load %arg9[%swap3A_223] {strides = array<i32>} : memref<80xi32, #tpu.memory_space<vmem>>, vector<16xi32>,
      tpu.vector_store %arg9[%swap3A_223], %get3A_222 {strides = array<i32>} : memref<80xi32, #tpu.memory_space<vmem>>, vector<16xi32>,
      %dma_start3A_225 = arith.constant 0 : i32
      %dma_start3A_226 = arith.constant 0 : i32
      %dma_start3A_227 = tpu.memref_slice %arg12[%dma_start3A_225, %dma_start3A_226] : memref<10240x128xf32, #tpu.memory_space<vmem_shared>> -> memref<10240x128xf32, #tpu.memory_space<vmem_shared>>
      tpu.enqueue_indirect_dma source(%arg11 : memref<80x128xf32, #tpu.memory_space<vmem>>) target(%dma_start3A_227 : memref<10240x128xf32, #tpu.memory_space<vmem_shared>>) offsets(%arg9 : memref<80xi32, #tpu.memory_space<vmem>>) semaphore(%arg16 : memref<!tpu.dma_semaphore, #tpu.memory_space<semaphore_mem>>) {add = true}
      %get3A_228 = arith.constant 0 : index
      %get3A_229 = tpu.vector_load %arg9[%get3A_228] {strides = array<i32>} : memref<80xi32, #tpu.memory_space<vmem>>, vector<16xi32>,
      %shift_right_logical3A_230 = arith.constant 7 : i32
      %shift_right_logical3A_231 = vector.broadcast %shift_right_logical3A_230 : i32 to vector<16xi32>
      %shift_right_logical3A_232 = arith.shrui %get3A_229, %shift_right_logical3A_231 : vector<16xi32>
      %and3A_233 = arith.constant 127 : i32
      %and3A_234 = vector.broadcast %and3A_233 : i32 to vector<16xi32>
      %and3A_235 = arith.andi %get3A_229, %and3A_234 : vector<16xi32>
      tpu.vector_store_idx %arg17[%shift_right_logical3A_232, %and3A_235], %broadcast_in_dim3A_2 {add = true} : memref<80x128xf32, #tpu.memory_space<vmem>>[vector<16xi32>, vector<16xi32>], vector<16xf32>,
      %get3A_236 = arith.constant 16 : index
      %get3A_237 = tpu.vector_load %arg9[%get3A_236] {strides = array<i32>} : memref<80xi32, #tpu.memory_space<vmem>>, vector<16xi32>,
      %shift_right_logical3A_238 = arith.constant 7 : i32
      %shift_right_logical3A_239 = vector.broadcast %shift_right_logical3A_238 : i32 to vector<16xi32>
      %shift_right_logical3A_240 = arith.shrui %get3A_237, %shift_right_logical3A_239 : vector<16xi32>
      %and3A_241 = arith.constant 127 : i32
      %and3A_242 = vector.broadcast %and3A_241 : i32 to vector<16xi32>
      %and3A_243 = arith.andi %get3A_237, %and3A_242 : vector<16xi32>
      tpu.vector_store_idx %arg17[%shift_right_logical3A_240, %and3A_243], %broadcast_in_dim3A_2 {add = true} : memref<80x128xf32, #tpu.memory_space<vmem>>[vector<16xi32>, vector<16xi32>], vector<16xf32>,
      %get3A_244 = arith.constant 32 : index
      %get3A_245 = tpu.vector_load %arg9[%get3A_244] {strides = array<i32>} : memref<80xi32, #tpu.memory_space<vmem>>, vector<16xi32>,
      %shift_right_logical3A_246 = arith.constant 7 : i32
      %shift_right_logical3A_247 = vector.broadcast %shift_right_logical3A_246 : i32 to vector<16xi32>
      %shift_right_logical3A_248 = arith.shrui %get3A_245, %shift_right_logical3A_247 : vector<16xi32>
      %and3A_249 = arith.constant 127 : i32
      %and3A_250 = vector.broadcast %and3A_249 : i32 to vector<16xi32>
      %and3A_251 = arith.andi %get3A_245, %and3A_250 : vector<16xi32>
      tpu.vector_store_idx %arg17[%shift_right_logical3A_248, %and3A_251], %broadcast_in_dim3A_2 {add = true} : memref<80x128xf32, #tpu.memory_space<vmem>>[vector<16xi32>, vector<16xi32>], vector<16xf32>,
      %get3A_252 = arith.constant 48 : index
      %get3A_253 = tpu.vector_load %arg9[%get3A_252] {strides = array<i32>} : memref<80xi32, #tpu.memory_space<vmem>>, vector<16xi32>,
      %shift_right_logical3A_254 = arith.constant 7 : i32
      %shift_right_logical3A_255 = vector.broadcast %shift_right_logical3A_254 : i32 to vector<16xi32>
      %shift_right_logical3A_256 = arith.shrui %get3A_253, %shift_right_logical3A_255 : vector<16xi32>
      %and3A_257 = arith.constant 127 : i32
      %and3A_258 = vector.broadcast %and3A_257 : i32 to vector<16xi32>
      %and3A_259 = arith.andi %get3A_253, %and3A_258 : vector<16xi32>
      tpu.vector_store_idx %arg17[%shift_right_logical3A_256, %and3A_259], %broadcast_in_dim3A_2 {add = true} : memref<80x128xf32, #tpu.memory_space<vmem>>[vector<16xi32>, vector<16xi32>], vector<16xf32>,
      %get3A_260 = arith.constant 64 : index
      %get3A_261 = tpu.vector_load %arg9[%get3A_260] {strides = array<i32>} : memref<80xi32, #tpu.memory_space<vmem>>, vector<16xi32>,
      %shift_right_logical3A_262 = arith.constant 7 : i32
      %shift_right_logical3A_263 = vector.broadcast %shift_right_logical3A_262 : i32 to vector<16xi32>
      %shift_right_logical3A_264 = arith.shrui %get3A_261, %shift_right_logical3A_263 : vector<16xi32>
      %and3A_265 = arith.constant 127 : i32
      %and3A_266 = vector.broadcast %and3A_265 : i32 to vector<16xi32>
      %and3A_267 = arith.andi %get3A_261, %and3A_266 : vector<16xi32>
      tpu.vector_store_idx %arg17[%shift_right_logical3A_264, %and3A_267], %broadcast_in_dim3A_2 {add = true} : memref<80x128xf32, #tpu.memory_space<vmem>>[vector<16xi32>, vector<16xi32>], vector<16xf32>,
      %dma_wait3A_268 = arith.constant 0 : i32
      %dma_wait3A_269 = arith.constant 0 : i32
      %dma_wait3A_270 = tpu.memref_slice %arg12[%dma_wait3A_268, %dma_wait3A_269] : memref<10240x128xf32, #tpu.memory_space<vmem_shared>> -> memref<10240x128xf32, #tpu.memory_space<vmem_shared>>
      tpu.wait_indirect_dma semaphore(%arg16 : memref<!tpu.dma_semaphore, #tpu.memory_space<semaphore_mem>>) src(%arg11 : memref<80x128xf32, #tpu.memory_space<vmem>>) dst(%dma_wait3A_270 : memref<10240x128xf32, #tpu.memory_space<vmem_shared>>)
      %dma_wait3A_271 = arith.constant 160 : i32
      %dma_wait3A_272 = tpu.memref_slice %arg7[%dma_wait3A_271] : memref<560xi32, #tpu.memory_space<vmem>> -> memref<80xi32, #tpu.memory_space<vmem>>
      %dma_wait3A_273 = arith.constant 0 : i32
      %dma_wait3A_274 = arith.constant 0 : i32
      %dma_wait3A_275 = tpu.memref_slice %arg2[%dma_wait3A_273, %dma_wait3A_274] : memref<10000x128xf32, #tpu.memory_space<hbm>> -> memref<10000x128xf32, #tpu.memory_space<hbm>>
      tpu.wait_indirect_dma semaphore(%arg13 : memref<!tpu.dma_semaphore, #tpu.memory_space<semaphore_mem>>) src(%dma_wait3A_275 : memref<10000x128xf32, #tpu.memory_space<hbm>>) dst(%arg10 : memref<80x128xf32, #tpu.memory_space<vmem>>)
      %dma_start3A_276 = arith.constant 240 : i32
      %dma_start3A_277 = tpu.memref_slice %arg7[%dma_start3A_276] : memref<560xi32, #tpu.memory_space<vmem>> -> memref<80xi32, #tpu.memory_space<vmem>>
      %dma_start3A_278 = arith.constant 0 : i32
      %dma_start3A_279 = arith.constant 0 : i32
      %dma_start3A_280 = tpu.memref_slice %arg2[%dma_start3A_278, %dma_start3A_279] : memref<10000x128xf32, #tpu.memory_space<hbm>> -> memref<10000x128xf32, #tpu.memory_space<hbm>>
      tpu.enqueue_indirect_dma source(%dma_start3A_280 : memref<10000x128xf32, #tpu.memory_space<hbm>>) target(%arg11 : memref<80x128xf32, #tpu.memory_space<vmem>>) offsets(%dma_start3A_277 : memref<80xi32, #tpu.memory_space<vmem>>) semaphore(%arg14 : memref<!tpu.dma_semaphore, #tpu.memory_space<semaphore_mem>>)
      %get3A_281 = arith.constant 160 : index
      %get3A_282 = tpu.vector_load %arg8[%get3A_281] {strides = array<i32>} : memref<480xi32, #tpu.memory_space<vmem>>, vector<16xi32>,
      %swap3A_283 = arith.constant 0 : index
      %swap3A_284 = tpu.vector_load %arg9[%swap3A_283] {strides = array<i32>} : memref<80xi32, #tpu.memory_space<vmem>>, vector<16xi32>,
      tpu.vector_store %arg9[%swap3A_283], %get3A_282 {strides = array<i32>} : memref<80xi32, #tpu.memory_space<vmem>>, vector<16xi32>,
      %get3A_285 = arith.constant 176 : index
      %get3A_286 = tpu.vector_load %arg8[%get3A_285] {strides = array<i32>} : memref<480xi32, #tpu.memory_space<vmem>>, vector<16xi32>,
      %swap3A_287 = arith.constant 16 : index
      %swap3A_288 = tpu.vector_load %arg9[%swap3A_287] {strides = array<i32>} : memref<80xi32, #tpu.memory_space<vmem>>, vector<16xi32>,
      tpu.vector_store %arg9[%swap3A_287], %get3A_286 {strides = array<i32>} : memref<80xi32, #tpu.memory_space<vmem>>, vector<16xi32>,
      %get3A_289 = arith.constant 192 : index
      %get3A_290 = tpu.vector_load %arg8[%get3A_289] {strides = array<i32>} : memref<480xi32, #tpu.memory_space<vmem>>, vector<16xi32>,
      %swap3A_291 = arith.constant 32 : index
      %swap3A_292 = tpu.vector_load %arg9[%swap3A_291] {strides = array<i32>} : memref<80xi32, #tpu.memory_space<vmem>>, vector<16xi32>,
      tpu.vector_store %arg9[%swap3A_291], %get3A_290 {strides = array<i32>} : memref<80xi32, #tpu.memory_space<vmem>>, vector<16xi32>,
      %get3A_293 = arith.constant 208 : index
      %get3A_294 = tpu.vector_load %arg8[%get3A_293] {strides = array<i32>} : memref<480xi32, #tpu.memory_space<vmem>>, vector<16xi32>,
      %swap3A_295 = arith.constant 48 : index
      %swap3A_296 = tpu.vector_load %arg9[%swap3A_295] {strides = array<i32>} : memref<80xi32, #tpu.memory_space<vmem>>, vector<16xi32>,
      tpu.vector_store %arg9[%swap3A_295], %get3A_294 {strides = array<i32>} : memref<80xi32, #tpu.memory_space<vmem>>, vector<16xi32>,
      %get3A_297 = arith.constant 224 : index
      %get3A_298 = tpu.vector_load %arg8[%get3A_297] {strides = array<i32>} : memref<480xi32, #tpu.memory_space<vmem>>, vector<16xi32>,
      %swap3A_299 = arith.constant 64 : index
      %swap3A_300 = tpu.vector_load %arg9[%swap3A_299] {strides = array<i32>} : memref<80xi32, #tpu.memory_space<vmem>>, vector<16xi32>,
      tpu.vector_store %arg9[%swap3A_299], %get3A_298 {strides = array<i32>} : memref<80xi32, #tpu.memory_space<vmem>>, vector<16xi32>,
      %dma_start3A_301 = arith.constant 0 : i32
      %dma_start3A_302 = arith.constant 0 : i32
      %dma_start3A_303 = tpu.memref_slice %arg12[%dma_start3A_301, %dma_start3A_302] : memref<10240x128xf32, #tpu.memory_space<vmem_shared>> -> memref<10240x128xf32, #tpu.memory_space<vmem_shared>>
      tpu.enqueue_indirect_dma source(%arg10 : memref<80x128xf32, #tpu.memory_space<vmem>>) target(%dma_start3A_303 : memref<10240x128xf32, #tpu.memory_space<vmem_shared>>) offsets(%arg9 : memref<80xi32, #tpu.memory_space<vmem>>) semaphore(%arg16 : memref<!tpu.dma_semaphore, #tpu.memory_space<semaphore_mem>>) {add = true}
      %get3A_304 = arith.constant 0 : index
      %get3A_305 = tpu.vector_load %arg9[%get3A_304] {strides = array<i32>} : memref<80xi32, #tpu.memory_space<vmem>>, vector<16xi32>,
      %shift_right_logical3A_306 = arith.constant 7 : i32
      %shift_right_logical3A_307 = vector.broadcast %shift_right_logical3A_306 : i32 to vector<16xi32>
      %shift_right_logical3A_308 = arith.shrui %get3A_305, %shift_right_logical3A_307 : vector<16xi32>
      %and3A_309 = arith.constant 127 : i32
      %and3A_310 = vector.broadcast %and3A_309 : i32 to vector<16xi32>
      %and3A_311 = arith.andi %get3A_305, %and3A_310 : vector<16xi32>
      tpu.vector_store_idx %arg17[%shift_right_logical3A_308, %and3A_311], %broadcast_in_dim3A_2 {add = true} : memref<80x128xf32, #tpu.memory_space<vmem>>[vector<16xi32>, vector<16xi32>], vector<16xf32>,
      %get3A_312 = arith.constant 16 : index
      %get3A_313 = tpu.vector_load %arg9[%get3A_312] {strides = array<i32>} : memref<80xi32, #tpu.memory_space<vmem>>, vector<16xi32>,
      %shift_right_logical3A_314 = arith.constant 7 : i32
      %shift_right_logical3A_315 = vector.broadcast %shift_right_logical3A_314 : i32 to vector<16xi32>
      %shift_right_logical3A_316 = arith.shrui %get3A_313, %shift_right_logical3A_315 : vector<16xi32>
      %and3A_317 = arith.constant 127 : i32
      %and3A_318 = vector.broadcast %and3A_317 : i32 to vector<16xi32>
      %and3A_319 = arith.andi %get3A_313, %and3A_318 : vector<16xi32>
      tpu.vector_store_idx %arg17[%shift_right_logical3A_316, %and3A_319], %broadcast_in_dim3A_2 {add = true} : memref<80x128xf32, #tpu.memory_space<vmem>>[vector<16xi32>, vector<16xi32>], vector<16xf32>,
      %get3A_320 = arith.constant 32 : index
      %get3A_321 = tpu.vector_load %arg9[%get3A_320] {strides = array<i32>} : memref<80xi32, #tpu.memory_space<vmem>>, vector<16xi32>,
      %shift_right_logical3A_322 = arith.constant 7 : i32
      %shift_right_logical3A_323 = vector.broadcast %shift_right_logical3A_322 : i32 to vector<16xi32>
      %shift_right_logical3A_324 = arith.shrui %get3A_321, %shift_right_logical3A_323 : vector<16xi32>
      %and3A_325 = arith.constant 127 : i32
      %and3A_326 = vector.broadcast %and3A_325 : i32 to vector<16xi32>
      %and3A_327 = arith.andi %get3A_321, %and3A_326 : vector<16xi32>
      tpu.vector_store_idx %arg17[%shift_right_logical3A_324, %and3A_327], %broadcast_in_dim3A_2 {add = true} : memref<80x128xf32, #tpu.memory_space<vmem>>[vector<16xi32>, vector<16xi32>], vector<16xf32>,
      %get3A_328 = arith.constant 48 : index
      %get3A_329 = tpu.vector_load %arg9[%get3A_328] {strides = array<i32>} : memref<80xi32, #tpu.memory_space<vmem>>, vector<16xi32>,
      %shift_right_logical3A_330 = arith.constant 7 : i32
      %shift_right_logical3A_331 = vector.broadcast %shift_right_logical3A_330 : i32 to vector<16xi32>
      %shift_right_logical3A_332 = arith.shrui %get3A_329, %shift_right_logical3A_331 : vector<16xi32>
      %and3A_333 = arith.constant 127 : i32
      %and3A_334 = vector.broadcast %and3A_333 : i32 to vector<16xi32>
      %and3A_335 = arith.andi %get3A_329, %and3A_334 : vector<16xi32>
      tpu.vector_store_idx %arg17[%shift_right_logical3A_332, %and3A_335], %broadcast_in_dim3A_2 {add = true} : memref<80x128xf32, #tpu.memory_space<vmem>>[vector<16xi32>, vector<16xi32>], vector<16xf32>,
      %get3A_336 = arith.constant 64 : index
      %get3A_337 = tpu.vector_load %arg9[%get3A_336] {strides = array<i32>} : memref<80xi32, #tpu.memory_space<vmem>>, vector<16xi32>,
      %shift_right_logical3A_338 = arith.constant 7 : i32
      %shift_right_logical3A_339 = vector.broadcast %shift_right_logical3A_338 : i32 to vector<16xi32>
      %shift_right_logical3A_340 = arith.shrui %get3A_337, %shift_right_logical3A_339 : vector<16xi32>
      %and3A_341 = arith.constant 127 : i32
      %and3A_342 = vector.broadcast %and3A_341 : i32 to vector<16xi32>
      %and3A_343 = arith.andi %get3A_337, %and3A_342 : vector<16xi32>
      tpu.vector_store_idx %arg17[%shift_right_logical3A_340, %and3A_343], %broadcast_in_dim3A_2 {add = true} : memref<80x128xf32, #tpu.memory_space<vmem>>[vector<16xi32>, vector<16xi32>], vector<16xf32>,
      %dma_wait3A_344 = arith.constant 0 : i32
      %dma_wait3A_345 = arith.constant 0 : i32
      %dma_wait3A_346 = tpu.memref_slice %arg12[%dma_wait3A_344, %dma_wait3A_345] : memref<10240x128xf32, #tpu.memory_space<vmem_shared>> -> memref<10240x128xf32, #tpu.memory_space<vmem_shared>>
      tpu.wait_indirect_dma semaphore(%arg16 : memref<!tpu.dma_semaphore, #tpu.memory_space<semaphore_mem>>) src(%arg10 : memref<80x128xf32, #tpu.memory_space<vmem>>) dst(%dma_wait3A_346 : memref<10240x128xf32, #tpu.memory_space<vmem_shared>>)
      %dma_wait3A_347 = arith.constant 240 : i32
      %dma_wait3A_348 = tpu.memref_slice %arg7[%dma_wait3A_347] : memref<560xi32, #tpu.memory_space<vmem>> -> memref<80xi32, #tpu.memory_space<vmem>>
      %dma_wait3A_349 = arith.constant 0 : i32
      %dma_wait3A_350 = arith.constant 0 : i32
      %dma_wait3A_351 = tpu.memref_slice %arg2[%dma_wait3A_349, %dma_wait3A_350] : memref<10000x128xf32, #tpu.memory_space<hbm>> -> memref<10000x128xf32, #tpu.memory_space<hbm>>
      tpu.wait_indirect_dma semaphore(%arg14 : memref<!tpu.dma_semaphore, #tpu.memory_space<semaphore_mem>>) src(%dma_wait3A_351 : memref<10000x128xf32, #tpu.memory_space<hbm>>) dst(%arg11 : memref<80x128xf32, #tpu.memory_space<vmem>>)
      %dma_start3A_352 = arith.constant 320 : i32
      %dma_start3A_353 = tpu.memref_slice %arg7[%dma_start3A_352] : memref<560xi32, #tpu.memory_space<vmem>> -> memref<80xi32, #tpu.memory_space<vmem>>
      %dma_start3A_354 = arith.constant 0 : i32
      %dma_start3A_355 = arith.constant 0 : i32
      %dma_start3A_356 = tpu.memref_slice %arg2[%dma_start3A_354, %dma_start3A_355] : memref<10000x128xf32, #tpu.memory_space<hbm>> -> memref<10000x128xf32, #tpu.memory_space<hbm>>
      tpu.enqueue_indirect_dma source(%dma_start3A_356 : memref<10000x128xf32, #tpu.memory_space<hbm>>) target(%arg10 : memref<80x128xf32, #tpu.memory_space<vmem>>) offsets(%dma_start3A_353 : memref<80xi32, #tpu.memory_space<vmem>>) semaphore(%arg13 : memref<!tpu.dma_semaphore, #tpu.memory_space<semaphore_mem>>)
      %get3A_357 = arith.constant 240 : index
      %get3A_358 = tpu.vector_load %arg8[%get3A_357] {strides = array<i32>} : memref<480xi32, #tpu.memory_space<vmem>>, vector<16xi32>,
      %swap3A_359 = arith.constant 0 : index
      %swap3A_360 = tpu.vector_load %arg9[%swap3A_359] {strides = array<i32>} : memref<80xi32, #tpu.memory_space<vmem>>, vector<16xi32>,
      tpu.vector_store %arg9[%swap3A_359], %get3A_358 {strides = array<i32>} : memref<80xi32, #tpu.memory_space<vmem>>, vector<16xi32>,
      %get3A_361 = arith.constant 256 : index
      %get3A_362 = tpu.vector_load %arg8[%get3A_361] {strides = array<i32>} : memref<480xi32, #tpu.memory_space<vmem>>, vector<16xi32>,
      %swap3A_363 = arith.constant 16 : index
      %swap3A_364 = tpu.vector_load %arg9[%swap3A_363] {strides = array<i32>} : memref<80xi32, #tpu.memory_space<vmem>>, vector<16xi32>,
      tpu.vector_store %arg9[%swap3A_363], %get3A_362 {strides = array<i32>} : memref<80xi32, #tpu.memory_space<vmem>>, vector<16xi32>,
      %get3A_365 = arith.constant 272 : index
      %get3A_366 = tpu.vector_load %arg8[%get3A_365] {strides = array<i32>} : memref<480xi32, #tpu.memory_space<vmem>>, vector<16xi32>,
      %swap3A_367 = arith.constant 32 : index
      %swap3A_368 = tpu.vector_load %arg9[%swap3A_367] {strides = array<i32>} : memref<80xi32, #tpu.memory_space<vmem>>, vector<16xi32>,
      tpu.vector_store %arg9[%swap3A_367], %get3A_366 {strides = array<i32>} : memref<80xi32, #tpu.memory_space<vmem>>, vector<16xi32>,
      %get3A_369 = arith.constant 288 : index
      %get3A_370 = tpu.vector_load %arg8[%get3A_369] {strides = array<i32>} : memref<480xi32, #tpu.memory_space<vmem>>, vector<16xi32>,
      %swap3A_371 = arith.constant 48 : index
      %swap3A_372 = tpu.vector_load %arg9[%swap3A_371] {strides = array<i32>} : memref<80xi32, #tpu.memory_space<vmem>>, vector<16xi32>,
      tpu.vector_store %arg9[%swap3A_371], %get3A_370 {strides = array<i32>} : memref<80xi32, #tpu.memory_space<vmem>>, vector<16xi32>,
      %get3A_373 = arith.constant 304 : index
      %get3A_374 = tpu.vector_load %arg8[%get3A_373] {strides = array<i32>} : memref<480xi32, #tpu.memory_space<vmem>>, vector<16xi32>,
      %swap3A_375 = arith.constant 64 : index
      %swap3A_376 = tpu.vector_load %arg9[%swap3A_375] {strides = array<i32>} : memref<80xi32, #tpu.memory_space<vmem>>, vector<16xi32>,
      tpu.vector_store %arg9[%swap3A_375], %get3A_374 {strides = array<i32>} : memref<80xi32, #tpu.memory_space<vmem>>, vector<16xi32>,
      %dma_start3A_377 = arith.constant 0 : i32
      %dma_start3A_378 = arith.constant 0 : i32
      %dma_start3A_379 = tpu.memref_slice %arg12[%dma_start3A_377, %dma_start3A_378] : memref<10240x128xf32, #tpu.memory_space<vmem_shared>> -> memref<10240x128xf32, #tpu.memory_space<vmem_shared>>
      tpu.enqueue_indirect_dma source(%arg11 : memref<80x128xf32, #tpu.memory_space<vmem>>) target(%dma_start3A_379 : memref<10240x128xf32, #tpu.memory_space<vmem_shared>>) offsets(%arg9 : memref<80xi32, #tpu.memory_space<vmem>>) semaphore(%arg16 : memref<!tpu.dma_semaphore, #tpu.memory_space<semaphore_mem>>) {add = true}
      %get3A_380 = arith.constant 0 : index
      %get3A_381 = tpu.vector_load %arg9[%get3A_380] {strides = array<i32>} : memref<80xi32, #tpu.memory_space<vmem>>, vector<16xi32>,
      %shift_right_logical3A_382 = arith.constant 7 : i32
      %shift_right_logical3A_383 = vector.broadcast %shift_right_logical3A_382 : i32 to vector<16xi32>
      %shift_right_logical3A_384 = arith.shrui %get3A_381, %shift_right_logical3A_383 : vector<16xi32>
      %and3A_385 = arith.constant 127 : i32
      %and3A_386 = vector.broadcast %and3A_385 : i32 to vector<16xi32>
      %and3A_387 = arith.andi %get3A_381, %and3A_386 : vector<16xi32>
      tpu.vector_store_idx %arg17[%shift_right_logical3A_384, %and3A_387], %broadcast_in_dim3A_2 {add = true} : memref<80x128xf32, #tpu.memory_space<vmem>>[vector<16xi32>, vector<16xi32>], vector<16xf32>,
      %get3A_388 = arith.constant 16 : index
      %get3A_389 = tpu.vector_load %arg9[%get3A_388] {strides = array<i32>} : memref<80xi32, #tpu.memory_space<vmem>>, vector<16xi32>,
      %shift_right_logical3A_390 = arith.constant 7 : i32
      %shift_right_logical3A_391 = vector.broadcast %shift_right_logical3A_390 : i32 to vector<16xi32>
      %shift_right_logical3A_392 = arith.shrui %get3A_389, %shift_right_logical3A_391 : vector<16xi32>
      %and3A_393 = arith.constant 127 : i32
      %and3A_394 = vector.broadcast %and3A_393 : i32 to vector<16xi32>
      %and3A_395 = arith.andi %get3A_389, %and3A_394 : vector<16xi32>
      tpu.vector_store_idx %arg17[%shift_right_logical3A_392, %and3A_395], %broadcast_in_dim3A_2 {add = true} : memref<80x128xf32, #tpu.memory_space<vmem>>[vector<16xi32>, vector<16xi32>], vector<16xf32>,
      %get3A_396 = arith.constant 32 : index
      %get3A_397 = tpu.vector_load %arg9[%get3A_396] {strides = array<i32>} : memref<80xi32, #tpu.memory_space<vmem>>, vector<16xi32>,
      %shift_right_logical3A_398 = arith.constant 7 : i32
      %shift_right_logical3A_399 = vector.broadcast %shift_right_logical3A_398 : i32 to vector<16xi32>
      %shift_right_logical3A_400 = arith.shrui %get3A_397, %shift_right_logical3A_399 : vector<16xi32>
      %and3A_401 = arith.constant 127 : i32
      %and3A_402 = vector.broadcast %and3A_401 : i32 to vector<16xi32>
      %and3A_403 = arith.andi %get3A_397, %and3A_402 : vector<16xi32>
      tpu.vector_store_idx %arg17[%shift_right_logical3A_400, %and3A_403], %broadcast_in_dim3A_2 {add = true} : memref<80x128xf32, #tpu.memory_space<vmem>>[vector<16xi32>, vector<16xi32>], vector<16xf32>,
      %get3A_404 = arith.constant 48 : index
      %get3A_405 = tpu.vector_load %arg9[%get3A_404] {strides = array<i32>} : memref<80xi32, #tpu.memory_space<vmem>>, vector<16xi32>,
      %shift_right_logical3A_406 = arith.constant 7 : i32
      %shift_right_logical3A_407 = vector.broadcast %shift_right_logical3A_406 : i32 to vector<16xi32>
      %shift_right_logical3A_408 = arith.shrui %get3A_405, %shift_right_logical3A_407 : vector<16xi32>
      %and3A_409 = arith.constant 127 : i32
      %and3A_410 = vector.broadcast %and3A_409 : i32 to vector<16xi32>
      %and3A_411 = arith.andi %get3A_405, %and3A_410 : vector<16xi32>
      tpu.vector_store_idx %arg17[%shift_right_logical3A_408, %and3A_411], %broadcast_in_dim3A_2 {add = true} : memref<80x128xf32, #tpu.memory_space<vmem>>[vector<16xi32>, vector<16xi32>], vector<16xf32>,
      %get3A_412 = arith.constant 64 : index
      %get3A_413 = tpu.vector_load %arg9[%get3A_412] {strides = array<i32>} : memref<80xi32, #tpu.memory_space<vmem>>, vector<16xi32>,
      %shift_right_logical3A_414 = arith.constant 7 : i32
      %shift_right_logical3A_415 = vector.broadcast %shift_right_logical3A_414 : i32 to vector<16xi32>
      %shift_right_logical3A_416 = arith.shrui %get3A_413, %shift_right_logical3A_415 : vector<16xi32>
      %and3A_417 = arith.constant 127 : i32
      %and3A_418 = vector.broadcast %and3A_417 : i32 to vector<16xi32>
      %and3A_419 = arith.andi %get3A_413, %and3A_418 : vector<16xi32>
      tpu.vector_store_idx %arg17[%shift_right_logical3A_416, %and3A_419], %broadcast_in_dim3A_2 {add = true} : memref<80x128xf32, #tpu.memory_space<vmem>>[vector<16xi32>, vector<16xi32>], vector<16xf32>,
      %dma_wait3A_420 = arith.constant 0 : i32
      %dma_wait3A_421 = arith.constant 0 : i32
      %dma_wait3A_422 = tpu.memref_slice %arg12[%dma_wait3A_420, %dma_wait3A_421] : memref<10240x128xf32, #tpu.memory_space<vmem_shared>> -> memref<10240x128xf32, #tpu.memory_space<vmem_shared>>
      tpu.wait_indirect_dma semaphore(%arg16 : memref<!tpu.dma_semaphore, #tpu.memory_space<semaphore_mem>>) src(%arg11 : memref<80x128xf32, #tpu.memory_space<vmem>>) dst(%dma_wait3A_422 : memref<10240x128xf32, #tpu.memory_space<vmem_shared>>)
      %dma_wait3A_423 = arith.constant 320 : i32
      %dma_wait3A_424 = tpu.memref_slice %arg7[%dma_wait3A_423] : memref<560xi32, #tpu.memory_space<vmem>> -> memref<80xi32, #tpu.memory_space<vmem>>
      %dma_wait3A_425 = arith.constant 0 : i32
      %dma_wait3A_426 = arith.constant 0 : i32
      %dma_wait3A_427 = tpu.memref_slice %arg2[%dma_wait3A_425, %dma_wait3A_426] : memref<10000x128xf32, #tpu.memory_space<hbm>> -> memref<10000x128xf32, #tpu.memory_space<hbm>>
      tpu.wait_indirect_dma semaphore(%arg13 : memref<!tpu.dma_semaphore, #tpu.memory_space<semaphore_mem>>) src(%dma_wait3A_427 : memref<10000x128xf32, #tpu.memory_space<hbm>>) dst(%arg10 : memref<80x128xf32, #tpu.memory_space<vmem>>)
      %dma_start3A_428 = arith.constant 400 : i32
      %dma_start3A_429 = tpu.memref_slice %arg7[%dma_start3A_428] : memref<560xi32, #tpu.memory_space<vmem>> -> memref<80xi32, #tpu.memory_space<vmem>>
      %dma_start3A_430 = arith.constant 0 : i32
      %dma_start3A_431 = arith.constant 0 : i32
      %dma_start3A_432 = tpu.memref_slice %arg2[%dma_start3A_430, %dma_start3A_431] : memref<10000x128xf32, #tpu.memory_space<hbm>> -> memref<10000x128xf32, #tpu.memory_space<hbm>>
      tpu.enqueue_indirect_dma source(%dma_start3A_432 : memref<10000x128xf32, #tpu.memory_space<hbm>>) target(%arg11 : memref<80x128xf32, #tpu.memory_space<vmem>>) offsets(%dma_start3A_429 : memref<80xi32, #tpu.memory_space<vmem>>) semaphore(%arg14 : memref<!tpu.dma_semaphore, #tpu.memory_space<semaphore_mem>>)
      %get3A_433 = arith.constant 320 : index
      %get3A_434 = tpu.vector_load %arg8[%get3A_433] {strides = array<i32>} : memref<480xi32, #tpu.memory_space<vmem>>, vector<16xi32>,
      %swap3A_435 = arith.constant 0 : index
      %swap3A_436 = tpu.vector_load %arg9[%swap3A_435] {strides = array<i32>} : memref<80xi32, #tpu.memory_space<vmem>>, vector<16xi32>,
      tpu.vector_store %arg9[%swap3A_435], %get3A_434 {strides = array<i32>} : memref<80xi32, #tpu.memory_space<vmem>>, vector<16xi32>,
      %get3A_437 = arith.constant 336 : index
      %get3A_438 = tpu.vector_load %arg8[%get3A_437] {strides = array<i32>} : memref<480xi32, #tpu.memory_space<vmem>>, vector<16xi32>,
      %swap3A_439 = arith.constant 16 : index
      %swap3A_440 = tpu.vector_load %arg9[%swap3A_439] {strides = array<i32>} : memref<80xi32, #tpu.memory_space<vmem>>, vector<16xi32>,
      tpu.vector_store %arg9[%swap3A_439], %get3A_438 {strides = array<i32>} : memref<80xi32, #tpu.memory_space<vmem>>, vector<16xi32>,
      %get3A_441 = arith.constant 352 : index
      %get3A_442 = tpu.vector_load %arg8[%get3A_441] {strides = array<i32>} : memref<480xi32, #tpu.memory_space<vmem>>, vector<16xi32>,
      %swap3A_443 = arith.constant 32 : index
      %swap3A_444 = tpu.vector_load %arg9[%swap3A_443] {strides = array<i32>} : memref<80xi32, #tpu.memory_space<vmem>>, vector<16xi32>,
      tpu.vector_store %arg9[%swap3A_443], %get3A_442 {strides = array<i32>} : memref<80xi32, #tpu.memory_space<vmem>>, vector<16xi32>,
      %get3A_445 = arith.constant 368 : index
      %get3A_446 = tpu.vector_load %arg8[%get3A_445] {strides = array<i32>} : memref<480xi32, #tpu.memory_space<vmem>>, vector<16xi32>,
      %swap3A_447 = arith.constant 48 : index
      %swap3A_448 = tpu.vector_load %arg9[%swap3A_447] {strides = array<i32>} : memref<80xi32, #tpu.memory_space<vmem>>, vector<16xi32>,
      tpu.vector_store %arg9[%swap3A_447], %get3A_446 {strides = array<i32>} : memref<80xi32, #tpu.memory_space<vmem>>, vector<16xi32>,
      %get3A_449 = arith.constant 384 : index
      %get3A_450 = tpu.vector_load %arg8[%get3A_449] {strides = array<i32>} : memref<480xi32, #tpu.memory_space<vmem>>, vector<16xi32>,
      %swap3A_451 = arith.constant 64 : index
      %swap3A_452 = tpu.vector_load %arg9[%swap3A_451] {strides = array<i32>} : memref<80xi32, #tpu.memory_space<vmem>>, vector<16xi32>,
      tpu.vector_store %arg9[%swap3A_451], %get3A_450 {strides = array<i32>} : memref<80xi32, #tpu.memory_space<vmem>>, vector<16xi32>,
      %dma_start3A_453 = arith.constant 0 : i32
      %dma_start3A_454 = arith.constant 0 : i32
      %dma_start3A_455 = tpu.memref_slice %arg12[%dma_start3A_453, %dma_start3A_454] : memref<10240x128xf32, #tpu.memory_space<vmem_shared>> -> memref<10240x128xf32, #tpu.memory_space<vmem_shared>>
      tpu.enqueue_indirect_dma source(%arg10 : memref<80x128xf32, #tpu.memory_space<vmem>>) target(%dma_start3A_455 : memref<10240x128xf32, #tpu.memory_space<vmem_shared>>) offsets(%arg9 : memref<80xi32, #tpu.memory_space<vmem>>) semaphore(%arg16 : memref<!tpu.dma_semaphore, #tpu.memory_space<semaphore_mem>>) {add = true}
      %get3A_456 = arith.constant 0 : index
      %get3A_457 = tpu.vector_load %arg9[%get3A_456] {strides = array<i32>} : memref<80xi32, #tpu.memory_space<vmem>>, vector<16xi32>,
      %shift_right_logical3A_458 = arith.constant 7 : i32
      %shift_right_logical3A_459 = vector.broadcast %shift_right_logical3A_458 : i32 to vector<16xi32>
      %shift_right_logical3A_460 = arith.shrui %get3A_457, %shift_right_logical3A_459 : vector<16xi32>
      %and3A_461 = arith.constant 127 : i32
      %and3A_462 = vector.broadcast %and3A_461 : i32 to vector<16xi32>
      %and3A_463 = arith.andi %get3A_457, %and3A_462 : vector<16xi32>
      tpu.vector_store_idx %arg17[%shift_right_logical3A_460, %and3A_463], %broadcast_in_dim3A_2 {add = true} : memref<80x128xf32, #tpu.memory_space<vmem>>[vector<16xi32>, vector<16xi32>], vector<16xf32>,
      %get3A_464 = arith.constant 16 : index
      %get3A_465 = tpu.vector_load %arg9[%get3A_464] {strides = array<i32>} : memref<80xi32, #tpu.memory_space<vmem>>, vector<16xi32>,
      %shift_right_logical3A_466 = arith.constant 7 : i32
      %shift_right_logical3A_467 = vector.broadcast %shift_right_logical3A_466 : i32 to vector<16xi32>
      %shift_right_logical3A_468 = arith.shrui %get3A_465, %shift_right_logical3A_467 : vector<16xi32>
      %and3A_469 = arith.constant 127 : i32
      %and3A_470 = vector.broadcast %and3A_469 : i32 to vector<16xi32>
      %and3A_471 = arith.andi %get3A_465, %and3A_470 : vector<16xi32>
      tpu.vector_store_idx %arg17[%shift_right_logical3A_468, %and3A_471], %broadcast_in_dim3A_2 {add = true} : memref<80x128xf32, #tpu.memory_space<vmem>>[vector<16xi32>, vector<16xi32>], vector<16xf32>,
      %get3A_472 = arith.constant 32 : index
      %get3A_473 = tpu.vector_load %arg9[%get3A_472] {strides = array<i32>} : memref<80xi32, #tpu.memory_space<vmem>>, vector<16xi32>,
      %shift_right_logical3A_474 = arith.constant 7 : i32
      %shift_right_logical3A_475 = vector.broadcast %shift_right_logical3A_474 : i32 to vector<16xi32>
      %shift_right_logical3A_476 = arith.shrui %get3A_473, %shift_right_logical3A_475 : vector<16xi32>
      %and3A_477 = arith.constant 127 : i32
      %and3A_478 = vector.broadcast %and3A_477 : i32 to vector<16xi32>
      %and3A_479 = arith.andi %get3A_473, %and3A_478 : vector<16xi32>
      tpu.vector_store_idx %arg17[%shift_right_logical3A_476, %and3A_479], %broadcast_in_dim3A_2 {add = true} : memref<80x128xf32, #tpu.memory_space<vmem>>[vector<16xi32>, vector<16xi32>], vector<16xf32>,
      %get3A_480 = arith.constant 48 : index
      %get3A_481 = tpu.vector_load %arg9[%get3A_480] {strides = array<i32>} : memref<80xi32, #tpu.memory_space<vmem>>, vector<16xi32>,
      %shift_right_logical3A_482 = arith.constant 7 : i32
      %shift_right_logical3A_483 = vector.broadcast %shift_right_logical3A_482 : i32 to vector<16xi32>
      %shift_right_logical3A_484 = arith.shrui %get3A_481, %shift_right_logical3A_483 : vector<16xi32>
      %and3A_485 = arith.constant 127 : i32
      %and3A_486 = vector.broadcast %and3A_485 : i32 to vector<16xi32>
      %and3A_487 = arith.andi %get3A_481, %and3A_486 : vector<16xi32>
      tpu.vector_store_idx %arg17[%shift_right_logical3A_484, %and3A_487], %broadcast_in_dim3A_2 {add = true} : memref<80x128xf32, #tpu.memory_space<vmem>>[vector<16xi32>, vector<16xi32>], vector<16xf32>,
      %get3A_488 = arith.constant 64 : index
      %get3A_489 = tpu.vector_load %arg9[%get3A_488] {strides = array<i32>} : memref<80xi32, #tpu.memory_space<vmem>>, vector<16xi32>,
      %shift_right_logical3A_490 = arith.constant 7 : i32
      %shift_right_logical3A_491 = vector.broadcast %shift_right_logical3A_490 : i32 to vector<16xi32>
      %shift_right_logical3A_492 = arith.shrui %get3A_489, %shift_right_logical3A_491 : vector<16xi32>
      %and3A_493 = arith.constant 127 : i32
      %and3A_494 = vector.broadcast %and3A_493 : i32 to vector<16xi32>
      %and3A_495 = arith.andi %get3A_489, %and3A_494 : vector<16xi32>
      tpu.vector_store_idx %arg17[%shift_right_logical3A_492, %and3A_495], %broadcast_in_dim3A_2 {add = true} : memref<80x128xf32, #tpu.memory_space<vmem>>[vector<16xi32>, vector<16xi32>], vector<16xf32>,
      %dma_wait3A_496 = arith.constant 0 : i32
      %dma_wait3A_497 = arith.constant 0 : i32
      %dma_wait3A_498 = tpu.memref_slice %arg12[%dma_wait3A_496, %dma_wait3A_497] : memref<10240x128xf32, #tpu.memory_space<vmem_shared>> -> memref<10240x128xf32, #tpu.memory_space<vmem_shared>>
      tpu.wait_indirect_dma semaphore(%arg16 : memref<!tpu.dma_semaphore, #tpu.memory_space<semaphore_mem>>) src(%arg10 : memref<80x128xf32, #tpu.memory_space<vmem>>) dst(%dma_wait3A_498 : memref<10240x128xf32, #tpu.memory_space<vmem_shared>>)
      %dma_wait3A_499 = arith.constant 400 : i32
      %dma_wait3A_500 = tpu.memref_slice %arg7[%dma_wait3A_499] : memref<560xi32, #tpu.memory_space<vmem>> -> memref<80xi32, #tpu.memory_space<vmem>>
      %dma_wait3A_501 = arith.constant 0 : i32
      %dma_wait3A_502 = arith.constant 0 : i32
      %dma_wait3A_503 = tpu.memref_slice %arg2[%dma_wait3A_501, %dma_wait3A_502] : memref<10000x128xf32, #tpu.memory_space<hbm>> -> memref<10000x128xf32, #tpu.memory_space<hbm>>
      tpu.wait_indirect_dma semaphore(%arg14 : memref<!tpu.dma_semaphore, #tpu.memory_space<semaphore_mem>>) src(%dma_wait3A_503 : memref<10000x128xf32, #tpu.memory_space<hbm>>) dst(%arg11 : memref<80x128xf32, #tpu.memory_space<vmem>>)
      %lt3A_504 = arith.constant 20 : i32
      %lt3A_505 = arith.cmpi slt, %scan3A_118, %lt3A_504 : i32
      %convert_element_type3A_506 = arith.extui %lt3A_505 : i1 to i32
      %cond3A_507 = arith.constant 0 : i32
      %cond3A_508 = arith.cmpi ne, %convert_element_type3A_506, %cond3A_507 : i32
      scf.if %cond3A_508 {
        %add3A_576 = arith.constant 1 : i32
        %add3A_577 = arith.addi %scan3A_118, %add3A_576 : i32
        %mul3A_578 = arith.constant 480 : i32
        %mul3A_579 = arith.muli %add3A_577, %mul3A_578 : i32
        %add3A_580 = arith.addi %mul3A_98, %mul3A_579 : i32
        %multiple_of3A_581 = tpu.assume_multiple %add3A_580, 8 : i32
        "tpu.region"() ({
          %run_scoped3A = tpu.sem_alloc : memref<!tpu.dma_semaphore, #tpu.memory_space<semaphore_mem>>
          %dma_start3A_587 = arith.constant 480 : i32
          %dma_start3A_588 = tpu.memref_slice %arg7[%dma_start3A_587] : memref<560xi32, #tpu.memory_space<vmem>> -> memref<80xi32, #tpu.memory_space<vmem>>
          %dma_start3A_589 = tpu.memref_slice %arg3[%multiple_of3A_581] : memref<322560xi32, #tpu.memory_space<hbm>> -> memref<80xi32, #tpu.memory_space<hbm>>
          %dma_start3A_590 = arith.constant 480 : i32
          %dma_start3A_591 = tpu.memref_slice %arg7[%dma_start3A_590] : memref<560xi32, #tpu.memory_space<vmem>> -> memref<80xi32, #tpu.memory_space<vmem>>
          %dma_start3A_592 = tpu.memref_slice %arg3[%multiple_of3A_581] : memref<322560xi32, #tpu.memory_space<hbm>> -> memref<80xi32, #tpu.memory_space<hbm>>
          tpu.enqueue_dma source(%dma_start3A_592 : memref<80xi32, #tpu.memory_space<hbm>>) target(%dma_start3A_591 : memref<80xi32, #tpu.memory_space<vmem>>) target_semaphore(%run_scoped3A : memref<!tpu.dma_semaphore, #tpu.memory_space<semaphore_mem>>)
          %dma_wait3A_593 = arith.constant 480 : i32
          %dma_wait3A_594 = tpu.memref_slice %arg7[%dma_wait3A_593] : memref<560xi32, #tpu.memory_space<vmem>> -> memref<80xi32, #tpu.memory_space<vmem>>
          %dma_wait3A_595 = tpu.memref_slice %arg3[%multiple_of3A_581] : memref<322560xi32, #tpu.memory_space<hbm>> -> memref<80xi32, #tpu.memory_space<hbm>>
          %dma_wait3A_596 = arith.constant 480 : i32
          %dma_wait3A_597 = tpu.memref_slice %arg7[%dma_wait3A_596] : memref<560xi32, #tpu.memory_space<vmem>> -> memref<80xi32, #tpu.memory_space<vmem>>
          %dma_wait3A_598 = tpu.memref_slice %arg3[%multiple_of3A_581] : memref<322560xi32, #tpu.memory_space<hbm>> -> memref<80xi32, #tpu.memory_space<hbm>>
          tpu.wait_dma2 semaphore(%run_scoped3A : memref<!tpu.dma_semaphore, #tpu.memory_space<semaphore_mem>>) src(%dma_wait3A_598 : memref<80xi32, #tpu.memory_space<hbm>>) dst(%dma_wait3A_597 : memref<80xi32, #tpu.memory_space<vmem>>)
          tpu.yield
        }) : () -> ()
        %dma_start3A_582 = arith.constant 480 : i32
        %dma_start3A_583 = tpu.memref_slice %arg7[%dma_start3A_582] : memref<560xi32, #tpu.memory_space<vmem>> -> memref<80xi32, #tpu.memory_space<vmem>>
        %dma_start3A_584 = arith.constant 0 : i32
        %dma_start3A_585 = arith.constant 0 : i32
        %dma_start3A_586 = tpu.memref_slice %arg2[%dma_start3A_584, %dma_start3A_585] : memref<10000x128xf32, #tpu.memory_space<hbm>> -> memref<10000x128xf32, #tpu.memory_space<hbm>>
        tpu.enqueue_indirect_dma source(%dma_start3A_586 : memref<10000x128xf32, #tpu.memory_space<hbm>>) target(%arg10 : memref<80x128xf32, #tpu.memory_space<vmem>>) offsets(%dma_start3A_583 : memref<80xi32, #tpu.memory_space<vmem>>) semaphore(%arg13 : memref<!tpu.dma_semaphore, #tpu.memory_space<semaphore_mem>>)
      } else {
      }
      %get3A_509 = arith.constant 400 : index
      %get3A_510 = tpu.vector_load %arg8[%get3A_509] {strides = array<i32>} : memref<480xi32, #tpu.memory_space<vmem>>, vector<16xi32>,
      %swap3A_511 = arith.constant 0 : index
      %swap3A_512 = tpu.vector_load %arg9[%swap3A_511] {strides = array<i32>} : memref<80xi32, #tpu.memory_space<vmem>>, vector<16xi32>,
      tpu.vector_store %arg9[%swap3A_511], %get3A_510 {strides = array<i32>} : memref<80xi32, #tpu.memory_space<vmem>>, vector<16xi32>,
      %get3A_513 = arith.constant 416 : index
      %get3A_514 = tpu.vector_load %arg8[%get3A_513] {strides = array<i32>} : memref<480xi32, #tpu.memory_space<vmem>>, vector<16xi32>,
      %swap3A_515 = arith.constant 16 : index
      %swap3A_516 = tpu.vector_load %arg9[%swap3A_515] {strides = array<i32>} : memref<80xi32, #tpu.memory_space<vmem>>, vector<16xi32>,
      tpu.vector_store %arg9[%swap3A_515], %get3A_514 {strides = array<i32>} : memref<80xi32, #tpu.memory_space<vmem>>, vector<16xi32>,
      %get3A_517 = arith.constant 432 : index
      %get3A_518 = tpu.vector_load %arg8[%get3A_517] {strides = array<i32>} : memref<480xi32, #tpu.memory_space<vmem>>, vector<16xi32>,
      %swap3A_519 = arith.constant 32 : index
      %swap3A_520 = tpu.vector_load %arg9[%swap3A_519] {strides = array<i32>} : memref<80xi32, #tpu.memory_space<vmem>>, vector<16xi32>,
      tpu.vector_store %arg9[%swap3A_519], %get3A_518 {strides = array<i32>} : memref<80xi32, #tpu.memory_space<vmem>>, vector<16xi32>,
      %get3A_521 = arith.constant 448 : index
      %get3A_522 = tpu.vector_load %arg8[%get3A_521] {strides = array<i32>} : memref<480xi32, #tpu.memory_space<vmem>>, vector<16xi32>,
      %swap3A_523 = arith.constant 48 : index
      %swap3A_524 = tpu.vector_load %arg9[%swap3A_523] {strides = array<i32>} : memref<80xi32, #tpu.memory_space<vmem>>, vector<16xi32>,
      tpu.vector_store %arg9[%swap3A_523], %get3A_522 {strides = array<i32>} : memref<80xi32, #tpu.memory_space<vmem>>, vector<16xi32>,
      %get3A_525 = arith.constant 464 : index
      %get3A_526 = tpu.vector_load %arg8[%get3A_525] {strides = array<i32>} : memref<480xi32, #tpu.memory_space<vmem>>, vector<16xi32>,
      %swap3A_527 = arith.constant 64 : index
      %swap3A_528 = tpu.vector_load %arg9[%swap3A_527] {strides = array<i32>} : memref<80xi32, #tpu.memory_space<vmem>>, vector<16xi32>,
      tpu.vector_store %arg9[%swap3A_527], %get3A_526 {strides = array<i32>} : memref<80xi32, #tpu.memory_space<vmem>>, vector<16xi32>,
      %dma_start3A_529 = arith.constant 0 : i32
      %dma_start3A_530 = arith.constant 0 : i32
      %dma_start3A_531 = tpu.memref_slice %arg12[%dma_start3A_529, %dma_start3A_530] : memref<10240x128xf32, #tpu.memory_space<vmem_shared>> -> memref<10240x128xf32, #tpu.memory_space<vmem_shared>>
      tpu.enqueue_indirect_dma source(%arg11 : memref<80x128xf32, #tpu.memory_space<vmem>>) target(%dma_start3A_531 : memref<10240x128xf32, #tpu.memory_space<vmem_shared>>) offsets(%arg9 : memref<80xi32, #tpu.memory_space<vmem>>) semaphore(%arg16 : memref<!tpu.dma_semaphore, #tpu.memory_space<semaphore_mem>>) {add = true}
      %get3A_532 = arith.constant 0 : index
      %get3A_533 = tpu.vector_load %arg9[%get3A_532] {strides = array<i32>} : memref<80xi32, #tpu.memory_space<vmem>>, vector<16xi32>,
      %shift_right_logical3A_534 = arith.constant 7 : i32
      %shift_right_logical3A_535 = vector.broadcast %shift_right_logical3A_534 : i32 to vector<16xi32>
      %shift_right_logical3A_536 = arith.shrui %get3A_533, %shift_right_logical3A_535 : vector<16xi32>
      %and3A_537 = arith.constant 127 : i32
      %and3A_538 = vector.broadcast %and3A_537 : i32 to vector<16xi32>
      %and3A_539 = arith.andi %get3A_533, %and3A_538 : vector<16xi32>
      tpu.vector_store_idx %arg17[%shift_right_logical3A_536, %and3A_539], %broadcast_in_dim3A_2 {add = true} : memref<80x128xf32, #tpu.memory_space<vmem>>[vector<16xi32>, vector<16xi32>], vector<16xf32>,
      %get3A_540 = arith.constant 16 : index
      %get3A_541 = tpu.vector_load %arg9[%get3A_540] {strides = array<i32>} : memref<80xi32, #tpu.memory_space<vmem>>, vector<16xi32>,
      %shift_right_logical3A_542 = arith.constant 7 : i32
      %shift_right_logical3A_543 = vector.broadcast %shift_right_logical3A_542 : i32 to vector<16xi32>
      %shift_right_logical3A_544 = arith.shrui %get3A_541, %shift_right_logical3A_543 : vector<16xi32>
      %and3A_545 = arith.constant 127 : i32
      %and3A_546 = vector.broadcast %and3A_545 : i32 to vector<16xi32>
      %and3A_547 = arith.andi %get3A_541, %and3A_546 : vector<16xi32>
      tpu.vector_store_idx %arg17[%shift_right_logical3A_544, %and3A_547], %broadcast_in_dim3A_2 {add = true} : memref<80x128xf32, #tpu.memory_space<vmem>>[vector<16xi32>, vector<16xi32>], vector<16xf32>,
      %get3A_548 = arith.constant 32 : index
      %get3A_549 = tpu.vector_load %arg9[%get3A_548] {strides = array<i32>} : memref<80xi32, #tpu.memory_space<vmem>>, vector<16xi32>,
      %shift_right_logical3A_550 = arith.constant 7 : i32
      %shift_right_logical3A_551 = vector.broadcast %shift_right_logical3A_550 : i32 to vector<16xi32>
      %shift_right_logical3A_552 = arith.shrui %get3A_549, %shift_right_logical3A_551 : vector<16xi32>
      %and3A_553 = arith.constant 127 : i32
      %and3A_554 = vector.broadcast %and3A_553 : i32 to vector<16xi32>
      %and3A_555 = arith.andi %get3A_549, %and3A_554 : vector<16xi32>
      tpu.vector_store_idx %arg17[%shift_right_logical3A_552, %and3A_555], %broadcast_in_dim3A_2 {add = true} : memref<80x128xf32, #tpu.memory_space<vmem>>[vector<16xi32>, vector<16xi32>], vector<16xf32>,
      %get3A_556 = arith.constant 48 : index
      %get3A_557 = tpu.vector_load %arg9[%get3A_556] {strides = array<i32>} : memref<80xi32, #tpu.memory_space<vmem>>, vector<16xi32>,
      %shift_right_logical3A_558 = arith.constant 7 : i32
      %shift_right_logical3A_559 = vector.broadcast %shift_right_logical3A_558 : i32 to vector<16xi32>
      %shift_right_logical3A_560 = arith.shrui %get3A_557, %shift_right_logical3A_559 : vector<16xi32>
      %and3A_561 = arith.constant 127 : i32
      %and3A_562 = vector.broadcast %and3A_561 : i32 to vector<16xi32>
      %and3A_563 = arith.andi %get3A_557, %and3A_562 : vector<16xi32>
      tpu.vector_store_idx %arg17[%shift_right_logical3A_560, %and3A_563], %broadcast_in_dim3A_2 {add = true} : memref<80x128xf32, #tpu.memory_space<vmem>>[vector<16xi32>, vector<16xi32>], vector<16xf32>,
      %get3A_564 = arith.constant 64 : index
      %get3A_565 = tpu.vector_load %arg9[%get3A_564] {strides = array<i32>} : memref<80xi32, #tpu.memory_space<vmem>>, vector<16xi32>,
      %shift_right_logical3A_566 = arith.constant 7 : i32
      %shift_right_logical3A_567 = vector.broadcast %shift_right_logical3A_566 : i32 to vector<16xi32>
      %shift_right_logical3A_568 = arith.shrui %get3A_565, %shift_right_logical3A_567 : vector<16xi32>
      %and3A_569 = arith.constant 127 : i32
      %and3A_570 = vector.broadcast %and3A_569 : i32 to vector<16xi32>
      %and3A_571 = arith.andi %get3A_565, %and3A_570 : vector<16xi32>
      tpu.vector_store_idx %arg17[%shift_right_logical3A_568, %and3A_571], %broadcast_in_dim3A_2 {add = true} : memref<80x128xf32, #tpu.memory_space<vmem>>[vector<16xi32>, vector<16xi32>], vector<16xf32>,
      %dma_wait3A_572 = arith.constant 0 : i32
      %dma_wait3A_573 = arith.constant 0 : i32
      %dma_wait3A_574 = tpu.memref_slice %arg12[%dma_wait3A_572, %dma_wait3A_573] : memref<10240x128xf32, #tpu.memory_space<vmem_shared>> -> memref<10240x128xf32, #tpu.memory_space<vmem_shared>>
      tpu.wait_indirect_dma semaphore(%arg16 : memref<!tpu.dma_semaphore, #tpu.memory_space<semaphore_mem>>) src(%arg11 : memref<80x128xf32, #tpu.memory_space<vmem>>) dst(%dma_wait3A_574 : memref<10240x128xf32, #tpu.memory_space<vmem_shared>>)
      %scan3A_575 = arith.constant 0 : i32
      scf.yield %scan3A_575 : i32
    }
    %scan3A_110 = arith.constant 21 : i32
    %barrier3A_111 = arith.constant 0 : index
    tpu.barrier barrier_id(%barrier3A_111)
    "tpu.region"() ({
      %run_scoped3A = tpu.sem_alloc : memref<!tpu.dma_semaphore, #tpu.memory_space<semaphore_mem>>
      %dma_start3A_118 = arith.constant 0 : i32
      %dma_start3A_119 = tpu.memref_slice %arg5[%arg0, %mul3A_9, %dma_start3A_118] : memref<2x10240x128xf32, #tpu.memory_space<hbm>> -> memref<1x640x128xf32, #tpu.memory_space<hbm>>
      %dma_start3A_120 = tpu.memref_squeeze %dma_start3A_119 : memref<1x640x128xf32, #tpu.memory_space<hbm>> -> memref<640x128xf32, #tpu.memory_space<hbm>>
      %dma_start3A_121 = arith.constant 0 : i32
      %dma_start3A_122 = tpu.memref_slice %arg12[%mul3A_9, %dma_start3A_121] : memref<10240x128xf32, #tpu.memory_space<vmem_shared>> -> memref<640x128xf32, #tpu.memory_space<vmem_shared>>
      tpu.enqueue_dma source(%dma_start3A_122 : memref<640x128xf32, #tpu.memory_space<vmem_shared>>) target(%dma_start3A_120 : memref<640x128xf32, #tpu.memory_space<hbm>>) target_semaphore(%run_scoped3A : memref<!tpu.dma_semaphore, #tpu.memory_space<semaphore_mem>>)
      %dma_wait3A_123 = arith.constant 0 : i32
      %dma_wait3A_124 = tpu.memref_slice %arg5[%arg0, %mul3A_9, %dma_wait3A_123] : memref<2x10240x128xf32, #tpu.memory_space<hbm>> -> memref<1x640x128xf32, #tpu.memory_space<hbm>>
      %dma_wait3A_125 = tpu.memref_squeeze %dma_wait3A_124 : memref<1x640x128xf32, #tpu.memory_space<hbm>> -> memref<640x128xf32, #tpu.memory_space<hbm>>
      %dma_wait3A_126 = arith.constant 0 : i32
      %dma_wait3A_127 = tpu.memref_slice %arg12[%mul3A_9, %dma_wait3A_126] : memref<10240x128xf32, #tpu.memory_space<vmem_shared>> -> memref<640x128xf32, #tpu.memory_space<vmem_shared>>
      tpu.wait_dma2 semaphore(%run_scoped3A : memref<!tpu.dma_semaphore, #tpu.memory_space<semaphore_mem>>) src(%dma_wait3A_127 : memref<640x128xf32, #tpu.memory_space<vmem_shared>>) dst(%dma_wait3A_125 : memref<640x128xf32, #tpu.memory_space<hbm>>)
      tpu.yield
    }) : () -> ()
    %barrier3A_112 = arith.constant 0 : index
    tpu.barrier barrier_id(%barrier3A_112)
    %mul3A_113 = arith.constant 80 : i32
    %mul3A_114 = arith.muli %arg1, %mul3A_113 : i32
    "tpu.region"() ({
      %run_scoped3A = tpu.sem_alloc : memref<!tpu.dma_semaphore, #tpu.memory_space<semaphore_mem>>
      %dma_start3A_118 = arith.constant 0 : i32
      %dma_start3A_119 = tpu.memref_slice %arg12[%mul3A_114, %dma_start3A_118] : memref<10240x128xf32, #tpu.memory_space<vmem_shared>> -> memref<80x128xf32, #tpu.memory_space<vmem_shared>>
      %dma_start3A_120 = arith.constant 0 : i32
      %dma_start3A_121 = tpu.memref_slice %arg12[%mul3A_114, %dma_start3A_120] : memref<10240x128xf32, #tpu.memory_space<vmem_shared>> -> memref<80x128xf32, #tpu.memory_space<vmem_shared>>
      tpu.enqueue_dma source(%arg17 : memref<80x128xf32, #tpu.memory_space<vmem>>) target(%dma_start3A_121 : memref<80x128xf32, #tpu.memory_space<vmem_shared>>) target_semaphore(%run_scoped3A : memref<!tpu.dma_semaphore, #tpu.memory_space<semaphore_mem>>)
      %dma_wait3A_122 = arith.constant 0 : i32
      %dma_wait3A_123 = tpu.memref_slice %arg12[%mul3A_114, %dma_wait3A_122] : memref<10240x128xf32, #tpu.memory_space<vmem_shared>> -> memref<80x128xf32, #tpu.memory_space<vmem_shared>>
      %dma_wait3A_124 = arith.constant 0 : i32
      %dma_wait3A_125 = tpu.memref_slice %arg12[%mul3A_114, %dma_wait3A_124] : memref<10240x128xf32, #tpu.memory_space<vmem_shared>> -> memref<80x128xf32, #tpu.memory_space<vmem_shared>>
      tpu.wait_dma2 semaphore(%run_scoped3A : memref<!tpu.dma_semaphore, #tpu.memory_space<semaphore_mem>>) src(%arg17 : memref<80x128xf32, #tpu.memory_space<vmem>>) dst(%dma_wait3A_125 : memref<80x128xf32, #tpu.memory_space<vmem_shared>>)
      tpu.yield
    }) : () -> ()
    %barrier3A_115 = arith.constant 0 : index
    tpu.barrier barrier_id(%barrier3A_115)
    %lt3A = arith.constant 10 : i32
    %lt3A_116 = arith.cmpi slt, %arg1, %lt3A : i32
    %convert_element_type3A = arith.extui %lt3A_116 : i1 to i32
    %cond3A = arith.constant 0 : i32
    %cond3A_117 = arith.cmpi ne, %convert_element_type3A, %cond3A : i32
    scf.if %cond3A_117 {
      %scan3A_118 = arith.constant 0 : i32
      %scan3A_119 = arith.constant 0 : i32
      %scan3A_120 = arith.constant 8 : i32
      %scan3A_121 = arith.addi %scan3A_119, %scan3A_120 : i32
      %scan3A_122 = arith.constant 1 : i32
      %scan3A_123 = scf.for %scan3A_301 = %scan3A_119 to %scan3A_121 step %scan3A_122 iter_args(%scan3A_302 = %scan3A_118) -> (i32)  : i32 {
        %scan3A_303 = arith.constant 0 : i32
        %scan3A_304 = arith.constant 0 : i32
        %scan3A_305 = arith.constant 8 : i32
        %scan3A_306 = arith.addi %scan3A_304, %scan3A_305 : i32
        %scan3A_307 = arith.constant 1 : i32
        %scan3A_308 = scf.for %scan3A_310 = %scan3A_304 to %scan3A_306 step %scan3A_307 iter_args(%scan3A_311 = %scan3A_303) -> (i32)  : i32 {
          %mul3A_312 = arith.constant 16 : i32
          %mul3A_313 = arith.muli %scan3A_310, %mul3A_312 : i32
          %swap3A = arith.index_cast %scan3A_301 : i32 to index
          %swap3A_314 = arith.index_cast %mul3A_313 : i32 to index
          %swap3A_315 = tpu.vector_load %arg19[%swap3A, %swap3A_314] {strides = array<i32>} : memref<8x128xf32, #tpu.memory_space<vmem>>, vector<16xf32>,
          tpu.vector_store %arg19[%swap3A, %swap3A_314], %broadcast_in_dim3A_0 {strides = array<i32>} : memref<8x128xf32, #tpu.memory_space<vmem>>, vector<16xf32>,
          %scan3A_316 = arith.constant 0 : i32
          scf.yield %scan3A_316 : i32
        }
        %scan3A_309 = arith.constant 8 : i32
        scf.yield %scan3A_308 : i32
      }
      %scan3A_124 = arith.constant 8 : i32
      %mul3A_125 = arith.constant 8 : i32
      %mul3A_126 = arith.muli %arg1, %mul3A_125 : i32
      %add3A_127 = arith.constant 0 : i32
      %add3A_128 = arith.addi %add3A_127, %mul3A_126 : i32
      "tpu.region"() ({
        %run_scoped3A = tpu.sem_alloc : memref<!tpu.dma_semaphore, #tpu.memory_space<semaphore_mem>>
        %dma_start3A_301 = arith.constant 0 : i32
        %dma_start3A_302 = tpu.memref_slice %arg12[%add3A_128, %dma_start3A_301] : memref<10240x128xf32, #tpu.memory_space<vmem_shared>> -> memref<8x128xf32, #tpu.memory_space<vmem_shared>>
        %dma_start3A_303 = arith.constant 0 : i32
        %dma_start3A_304 = tpu.memref_slice %arg12[%add3A_128, %dma_start3A_303] : memref<10240x128xf32, #tpu.memory_space<vmem_shared>> -> memref<8x128xf32, #tpu.memory_space<vmem_shared>>
        tpu.enqueue_dma source(%dma_start3A_304 : memref<8x128xf32, #tpu.memory_space<vmem_shared>>) target(%arg18 : memref<8x128xf32, #tpu.memory_space<vmem>>) target_semaphore(%run_scoped3A : memref<!tpu.dma_semaphore, #tpu.memory_space<semaphore_mem>>)
        %dma_wait3A_305 = arith.constant 0 : i32
        %dma_wait3A_306 = tpu.memref_slice %arg12[%add3A_128, %dma_wait3A_305] : memref<10240x128xf32, #tpu.memory_space<vmem_shared>> -> memref<8x128xf32, #tpu.memory_space<vmem_shared>>
        %dma_wait3A_307 = arith.constant 0 : i32
        %dma_wait3A_308 = tpu.memref_slice %arg12[%add3A_128, %dma_wait3A_307] : memref<10240x128xf32, #tpu.memory_space<vmem_shared>> -> memref<8x128xf32, #tpu.memory_space<vmem_shared>>
        tpu.wait_dma2 semaphore(%run_scoped3A : memref<!tpu.dma_semaphore, #tpu.memory_space<semaphore_mem>>) src(%dma_wait3A_308 : memref<8x128xf32, #tpu.memory_space<vmem_shared>>) dst(%arg18 : memref<8x128xf32, #tpu.memory_space<vmem>>)
        tpu.yield
      }) : () -> ()
      %scan3A_129 = arith.constant 0 : i32
      %scan3A_130 = arith.constant 0 : i32
      %scan3A_131 = arith.constant 8 : i32
      %scan3A_132 = arith.addi %scan3A_130, %scan3A_131 : i32
      %scan3A_133 = arith.constant 1 : i32
      %scan3A_134 = scf.for %scan3A_301 = %scan3A_130 to %scan3A_132 step %scan3A_133 iter_args(%scan3A_302 = %scan3A_129) -> (i32)  : i32 {
        %scan3A_303 = arith.constant 0 : i32
        %scan3A_304 = arith.constant 0 : i32
        %scan3A_305 = arith.constant 8 : i32
        %scan3A_306 = arith.addi %scan3A_304, %scan3A_305 : i32
        %scan3A_307 = arith.constant 1 : i32
        %scan3A_308 = scf.for %scan3A_310 = %scan3A_304 to %scan3A_306 step %scan3A_307 iter_args(%scan3A_311 = %scan3A_303) -> (i32)  : i32 {
          %mul3A_312 = arith.constant 16 : i32
          %mul3A_313 = arith.muli %scan3A_310, %mul3A_312 : i32
          %get3A = arith.index_cast %scan3A_301 : i32 to index
          %get3A_314 = arith.index_cast %mul3A_313 : i32 to index
          %get3A_315 = tpu.vector_load %arg19[%get3A, %get3A_314] {strides = array<i32>} : memref<8x128xf32, #tpu.memory_space<vmem>>, vector<16xf32>,
          %get3A_316 = arith.index_cast %scan3A_301 : i32 to index
          %get3A_317 = arith.index_cast %mul3A_313 : i32 to index
          %get3A_318 = tpu.vector_load %arg18[%get3A_316, %get3A_317] {strides = array<i32>} : memref<8x128xf32, #tpu.memory_space<vmem>>, vector<16xf32>,
          %add3A_319 = arith.addf %get3A_315, %get3A_318 : vector<16xf32>
          %swap3A = arith.index_cast %scan3A_301 : i32 to index
          %swap3A_320 = arith.index_cast %mul3A_313 : i32 to index
          %swap3A_321 = tpu.vector_load %arg19[%swap3A, %swap3A_320] {strides = array<i32>} : memref<8x128xf32, #tpu.memory_space<vmem>>, vector<16xf32>,
          tpu.vector_store %arg19[%swap3A, %swap3A_320], %add3A_319 {strides = array<i32>} : memref<8x128xf32, #tpu.memory_space<vmem>>, vector<16xf32>,
          %scan3A_322 = arith.constant 0 : i32
          scf.yield %scan3A_322 : i32
        }
        %scan3A_309 = arith.constant 8 : i32
        scf.yield %scan3A_308 : i32
      }
      %scan3A_135 = arith.constant 8 : i32
      %mul3A_136 = arith.constant 8 : i32
      %mul3A_137 = arith.muli %arg1, %mul3A_136 : i32
      %add3A_138 = arith.constant 80 : i32
      %add3A_139 = arith.addi %add3A_138, %mul3A_137 : i32
      "tpu.region"() ({
        %run_scoped3A = tpu.sem_alloc : memref<!tpu.dma_semaphore, #tpu.memory_space<semaphore_mem>>
        %dma_start3A_301 = arith.constant 0 : i32
        %dma_start3A_302 = tpu.memref_slice %arg12[%add3A_139, %dma_start3A_301] : memref<10240x128xf32, #tpu.memory_space<vmem_shared>> -> memref<8x128xf32, #tpu.memory_space<vmem_shared>>
        %dma_start3A_303 = arith.constant 0 : i32
        %dma_start3A_304 = tpu.memref_slice %arg12[%add3A_139, %dma_start3A_303] : memref<10240x128xf32, #tpu.memory_space<vmem_shared>> -> memref<8x128xf32, #tpu.memory_space<vmem_shared>>
        tpu.enqueue_dma source(%dma_start3A_304 : memref<8x128xf32, #tpu.memory_space<vmem_shared>>) target(%arg18 : memref<8x128xf32, #tpu.memory_space<vmem>>) target_semaphore(%run_scoped3A : memref<!tpu.dma_semaphore, #tpu.memory_space<semaphore_mem>>)
        %dma_wait3A_305 = arith.constant 0 : i32
        %dma_wait3A_306 = tpu.memref_slice %arg12[%add3A_139, %dma_wait3A_305] : memref<10240x128xf32, #tpu.memory_space<vmem_shared>> -> memref<8x128xf32, #tpu.memory_space<vmem_shared>>
        %dma_wait3A_307 = arith.constant 0 : i32
        %dma_wait3A_308 = tpu.memref_slice %arg12[%add3A_139, %dma_wait3A_307] : memref<10240x128xf32, #tpu.memory_space<vmem_shared>> -> memref<8x128xf32, #tpu.memory_space<vmem_shared>>
        tpu.wait_dma2 semaphore(%run_scoped3A : memref<!tpu.dma_semaphore, #tpu.memory_space<semaphore_mem>>) src(%dma_wait3A_308 : memref<8x128xf32, #tpu.memory_space<vmem_shared>>) dst(%arg18 : memref<8x128xf32, #tpu.memory_space<vmem>>)
        tpu.yield
      }) : () -> ()
      %scan3A_140 = arith.constant 0 : i32
      %scan3A_141 = arith.constant 0 : i32
      %scan3A_142 = arith.constant 8 : i32
      %scan3A_143 = arith.addi %scan3A_141, %scan3A_142 : i32
      %scan3A_144 = arith.constant 1 : i32
      %scan3A_145 = scf.for %scan3A_301 = %scan3A_141 to %scan3A_143 step %scan3A_144 iter_args(%scan3A_302 = %scan3A_140) -> (i32)  : i32 {
        %scan3A_303 = arith.constant 0 : i32
        %scan3A_304 = arith.constant 0 : i32
        %scan3A_305 = arith.constant 8 : i32
        %scan3A_306 = arith.addi %scan3A_304, %scan3A_305 : i32
        %scan3A_307 = arith.constant 1 : i32
        %scan3A_308 = scf.for %scan3A_310 = %scan3A_304 to %scan3A_306 step %scan3A_307 iter_args(%scan3A_311 = %scan3A_303) -> (i32)  : i32 {
          %mul3A_312 = arith.constant 16 : i32
          %mul3A_313 = arith.muli %scan3A_310, %mul3A_312 : i32
          %get3A = arith.index_cast %scan3A_301 : i32 to index
          %get3A_314 = arith.index_cast %mul3A_313 : i32 to index
          %get3A_315 = tpu.vector_load %arg19[%get3A, %get3A_314] {strides = array<i32>} : memref<8x128xf32, #tpu.memory_space<vmem>>, vector<16xf32>,
          %get3A_316 = arith.index_cast %scan3A_301 : i32 to index
          %get3A_317 = arith.index_cast %mul3A_313 : i32 to index
          %get3A_318 = tpu.vector_load %arg18[%get3A_316, %get3A_317] {strides = array<i32>} : memref<8x128xf32, #tpu.memory_space<vmem>>, vector<16xf32>,
          %add3A_319 = arith.addf %get3A_315, %get3A_318 : vector<16xf32>
          %swap3A = arith.index_cast %scan3A_301 : i32 to index
          %swap3A_320 = arith.index_cast %mul3A_313 : i32 to index
          %swap3A_321 = tpu.vector_load %arg19[%swap3A, %swap3A_320] {strides = array<i32>} : memref<8x128xf32, #tpu.memory_space<vmem>>, vector<16xf32>,
          tpu.vector_store %arg19[%swap3A, %swap3A_320], %add3A_319 {strides = array<i32>} : memref<8x128xf32, #tpu.memory_space<vmem>>, vector<16xf32>,
          %scan3A_322 = arith.constant 0 : i32
          scf.yield %scan3A_322 : i32
        }
        %scan3A_309 = arith.constant 8 : i32
        scf.yield %scan3A_308 : i32
      }
      %scan3A_146 = arith.constant 8 : i32
      %mul3A_147 = arith.constant 8 : i32
      %mul3A_148 = arith.muli %arg1, %mul3A_147 : i32
      %add3A_149 = arith.constant 160 : i32
      %add3A_150 = arith.addi %add3A_149, %mul3A_148 : i32
      "tpu.region"() ({
        %run_scoped3A = tpu.sem_alloc : memref<!tpu.dma_semaphore, #tpu.memory_space<semaphore_mem>>
        %dma_start3A_301 = arith.constant 0 : i32
        %dma_start3A_302 = tpu.memref_slice %arg12[%add3A_150, %dma_start3A_301] : memref<10240x128xf32, #tpu.memory_space<vmem_shared>> -> memref<8x128xf32, #tpu.memory_space<vmem_shared>>
        %dma_start3A_303 = arith.constant 0 : i32
        %dma_start3A_304 = tpu.memref_slice %arg12[%add3A_150, %dma_start3A_303] : memref<10240x128xf32, #tpu.memory_space<vmem_shared>> -> memref<8x128xf32, #tpu.memory_space<vmem_shared>>
        tpu.enqueue_dma source(%dma_start3A_304 : memref<8x128xf32, #tpu.memory_space<vmem_shared>>) target(%arg18 : memref<8x128xf32, #tpu.memory_space<vmem>>) target_semaphore(%run_scoped3A : memref<!tpu.dma_semaphore, #tpu.memory_space<semaphore_mem>>)
        %dma_wait3A_305 = arith.constant 0 : i32
        %dma_wait3A_306 = tpu.memref_slice %arg12[%add3A_150, %dma_wait3A_305] : memref<10240x128xf32, #tpu.memory_space<vmem_shared>> -> memref<8x128xf32, #tpu.memory_space<vmem_shared>>
        %dma_wait3A_307 = arith.constant 0 : i32
        %dma_wait3A_308 = tpu.memref_slice %arg12[%add3A_150, %dma_wait3A_307] : memref<10240x128xf32, #tpu.memory_space<vmem_shared>> -> memref<8x128xf32, #tpu.memory_space<vmem_shared>>
        tpu.wait_dma2 semaphore(%run_scoped3A : memref<!tpu.dma_semaphore, #tpu.memory_space<semaphore_mem>>) src(%dma_wait3A_308 : memref<8x128xf32, #tpu.memory_space<vmem_shared>>) dst(%arg18 : memref<8x128xf32, #tpu.memory_space<vmem>>)
        tpu.yield
      }) : () -> ()
      %scan3A_151 = arith.constant 0 : i32
      %scan3A_152 = arith.constant 0 : i32
      %scan3A_153 = arith.constant 8 : i32
      %scan3A_154 = arith.addi %scan3A_152, %scan3A_153 : i32
      %scan3A_155 = arith.constant 1 : i32
      %scan3A_156 = scf.for %scan3A_301 = %scan3A_152 to %scan3A_154 step %scan3A_155 iter_args(%scan3A_302 = %scan3A_151) -> (i32)  : i32 {
        %scan3A_303 = arith.constant 0 : i32
        %scan3A_304 = arith.constant 0 : i32
        %scan3A_305 = arith.constant 8 : i32
        %scan3A_306 = arith.addi %scan3A_304, %scan3A_305 : i32
        %scan3A_307 = arith.constant 1 : i32
        %scan3A_308 = scf.for %scan3A_310 = %scan3A_304 to %scan3A_306 step %scan3A_307 iter_args(%scan3A_311 = %scan3A_303) -> (i32)  : i32 {
          %mul3A_312 = arith.constant 16 : i32
          %mul3A_313 = arith.muli %scan3A_310, %mul3A_312 : i32
          %get3A = arith.index_cast %scan3A_301 : i32 to index
          %get3A_314 = arith.index_cast %mul3A_313 : i32 to index
          %get3A_315 = tpu.vector_load %arg19[%get3A, %get3A_314] {strides = array<i32>} : memref<8x128xf32, #tpu.memory_space<vmem>>, vector<16xf32>,
          %get3A_316 = arith.index_cast %scan3A_301 : i32 to index
          %get3A_317 = arith.index_cast %mul3A_313 : i32 to index
          %get3A_318 = tpu.vector_load %arg18[%get3A_316, %get3A_317] {strides = array<i32>} : memref<8x128xf32, #tpu.memory_space<vmem>>, vector<16xf32>,
          %add3A_319 = arith.addf %get3A_315, %get3A_318 : vector<16xf32>
          %swap3A = arith.index_cast %scan3A_301 : i32 to index
          %swap3A_320 = arith.index_cast %mul3A_313 : i32 to index
          %swap3A_321 = tpu.vector_load %arg19[%swap3A, %swap3A_320] {strides = array<i32>} : memref<8x128xf32, #tpu.memory_space<vmem>>, vector<16xf32>,
          tpu.vector_store %arg19[%swap3A, %swap3A_320], %add3A_319 {strides = array<i32>} : memref<8x128xf32, #tpu.memory_space<vmem>>, vector<16xf32>,
          %scan3A_322 = arith.constant 0 : i32
          scf.yield %scan3A_322 : i32
        }
        %scan3A_309 = arith.constant 8 : i32
        scf.yield %scan3A_308 : i32
      }
      %scan3A_157 = arith.constant 8 : i32
      %mul3A_158 = arith.constant 8 : i32
      %mul3A_159 = arith.muli %arg1, %mul3A_158 : i32
      %add3A_160 = arith.constant 240 : i32
      %add3A_161 = arith.addi %add3A_160, %mul3A_159 : i32
      "tpu.region"() ({
        %run_scoped3A = tpu.sem_alloc : memref<!tpu.dma_semaphore, #tpu.memory_space<semaphore_mem>>
        %dma_start3A_301 = arith.constant 0 : i32
        %dma_start3A_302 = tpu.memref_slice %arg12[%add3A_161, %dma_start3A_301] : memref<10240x128xf32, #tpu.memory_space<vmem_shared>> -> memref<8x128xf32, #tpu.memory_space<vmem_shared>>
        %dma_start3A_303 = arith.constant 0 : i32
        %dma_start3A_304 = tpu.memref_slice %arg12[%add3A_161, %dma_start3A_303] : memref<10240x128xf32, #tpu.memory_space<vmem_shared>> -> memref<8x128xf32, #tpu.memory_space<vmem_shared>>
        tpu.enqueue_dma source(%dma_start3A_304 : memref<8x128xf32, #tpu.memory_space<vmem_shared>>) target(%arg18 : memref<8x128xf32, #tpu.memory_space<vmem>>) target_semaphore(%run_scoped3A : memref<!tpu.dma_semaphore, #tpu.memory_space<semaphore_mem>>)
        %dma_wait3A_305 = arith.constant 0 : i32
        %dma_wait3A_306 = tpu.memref_slice %arg12[%add3A_161, %dma_wait3A_305] : memref<10240x128xf32, #tpu.memory_space<vmem_shared>> -> memref<8x128xf32, #tpu.memory_space<vmem_shared>>
        %dma_wait3A_307 = arith.constant 0 : i32
        %dma_wait3A_308 = tpu.memref_slice %arg12[%add3A_161, %dma_wait3A_307] : memref<10240x128xf32, #tpu.memory_space<vmem_shared>> -> memref<8x128xf32, #tpu.memory_space<vmem_shared>>
        tpu.wait_dma2 semaphore(%run_scoped3A : memref<!tpu.dma_semaphore, #tpu.memory_space<semaphore_mem>>) src(%dma_wait3A_308 : memref<8x128xf32, #tpu.memory_space<vmem_shared>>) dst(%arg18 : memref<8x128xf32, #tpu.memory_space<vmem>>)
        tpu.yield
      }) : () -> ()
      %scan3A_162 = arith.constant 0 : i32
      %scan3A_163 = arith.constant 0 : i32
      %scan3A_164 = arith.constant 8 : i32
      %scan3A_165 = arith.addi %scan3A_163, %scan3A_164 : i32
      %scan3A_166 = arith.constant 1 : i32
      %scan3A_167 = scf.for %scan3A_301 = %scan3A_163 to %scan3A_165 step %scan3A_166 iter_args(%scan3A_302 = %scan3A_162) -> (i32)  : i32 {
        %scan3A_303 = arith.constant 0 : i32
        %scan3A_304 = arith.constant 0 : i32
        %scan3A_305 = arith.constant 8 : i32
        %scan3A_306 = arith.addi %scan3A_304, %scan3A_305 : i32
        %scan3A_307 = arith.constant 1 : i32
        %scan3A_308 = scf.for %scan3A_310 = %scan3A_304 to %scan3A_306 step %scan3A_307 iter_args(%scan3A_311 = %scan3A_303) -> (i32)  : i32 {
          %mul3A_312 = arith.constant 16 : i32
          %mul3A_313 = arith.muli %scan3A_310, %mul3A_312 : i32
          %get3A = arith.index_cast %scan3A_301 : i32 to index
          %get3A_314 = arith.index_cast %mul3A_313 : i32 to index
          %get3A_315 = tpu.vector_load %arg19[%get3A, %get3A_314] {strides = array<i32>} : memref<8x128xf32, #tpu.memory_space<vmem>>, vector<16xf32>,
          %get3A_316 = arith.index_cast %scan3A_301 : i32 to index
          %get3A_317 = arith.index_cast %mul3A_313 : i32 to index
          %get3A_318 = tpu.vector_load %arg18[%get3A_316, %get3A_317] {strides = array<i32>} : memref<8x128xf32, #tpu.memory_space<vmem>>, vector<16xf32>,
          %add3A_319 = arith.addf %get3A_315, %get3A_318 : vector<16xf32>
          %swap3A = arith.index_cast %scan3A_301 : i32 to index
          %swap3A_320 = arith.index_cast %mul3A_313 : i32 to index
          %swap3A_321 = tpu.vector_load %arg19[%swap3A, %swap3A_320] {strides = array<i32>} : memref<8x128xf32, #tpu.memory_space<vmem>>, vector<16xf32>,
          tpu.vector_store %arg19[%swap3A, %swap3A_320], %add3A_319 {strides = array<i32>} : memref<8x128xf32, #tpu.memory_space<vmem>>, vector<16xf32>,
          %scan3A_322 = arith.constant 0 : i32
          scf.yield %scan3A_322 : i32
        }
        %scan3A_309 = arith.constant 8 : i32
        scf.yield %scan3A_308 : i32
      }
      %scan3A_168 = arith.constant 8 : i32
      %mul3A_169 = arith.constant 8 : i32
      %mul3A_170 = arith.muli %arg1, %mul3A_169 : i32
      %add3A_171 = arith.constant 320 : i32
      %add3A_172 = arith.addi %add3A_171, %mul3A_170 : i32
      "tpu.region"() ({
        %run_scoped3A = tpu.sem_alloc : memref<!tpu.dma_semaphore, #tpu.memory_space<semaphore_mem>>
        %dma_start3A_301 = arith.constant 0 : i32
        %dma_start3A_302 = tpu.memref_slice %arg12[%add3A_172, %dma_start3A_301] : memref<10240x128xf32, #tpu.memory_space<vmem_shared>> -> memref<8x128xf32, #tpu.memory_space<vmem_shared>>
        %dma_start3A_303 = arith.constant 0 : i32
        %dma_start3A_304 = tpu.memref_slice %arg12[%add3A_172, %dma_start3A_303] : memref<10240x128xf32, #tpu.memory_space<vmem_shared>> -> memref<8x128xf32, #tpu.memory_space<vmem_shared>>
        tpu.enqueue_dma source(%dma_start3A_304 : memref<8x128xf32, #tpu.memory_space<vmem_shared>>) target(%arg18 : memref<8x128xf32, #tpu.memory_space<vmem>>) target_semaphore(%run_scoped3A : memref<!tpu.dma_semaphore, #tpu.memory_space<semaphore_mem>>)
        %dma_wait3A_305 = arith.constant 0 : i32
        %dma_wait3A_306 = tpu.memref_slice %arg12[%add3A_172, %dma_wait3A_305] : memref<10240x128xf32, #tpu.memory_space<vmem_shared>> -> memref<8x128xf32, #tpu.memory_space<vmem_shared>>
        %dma_wait3A_307 = arith.constant 0 : i32
        %dma_wait3A_308 = tpu.memref_slice %arg12[%add3A_172, %dma_wait3A_307] : memref<10240x128xf32, #tpu.memory_space<vmem_shared>> -> memref<8x128xf32, #tpu.memory_space<vmem_shared>>
        tpu.wait_dma2 semaphore(%run_scoped3A : memref<!tpu.dma_semaphore, #tpu.memory_space<semaphore_mem>>) src(%dma_wait3A_308 : memref<8x128xf32, #tpu.memory_space<vmem_shared>>) dst(%arg18 : memref<8x128xf32, #tpu.memory_space<vmem>>)
        tpu.yield
      }) : () -> ()
      %scan3A_173 = arith.constant 0 : i32
      %scan3A_174 = arith.constant 0 : i32
      %scan3A_175 = arith.constant 8 : i32
      %scan3A_176 = arith.addi %scan3A_174, %scan3A_175 : i32
      %scan3A_177 = arith.constant 1 : i32
      %scan3A_178 = scf.for %scan3A_301 = %scan3A_174 to %scan3A_176 step %scan3A_177 iter_args(%scan3A_302 = %scan3A_173) -> (i32)  : i32 {
        %scan3A_303 = arith.constant 0 : i32
        %scan3A_304 = arith.constant 0 : i32
        %scan3A_305 = arith.constant 8 : i32
        %scan3A_306 = arith.addi %scan3A_304, %scan3A_305 : i32
        %scan3A_307 = arith.constant 1 : i32
        %scan3A_308 = scf.for %scan3A_310 = %scan3A_304 to %scan3A_306 step %scan3A_307 iter_args(%scan3A_311 = %scan3A_303) -> (i32)  : i32 {
          %mul3A_312 = arith.constant 16 : i32
          %mul3A_313 = arith.muli %scan3A_310, %mul3A_312 : i32
          %get3A = arith.index_cast %scan3A_301 : i32 to index
          %get3A_314 = arith.index_cast %mul3A_313 : i32 to index
          %get3A_315 = tpu.vector_load %arg19[%get3A, %get3A_314] {strides = array<i32>} : memref<8x128xf32, #tpu.memory_space<vmem>>, vector<16xf32>,
          %get3A_316 = arith.index_cast %scan3A_301 : i32 to index
          %get3A_317 = arith.index_cast %mul3A_313 : i32 to index
          %get3A_318 = tpu.vector_load %arg18[%get3A_316, %get3A_317] {strides = array<i32>} : memref<8x128xf32, #tpu.memory_space<vmem>>, vector<16xf32>,
          %add3A_319 = arith.addf %get3A_315, %get3A_318 : vector<16xf32>
          %swap3A = arith.index_cast %scan3A_301 : i32 to index
          %swap3A_320 = arith.index_cast %mul3A_313 : i32 to index
          %swap3A_321 = tpu.vector_load %arg19[%swap3A, %swap3A_320] {strides = array<i32>} : memref<8x128xf32, #tpu.memory_space<vmem>>, vector<16xf32>,
          tpu.vector_store %arg19[%swap3A, %swap3A_320], %add3A_319 {strides = array<i32>} : memref<8x128xf32, #tpu.memory_space<vmem>>, vector<16xf32>,
          %scan3A_322 = arith.constant 0 : i32
          scf.yield %scan3A_322 : i32
        }
        %scan3A_309 = arith.constant 8 : i32
        scf.yield %scan3A_308 : i32
      }
      %scan3A_179 = arith.constant 8 : i32
      %mul3A_180 = arith.constant 8 : i32
      %mul3A_181 = arith.muli %arg1, %mul3A_180 : i32
      %add3A_182 = arith.constant 400 : i32
      %add3A_183 = arith.addi %add3A_182, %mul3A_181 : i32
      "tpu.region"() ({
        %run_scoped3A = tpu.sem_alloc : memref<!tpu.dma_semaphore, #tpu.memory_space<semaphore_mem>>
        %dma_start3A_301 = arith.constant 0 : i32
        %dma_start3A_302 = tpu.memref_slice %arg12[%add3A_183, %dma_start3A_301] : memref<10240x128xf32, #tpu.memory_space<vmem_shared>> -> memref<8x128xf32, #tpu.memory_space<vmem_shared>>
        %dma_start3A_303 = arith.constant 0 : i32
        %dma_start3A_304 = tpu.memref_slice %arg12[%add3A_183, %dma_start3A_303] : memref<10240x128xf32, #tpu.memory_space<vmem_shared>> -> memref<8x128xf32, #tpu.memory_space<vmem_shared>>
        tpu.enqueue_dma source(%dma_start3A_304 : memref<8x128xf32, #tpu.memory_space<vmem_shared>>) target(%arg18 : memref<8x128xf32, #tpu.memory_space<vmem>>) target_semaphore(%run_scoped3A : memref<!tpu.dma_semaphore, #tpu.memory_space<semaphore_mem>>)
        %dma_wait3A_305 = arith.constant 0 : i32
        %dma_wait3A_306 = tpu.memref_slice %arg12[%add3A_183, %dma_wait3A_305] : memref<10240x128xf32, #tpu.memory_space<vmem_shared>> -> memref<8x128xf32, #tpu.memory_space<vmem_shared>>
        %dma_wait3A_307 = arith.constant 0 : i32
        %dma_wait3A_308 = tpu.memref_slice %arg12[%add3A_183, %dma_wait3A_307] : memref<10240x128xf32, #tpu.memory_space<vmem_shared>> -> memref<8x128xf32, #tpu.memory_space<vmem_shared>>
        tpu.wait_dma2 semaphore(%run_scoped3A : memref<!tpu.dma_semaphore, #tpu.memory_space<semaphore_mem>>) src(%dma_wait3A_308 : memref<8x128xf32, #tpu.memory_space<vmem_shared>>) dst(%arg18 : memref<8x128xf32, #tpu.memory_space<vmem>>)
        tpu.yield
      }) : () -> ()
      %scan3A_184 = arith.constant 0 : i32
      %scan3A_185 = arith.constant 0 : i32
      %scan3A_186 = arith.constant 8 : i32
      %scan3A_187 = arith.addi %scan3A_185, %scan3A_186 : i32
      %scan3A_188 = arith.constant 1 : i32
      %scan3A_189 = scf.for %scan3A_301 = %scan3A_185 to %scan3A_187 step %scan3A_188 iter_args(%scan3A_302 = %scan3A_184) -> (i32)  : i32 {
        %scan3A_303 = arith.constant 0 : i32
        %scan3A_304 = arith.constant 0 : i32
        %scan3A_305 = arith.constant 8 : i32
        %scan3A_306 = arith.addi %scan3A_304, %scan3A_305 : i32
        %scan3A_307 = arith.constant 1 : i32
        %scan3A_308 = scf.for %scan3A_310 = %scan3A_304 to %scan3A_306 step %scan3A_307 iter_args(%scan3A_311 = %scan3A_303) -> (i32)  : i32 {
          %mul3A_312 = arith.constant 16 : i32
          %mul3A_313 = arith.muli %scan3A_310, %mul3A_312 : i32
          %get3A = arith.index_cast %scan3A_301 : i32 to index
          %get3A_314 = arith.index_cast %mul3A_313 : i32 to index
          %get3A_315 = tpu.vector_load %arg19[%get3A, %get3A_314] {strides = array<i32>} : memref<8x128xf32, #tpu.memory_space<vmem>>, vector<16xf32>,
          %get3A_316 = arith.index_cast %scan3A_301 : i32 to index
          %get3A_317 = arith.index_cast %mul3A_313 : i32 to index
          %get3A_318 = tpu.vector_load %arg18[%get3A_316, %get3A_317] {strides = array<i32>} : memref<8x128xf32, #tpu.memory_space<vmem>>, vector<16xf32>,
          %add3A_319 = arith.addf %get3A_315, %get3A_318 : vector<16xf32>
          %swap3A = arith.index_cast %scan3A_301 : i32 to index
          %swap3A_320 = arith.index_cast %mul3A_313 : i32 to index
          %swap3A_321 = tpu.vector_load %arg19[%swap3A, %swap3A_320] {strides = array<i32>} : memref<8x128xf32, #tpu.memory_space<vmem>>, vector<16xf32>,
          tpu.vector_store %arg19[%swap3A, %swap3A_320], %add3A_319 {strides = array<i32>} : memref<8x128xf32, #tpu.memory_space<vmem>>, vector<16xf32>,
          %scan3A_322 = arith.constant 0 : i32
          scf.yield %scan3A_322 : i32
        }
        %scan3A_309 = arith.constant 8 : i32
        scf.yield %scan3A_308 : i32
      }
      %scan3A_190 = arith.constant 8 : i32
      %mul3A_191 = arith.constant 8 : i32
      %mul3A_192 = arith.muli %arg1, %mul3A_191 : i32
      %add3A_193 = arith.constant 480 : i32
      %add3A_194 = arith.addi %add3A_193, %mul3A_192 : i32
      "tpu.region"() ({
        %run_scoped3A = tpu.sem_alloc : memref<!tpu.dma_semaphore, #tpu.memory_space<semaphore_mem>>
        %dma_start3A_301 = arith.constant 0 : i32
        %dma_start3A_302 = tpu.memref_slice %arg12[%add3A_194, %dma_start3A_301] : memref<10240x128xf32, #tpu.memory_space<vmem_shared>> -> memref<8x128xf32, #tpu.memory_space<vmem_shared>>
        %dma_start3A_303 = arith.constant 0 : i32
        %dma_start3A_304 = tpu.memref_slice %arg12[%add3A_194, %dma_start3A_303] : memref<10240x128xf32, #tpu.memory_space<vmem_shared>> -> memref<8x128xf32, #tpu.memory_space<vmem_shared>>
        tpu.enqueue_dma source(%dma_start3A_304 : memref<8x128xf32, #tpu.memory_space<vmem_shared>>) target(%arg18 : memref<8x128xf32, #tpu.memory_space<vmem>>) target_semaphore(%run_scoped3A : memref<!tpu.dma_semaphore, #tpu.memory_space<semaphore_mem>>)
        %dma_wait3A_305 = arith.constant 0 : i32
        %dma_wait3A_306 = tpu.memref_slice %arg12[%add3A_194, %dma_wait3A_305] : memref<10240x128xf32, #tpu.memory_space<vmem_shared>> -> memref<8x128xf32, #tpu.memory_space<vmem_shared>>
        %dma_wait3A_307 = arith.constant 0 : i32
        %dma_wait3A_308 = tpu.memref_slice %arg12[%add3A_194, %dma_wait3A_307] : memref<10240x128xf32, #tpu.memory_space<vmem_shared>> -> memref<8x128xf32, #tpu.memory_space<vmem_shared>>
        tpu.wait_dma2 semaphore(%run_scoped3A : memref<!tpu.dma_semaphore, #tpu.memory_space<semaphore_mem>>) src(%dma_wait3A_308 : memref<8x128xf32, #tpu.memory_space<vmem_shared>>) dst(%arg18 : memref<8x128xf32, #tpu.memory_space<vmem>>)
        tpu.yield
      }) : () -> ()
      %scan3A_195 = arith.constant 0 : i32
      %scan3A_196 = arith.constant 0 : i32
      %scan3A_197 = arith.constant 8 : i32
      %scan3A_198 = arith.addi %scan3A_196, %scan3A_197 : i32
      %scan3A_199 = arith.constant 1 : i32
      %scan3A_200 = scf.for %scan3A_301 = %scan3A_196 to %scan3A_198 step %scan3A_199 iter_args(%scan3A_302 = %scan3A_195) -> (i32)  : i32 {
        %scan3A_303 = arith.constant 0 : i32
        %scan3A_304 = arith.constant 0 : i32
        %scan3A_305 = arith.constant 8 : i32
        %scan3A_306 = arith.addi %scan3A_304, %scan3A_305 : i32
        %scan3A_307 = arith.constant 1 : i32
        %scan3A_308 = scf.for %scan3A_310 = %scan3A_304 to %scan3A_306 step %scan3A_307 iter_args(%scan3A_311 = %scan3A_303) -> (i32)  : i32 {
          %mul3A_312 = arith.constant 16 : i32
          %mul3A_313 = arith.muli %scan3A_310, %mul3A_312 : i32
          %get3A = arith.index_cast %scan3A_301 : i32 to index
          %get3A_314 = arith.index_cast %mul3A_313 : i32 to index
          %get3A_315 = tpu.vector_load %arg19[%get3A, %get3A_314] {strides = array<i32>} : memref<8x128xf32, #tpu.memory_space<vmem>>, vector<16xf32>,
          %get3A_316 = arith.index_cast %scan3A_301 : i32 to index
          %get3A_317 = arith.index_cast %mul3A_313 : i32 to index
          %get3A_318 = tpu.vector_load %arg18[%get3A_316, %get3A_317] {strides = array<i32>} : memref<8x128xf32, #tpu.memory_space<vmem>>, vector<16xf32>,
          %add3A_319 = arith.addf %get3A_315, %get3A_318 : vector<16xf32>
          %swap3A = arith.index_cast %scan3A_301 : i32 to index
          %swap3A_320 = arith.index_cast %mul3A_313 : i32 to index
          %swap3A_321 = tpu.vector_load %arg19[%swap3A, %swap3A_320] {strides = array<i32>} : memref<8x128xf32, #tpu.memory_space<vmem>>, vector<16xf32>,
          tpu.vector_store %arg19[%swap3A, %swap3A_320], %add3A_319 {strides = array<i32>} : memref<8x128xf32, #tpu.memory_space<vmem>>, vector<16xf32>,
          %scan3A_322 = arith.constant 0 : i32
          scf.yield %scan3A_322 : i32
        }
        %scan3A_309 = arith.constant 8 : i32
        scf.yield %scan3A_308 : i32
      }
      %scan3A_201 = arith.constant 8 : i32
      %mul3A_202 = arith.constant 8 : i32
      %mul3A_203 = arith.muli %arg1, %mul3A_202 : i32
      %add3A_204 = arith.constant 560 : i32
      %add3A_205 = arith.addi %add3A_204, %mul3A_203 : i32
      "tpu.region"() ({
        %run_scoped3A = tpu.sem_alloc : memref<!tpu.dma_semaphore, #tpu.memory_space<semaphore_mem>>
        %dma_start3A_301 = arith.constant 0 : i32
        %dma_start3A_302 = tpu.memref_slice %arg12[%add3A_205, %dma_start3A_301] : memref<10240x128xf32, #tpu.memory_space<vmem_shared>> -> memref<8x128xf32, #tpu.memory_space<vmem_shared>>
        %dma_start3A_303 = arith.constant 0 : i32
        %dma_start3A_304 = tpu.memref_slice %arg12[%add3A_205, %dma_start3A_303] : memref<10240x128xf32, #tpu.memory_space<vmem_shared>> -> memref<8x128xf32, #tpu.memory_space<vmem_shared>>
        tpu.enqueue_dma source(%dma_start3A_304 : memref<8x128xf32, #tpu.memory_space<vmem_shared>>) target(%arg18 : memref<8x128xf32, #tpu.memory_space<vmem>>) target_semaphore(%run_scoped3A : memref<!tpu.dma_semaphore, #tpu.memory_space<semaphore_mem>>)
        %dma_wait3A_305 = arith.constant 0 : i32
        %dma_wait3A_306 = tpu.memref_slice %arg12[%add3A_205, %dma_wait3A_305] : memref<10240x128xf32, #tpu.memory_space<vmem_shared>> -> memref<8x128xf32, #tpu.memory_space<vmem_shared>>
        %dma_wait3A_307 = arith.constant 0 : i32
        %dma_wait3A_308 = tpu.memref_slice %arg12[%add3A_205, %dma_wait3A_307] : memref<10240x128xf32, #tpu.memory_space<vmem_shared>> -> memref<8x128xf32, #tpu.memory_space<vmem_shared>>
        tpu.wait_dma2 semaphore(%run_scoped3A : memref<!tpu.dma_semaphore, #tpu.memory_space<semaphore_mem>>) src(%dma_wait3A_308 : memref<8x128xf32, #tpu.memory_space<vmem_shared>>) dst(%arg18 : memref<8x128xf32, #tpu.memory_space<vmem>>)
        tpu.yield
      }) : () -> ()
      %scan3A_206 = arith.constant 0 : i32
      %scan3A_207 = arith.constant 0 : i32
      %scan3A_208 = arith.constant 8 : i32
      %scan3A_209 = arith.addi %scan3A_207, %scan3A_208 : i32
      %scan3A_210 = arith.constant 1 : i32
      %scan3A_211 = scf.for %scan3A_301 = %scan3A_207 to %scan3A_209 step %scan3A_210 iter_args(%scan3A_302 = %scan3A_206) -> (i32)  : i32 {
        %scan3A_303 = arith.constant 0 : i32
        %scan3A_304 = arith.constant 0 : i32
        %scan3A_305 = arith.constant 8 : i32
        %scan3A_306 = arith.addi %scan3A_304, %scan3A_305 : i32
        %scan3A_307 = arith.constant 1 : i32
        %scan3A_308 = scf.for %scan3A_310 = %scan3A_304 to %scan3A_306 step %scan3A_307 iter_args(%scan3A_311 = %scan3A_303) -> (i32)  : i32 {
          %mul3A_312 = arith.constant 16 : i32
          %mul3A_313 = arith.muli %scan3A_310, %mul3A_312 : i32
          %get3A = arith.index_cast %scan3A_301 : i32 to index
          %get3A_314 = arith.index_cast %mul3A_313 : i32 to index
          %get3A_315 = tpu.vector_load %arg19[%get3A, %get3A_314] {strides = array<i32>} : memref<8x128xf32, #tpu.memory_space<vmem>>, vector<16xf32>,
          %get3A_316 = arith.index_cast %scan3A_301 : i32 to index
          %get3A_317 = arith.index_cast %mul3A_313 : i32 to index
          %get3A_318 = tpu.vector_load %arg18[%get3A_316, %get3A_317] {strides = array<i32>} : memref<8x128xf32, #tpu.memory_space<vmem>>, vector<16xf32>,
          %add3A_319 = arith.addf %get3A_315, %get3A_318 : vector<16xf32>
          %swap3A = arith.index_cast %scan3A_301 : i32 to index
          %swap3A_320 = arith.index_cast %mul3A_313 : i32 to index
          %swap3A_321 = tpu.vector_load %arg19[%swap3A, %swap3A_320] {strides = array<i32>} : memref<8x128xf32, #tpu.memory_space<vmem>>, vector<16xf32>,
          tpu.vector_store %arg19[%swap3A, %swap3A_320], %add3A_319 {strides = array<i32>} : memref<8x128xf32, #tpu.memory_space<vmem>>, vector<16xf32>,
          %scan3A_322 = arith.constant 0 : i32
          scf.yield %scan3A_322 : i32
        }
        %scan3A_309 = arith.constant 8 : i32
        scf.yield %scan3A_308 : i32
      }
      %scan3A_212 = arith.constant 8 : i32
      %mul3A_213 = arith.constant 8 : i32
      %mul3A_214 = arith.muli %arg1, %mul3A_213 : i32
      %add3A_215 = arith.constant 640 : i32
      %add3A_216 = arith.addi %add3A_215, %mul3A_214 : i32
      "tpu.region"() ({
        %run_scoped3A = tpu.sem_alloc : memref<!tpu.dma_semaphore, #tpu.memory_space<semaphore_mem>>
        %dma_start3A_301 = arith.constant 0 : i32
        %dma_start3A_302 = tpu.memref_slice %arg12[%add3A_216, %dma_start3A_301] : memref<10240x128xf32, #tpu.memory_space<vmem_shared>> -> memref<8x128xf32, #tpu.memory_space<vmem_shared>>
        %dma_start3A_303 = arith.constant 0 : i32
        %dma_start3A_304 = tpu.memref_slice %arg12[%add3A_216, %dma_start3A_303] : memref<10240x128xf32, #tpu.memory_space<vmem_shared>> -> memref<8x128xf32, #tpu.memory_space<vmem_shared>>
        tpu.enqueue_dma source(%dma_start3A_304 : memref<8x128xf32, #tpu.memory_space<vmem_shared>>) target(%arg18 : memref<8x128xf32, #tpu.memory_space<vmem>>) target_semaphore(%run_scoped3A : memref<!tpu.dma_semaphore, #tpu.memory_space<semaphore_mem>>)
        %dma_wait3A_305 = arith.constant 0 : i32
        %dma_wait3A_306 = tpu.memref_slice %arg12[%add3A_216, %dma_wait3A_305] : memref<10240x128xf32, #tpu.memory_space<vmem_shared>> -> memref<8x128xf32, #tpu.memory_space<vmem_shared>>
        %dma_wait3A_307 = arith.constant 0 : i32
        %dma_wait3A_308 = tpu.memref_slice %arg12[%add3A_216, %dma_wait3A_307] : memref<10240x128xf32, #tpu.memory_space<vmem_shared>> -> memref<8x128xf32, #tpu.memory_space<vmem_shared>>
        tpu.wait_dma2 semaphore(%run_scoped3A : memref<!tpu.dma_semaphore, #tpu.memory_space<semaphore_mem>>) src(%dma_wait3A_308 : memref<8x128xf32, #tpu.memory_space<vmem_shared>>) dst(%arg18 : memref<8x128xf32, #tpu.memory_space<vmem>>)
        tpu.yield
      }) : () -> ()
      %scan3A_217 = arith.constant 0 : i32
      %scan3A_218 = arith.constant 0 : i32
      %scan3A_219 = arith.constant 8 : i32
      %scan3A_220 = arith.addi %scan3A_218, %scan3A_219 : i32
      %scan3A_221 = arith.constant 1 : i32
      %scan3A_222 = scf.for %scan3A_301 = %scan3A_218 to %scan3A_220 step %scan3A_221 iter_args(%scan3A_302 = %scan3A_217) -> (i32)  : i32 {
        %scan3A_303 = arith.constant 0 : i32
        %scan3A_304 = arith.constant 0 : i32
        %scan3A_305 = arith.constant 8 : i32
        %scan3A_306 = arith.addi %scan3A_304, %scan3A_305 : i32
        %scan3A_307 = arith.constant 1 : i32
        %scan3A_308 = scf.for %scan3A_310 = %scan3A_304 to %scan3A_306 step %scan3A_307 iter_args(%scan3A_311 = %scan3A_303) -> (i32)  : i32 {
          %mul3A_312 = arith.constant 16 : i32
          %mul3A_313 = arith.muli %scan3A_310, %mul3A_312 : i32
          %get3A = arith.index_cast %scan3A_301 : i32 to index
          %get3A_314 = arith.index_cast %mul3A_313 : i32 to index
          %get3A_315 = tpu.vector_load %arg19[%get3A, %get3A_314] {strides = array<i32>} : memref<8x128xf32, #tpu.memory_space<vmem>>, vector<16xf32>,
          %get3A_316 = arith.index_cast %scan3A_301 : i32 to index
          %get3A_317 = arith.index_cast %mul3A_313 : i32 to index
          %get3A_318 = tpu.vector_load %arg18[%get3A_316, %get3A_317] {strides = array<i32>} : memref<8x128xf32, #tpu.memory_space<vmem>>, vector<16xf32>,
          %add3A_319 = arith.addf %get3A_315, %get3A_318 : vector<16xf32>
          %swap3A = arith.index_cast %scan3A_301 : i32 to index
          %swap3A_320 = arith.index_cast %mul3A_313 : i32 to index
          %swap3A_321 = tpu.vector_load %arg19[%swap3A, %swap3A_320] {strides = array<i32>} : memref<8x128xf32, #tpu.memory_space<vmem>>, vector<16xf32>,
          tpu.vector_store %arg19[%swap3A, %swap3A_320], %add3A_319 {strides = array<i32>} : memref<8x128xf32, #tpu.memory_space<vmem>>, vector<16xf32>,
          %scan3A_322 = arith.constant 0 : i32
          scf.yield %scan3A_322 : i32
        }
        %scan3A_309 = arith.constant 8 : i32
        scf.yield %scan3A_308 : i32
      }
      %scan3A_223 = arith.constant 8 : i32
      %mul3A_224 = arith.constant 8 : i32
      %mul3A_225 = arith.muli %arg1, %mul3A_224 : i32
      %add3A_226 = arith.constant 720 : i32
      %add3A_227 = arith.addi %add3A_226, %mul3A_225 : i32
      "tpu.region"() ({
        %run_scoped3A = tpu.sem_alloc : memref<!tpu.dma_semaphore, #tpu.memory_space<semaphore_mem>>
        %dma_start3A_301 = arith.constant 0 : i32
        %dma_start3A_302 = tpu.memref_slice %arg12[%add3A_227, %dma_start3A_301] : memref<10240x128xf32, #tpu.memory_space<vmem_shared>> -> memref<8x128xf32, #tpu.memory_space<vmem_shared>>
        %dma_start3A_303 = arith.constant 0 : i32
        %dma_start3A_304 = tpu.memref_slice %arg12[%add3A_227, %dma_start3A_303] : memref<10240x128xf32, #tpu.memory_space<vmem_shared>> -> memref<8x128xf32, #tpu.memory_space<vmem_shared>>
        tpu.enqueue_dma source(%dma_start3A_304 : memref<8x128xf32, #tpu.memory_space<vmem_shared>>) target(%arg18 : memref<8x128xf32, #tpu.memory_space<vmem>>) target_semaphore(%run_scoped3A : memref<!tpu.dma_semaphore, #tpu.memory_space<semaphore_mem>>)
        %dma_wait3A_305 = arith.constant 0 : i32
        %dma_wait3A_306 = tpu.memref_slice %arg12[%add3A_227, %dma_wait3A_305] : memref<10240x128xf32, #tpu.memory_space<vmem_shared>> -> memref<8x128xf32, #tpu.memory_space<vmem_shared>>
        %dma_wait3A_307 = arith.constant 0 : i32
        %dma_wait3A_308 = tpu.memref_slice %arg12[%add3A_227, %dma_wait3A_307] : memref<10240x128xf32, #tpu.memory_space<vmem_shared>> -> memref<8x128xf32, #tpu.memory_space<vmem_shared>>
        tpu.wait_dma2 semaphore(%run_scoped3A : memref<!tpu.dma_semaphore, #tpu.memory_space<semaphore_mem>>) src(%dma_wait3A_308 : memref<8x128xf32, #tpu.memory_space<vmem_shared>>) dst(%arg18 : memref<8x128xf32, #tpu.memory_space<vmem>>)
        tpu.yield
      }) : () -> ()
      %scan3A_228 = arith.constant 0 : i32
      %scan3A_229 = arith.constant 0 : i32
      %scan3A_230 = arith.constant 8 : i32
      %scan3A_231 = arith.addi %scan3A_229, %scan3A_230 : i32
      %scan3A_232 = arith.constant 1 : i32
      %scan3A_233 = scf.for %scan3A_301 = %scan3A_229 to %scan3A_231 step %scan3A_232 iter_args(%scan3A_302 = %scan3A_228) -> (i32)  : i32 {
        %scan3A_303 = arith.constant 0 : i32
        %scan3A_304 = arith.constant 0 : i32
        %scan3A_305 = arith.constant 8 : i32
        %scan3A_306 = arith.addi %scan3A_304, %scan3A_305 : i32
        %scan3A_307 = arith.constant 1 : i32
        %scan3A_308 = scf.for %scan3A_310 = %scan3A_304 to %scan3A_306 step %scan3A_307 iter_args(%scan3A_311 = %scan3A_303) -> (i32)  : i32 {
          %mul3A_312 = arith.constant 16 : i32
          %mul3A_313 = arith.muli %scan3A_310, %mul3A_312 : i32
          %get3A = arith.index_cast %scan3A_301 : i32 to index
          %get3A_314 = arith.index_cast %mul3A_313 : i32 to index
          %get3A_315 = tpu.vector_load %arg19[%get3A, %get3A_314] {strides = array<i32>} : memref<8x128xf32, #tpu.memory_space<vmem>>, vector<16xf32>,
          %get3A_316 = arith.index_cast %scan3A_301 : i32 to index
          %get3A_317 = arith.index_cast %mul3A_313 : i32 to index
          %get3A_318 = tpu.vector_load %arg18[%get3A_316, %get3A_317] {strides = array<i32>} : memref<8x128xf32, #tpu.memory_space<vmem>>, vector<16xf32>,
          %add3A_319 = arith.addf %get3A_315, %get3A_318 : vector<16xf32>
          %swap3A = arith.index_cast %scan3A_301 : i32 to index
          %swap3A_320 = arith.index_cast %mul3A_313 : i32 to index
          %swap3A_321 = tpu.vector_load %arg19[%swap3A, %swap3A_320] {strides = array<i32>} : memref<8x128xf32, #tpu.memory_space<vmem>>, vector<16xf32>,
          tpu.vector_store %arg19[%swap3A, %swap3A_320], %add3A_319 {strides = array<i32>} : memref<8x128xf32, #tpu.memory_space<vmem>>, vector<16xf32>,
          %scan3A_322 = arith.constant 0 : i32
          scf.yield %scan3A_322 : i32
        }
        %scan3A_309 = arith.constant 8 : i32
        scf.yield %scan3A_308 : i32
      }
      %scan3A_234 = arith.constant 8 : i32
      %mul3A_235 = arith.constant 8 : i32
      %mul3A_236 = arith.muli %arg1, %mul3A_235 : i32
      %add3A_237 = arith.constant 800 : i32
      %add3A_238 = arith.addi %add3A_237, %mul3A_236 : i32
      "tpu.region"() ({
        %run_scoped3A = tpu.sem_alloc : memref<!tpu.dma_semaphore, #tpu.memory_space<semaphore_mem>>
        %dma_start3A_301 = arith.constant 0 : i32
        %dma_start3A_302 = tpu.memref_slice %arg12[%add3A_238, %dma_start3A_301] : memref<10240x128xf32, #tpu.memory_space<vmem_shared>> -> memref<8x128xf32, #tpu.memory_space<vmem_shared>>
        %dma_start3A_303 = arith.constant 0 : i32
        %dma_start3A_304 = tpu.memref_slice %arg12[%add3A_238, %dma_start3A_303] : memref<10240x128xf32, #tpu.memory_space<vmem_shared>> -> memref<8x128xf32, #tpu.memory_space<vmem_shared>>
        tpu.enqueue_dma source(%dma_start3A_304 : memref<8x128xf32, #tpu.memory_space<vmem_shared>>) target(%arg18 : memref<8x128xf32, #tpu.memory_space<vmem>>) target_semaphore(%run_scoped3A : memref<!tpu.dma_semaphore, #tpu.memory_space<semaphore_mem>>)
        %dma_wait3A_305 = arith.constant 0 : i32
        %dma_wait3A_306 = tpu.memref_slice %arg12[%add3A_238, %dma_wait3A_305] : memref<10240x128xf32, #tpu.memory_space<vmem_shared>> -> memref<8x128xf32, #tpu.memory_space<vmem_shared>>
        %dma_wait3A_307 = arith.constant 0 : i32
        %dma_wait3A_308 = tpu.memref_slice %arg12[%add3A_238, %dma_wait3A_307] : memref<10240x128xf32, #tpu.memory_space<vmem_shared>> -> memref<8x128xf32, #tpu.memory_space<vmem_shared>>
        tpu.wait_dma2 semaphore(%run_scoped3A : memref<!tpu.dma_semaphore, #tpu.memory_space<semaphore_mem>>) src(%dma_wait3A_308 : memref<8x128xf32, #tpu.memory_space<vmem_shared>>) dst(%arg18 : memref<8x128xf32, #tpu.memory_space<vmem>>)
        tpu.yield
      }) : () -> ()
      %scan3A_239 = arith.constant 0 : i32
      %scan3A_240 = arith.constant 0 : i32
      %scan3A_241 = arith.constant 8 : i32
      %scan3A_242 = arith.addi %scan3A_240, %scan3A_241 : i32
      %scan3A_243 = arith.constant 1 : i32
      %scan3A_244 = scf.for %scan3A_301 = %scan3A_240 to %scan3A_242 step %scan3A_243 iter_args(%scan3A_302 = %scan3A_239) -> (i32)  : i32 {
        %scan3A_303 = arith.constant 0 : i32
        %scan3A_304 = arith.constant 0 : i32
        %scan3A_305 = arith.constant 8 : i32
        %scan3A_306 = arith.addi %scan3A_304, %scan3A_305 : i32
        %scan3A_307 = arith.constant 1 : i32
        %scan3A_308 = scf.for %scan3A_310 = %scan3A_304 to %scan3A_306 step %scan3A_307 iter_args(%scan3A_311 = %scan3A_303) -> (i32)  : i32 {
          %mul3A_312 = arith.constant 16 : i32
          %mul3A_313 = arith.muli %scan3A_310, %mul3A_312 : i32
          %get3A = arith.index_cast %scan3A_301 : i32 to index
          %get3A_314 = arith.index_cast %mul3A_313 : i32 to index
          %get3A_315 = tpu.vector_load %arg19[%get3A, %get3A_314] {strides = array<i32>} : memref<8x128xf32, #tpu.memory_space<vmem>>, vector<16xf32>,
          %get3A_316 = arith.index_cast %scan3A_301 : i32 to index
          %get3A_317 = arith.index_cast %mul3A_313 : i32 to index
          %get3A_318 = tpu.vector_load %arg18[%get3A_316, %get3A_317] {strides = array<i32>} : memref<8x128xf32, #tpu.memory_space<vmem>>, vector<16xf32>,
          %add3A_319 = arith.addf %get3A_315, %get3A_318 : vector<16xf32>
          %swap3A = arith.index_cast %scan3A_301 : i32 to index
          %swap3A_320 = arith.index_cast %mul3A_313 : i32 to index
          %swap3A_321 = tpu.vector_load %arg19[%swap3A, %swap3A_320] {strides = array<i32>} : memref<8x128xf32, #tpu.memory_space<vmem>>, vector<16xf32>,
          tpu.vector_store %arg19[%swap3A, %swap3A_320], %add3A_319 {strides = array<i32>} : memref<8x128xf32, #tpu.memory_space<vmem>>, vector<16xf32>,
          %scan3A_322 = arith.constant 0 : i32
          scf.yield %scan3A_322 : i32
        }
        %scan3A_309 = arith.constant 8 : i32
        scf.yield %scan3A_308 : i32
      }
      %scan3A_245 = arith.constant 8 : i32
      %mul3A_246 = arith.constant 8 : i32
      %mul3A_247 = arith.muli %arg1, %mul3A_246 : i32
      %add3A_248 = arith.constant 880 : i32
      %add3A_249 = arith.addi %add3A_248, %mul3A_247 : i32
      "tpu.region"() ({
        %run_scoped3A = tpu.sem_alloc : memref<!tpu.dma_semaphore, #tpu.memory_space<semaphore_mem>>
        %dma_start3A_301 = arith.constant 0 : i32
        %dma_start3A_302 = tpu.memref_slice %arg12[%add3A_249, %dma_start3A_301] : memref<10240x128xf32, #tpu.memory_space<vmem_shared>> -> memref<8x128xf32, #tpu.memory_space<vmem_shared>>
        %dma_start3A_303 = arith.constant 0 : i32
        %dma_start3A_304 = tpu.memref_slice %arg12[%add3A_249, %dma_start3A_303] : memref<10240x128xf32, #tpu.memory_space<vmem_shared>> -> memref<8x128xf32, #tpu.memory_space<vmem_shared>>
        tpu.enqueue_dma source(%dma_start3A_304 : memref<8x128xf32, #tpu.memory_space<vmem_shared>>) target(%arg18 : memref<8x128xf32, #tpu.memory_space<vmem>>) target_semaphore(%run_scoped3A : memref<!tpu.dma_semaphore, #tpu.memory_space<semaphore_mem>>)
        %dma_wait3A_305 = arith.constant 0 : i32
        %dma_wait3A_306 = tpu.memref_slice %arg12[%add3A_249, %dma_wait3A_305] : memref<10240x128xf32, #tpu.memory_space<vmem_shared>> -> memref<8x128xf32, #tpu.memory_space<vmem_shared>>
        %dma_wait3A_307 = arith.constant 0 : i32
        %dma_wait3A_308 = tpu.memref_slice %arg12[%add3A_249, %dma_wait3A_307] : memref<10240x128xf32, #tpu.memory_space<vmem_shared>> -> memref<8x128xf32, #tpu.memory_space<vmem_shared>>
        tpu.wait_dma2 semaphore(%run_scoped3A : memref<!tpu.dma_semaphore, #tpu.memory_space<semaphore_mem>>) src(%dma_wait3A_308 : memref<8x128xf32, #tpu.memory_space<vmem_shared>>) dst(%arg18 : memref<8x128xf32, #tpu.memory_space<vmem>>)
        tpu.yield
      }) : () -> ()
      %scan3A_250 = arith.constant 0 : i32
      %scan3A_251 = arith.constant 0 : i32
      %scan3A_252 = arith.constant 8 : i32
      %scan3A_253 = arith.addi %scan3A_251, %scan3A_252 : i32
      %scan3A_254 = arith.constant 1 : i32
      %scan3A_255 = scf.for %scan3A_301 = %scan3A_251 to %scan3A_253 step %scan3A_254 iter_args(%scan3A_302 = %scan3A_250) -> (i32)  : i32 {
        %scan3A_303 = arith.constant 0 : i32
        %scan3A_304 = arith.constant 0 : i32
        %scan3A_305 = arith.constant 8 : i32
        %scan3A_306 = arith.addi %scan3A_304, %scan3A_305 : i32
        %scan3A_307 = arith.constant 1 : i32
        %scan3A_308 = scf.for %scan3A_310 = %scan3A_304 to %scan3A_306 step %scan3A_307 iter_args(%scan3A_311 = %scan3A_303) -> (i32)  : i32 {
          %mul3A_312 = arith.constant 16 : i32
          %mul3A_313 = arith.muli %scan3A_310, %mul3A_312 : i32
          %get3A = arith.index_cast %scan3A_301 : i32 to index
          %get3A_314 = arith.index_cast %mul3A_313 : i32 to index
          %get3A_315 = tpu.vector_load %arg19[%get3A, %get3A_314] {strides = array<i32>} : memref<8x128xf32, #tpu.memory_space<vmem>>, vector<16xf32>,
          %get3A_316 = arith.index_cast %scan3A_301 : i32 to index
          %get3A_317 = arith.index_cast %mul3A_313 : i32 to index
          %get3A_318 = tpu.vector_load %arg18[%get3A_316, %get3A_317] {strides = array<i32>} : memref<8x128xf32, #tpu.memory_space<vmem>>, vector<16xf32>,
          %add3A_319 = arith.addf %get3A_315, %get3A_318 : vector<16xf32>
          %swap3A = arith.index_cast %scan3A_301 : i32 to index
          %swap3A_320 = arith.index_cast %mul3A_313 : i32 to index
          %swap3A_321 = tpu.vector_load %arg19[%swap3A, %swap3A_320] {strides = array<i32>} : memref<8x128xf32, #tpu.memory_space<vmem>>, vector<16xf32>,
          tpu.vector_store %arg19[%swap3A, %swap3A_320], %add3A_319 {strides = array<i32>} : memref<8x128xf32, #tpu.memory_space<vmem>>, vector<16xf32>,
          %scan3A_322 = arith.constant 0 : i32
          scf.yield %scan3A_322 : i32
        }
        %scan3A_309 = arith.constant 8 : i32
        scf.yield %scan3A_308 : i32
      }
      %scan3A_256 = arith.constant 8 : i32
      %mul3A_257 = arith.constant 8 : i32
      %mul3A_258 = arith.muli %arg1, %mul3A_257 : i32
      %add3A_259 = arith.constant 960 : i32
      %add3A_260 = arith.addi %add3A_259, %mul3A_258 : i32
      "tpu.region"() ({
        %run_scoped3A = tpu.sem_alloc : memref<!tpu.dma_semaphore, #tpu.memory_space<semaphore_mem>>
        %dma_start3A_301 = arith.constant 0 : i32
        %dma_start3A_302 = tpu.memref_slice %arg12[%add3A_260, %dma_start3A_301] : memref<10240x128xf32, #tpu.memory_space<vmem_shared>> -> memref<8x128xf32, #tpu.memory_space<vmem_shared>>
        %dma_start3A_303 = arith.constant 0 : i32
        %dma_start3A_304 = tpu.memref_slice %arg12[%add3A_260, %dma_start3A_303] : memref<10240x128xf32, #tpu.memory_space<vmem_shared>> -> memref<8x128xf32, #tpu.memory_space<vmem_shared>>
        tpu.enqueue_dma source(%dma_start3A_304 : memref<8x128xf32, #tpu.memory_space<vmem_shared>>) target(%arg18 : memref<8x128xf32, #tpu.memory_space<vmem>>) target_semaphore(%run_scoped3A : memref<!tpu.dma_semaphore, #tpu.memory_space<semaphore_mem>>)
        %dma_wait3A_305 = arith.constant 0 : i32
        %dma_wait3A_306 = tpu.memref_slice %arg12[%add3A_260, %dma_wait3A_305] : memref<10240x128xf32, #tpu.memory_space<vmem_shared>> -> memref<8x128xf32, #tpu.memory_space<vmem_shared>>
        %dma_wait3A_307 = arith.constant 0 : i32
        %dma_wait3A_308 = tpu.memref_slice %arg12[%add3A_260, %dma_wait3A_307] : memref<10240x128xf32, #tpu.memory_space<vmem_shared>> -> memref<8x128xf32, #tpu.memory_space<vmem_shared>>
        tpu.wait_dma2 semaphore(%run_scoped3A : memref<!tpu.dma_semaphore, #tpu.memory_space<semaphore_mem>>) src(%dma_wait3A_308 : memref<8x128xf32, #tpu.memory_space<vmem_shared>>) dst(%arg18 : memref<8x128xf32, #tpu.memory_space<vmem>>)
        tpu.yield
      }) : () -> ()
      %scan3A_261 = arith.constant 0 : i32
      %scan3A_262 = arith.constant 0 : i32
      %scan3A_263 = arith.constant 8 : i32
      %scan3A_264 = arith.addi %scan3A_262, %scan3A_263 : i32
      %scan3A_265 = arith.constant 1 : i32
      %scan3A_266 = scf.for %scan3A_301 = %scan3A_262 to %scan3A_264 step %scan3A_265 iter_args(%scan3A_302 = %scan3A_261) -> (i32)  : i32 {
        %scan3A_303 = arith.constant 0 : i32
        %scan3A_304 = arith.constant 0 : i32
        %scan3A_305 = arith.constant 8 : i32
        %scan3A_306 = arith.addi %scan3A_304, %scan3A_305 : i32
        %scan3A_307 = arith.constant 1 : i32
        %scan3A_308 = scf.for %scan3A_310 = %scan3A_304 to %scan3A_306 step %scan3A_307 iter_args(%scan3A_311 = %scan3A_303) -> (i32)  : i32 {
          %mul3A_312 = arith.constant 16 : i32
          %mul3A_313 = arith.muli %scan3A_310, %mul3A_312 : i32
          %get3A = arith.index_cast %scan3A_301 : i32 to index
          %get3A_314 = arith.index_cast %mul3A_313 : i32 to index
          %get3A_315 = tpu.vector_load %arg19[%get3A, %get3A_314] {strides = array<i32>} : memref<8x128xf32, #tpu.memory_space<vmem>>, vector<16xf32>,
          %get3A_316 = arith.index_cast %scan3A_301 : i32 to index
          %get3A_317 = arith.index_cast %mul3A_313 : i32 to index
          %get3A_318 = tpu.vector_load %arg18[%get3A_316, %get3A_317] {strides = array<i32>} : memref<8x128xf32, #tpu.memory_space<vmem>>, vector<16xf32>,
          %add3A_319 = arith.addf %get3A_315, %get3A_318 : vector<16xf32>
          %swap3A = arith.index_cast %scan3A_301 : i32 to index
          %swap3A_320 = arith.index_cast %mul3A_313 : i32 to index
          %swap3A_321 = tpu.vector_load %arg19[%swap3A, %swap3A_320] {strides = array<i32>} : memref<8x128xf32, #tpu.memory_space<vmem>>, vector<16xf32>,
          tpu.vector_store %arg19[%swap3A, %swap3A_320], %add3A_319 {strides = array<i32>} : memref<8x128xf32, #tpu.memory_space<vmem>>, vector<16xf32>,
          %scan3A_322 = arith.constant 0 : i32
          scf.yield %scan3A_322 : i32
        }
        %scan3A_309 = arith.constant 8 : i32
        scf.yield %scan3A_308 : i32
      }
      %scan3A_267 = arith.constant 8 : i32
      %mul3A_268 = arith.constant 8 : i32
      %mul3A_269 = arith.muli %arg1, %mul3A_268 : i32
      %add3A_270 = arith.constant 1040 : i32
      %add3A_271 = arith.addi %add3A_270, %mul3A_269 : i32
      "tpu.region"() ({
        %run_scoped3A = tpu.sem_alloc : memref<!tpu.dma_semaphore, #tpu.memory_space<semaphore_mem>>
        %dma_start3A_301 = arith.constant 0 : i32
        %dma_start3A_302 = tpu.memref_slice %arg12[%add3A_271, %dma_start3A_301] : memref<10240x128xf32, #tpu.memory_space<vmem_shared>> -> memref<8x128xf32, #tpu.memory_space<vmem_shared>>
        %dma_start3A_303 = arith.constant 0 : i32
        %dma_start3A_304 = tpu.memref_slice %arg12[%add3A_271, %dma_start3A_303] : memref<10240x128xf32, #tpu.memory_space<vmem_shared>> -> memref<8x128xf32, #tpu.memory_space<vmem_shared>>
        tpu.enqueue_dma source(%dma_start3A_304 : memref<8x128xf32, #tpu.memory_space<vmem_shared>>) target(%arg18 : memref<8x128xf32, #tpu.memory_space<vmem>>) target_semaphore(%run_scoped3A : memref<!tpu.dma_semaphore, #tpu.memory_space<semaphore_mem>>)
        %dma_wait3A_305 = arith.constant 0 : i32
        %dma_wait3A_306 = tpu.memref_slice %arg12[%add3A_271, %dma_wait3A_305] : memref<10240x128xf32, #tpu.memory_space<vmem_shared>> -> memref<8x128xf32, #tpu.memory_space<vmem_shared>>
        %dma_wait3A_307 = arith.constant 0 : i32
        %dma_wait3A_308 = tpu.memref_slice %arg12[%add3A_271, %dma_wait3A_307] : memref<10240x128xf32, #tpu.memory_space<vmem_shared>> -> memref<8x128xf32, #tpu.memory_space<vmem_shared>>
        tpu.wait_dma2 semaphore(%run_scoped3A : memref<!tpu.dma_semaphore, #tpu.memory_space<semaphore_mem>>) src(%dma_wait3A_308 : memref<8x128xf32, #tpu.memory_space<vmem_shared>>) dst(%arg18 : memref<8x128xf32, #tpu.memory_space<vmem>>)
        tpu.yield
      }) : () -> ()
      %scan3A_272 = arith.constant 0 : i32
      %scan3A_273 = arith.constant 0 : i32
      %scan3A_274 = arith.constant 8 : i32
      %scan3A_275 = arith.addi %scan3A_273, %scan3A_274 : i32
      %scan3A_276 = arith.constant 1 : i32
      %scan3A_277 = scf.for %scan3A_301 = %scan3A_273 to %scan3A_275 step %scan3A_276 iter_args(%scan3A_302 = %scan3A_272) -> (i32)  : i32 {
        %scan3A_303 = arith.constant 0 : i32
        %scan3A_304 = arith.constant 0 : i32
        %scan3A_305 = arith.constant 8 : i32
        %scan3A_306 = arith.addi %scan3A_304, %scan3A_305 : i32
        %scan3A_307 = arith.constant 1 : i32
        %scan3A_308 = scf.for %scan3A_310 = %scan3A_304 to %scan3A_306 step %scan3A_307 iter_args(%scan3A_311 = %scan3A_303) -> (i32)  : i32 {
          %mul3A_312 = arith.constant 16 : i32
          %mul3A_313 = arith.muli %scan3A_310, %mul3A_312 : i32
          %get3A = arith.index_cast %scan3A_301 : i32 to index
          %get3A_314 = arith.index_cast %mul3A_313 : i32 to index
          %get3A_315 = tpu.vector_load %arg19[%get3A, %get3A_314] {strides = array<i32>} : memref<8x128xf32, #tpu.memory_space<vmem>>, vector<16xf32>,
          %get3A_316 = arith.index_cast %scan3A_301 : i32 to index
          %get3A_317 = arith.index_cast %mul3A_313 : i32 to index
          %get3A_318 = tpu.vector_load %arg18[%get3A_316, %get3A_317] {strides = array<i32>} : memref<8x128xf32, #tpu.memory_space<vmem>>, vector<16xf32>,
          %add3A_319 = arith.addf %get3A_315, %get3A_318 : vector<16xf32>
          %swap3A = arith.index_cast %scan3A_301 : i32 to index
          %swap3A_320 = arith.index_cast %mul3A_313 : i32 to index
          %swap3A_321 = tpu.vector_load %arg19[%swap3A, %swap3A_320] {strides = array<i32>} : memref<8x128xf32, #tpu.memory_space<vmem>>, vector<16xf32>,
          tpu.vector_store %arg19[%swap3A, %swap3A_320], %add3A_319 {strides = array<i32>} : memref<8x128xf32, #tpu.memory_space<vmem>>, vector<16xf32>,
          %scan3A_322 = arith.constant 0 : i32
          scf.yield %scan3A_322 : i32
        }
        %scan3A_309 = arith.constant 8 : i32
        scf.yield %scan3A_308 : i32
      }
      %scan3A_278 = arith.constant 8 : i32
      %mul3A_279 = arith.constant 8 : i32
      %mul3A_280 = arith.muli %arg1, %mul3A_279 : i32
      %add3A_281 = arith.constant 1120 : i32
      %add3A_282 = arith.addi %add3A_281, %mul3A_280 : i32
      "tpu.region"() ({
        %run_scoped3A = tpu.sem_alloc : memref<!tpu.dma_semaphore, #tpu.memory_space<semaphore_mem>>
        %dma_start3A_301 = arith.constant 0 : i32
        %dma_start3A_302 = tpu.memref_slice %arg12[%add3A_282, %dma_start3A_301] : memref<10240x128xf32, #tpu.memory_space<vmem_shared>> -> memref<8x128xf32, #tpu.memory_space<vmem_shared>>
        %dma_start3A_303 = arith.constant 0 : i32
        %dma_start3A_304 = tpu.memref_slice %arg12[%add3A_282, %dma_start3A_303] : memref<10240x128xf32, #tpu.memory_space<vmem_shared>> -> memref<8x128xf32, #tpu.memory_space<vmem_shared>>
        tpu.enqueue_dma source(%dma_start3A_304 : memref<8x128xf32, #tpu.memory_space<vmem_shared>>) target(%arg18 : memref<8x128xf32, #tpu.memory_space<vmem>>) target_semaphore(%run_scoped3A : memref<!tpu.dma_semaphore, #tpu.memory_space<semaphore_mem>>)
        %dma_wait3A_305 = arith.constant 0 : i32
        %dma_wait3A_306 = tpu.memref_slice %arg12[%add3A_282, %dma_wait3A_305] : memref<10240x128xf32, #tpu.memory_space<vmem_shared>> -> memref<8x128xf32, #tpu.memory_space<vmem_shared>>
        %dma_wait3A_307 = arith.constant 0 : i32
        %dma_wait3A_308 = tpu.memref_slice %arg12[%add3A_282, %dma_wait3A_307] : memref<10240x128xf32, #tpu.memory_space<vmem_shared>> -> memref<8x128xf32, #tpu.memory_space<vmem_shared>>
        tpu.wait_dma2 semaphore(%run_scoped3A : memref<!tpu.dma_semaphore, #tpu.memory_space<semaphore_mem>>) src(%dma_wait3A_308 : memref<8x128xf32, #tpu.memory_space<vmem_shared>>) dst(%arg18 : memref<8x128xf32, #tpu.memory_space<vmem>>)
        tpu.yield
      }) : () -> ()
      %scan3A_283 = arith.constant 0 : i32
      %scan3A_284 = arith.constant 0 : i32
      %scan3A_285 = arith.constant 8 : i32
      %scan3A_286 = arith.addi %scan3A_284, %scan3A_285 : i32
      %scan3A_287 = arith.constant 1 : i32
      %scan3A_288 = scf.for %scan3A_301 = %scan3A_284 to %scan3A_286 step %scan3A_287 iter_args(%scan3A_302 = %scan3A_283) -> (i32)  : i32 {
        %scan3A_303 = arith.constant 0 : i32
        %scan3A_304 = arith.constant 0 : i32
        %scan3A_305 = arith.constant 8 : i32
        %scan3A_306 = arith.addi %scan3A_304, %scan3A_305 : i32
        %scan3A_307 = arith.constant 1 : i32
        %scan3A_308 = scf.for %scan3A_310 = %scan3A_304 to %scan3A_306 step %scan3A_307 iter_args(%scan3A_311 = %scan3A_303) -> (i32)  : i32 {
          %mul3A_312 = arith.constant 16 : i32
          %mul3A_313 = arith.muli %scan3A_310, %mul3A_312 : i32
          %get3A = arith.index_cast %scan3A_301 : i32 to index
          %get3A_314 = arith.index_cast %mul3A_313 : i32 to index
          %get3A_315 = tpu.vector_load %arg19[%get3A, %get3A_314] {strides = array<i32>} : memref<8x128xf32, #tpu.memory_space<vmem>>, vector<16xf32>,
          %get3A_316 = arith.index_cast %scan3A_301 : i32 to index
          %get3A_317 = arith.index_cast %mul3A_313 : i32 to index
          %get3A_318 = tpu.vector_load %arg18[%get3A_316, %get3A_317] {strides = array<i32>} : memref<8x128xf32, #tpu.memory_space<vmem>>, vector<16xf32>,
          %add3A_319 = arith.addf %get3A_315, %get3A_318 : vector<16xf32>
          %swap3A = arith.index_cast %scan3A_301 : i32 to index
          %swap3A_320 = arith.index_cast %mul3A_313 : i32 to index
          %swap3A_321 = tpu.vector_load %arg19[%swap3A, %swap3A_320] {strides = array<i32>} : memref<8x128xf32, #tpu.memory_space<vmem>>, vector<16xf32>,
          tpu.vector_store %arg19[%swap3A, %swap3A_320], %add3A_319 {strides = array<i32>} : memref<8x128xf32, #tpu.memory_space<vmem>>, vector<16xf32>,
          %scan3A_322 = arith.constant 0 : i32
          scf.yield %scan3A_322 : i32
        }
        %scan3A_309 = arith.constant 8 : i32
        scf.yield %scan3A_308 : i32
      }
      %scan3A_289 = arith.constant 8 : i32
      %mul3A_290 = arith.constant 8 : i32
      %mul3A_291 = arith.muli %arg1, %mul3A_290 : i32
      %add3A_292 = arith.constant 1200 : i32
      %add3A_293 = arith.addi %add3A_292, %mul3A_291 : i32
      "tpu.region"() ({
        %run_scoped3A = tpu.sem_alloc : memref<!tpu.dma_semaphore, #tpu.memory_space<semaphore_mem>>
        %dma_start3A_301 = arith.constant 0 : i32
        %dma_start3A_302 = tpu.memref_slice %arg12[%add3A_293, %dma_start3A_301] : memref<10240x128xf32, #tpu.memory_space<vmem_shared>> -> memref<8x128xf32, #tpu.memory_space<vmem_shared>>
        %dma_start3A_303 = arith.constant 0 : i32
        %dma_start3A_304 = tpu.memref_slice %arg12[%add3A_293, %dma_start3A_303] : memref<10240x128xf32, #tpu.memory_space<vmem_shared>> -> memref<8x128xf32, #tpu.memory_space<vmem_shared>>
        tpu.enqueue_dma source(%dma_start3A_304 : memref<8x128xf32, #tpu.memory_space<vmem_shared>>) target(%arg18 : memref<8x128xf32, #tpu.memory_space<vmem>>) target_semaphore(%run_scoped3A : memref<!tpu.dma_semaphore, #tpu.memory_space<semaphore_mem>>)
        %dma_wait3A_305 = arith.constant 0 : i32
        %dma_wait3A_306 = tpu.memref_slice %arg12[%add3A_293, %dma_wait3A_305] : memref<10240x128xf32, #tpu.memory_space<vmem_shared>> -> memref<8x128xf32, #tpu.memory_space<vmem_shared>>
        %dma_wait3A_307 = arith.constant 0 : i32
        %dma_wait3A_308 = tpu.memref_slice %arg12[%add3A_293, %dma_wait3A_307] : memref<10240x128xf32, #tpu.memory_space<vmem_shared>> -> memref<8x128xf32, #tpu.memory_space<vmem_shared>>
        tpu.wait_dma2 semaphore(%run_scoped3A : memref<!tpu.dma_semaphore, #tpu.memory_space<semaphore_mem>>) src(%dma_wait3A_308 : memref<8x128xf32, #tpu.memory_space<vmem_shared>>) dst(%arg18 : memref<8x128xf32, #tpu.memory_space<vmem>>)
        tpu.yield
      }) : () -> ()
      %scan3A_294 = arith.constant 0 : i32
      %scan3A_295 = arith.constant 0 : i32
      %scan3A_296 = arith.constant 8 : i32
      %scan3A_297 = arith.addi %scan3A_295, %scan3A_296 : i32
      %scan3A_298 = arith.constant 1 : i32
      %scan3A_299 = scf.for %scan3A_301 = %scan3A_295 to %scan3A_297 step %scan3A_298 iter_args(%scan3A_302 = %scan3A_294) -> (i32)  : i32 {
        %scan3A_303 = arith.constant 0 : i32
        %scan3A_304 = arith.constant 0 : i32
        %scan3A_305 = arith.constant 8 : i32
        %scan3A_306 = arith.addi %scan3A_304, %scan3A_305 : i32
        %scan3A_307 = arith.constant 1 : i32
        %scan3A_308 = scf.for %scan3A_310 = %scan3A_304 to %scan3A_306 step %scan3A_307 iter_args(%scan3A_311 = %scan3A_303) -> (i32)  : i32 {
          %mul3A_312 = arith.constant 16 : i32
          %mul3A_313 = arith.muli %scan3A_310, %mul3A_312 : i32
          %get3A = arith.index_cast %scan3A_301 : i32 to index
          %get3A_314 = arith.index_cast %mul3A_313 : i32 to index
          %get3A_315 = tpu.vector_load %arg19[%get3A, %get3A_314] {strides = array<i32>} : memref<8x128xf32, #tpu.memory_space<vmem>>, vector<16xf32>,
          %get3A_316 = arith.index_cast %scan3A_301 : i32 to index
          %get3A_317 = arith.index_cast %mul3A_313 : i32 to index
          %get3A_318 = tpu.vector_load %arg18[%get3A_316, %get3A_317] {strides = array<i32>} : memref<8x128xf32, #tpu.memory_space<vmem>>, vector<16xf32>,
          %add3A_319 = arith.addf %get3A_315, %get3A_318 : vector<16xf32>
          %swap3A = arith.index_cast %scan3A_301 : i32 to index
          %swap3A_320 = arith.index_cast %mul3A_313 : i32 to index
          %swap3A_321 = tpu.vector_load %arg19[%swap3A, %swap3A_320] {strides = array<i32>} : memref<8x128xf32, #tpu.memory_space<vmem>>, vector<16xf32>,
          tpu.vector_store %arg19[%swap3A, %swap3A_320], %add3A_319 {strides = array<i32>} : memref<8x128xf32, #tpu.memory_space<vmem>>, vector<16xf32>,
          %scan3A_322 = arith.constant 0 : i32
          scf.yield %scan3A_322 : i32
        }
        %scan3A_309 = arith.constant 8 : i32
        scf.yield %scan3A_308 : i32
      }
      %scan3A_300 = arith.constant 8 : i32
      "tpu.region"() ({
        %run_scoped3A = tpu.sem_alloc : memref<!tpu.dma_semaphore, #tpu.memory_space<semaphore_mem>>
        %dma_start3A_301 = arith.constant 0 : i32
        %dma_start3A_302 = arith.constant 0 : i32
        %dma_start3A_303 = tpu.memref_slice %arg6[%arg0, %arg1, %dma_start3A_301, %dma_start3A_302] : memref<2x10x8x128xf32, #tpu.memory_space<hbm>> -> memref<1x1x8x128xf32, #tpu.memory_space<hbm>>
        %dma_start3A_304 = tpu.memref_squeeze %dma_start3A_303 : memref<1x1x8x128xf32, #tpu.memory_space<hbm>> -> memref<8x128xf32, #tpu.memory_space<hbm>>
        %dma_start3A_305 = arith.constant 0 : i32
        %dma_start3A_306 = arith.constant 0 : i32
        %dma_start3A_307 = tpu.memref_slice %arg6[%arg0, %arg1, %dma_start3A_305, %dma_start3A_306] : memref<2x10x8x128xf32, #tpu.memory_space<hbm>> -> memref<1x1x8x128xf32, #tpu.memory_space<hbm>>
        %dma_start3A_308 = tpu.memref_squeeze %dma_start3A_307 : memref<1x1x8x128xf32, #tpu.memory_space<hbm>> -> memref<8x128xf32, #tpu.memory_space<hbm>>
        tpu.enqueue_dma source(%arg19 : memref<8x128xf32, #tpu.memory_space<vmem>>) target(%dma_start3A_308 : memref<8x128xf32, #tpu.memory_space<hbm>>) target_semaphore(%run_scoped3A : memref<!tpu.dma_semaphore, #tpu.memory_space<semaphore_mem>>)
        %dma_wait3A_309 = arith.constant 0 : i32
        %dma_wait3A_310 = arith.constant 0 : i32
        %dma_wait3A_311 = tpu.memref_slice %arg6[%arg0, %arg1, %dma_wait3A_309, %dma_wait3A_310] : memref<2x10x8x128xf32, #tpu.memory_space<hbm>> -> memref<1x1x8x128xf32, #tpu.memory_space<hbm>>
        %dma_wait3A_312 = tpu.memref_squeeze %dma_wait3A_311 : memref<1x1x8x128xf32, #tpu.memory_space<hbm>> -> memref<8x128xf32, #tpu.memory_space<hbm>>
        %dma_wait3A_313 = arith.constant 0 : i32
        %dma_wait3A_314 = arith.constant 0 : i32
        %dma_wait3A_315 = tpu.memref_slice %arg6[%arg0, %arg1, %dma_wait3A_313, %dma_wait3A_314] : memref<2x10x8x128xf32, #tpu.memory_space<hbm>> -> memref<1x1x8x128xf32, #tpu.memory_space<hbm>>
        %dma_wait3A_316 = tpu.memref_squeeze %dma_wait3A_315 : memref<1x1x8x128xf32, #tpu.memory_space<hbm>> -> memref<8x128xf32, #tpu.memory_space<hbm>>
        tpu.wait_dma2 semaphore(%run_scoped3A : memref<!tpu.dma_semaphore, #tpu.memory_space<semaphore_mem>>) src(%arg19 : memref<8x128xf32, #tpu.memory_space<vmem>>) dst(%dma_wait3A_316 : memref<8x128xf32, #tpu.memory_space<hbm>>)
        tpu.yield
      }) : () -> ()
    } else {
    }
    return
  }
}

#map = affine_map<(d0, d1) -> (0, 0)>
#map1 = affine_map<(d0, d1) -> (0)>
#map2 = affine_map<(d0, d1) -> (0, 0, 0)>
module attributes {stable_mosaic.version = 14 : i64} {
  func.func @body(%arg0: i32, %arg1: i32, %arg2: memref<10000x128xf32, #tpu.memory_space<hbm>>, %arg3: memref<322560xi32, #tpu.memory_space<hbm>>, %arg4: memref<322560xi32, #tpu.memory_space<hbm>>, %arg5: memref<2x10240x128xf32, #tpu.memory_space<hbm>>, %arg6: memref<560xi32, #tpu.memory_space<vmem>>, %arg7: memref<480xi32, #tpu.memory_space<vmem>>, %arg8: memref<80xi32, #tpu.memory_space<vmem>>, %arg9: memref<80x128xf32, #tpu.memory_space<vmem>>, %arg10: memref<80x128xf32, #tpu.memory_space<vmem>>, %arg11: memref<10240x128xf32, #tpu.memory_space<vmem_shared>>, %arg12: memref<!tpu.dma_semaphore, #tpu.memory_space<semaphore_mem>>, %arg13: memref<!tpu.dma_semaphore, #tpu.memory_space<semaphore_mem>>, %arg14: memref<!tpu.dma_semaphore, #tpu.memory_space<semaphore_mem>>, %arg15: memref<!tpu.dma_semaphore, #tpu.memory_space<semaphore_mem>>) attributes {dimension_semantics = [#tpu.dimension_semantics<core_parallel>, #tpu.dimension_semantics<subcore_parallel>], iteration_bounds = array<i64: 2, 16>, scalar_prefetch = 0 : i64, scratch_operands = 10 : i64, tpu.core_type = #tpu.core_type<sc_vector_subcore>, window_params = [{transform_indices = #map}, {transform_indices = #map1}, {transform_indices = #map1}, {transform_indices = #map2}]} {
    %broadcast_in_dim3A = arith.constant 0.000000e+00 : f32
    %broadcast_in_dim3A_0 = vector.broadcast %broadcast_in_dim3A : f32 to vector<16xf32>
    %broadcast_in_dim3A_1 = arith.constant 1.000000e+00 : f32
    %broadcast_in_dim3A_2 = vector.broadcast %broadcast_in_dim3A_1 : f32 to vector<16xf32>
    %scan3A = arith.constant 0 : i32
    %scan3A_3 = arith.constant 0 : i32
    %scan3A_4 = arith.constant 80 : i32
    %scan3A_5 = arith.addi %scan3A_3, %scan3A_4 : i32
    %scan3A_6 = arith.constant 1 : i32
    %scan3A_7 = scf.for %scan3A_105 = %scan3A_3 to %scan3A_5 step %scan3A_6 iter_args(%scan3A_106 = %scan3A) -> (i32)  : i32 {
      %scan3A_107 = arith.constant 0 : i32
      %scan3A_108 = arith.constant 0 : i32
      %scan3A_109 = arith.constant 8 : i32
      %scan3A_110 = arith.addi %scan3A_108, %scan3A_109 : i32
      %scan3A_111 = arith.constant 1 : i32
      %scan3A_112 = scf.for %scan3A_114 = %scan3A_108 to %scan3A_110 step %scan3A_111 iter_args(%scan3A_115 = %scan3A_107) -> (i32)  : i32 {
        %mul3A_116 = arith.constant 16 : i32
        %mul3A_117 = arith.muli %scan3A_114, %mul3A_116 : i32
        %swap3A = arith.index_cast %scan3A_105 : i32 to index
        %swap3A_118 = arith.index_cast %mul3A_117 : i32 to index
        %swap3A_119 = tpu.vector_load %arg9[%swap3A, %swap3A_118] {strides = array<i32>} : memref<80x128xf32, #tpu.memory_space<vmem>>, vector<16xf32>,
        tpu.vector_store %arg9[%swap3A, %swap3A_118], %broadcast_in_dim3A_0 {strides = array<i32>} : memref<80x128xf32, #tpu.memory_space<vmem>>, vector<16xf32>,
        %scan3A_120 = arith.constant 0 : i32
        scf.yield %scan3A_120 : i32
      }
      %scan3A_113 = arith.constant 8 : i32
      scf.yield %scan3A_112 : i32
    }
    %scan3A_8 = arith.constant 80 : i32
    %mul3A = arith.constant 640 : i32
    %mul3A_9 = arith.muli %arg1, %mul3A : i32
    %add3A = arith.constant 0 : i32
    %add3A_10 = arith.addi %mul3A_9, %add3A : i32
    %dma_start3A = arith.constant 0 : i32
    %dma_start3A_11 = tpu.memref_slice %arg11[%add3A_10, %dma_start3A] : memref<10240x128xf32, #tpu.memory_space<vmem_shared>> -> memref<80x128xf32, #tpu.memory_space<vmem_shared>>
    %dma_start3A_12 = arith.constant 0 : i32
    %dma_start3A_13 = tpu.memref_slice %arg11[%add3A_10, %dma_start3A_12] : memref<10240x128xf32, #tpu.memory_space<vmem_shared>> -> memref<80x128xf32, #tpu.memory_space<vmem_shared>>
    tpu.enqueue_dma source(%arg9 : memref<80x128xf32, #tpu.memory_space<vmem>>) target(%dma_start3A_13 : memref<80x128xf32, #tpu.memory_space<vmem_shared>>) target_semaphore(%arg14 : memref<!tpu.dma_semaphore, #tpu.memory_space<semaphore_mem>>)
    %add3A_14 = arith.constant 80 : i32
    %add3A_15 = arith.addi %mul3A_9, %add3A_14 : i32
    %dma_start3A_16 = arith.constant 0 : i32
    %dma_start3A_17 = tpu.memref_slice %arg11[%add3A_15, %dma_start3A_16] : memref<10240x128xf32, #tpu.memory_space<vmem_shared>> -> memref<80x128xf32, #tpu.memory_space<vmem_shared>>
    %dma_start3A_18 = arith.constant 0 : i32
    %dma_start3A_19 = tpu.memref_slice %arg11[%add3A_15, %dma_start3A_18] : memref<10240x128xf32, #tpu.memory_space<vmem_shared>> -> memref<80x128xf32, #tpu.memory_space<vmem_shared>>
    tpu.enqueue_dma source(%arg9 : memref<80x128xf32, #tpu.memory_space<vmem>>) target(%dma_start3A_19 : memref<80x128xf32, #tpu.memory_space<vmem_shared>>) target_semaphore(%arg14 : memref<!tpu.dma_semaphore, #tpu.memory_space<semaphore_mem>>)
    %add3A_20 = arith.constant 160 : i32
    %add3A_21 = arith.addi %mul3A_9, %add3A_20 : i32
    %dma_start3A_22 = arith.constant 0 : i32
    %dma_start3A_23 = tpu.memref_slice %arg11[%add3A_21, %dma_start3A_22] : memref<10240x128xf32, #tpu.memory_space<vmem_shared>> -> memref<80x128xf32, #tpu.memory_space<vmem_shared>>
    %dma_start3A_24 = arith.constant 0 : i32
    %dma_start3A_25 = tpu.memref_slice %arg11[%add3A_21, %dma_start3A_24] : memref<10240x128xf32, #tpu.memory_space<vmem_shared>> -> memref<80x128xf32, #tpu.memory_space<vmem_shared>>
    tpu.enqueue_dma source(%arg9 : memref<80x128xf32, #tpu.memory_space<vmem>>) target(%dma_start3A_25 : memref<80x128xf32, #tpu.memory_space<vmem_shared>>) target_semaphore(%arg14 : memref<!tpu.dma_semaphore, #tpu.memory_space<semaphore_mem>>)
    %add3A_26 = arith.constant 240 : i32
    %add3A_27 = arith.addi %mul3A_9, %add3A_26 : i32
    %dma_start3A_28 = arith.constant 0 : i32
    %dma_start3A_29 = tpu.memref_slice %arg11[%add3A_27, %dma_start3A_28] : memref<10240x128xf32, #tpu.memory_space<vmem_shared>> -> memref<80x128xf32, #tpu.memory_space<vmem_shared>>
    %dma_start3A_30 = arith.constant 0 : i32
    %dma_start3A_31 = tpu.memref_slice %arg11[%add3A_27, %dma_start3A_30] : memref<10240x128xf32, #tpu.memory_space<vmem_shared>> -> memref<80x128xf32, #tpu.memory_space<vmem_shared>>
    tpu.enqueue_dma source(%arg9 : memref<80x128xf32, #tpu.memory_space<vmem>>) target(%dma_start3A_31 : memref<80x128xf32, #tpu.memory_space<vmem_shared>>) target_semaphore(%arg14 : memref<!tpu.dma_semaphore, #tpu.memory_space<semaphore_mem>>)
    %add3A_32 = arith.constant 320 : i32
    %add3A_33 = arith.addi %mul3A_9, %add3A_32 : i32
    %dma_start3A_34 = arith.constant 0 : i32
    %dma_start3A_35 = tpu.memref_slice %arg11[%add3A_33, %dma_start3A_34] : memref<10240x128xf32, #tpu.memory_space<vmem_shared>> -> memref<80x128xf32, #tpu.memory_space<vmem_shared>>
    %dma_start3A_36 = arith.constant 0 : i32
    %dma_start3A_37 = tpu.memref_slice %arg11[%add3A_33, %dma_start3A_36] : memref<10240x128xf32, #tpu.memory_space<vmem_shared>> -> memref<80x128xf32, #tpu.memory_space<vmem_shared>>
    tpu.enqueue_dma source(%arg9 : memref<80x128xf32, #tpu.memory_space<vmem>>) target(%dma_start3A_37 : memref<80x128xf32, #tpu.memory_space<vmem_shared>>) target_semaphore(%arg14 : memref<!tpu.dma_semaphore, #tpu.memory_space<semaphore_mem>>)
    %add3A_38 = arith.constant 400 : i32
    %add3A_39 = arith.addi %mul3A_9, %add3A_38 : i32
    %dma_start3A_40 = arith.constant 0 : i32
    %dma_start3A_41 = tpu.memref_slice %arg11[%add3A_39, %dma_start3A_40] : memref<10240x128xf32, #tpu.memory_space<vmem_shared>> -> memref<80x128xf32, #tpu.memory_space<vmem_shared>>
    %dma_start3A_42 = arith.constant 0 : i32
    %dma_start3A_43 = tpu.memref_slice %arg11[%add3A_39, %dma_start3A_42] : memref<10240x128xf32, #tpu.memory_space<vmem_shared>> -> memref<80x128xf32, #tpu.memory_space<vmem_shared>>
    tpu.enqueue_dma source(%arg9 : memref<80x128xf32, #tpu.memory_space<vmem>>) target(%dma_start3A_43 : memref<80x128xf32, #tpu.memory_space<vmem_shared>>) target_semaphore(%arg14 : memref<!tpu.dma_semaphore, #tpu.memory_space<semaphore_mem>>)
    %add3A_44 = arith.constant 480 : i32
    %add3A_45 = arith.addi %mul3A_9, %add3A_44 : i32
    %dma_start3A_46 = arith.constant 0 : i32
    %dma_start3A_47 = tpu.memref_slice %arg11[%add3A_45, %dma_start3A_46] : memref<10240x128xf32, #tpu.memory_space<vmem_shared>> -> memref<80x128xf32, #tpu.memory_space<vmem_shared>>
    %dma_start3A_48 = arith.constant 0 : i32
    %dma_start3A_49 = tpu.memref_slice %arg11[%add3A_45, %dma_start3A_48] : memref<10240x128xf32, #tpu.memory_space<vmem_shared>> -> memref<80x128xf32, #tpu.memory_space<vmem_shared>>
    tpu.enqueue_dma source(%arg9 : memref<80x128xf32, #tpu.memory_space<vmem>>) target(%dma_start3A_49 : memref<80x128xf32, #tpu.memory_space<vmem_shared>>) target_semaphore(%arg14 : memref<!tpu.dma_semaphore, #tpu.memory_space<semaphore_mem>>)
    %add3A_50 = arith.constant 560 : i32
    %add3A_51 = arith.addi %mul3A_9, %add3A_50 : i32
    %dma_start3A_52 = arith.constant 0 : i32
    %dma_start3A_53 = tpu.memref_slice %arg11[%add3A_51, %dma_start3A_52] : memref<10240x128xf32, #tpu.memory_space<vmem_shared>> -> memref<80x128xf32, #tpu.memory_space<vmem_shared>>
    %dma_start3A_54 = arith.constant 0 : i32
    %dma_start3A_55 = tpu.memref_slice %arg11[%add3A_51, %dma_start3A_54] : memref<10240x128xf32, #tpu.memory_space<vmem_shared>> -> memref<80x128xf32, #tpu.memory_space<vmem_shared>>
    tpu.enqueue_dma source(%arg9 : memref<80x128xf32, #tpu.memory_space<vmem>>) target(%dma_start3A_55 : memref<80x128xf32, #tpu.memory_space<vmem_shared>>) target_semaphore(%arg14 : memref<!tpu.dma_semaphore, #tpu.memory_space<semaphore_mem>>)
    %dma_wait3A = arith.constant 0 : i32
    %dma_wait3A_56 = tpu.memref_slice %arg11[%add3A_10, %dma_wait3A] : memref<10240x128xf32, #tpu.memory_space<vmem_shared>> -> memref<80x128xf32, #tpu.memory_space<vmem_shared>>
    %dma_wait3A_57 = arith.constant 0 : i32
    %dma_wait3A_58 = tpu.memref_slice %arg11[%add3A_10, %dma_wait3A_57] : memref<10240x128xf32, #tpu.memory_space<vmem_shared>> -> memref<80x128xf32, #tpu.memory_space<vmem_shared>>
    tpu.wait_dma2 semaphore(%arg14 : memref<!tpu.dma_semaphore, #tpu.memory_space<semaphore_mem>>) src(%arg9 : memref<80x128xf32, #tpu.memory_space<vmem>>) dst(%dma_wait3A_58 : memref<80x128xf32, #tpu.memory_space<vmem_shared>>)
    %dma_wait3A_59 = arith.constant 0 : i32
    %dma_wait3A_60 = tpu.memref_slice %arg11[%add3A_15, %dma_wait3A_59] : memref<10240x128xf32, #tpu.memory_space<vmem_shared>> -> memref<80x128xf32, #tpu.memory_space<vmem_shared>>
    %dma_wait3A_61 = arith.constant 0 : i32
    %dma_wait3A_62 = tpu.memref_slice %arg11[%add3A_15, %dma_wait3A_61] : memref<10240x128xf32, #tpu.memory_space<vmem_shared>> -> memref<80x128xf32, #tpu.memory_space<vmem_shared>>
    tpu.wait_dma2 semaphore(%arg14 : memref<!tpu.dma_semaphore, #tpu.memory_space<semaphore_mem>>) src(%arg9 : memref<80x128xf32, #tpu.memory_space<vmem>>) dst(%dma_wait3A_62 : memref<80x128xf32, #tpu.memory_space<vmem_shared>>)
    %dma_wait3A_63 = arith.constant 0 : i32
    %dma_wait3A_64 = tpu.memref_slice %arg11[%add3A_21, %dma_wait3A_63] : memref<10240x128xf32, #tpu.memory_space<vmem_shared>> -> memref<80x128xf32, #tpu.memory_space<vmem_shared>>
    %dma_wait3A_65 = arith.constant 0 : i32
    %dma_wait3A_66 = tpu.memref_slice %arg11[%add3A_21, %dma_wait3A_65] : memref<10240x128xf32, #tpu.memory_space<vmem_shared>> -> memref<80x128xf32, #tpu.memory_space<vmem_shared>>
    tpu.wait_dma2 semaphore(%arg14 : memref<!tpu.dma_semaphore, #tpu.memory_space<semaphore_mem>>) src(%arg9 : memref<80x128xf32, #tpu.memory_space<vmem>>) dst(%dma_wait3A_66 : memref<80x128xf32, #tpu.memory_space<vmem_shared>>)
    %dma_wait3A_67 = arith.constant 0 : i32
    %dma_wait3A_68 = tpu.memref_slice %arg11[%add3A_27, %dma_wait3A_67] : memref<10240x128xf32, #tpu.memory_space<vmem_shared>> -> memref<80x128xf32, #tpu.memory_space<vmem_shared>>
    %dma_wait3A_69 = arith.constant 0 : i32
    %dma_wait3A_70 = tpu.memref_slice %arg11[%add3A_27, %dma_wait3A_69] : memref<10240x128xf32, #tpu.memory_space<vmem_shared>> -> memref<80x128xf32, #tpu.memory_space<vmem_shared>>
    tpu.wait_dma2 semaphore(%arg14 : memref<!tpu.dma_semaphore, #tpu.memory_space<semaphore_mem>>) src(%arg9 : memref<80x128xf32, #tpu.memory_space<vmem>>) dst(%dma_wait3A_70 : memref<80x128xf32, #tpu.memory_space<vmem_shared>>)
    %dma_wait3A_71 = arith.constant 0 : i32
    %dma_wait3A_72 = tpu.memref_slice %arg11[%add3A_33, %dma_wait3A_71] : memref<10240x128xf32, #tpu.memory_space<vmem_shared>> -> memref<80x128xf32, #tpu.memory_space<vmem_shared>>
    %dma_wait3A_73 = arith.constant 0 : i32
    %dma_wait3A_74 = tpu.memref_slice %arg11[%add3A_33, %dma_wait3A_73] : memref<10240x128xf32, #tpu.memory_space<vmem_shared>> -> memref<80x128xf32, #tpu.memory_space<vmem_shared>>
    tpu.wait_dma2 semaphore(%arg14 : memref<!tpu.dma_semaphore, #tpu.memory_space<semaphore_mem>>) src(%arg9 : memref<80x128xf32, #tpu.memory_space<vmem>>) dst(%dma_wait3A_74 : memref<80x128xf32, #tpu.memory_space<vmem_shared>>)
    %dma_wait3A_75 = arith.constant 0 : i32
    %dma_wait3A_76 = tpu.memref_slice %arg11[%add3A_39, %dma_wait3A_75] : memref<10240x128xf32, #tpu.memory_space<vmem_shared>> -> memref<80x128xf32, #tpu.memory_space<vmem_shared>>
    %dma_wait3A_77 = arith.constant 0 : i32
    %dma_wait3A_78 = tpu.memref_slice %arg11[%add3A_39, %dma_wait3A_77] : memref<10240x128xf32, #tpu.memory_space<vmem_shared>> -> memref<80x128xf32, #tpu.memory_space<vmem_shared>>
    tpu.wait_dma2 semaphore(%arg14 : memref<!tpu.dma_semaphore, #tpu.memory_space<semaphore_mem>>) src(%arg9 : memref<80x128xf32, #tpu.memory_space<vmem>>) dst(%dma_wait3A_78 : memref<80x128xf32, #tpu.memory_space<vmem_shared>>)
    %dma_wait3A_79 = arith.constant 0 : i32
    %dma_wait3A_80 = tpu.memref_slice %arg11[%add3A_45, %dma_wait3A_79] : memref<10240x128xf32, #tpu.memory_space<vmem_shared>> -> memref<80x128xf32, #tpu.memory_space<vmem_shared>>
    %dma_wait3A_81 = arith.constant 0 : i32
    %dma_wait3A_82 = tpu.memref_slice %arg11[%add3A_45, %dma_wait3A_81] : memref<10240x128xf32, #tpu.memory_space<vmem_shared>> -> memref<80x128xf32, #tpu.memory_space<vmem_shared>>
    tpu.wait_dma2 semaphore(%arg14 : memref<!tpu.dma_semaphore, #tpu.memory_space<semaphore_mem>>) src(%arg9 : memref<80x128xf32, #tpu.memory_space<vmem>>) dst(%dma_wait3A_82 : memref<80x128xf32, #tpu.memory_space<vmem_shared>>)
    %dma_wait3A_83 = arith.constant 0 : i32
    %dma_wait3A_84 = tpu.memref_slice %arg11[%add3A_51, %dma_wait3A_83] : memref<10240x128xf32, #tpu.memory_space<vmem_shared>> -> memref<80x128xf32, #tpu.memory_space<vmem_shared>>
    %dma_wait3A_85 = arith.constant 0 : i32
    %dma_wait3A_86 = tpu.memref_slice %arg11[%add3A_51, %dma_wait3A_85] : memref<10240x128xf32, #tpu.memory_space<vmem_shared>> -> memref<80x128xf32, #tpu.memory_space<vmem_shared>>
    tpu.wait_dma2 semaphore(%arg14 : memref<!tpu.dma_semaphore, #tpu.memory_space<semaphore_mem>>) src(%arg9 : memref<80x128xf32, #tpu.memory_space<vmem>>) dst(%dma_wait3A_86 : memref<80x128xf32, #tpu.memory_space<vmem_shared>>)
    %barrier3A = arith.constant 0 : index
    tpu.barrier barrier_id(%barrier3A)
    %mul3A_87 = arith.constant 16 : i32
    %mul3A_88 = arith.muli %arg0, %mul3A_87 : i32
    %add3A_89 = arith.addi %mul3A_88, %arg1 : i32
    %mul3A_90 = arith.constant 10080 : i32
    %mul3A_91 = arith.muli %add3A_89, %mul3A_90 : i32
    "tpu.region"() ({
      %run_scoped3A = tpu.sem_alloc : memref<!tpu.dma_semaphore, #tpu.memory_space<semaphore_mem>>
      %dma_start3A_105 = arith.constant 480 : i32
      %dma_start3A_106 = tpu.memref_slice %arg6[%dma_start3A_105] : memref<560xi32, #tpu.memory_space<vmem>> -> memref<80xi32, #tpu.memory_space<vmem>>
      %dma_start3A_107 = tpu.memref_slice %arg3[%mul3A_91] : memref<322560xi32, #tpu.memory_space<hbm>> -> memref<80xi32, #tpu.memory_space<hbm>>
      %dma_start3A_108 = arith.constant 480 : i32
      %dma_start3A_109 = tpu.memref_slice %arg6[%dma_start3A_108] : memref<560xi32, #tpu.memory_space<vmem>> -> memref<80xi32, #tpu.memory_space<vmem>>
      %dma_start3A_110 = tpu.memref_slice %arg3[%mul3A_91] : memref<322560xi32, #tpu.memory_space<hbm>> -> memref<80xi32, #tpu.memory_space<hbm>>
      tpu.enqueue_dma source(%dma_start3A_110 : memref<80xi32, #tpu.memory_space<hbm>>) target(%dma_start3A_109 : memref<80xi32, #tpu.memory_space<vmem>>) target_semaphore(%run_scoped3A : memref<!tpu.dma_semaphore, #tpu.memory_space<semaphore_mem>>)
      %dma_wait3A_111 = arith.constant 480 : i32
      %dma_wait3A_112 = tpu.memref_slice %arg6[%dma_wait3A_111] : memref<560xi32, #tpu.memory_space<vmem>> -> memref<80xi32, #tpu.memory_space<vmem>>
      %dma_wait3A_113 = tpu.memref_slice %arg3[%mul3A_91] : memref<322560xi32, #tpu.memory_space<hbm>> -> memref<80xi32, #tpu.memory_space<hbm>>
      %dma_wait3A_114 = arith.constant 480 : i32
      %dma_wait3A_115 = tpu.memref_slice %arg6[%dma_wait3A_114] : memref<560xi32, #tpu.memory_space<vmem>> -> memref<80xi32, #tpu.memory_space<vmem>>
      %dma_wait3A_116 = tpu.memref_slice %arg3[%mul3A_91] : memref<322560xi32, #tpu.memory_space<hbm>> -> memref<80xi32, #tpu.memory_space<hbm>>
      tpu.wait_dma2 semaphore(%run_scoped3A : memref<!tpu.dma_semaphore, #tpu.memory_space<semaphore_mem>>) src(%dma_wait3A_116 : memref<80xi32, #tpu.memory_space<hbm>>) dst(%dma_wait3A_115 : memref<80xi32, #tpu.memory_space<vmem>>)
      tpu.yield
    }) : () -> ()
    %dma_start3A_92 = arith.constant 480 : i32
    %dma_start3A_93 = tpu.memref_slice %arg6[%dma_start3A_92] : memref<560xi32, #tpu.memory_space<vmem>> -> memref<80xi32, #tpu.memory_space<vmem>>
    %dma_start3A_94 = arith.constant 0 : i32
    %dma_start3A_95 = arith.constant 0 : i32
    %dma_start3A_96 = tpu.memref_slice %arg2[%dma_start3A_94, %dma_start3A_95] : memref<10000x128xf32, #tpu.memory_space<hbm>> -> memref<10000x128xf32, #tpu.memory_space<hbm>>
    tpu.enqueue_indirect_dma source(%dma_start3A_96 : memref<10000x128xf32, #tpu.memory_space<hbm>>) target(%arg9 : memref<80x128xf32, #tpu.memory_space<vmem>>) offsets(%dma_start3A_93 : memref<80xi32, #tpu.memory_space<vmem>>) semaphore(%arg12 : memref<!tpu.dma_semaphore, #tpu.memory_space<semaphore_mem>>)
    %scan3A_97 = arith.constant 0 : i32
    %scan3A_98 = arith.constant 0 : i32
    %scan3A_99 = arith.constant 21 : i32
    %scan3A_100 = arith.addi %scan3A_98, %scan3A_99 : i32
    %scan3A_101 = arith.constant 1 : i32
    %scan3A_102 = scf.for %scan3A_105 = %scan3A_98 to %scan3A_100 step %scan3A_101 iter_args(%scan3A_106 = %scan3A_97) -> (i32)  : i32 {
      %mul3A_107 = arith.constant 480 : i32
      %mul3A_108 = arith.muli %scan3A_105, %mul3A_107 : i32
      %add3A_109 = arith.addi %mul3A_91, %mul3A_108 : i32
      %multiple_of3A = tpu.assume_multiple %add3A_109, 8 : i32
      "tpu.region"() ({
        %run_scoped3A = tpu.sem_alloc : memref<!tpu.dma_semaphore, #tpu.memory_space<semaphore_mem>>
        %dma_start3A_322 = arith.constant 0 : i32
        %dma_start3A_323 = tpu.memref_slice %arg6[%dma_start3A_322] : memref<560xi32, #tpu.memory_space<vmem>> -> memref<480xi32, #tpu.memory_space<vmem>>
        %dma_start3A_324 = tpu.memref_slice %arg3[%multiple_of3A] : memref<322560xi32, #tpu.memory_space<hbm>> -> memref<480xi32, #tpu.memory_space<hbm>>
        %dma_start3A_325 = arith.constant 0 : i32
        %dma_start3A_326 = tpu.memref_slice %arg6[%dma_start3A_325] : memref<560xi32, #tpu.memory_space<vmem>> -> memref<480xi32, #tpu.memory_space<vmem>>
        %dma_start3A_327 = tpu.memref_slice %arg3[%multiple_of3A] : memref<322560xi32, #tpu.memory_space<hbm>> -> memref<480xi32, #tpu.memory_space<hbm>>
        tpu.enqueue_dma source(%dma_start3A_327 : memref<480xi32, #tpu.memory_space<hbm>>) target(%dma_start3A_326 : memref<480xi32, #tpu.memory_space<vmem>>) target_semaphore(%run_scoped3A : memref<!tpu.dma_semaphore, #tpu.memory_space<semaphore_mem>>)
        %dma_wait3A_328 = arith.constant 0 : i32
        %dma_wait3A_329 = tpu.memref_slice %arg6[%dma_wait3A_328] : memref<560xi32, #tpu.memory_space<vmem>> -> memref<480xi32, #tpu.memory_space<vmem>>
        %dma_wait3A_330 = tpu.memref_slice %arg3[%multiple_of3A] : memref<322560xi32, #tpu.memory_space<hbm>> -> memref<480xi32, #tpu.memory_space<hbm>>
        %dma_wait3A_331 = arith.constant 0 : i32
        %dma_wait3A_332 = tpu.memref_slice %arg6[%dma_wait3A_331] : memref<560xi32, #tpu.memory_space<vmem>> -> memref<480xi32, #tpu.memory_space<vmem>>
        %dma_wait3A_333 = tpu.memref_slice %arg3[%multiple_of3A] : memref<322560xi32, #tpu.memory_space<hbm>> -> memref<480xi32, #tpu.memory_space<hbm>>
        tpu.wait_dma2 semaphore(%run_scoped3A : memref<!tpu.dma_semaphore, #tpu.memory_space<semaphore_mem>>) src(%dma_wait3A_333 : memref<480xi32, #tpu.memory_space<hbm>>) dst(%dma_wait3A_332 : memref<480xi32, #tpu.memory_space<vmem>>)
        tpu.yield
      }) : () -> ()
      "tpu.region"() ({
        %run_scoped3A = tpu.sem_alloc : memref<!tpu.dma_semaphore, #tpu.memory_space<semaphore_mem>>
        %dma_start3A_322 = tpu.memref_slice %arg4[%multiple_of3A] : memref<322560xi32, #tpu.memory_space<hbm>> -> memref<480xi32, #tpu.memory_space<hbm>>
        %dma_start3A_323 = tpu.memref_slice %arg4[%multiple_of3A] : memref<322560xi32, #tpu.memory_space<hbm>> -> memref<480xi32, #tpu.memory_space<hbm>>
        tpu.enqueue_dma source(%dma_start3A_323 : memref<480xi32, #tpu.memory_space<hbm>>) target(%arg7 : memref<480xi32, #tpu.memory_space<vmem>>) target_semaphore(%run_scoped3A : memref<!tpu.dma_semaphore, #tpu.memory_space<semaphore_mem>>)
        %dma_wait3A_324 = tpu.memref_slice %arg4[%multiple_of3A] : memref<322560xi32, #tpu.memory_space<hbm>> -> memref<480xi32, #tpu.memory_space<hbm>>
        %dma_wait3A_325 = tpu.memref_slice %arg4[%multiple_of3A] : memref<322560xi32, #tpu.memory_space<hbm>> -> memref<480xi32, #tpu.memory_space<hbm>>
        tpu.wait_dma2 semaphore(%run_scoped3A : memref<!tpu.dma_semaphore, #tpu.memory_space<semaphore_mem>>) src(%dma_wait3A_325 : memref<480xi32, #tpu.memory_space<hbm>>) dst(%arg7 : memref<480xi32, #tpu.memory_space<vmem>>)
        tpu.yield
      }) : () -> ()
      %dma_wait3A_110 = arith.constant 480 : i32
      %dma_wait3A_111 = tpu.memref_slice %arg6[%dma_wait3A_110] : memref<560xi32, #tpu.memory_space<vmem>> -> memref<80xi32, #tpu.memory_space<vmem>>
      %dma_wait3A_112 = arith.constant 0 : i32
      %dma_wait3A_113 = arith.constant 0 : i32
      %dma_wait3A_114 = tpu.memref_slice %arg2[%dma_wait3A_112, %dma_wait3A_113] : memref<10000x128xf32, #tpu.memory_space<hbm>> -> memref<10000x128xf32, #tpu.memory_space<hbm>>
      tpu.wait_indirect_dma semaphore(%arg12 : memref<!tpu.dma_semaphore, #tpu.memory_space<semaphore_mem>>) src(%dma_wait3A_114 : memref<10000x128xf32, #tpu.memory_space<hbm>>) dst(%arg9 : memref<80x128xf32, #tpu.memory_space<vmem>>)
      %dma_start3A_115 = arith.constant 80 : i32
      %dma_start3A_116 = tpu.memref_slice %arg6[%dma_start3A_115] : memref<560xi32, #tpu.memory_space<vmem>> -> memref<80xi32, #tpu.memory_space<vmem>>
      %dma_start3A_117 = arith.constant 0 : i32
      %dma_start3A_118 = arith.constant 0 : i32
      %dma_start3A_119 = tpu.memref_slice %arg2[%dma_start3A_117, %dma_start3A_118] : memref<10000x128xf32, #tpu.memory_space<hbm>> -> memref<10000x128xf32, #tpu.memory_space<hbm>>
      tpu.enqueue_indirect_dma source(%dma_start3A_119 : memref<10000x128xf32, #tpu.memory_space<hbm>>) target(%arg10 : memref<80x128xf32, #tpu.memory_space<vmem>>) offsets(%dma_start3A_116 : memref<80xi32, #tpu.memory_space<vmem>>) semaphore(%arg13 : memref<!tpu.dma_semaphore, #tpu.memory_space<semaphore_mem>>)
      %get3A = arith.constant 0 : index
      %get3A_120 = tpu.vector_load %arg7[%get3A] {strides = array<i32>} : memref<480xi32, #tpu.memory_space<vmem>>, vector<16xi32>,
      %swap3A = arith.constant 0 : index
      %swap3A_121 = tpu.vector_load %arg8[%swap3A] {strides = array<i32>} : memref<80xi32, #tpu.memory_space<vmem>>, vector<16xi32>,
      tpu.vector_store %arg8[%swap3A], %get3A_120 {strides = array<i32>} : memref<80xi32, #tpu.memory_space<vmem>>, vector<16xi32>,
      %get3A_122 = arith.constant 16 : index
      %get3A_123 = tpu.vector_load %arg7[%get3A_122] {strides = array<i32>} : memref<480xi32, #tpu.memory_space<vmem>>, vector<16xi32>,
      %swap3A_124 = arith.constant 16 : index
      %swap3A_125 = tpu.vector_load %arg8[%swap3A_124] {strides = array<i32>} : memref<80xi32, #tpu.memory_space<vmem>>, vector<16xi32>,
      tpu.vector_store %arg8[%swap3A_124], %get3A_123 {strides = array<i32>} : memref<80xi32, #tpu.memory_space<vmem>>, vector<16xi32>,
      %get3A_126 = arith.constant 32 : index
      %get3A_127 = tpu.vector_load %arg7[%get3A_126] {strides = array<i32>} : memref<480xi32, #tpu.memory_space<vmem>>, vector<16xi32>,
      %swap3A_128 = arith.constant 32 : index
      %swap3A_129 = tpu.vector_load %arg8[%swap3A_128] {strides = array<i32>} : memref<80xi32, #tpu.memory_space<vmem>>, vector<16xi32>,
      tpu.vector_store %arg8[%swap3A_128], %get3A_127 {strides = array<i32>} : memref<80xi32, #tpu.memory_space<vmem>>, vector<16xi32>,
      %get3A_130 = arith.constant 48 : index
      %get3A_131 = tpu.vector_load %arg7[%get3A_130] {strides = array<i32>} : memref<480xi32, #tpu.memory_space<vmem>>, vector<16xi32>,
      %swap3A_132 = arith.constant 48 : index
      %swap3A_133 = tpu.vector_load %arg8[%swap3A_132] {strides = array<i32>} : memref<80xi32, #tpu.memory_space<vmem>>, vector<16xi32>,
      tpu.vector_store %arg8[%swap3A_132], %get3A_131 {strides = array<i32>} : memref<80xi32, #tpu.memory_space<vmem>>, vector<16xi32>,
      %get3A_134 = arith.constant 64 : index
      %get3A_135 = tpu.vector_load %arg7[%get3A_134] {strides = array<i32>} : memref<480xi32, #tpu.memory_space<vmem>>, vector<16xi32>,
      %swap3A_136 = arith.constant 64 : index
      %swap3A_137 = tpu.vector_load %arg8[%swap3A_136] {strides = array<i32>} : memref<80xi32, #tpu.memory_space<vmem>>, vector<16xi32>,
      tpu.vector_store %arg8[%swap3A_136], %get3A_135 {strides = array<i32>} : memref<80xi32, #tpu.memory_space<vmem>>, vector<16xi32>,
      %dma_start3A_138 = arith.constant 0 : i32
      %dma_start3A_139 = arith.constant 0 : i32
      %dma_start3A_140 = tpu.memref_slice %arg11[%dma_start3A_138, %dma_start3A_139] : memref<10240x128xf32, #tpu.memory_space<vmem_shared>> -> memref<10240x128xf32, #tpu.memory_space<vmem_shared>>
      tpu.enqueue_indirect_dma source(%arg9 : memref<80x128xf32, #tpu.memory_space<vmem>>) target(%dma_start3A_140 : memref<10240x128xf32, #tpu.memory_space<vmem_shared>>) offsets(%arg8 : memref<80xi32, #tpu.memory_space<vmem>>) semaphore(%arg15 : memref<!tpu.dma_semaphore, #tpu.memory_space<semaphore_mem>>) {add = true}
      %dma_wait3A_141 = arith.constant 0 : i32
      %dma_wait3A_142 = arith.constant 0 : i32
      %dma_wait3A_143 = tpu.memref_slice %arg11[%dma_wait3A_141, %dma_wait3A_142] : memref<10240x128xf32, #tpu.memory_space<vmem_shared>> -> memref<10240x128xf32, #tpu.memory_space<vmem_shared>>
      tpu.wait_indirect_dma semaphore(%arg15 : memref<!tpu.dma_semaphore, #tpu.memory_space<semaphore_mem>>) src(%arg9 : memref<80x128xf32, #tpu.memory_space<vmem>>) dst(%dma_wait3A_143 : memref<10240x128xf32, #tpu.memory_space<vmem_shared>>)
      %dma_wait3A_144 = arith.constant 80 : i32
      %dma_wait3A_145 = tpu.memref_slice %arg6[%dma_wait3A_144] : memref<560xi32, #tpu.memory_space<vmem>> -> memref<80xi32, #tpu.memory_space<vmem>>
      %dma_wait3A_146 = arith.constant 0 : i32
      %dma_wait3A_147 = arith.constant 0 : i32
      %dma_wait3A_148 = tpu.memref_slice %arg2[%dma_wait3A_146, %dma_wait3A_147] : memref<10000x128xf32, #tpu.memory_space<hbm>> -> memref<10000x128xf32, #tpu.memory_space<hbm>>
      tpu.wait_indirect_dma semaphore(%arg13 : memref<!tpu.dma_semaphore, #tpu.memory_space<semaphore_mem>>) src(%dma_wait3A_148 : memref<10000x128xf32, #tpu.memory_space<hbm>>) dst(%arg10 : memref<80x128xf32, #tpu.memory_space<vmem>>)
      %dma_start3A_149 = arith.constant 160 : i32
      %dma_start3A_150 = tpu.memref_slice %arg6[%dma_start3A_149] : memref<560xi32, #tpu.memory_space<vmem>> -> memref<80xi32, #tpu.memory_space<vmem>>
      %dma_start3A_151 = arith.constant 0 : i32
      %dma_start3A_152 = arith.constant 0 : i32
      %dma_start3A_153 = tpu.memref_slice %arg2[%dma_start3A_151, %dma_start3A_152] : memref<10000x128xf32, #tpu.memory_space<hbm>> -> memref<10000x128xf32, #tpu.memory_space<hbm>>
      tpu.enqueue_indirect_dma source(%dma_start3A_153 : memref<10000x128xf32, #tpu.memory_space<hbm>>) target(%arg9 : memref<80x128xf32, #tpu.memory_space<vmem>>) offsets(%dma_start3A_150 : memref<80xi32, #tpu.memory_space<vmem>>) semaphore(%arg12 : memref<!tpu.dma_semaphore, #tpu.memory_space<semaphore_mem>>)
      %get3A_154 = arith.constant 80 : index
      %get3A_155 = tpu.vector_load %arg7[%get3A_154] {strides = array<i32>} : memref<480xi32, #tpu.memory_space<vmem>>, vector<16xi32>,
      %swap3A_156 = arith.constant 0 : index
      %swap3A_157 = tpu.vector_load %arg8[%swap3A_156] {strides = array<i32>} : memref<80xi32, #tpu.memory_space<vmem>>, vector<16xi32>,
      tpu.vector_store %arg8[%swap3A_156], %get3A_155 {strides = array<i32>} : memref<80xi32, #tpu.memory_space<vmem>>, vector<16xi32>,
      %get3A_158 = arith.constant 96 : index
      %get3A_159 = tpu.vector_load %arg7[%get3A_158] {strides = array<i32>} : memref<480xi32, #tpu.memory_space<vmem>>, vector<16xi32>,
      %swap3A_160 = arith.constant 16 : index
      %swap3A_161 = tpu.vector_load %arg8[%swap3A_160] {strides = array<i32>} : memref<80xi32, #tpu.memory_space<vmem>>, vector<16xi32>,
      tpu.vector_store %arg8[%swap3A_160], %get3A_159 {strides = array<i32>} : memref<80xi32, #tpu.memory_space<vmem>>, vector<16xi32>,
      %get3A_162 = arith.constant 112 : index
      %get3A_163 = tpu.vector_load %arg7[%get3A_162] {strides = array<i32>} : memref<480xi32, #tpu.memory_space<vmem>>, vector<16xi32>,
      %swap3A_164 = arith.constant 32 : index
      %swap3A_165 = tpu.vector_load %arg8[%swap3A_164] {strides = array<i32>} : memref<80xi32, #tpu.memory_space<vmem>>, vector<16xi32>,
      tpu.vector_store %arg8[%swap3A_164], %get3A_163 {strides = array<i32>} : memref<80xi32, #tpu.memory_space<vmem>>, vector<16xi32>,
      %get3A_166 = arith.constant 128 : index
      %get3A_167 = tpu.vector_load %arg7[%get3A_166] {strides = array<i32>} : memref<480xi32, #tpu.memory_space<vmem>>, vector<16xi32>,
      %swap3A_168 = arith.constant 48 : index
      %swap3A_169 = tpu.vector_load %arg8[%swap3A_168] {strides = array<i32>} : memref<80xi32, #tpu.memory_space<vmem>>, vector<16xi32>,
      tpu.vector_store %arg8[%swap3A_168], %get3A_167 {strides = array<i32>} : memref<80xi32, #tpu.memory_space<vmem>>, vector<16xi32>,
      %get3A_170 = arith.constant 144 : index
      %get3A_171 = tpu.vector_load %arg7[%get3A_170] {strides = array<i32>} : memref<480xi32, #tpu.memory_space<vmem>>, vector<16xi32>,
      %swap3A_172 = arith.constant 64 : index
      %swap3A_173 = tpu.vector_load %arg8[%swap3A_172] {strides = array<i32>} : memref<80xi32, #tpu.memory_space<vmem>>, vector<16xi32>,
      tpu.vector_store %arg8[%swap3A_172], %get3A_171 {strides = array<i32>} : memref<80xi32, #tpu.memory_space<vmem>>, vector<16xi32>,
      %dma_start3A_174 = arith.constant 0 : i32
      %dma_start3A_175 = arith.constant 0 : i32
      %dma_start3A_176 = tpu.memref_slice %arg11[%dma_start3A_174, %dma_start3A_175] : memref<10240x128xf32, #tpu.memory_space<vmem_shared>> -> memref<10240x128xf32, #tpu.memory_space<vmem_shared>>
      tpu.enqueue_indirect_dma source(%arg10 : memref<80x128xf32, #tpu.memory_space<vmem>>) target(%dma_start3A_176 : memref<10240x128xf32, #tpu.memory_space<vmem_shared>>) offsets(%arg8 : memref<80xi32, #tpu.memory_space<vmem>>) semaphore(%arg15 : memref<!tpu.dma_semaphore, #tpu.memory_space<semaphore_mem>>) {add = true}
      %dma_wait3A_177 = arith.constant 0 : i32
      %dma_wait3A_178 = arith.constant 0 : i32
      %dma_wait3A_179 = tpu.memref_slice %arg11[%dma_wait3A_177, %dma_wait3A_178] : memref<10240x128xf32, #tpu.memory_space<vmem_shared>> -> memref<10240x128xf32, #tpu.memory_space<vmem_shared>>
      tpu.wait_indirect_dma semaphore(%arg15 : memref<!tpu.dma_semaphore, #tpu.memory_space<semaphore_mem>>) src(%arg10 : memref<80x128xf32, #tpu.memory_space<vmem>>) dst(%dma_wait3A_179 : memref<10240x128xf32, #tpu.memory_space<vmem_shared>>)
      %dma_wait3A_180 = arith.constant 160 : i32
      %dma_wait3A_181 = tpu.memref_slice %arg6[%dma_wait3A_180] : memref<560xi32, #tpu.memory_space<vmem>> -> memref<80xi32, #tpu.memory_space<vmem>>
      %dma_wait3A_182 = arith.constant 0 : i32
      %dma_wait3A_183 = arith.constant 0 : i32
      %dma_wait3A_184 = tpu.memref_slice %arg2[%dma_wait3A_182, %dma_wait3A_183] : memref<10000x128xf32, #tpu.memory_space<hbm>> -> memref<10000x128xf32, #tpu.memory_space<hbm>>
      tpu.wait_indirect_dma semaphore(%arg12 : memref<!tpu.dma_semaphore, #tpu.memory_space<semaphore_mem>>) src(%dma_wait3A_184 : memref<10000x128xf32, #tpu.memory_space<hbm>>) dst(%arg9 : memref<80x128xf32, #tpu.memory_space<vmem>>)
      %dma_start3A_185 = arith.constant 240 : i32
      %dma_start3A_186 = tpu.memref_slice %arg6[%dma_start3A_185] : memref<560xi32, #tpu.memory_space<vmem>> -> memref<80xi32, #tpu.memory_space<vmem>>
      %dma_start3A_187 = arith.constant 0 : i32
      %dma_start3A_188 = arith.constant 0 : i32
      %dma_start3A_189 = tpu.memref_slice %arg2[%dma_start3A_187, %dma_start3A_188] : memref<10000x128xf32, #tpu.memory_space<hbm>> -> memref<10000x128xf32, #tpu.memory_space<hbm>>
      tpu.enqueue_indirect_dma source(%dma_start3A_189 : memref<10000x128xf32, #tpu.memory_space<hbm>>) target(%arg10 : memref<80x128xf32, #tpu.memory_space<vmem>>) offsets(%dma_start3A_186 : memref<80xi32, #tpu.memory_space<vmem>>) semaphore(%arg13 : memref<!tpu.dma_semaphore, #tpu.memory_space<semaphore_mem>>)
      %get3A_190 = arith.constant 160 : index
      %get3A_191 = tpu.vector_load %arg7[%get3A_190] {strides = array<i32>} : memref<480xi32, #tpu.memory_space<vmem>>, vector<16xi32>,
      %swap3A_192 = arith.constant 0 : index
      %swap3A_193 = tpu.vector_load %arg8[%swap3A_192] {strides = array<i32>} : memref<80xi32, #tpu.memory_space<vmem>>, vector<16xi32>,
      tpu.vector_store %arg8[%swap3A_192], %get3A_191 {strides = array<i32>} : memref<80xi32, #tpu.memory_space<vmem>>, vector<16xi32>,
      %get3A_194 = arith.constant 176 : index
      %get3A_195 = tpu.vector_load %arg7[%get3A_194] {strides = array<i32>} : memref<480xi32, #tpu.memory_space<vmem>>, vector<16xi32>,
      %swap3A_196 = arith.constant 16 : index
      %swap3A_197 = tpu.vector_load %arg8[%swap3A_196] {strides = array<i32>} : memref<80xi32, #tpu.memory_space<vmem>>, vector<16xi32>,
      tpu.vector_store %arg8[%swap3A_196], %get3A_195 {strides = array<i32>} : memref<80xi32, #tpu.memory_space<vmem>>, vector<16xi32>,
      %get3A_198 = arith.constant 192 : index
      %get3A_199 = tpu.vector_load %arg7[%get3A_198] {strides = array<i32>} : memref<480xi32, #tpu.memory_space<vmem>>, vector<16xi32>,
      %swap3A_200 = arith.constant 32 : index
      %swap3A_201 = tpu.vector_load %arg8[%swap3A_200] {strides = array<i32>} : memref<80xi32, #tpu.memory_space<vmem>>, vector<16xi32>,
      tpu.vector_store %arg8[%swap3A_200], %get3A_199 {strides = array<i32>} : memref<80xi32, #tpu.memory_space<vmem>>, vector<16xi32>,
      %get3A_202 = arith.constant 208 : index
      %get3A_203 = tpu.vector_load %arg7[%get3A_202] {strides = array<i32>} : memref<480xi32, #tpu.memory_space<vmem>>, vector<16xi32>,
      %swap3A_204 = arith.constant 48 : index
      %swap3A_205 = tpu.vector_load %arg8[%swap3A_204] {strides = array<i32>} : memref<80xi32, #tpu.memory_space<vmem>>, vector<16xi32>,
      tpu.vector_store %arg8[%swap3A_204], %get3A_203 {strides = array<i32>} : memref<80xi32, #tpu.memory_space<vmem>>, vector<16xi32>,
      %get3A_206 = arith.constant 224 : index
      %get3A_207 = tpu.vector_load %arg7[%get3A_206] {strides = array<i32>} : memref<480xi32, #tpu.memory_space<vmem>>, vector<16xi32>,
      %swap3A_208 = arith.constant 64 : index
      %swap3A_209 = tpu.vector_load %arg8[%swap3A_208] {strides = array<i32>} : memref<80xi32, #tpu.memory_space<vmem>>, vector<16xi32>,
      tpu.vector_store %arg8[%swap3A_208], %get3A_207 {strides = array<i32>} : memref<80xi32, #tpu.memory_space<vmem>>, vector<16xi32>,
      %dma_start3A_210 = arith.constant 0 : i32
      %dma_start3A_211 = arith.constant 0 : i32
      %dma_start3A_212 = tpu.memref_slice %arg11[%dma_start3A_210, %dma_start3A_211] : memref<10240x128xf32, #tpu.memory_space<vmem_shared>> -> memref<10240x128xf32, #tpu.memory_space<vmem_shared>>
      tpu.enqueue_indirect_dma source(%arg9 : memref<80x128xf32, #tpu.memory_space<vmem>>) target(%dma_start3A_212 : memref<10240x128xf32, #tpu.memory_space<vmem_shared>>) offsets(%arg8 : memref<80xi32, #tpu.memory_space<vmem>>) semaphore(%arg15 : memref<!tpu.dma_semaphore, #tpu.memory_space<semaphore_mem>>) {add = true}
      %dma_wait3A_213 = arith.constant 0 : i32
      %dma_wait3A_214 = arith.constant 0 : i32
      %dma_wait3A_215 = tpu.memref_slice %arg11[%dma_wait3A_213, %dma_wait3A_214] : memref<10240x128xf32, #tpu.memory_space<vmem_shared>> -> memref<10240x128xf32, #tpu.memory_space<vmem_shared>>
      tpu.wait_indirect_dma semaphore(%arg15 : memref<!tpu.dma_semaphore, #tpu.memory_space<semaphore_mem>>) src(%arg9 : memref<80x128xf32, #tpu.memory_space<vmem>>) dst(%dma_wait3A_215 : memref<10240x128xf32, #tpu.memory_space<vmem_shared>>)
      %dma_wait3A_216 = arith.constant 240 : i32
      %dma_wait3A_217 = tpu.memref_slice %arg6[%dma_wait3A_216] : memref<560xi32, #tpu.memory_space<vmem>> -> memref<80xi32, #tpu.memory_space<vmem>>
      %dma_wait3A_218 = arith.constant 0 : i32
      %dma_wait3A_219 = arith.constant 0 : i32
      %dma_wait3A_220 = tpu.memref_slice %arg2[%dma_wait3A_218, %dma_wait3A_219] : memref<10000x128xf32, #tpu.memory_space<hbm>> -> memref<10000x128xf32, #tpu.memory_space<hbm>>
      tpu.wait_indirect_dma semaphore(%arg13 : memref<!tpu.dma_semaphore, #tpu.memory_space<semaphore_mem>>) src(%dma_wait3A_220 : memref<10000x128xf32, #tpu.memory_space<hbm>>) dst(%arg10 : memref<80x128xf32, #tpu.memory_space<vmem>>)
      %dma_start3A_221 = arith.constant 320 : i32
      %dma_start3A_222 = tpu.memref_slice %arg6[%dma_start3A_221] : memref<560xi32, #tpu.memory_space<vmem>> -> memref<80xi32, #tpu.memory_space<vmem>>
      %dma_start3A_223 = arith.constant 0 : i32
      %dma_start3A_224 = arith.constant 0 : i32
      %dma_start3A_225 = tpu.memref_slice %arg2[%dma_start3A_223, %dma_start3A_224] : memref<10000x128xf32, #tpu.memory_space<hbm>> -> memref<10000x128xf32, #tpu.memory_space<hbm>>
      tpu.enqueue_indirect_dma source(%dma_start3A_225 : memref<10000x128xf32, #tpu.memory_space<hbm>>) target(%arg9 : memref<80x128xf32, #tpu.memory_space<vmem>>) offsets(%dma_start3A_222 : memref<80xi32, #tpu.memory_space<vmem>>) semaphore(%arg12 : memref<!tpu.dma_semaphore, #tpu.memory_space<semaphore_mem>>)
      %get3A_226 = arith.constant 240 : index
      %get3A_227 = tpu.vector_load %arg7[%get3A_226] {strides = array<i32>} : memref<480xi32, #tpu.memory_space<vmem>>, vector<16xi32>,
      %swap3A_228 = arith.constant 0 : index
      %swap3A_229 = tpu.vector_load %arg8[%swap3A_228] {strides = array<i32>} : memref<80xi32, #tpu.memory_space<vmem>>, vector<16xi32>,
      tpu.vector_store %arg8[%swap3A_228], %get3A_227 {strides = array<i32>} : memref<80xi32, #tpu.memory_space<vmem>>, vector<16xi32>,
      %get3A_230 = arith.constant 256 : index
      %get3A_231 = tpu.vector_load %arg7[%get3A_230] {strides = array<i32>} : memref<480xi32, #tpu.memory_space<vmem>>, vector<16xi32>,
      %swap3A_232 = arith.constant 16 : index
      %swap3A_233 = tpu.vector_load %arg8[%swap3A_232] {strides = array<i32>} : memref<80xi32, #tpu.memory_space<vmem>>, vector<16xi32>,
      tpu.vector_store %arg8[%swap3A_232], %get3A_231 {strides = array<i32>} : memref<80xi32, #tpu.memory_space<vmem>>, vector<16xi32>,
      %get3A_234 = arith.constant 272 : index
      %get3A_235 = tpu.vector_load %arg7[%get3A_234] {strides = array<i32>} : memref<480xi32, #tpu.memory_space<vmem>>, vector<16xi32>,
      %swap3A_236 = arith.constant 32 : index
      %swap3A_237 = tpu.vector_load %arg8[%swap3A_236] {strides = array<i32>} : memref<80xi32, #tpu.memory_space<vmem>>, vector<16xi32>,
      tpu.vector_store %arg8[%swap3A_236], %get3A_235 {strides = array<i32>} : memref<80xi32, #tpu.memory_space<vmem>>, vector<16xi32>,
      %get3A_238 = arith.constant 288 : index
      %get3A_239 = tpu.vector_load %arg7[%get3A_238] {strides = array<i32>} : memref<480xi32, #tpu.memory_space<vmem>>, vector<16xi32>,
      %swap3A_240 = arith.constant 48 : index
      %swap3A_241 = tpu.vector_load %arg8[%swap3A_240] {strides = array<i32>} : memref<80xi32, #tpu.memory_space<vmem>>, vector<16xi32>,
      tpu.vector_store %arg8[%swap3A_240], %get3A_239 {strides = array<i32>} : memref<80xi32, #tpu.memory_space<vmem>>, vector<16xi32>,
      %get3A_242 = arith.constant 304 : index
      %get3A_243 = tpu.vector_load %arg7[%get3A_242] {strides = array<i32>} : memref<480xi32, #tpu.memory_space<vmem>>, vector<16xi32>,
      %swap3A_244 = arith.constant 64 : index
      %swap3A_245 = tpu.vector_load %arg8[%swap3A_244] {strides = array<i32>} : memref<80xi32, #tpu.memory_space<vmem>>, vector<16xi32>,
      tpu.vector_store %arg8[%swap3A_244], %get3A_243 {strides = array<i32>} : memref<80xi32, #tpu.memory_space<vmem>>, vector<16xi32>,
      %dma_start3A_246 = arith.constant 0 : i32
      %dma_start3A_247 = arith.constant 0 : i32
      %dma_start3A_248 = tpu.memref_slice %arg11[%dma_start3A_246, %dma_start3A_247] : memref<10240x128xf32, #tpu.memory_space<vmem_shared>> -> memref<10240x128xf32, #tpu.memory_space<vmem_shared>>
      tpu.enqueue_indirect_dma source(%arg10 : memref<80x128xf32, #tpu.memory_space<vmem>>) target(%dma_start3A_248 : memref<10240x128xf32, #tpu.memory_space<vmem_shared>>) offsets(%arg8 : memref<80xi32, #tpu.memory_space<vmem>>) semaphore(%arg15 : memref<!tpu.dma_semaphore, #tpu.memory_space<semaphore_mem>>) {add = true}
      %dma_wait3A_249 = arith.constant 0 : i32
      %dma_wait3A_250 = arith.constant 0 : i32
      %dma_wait3A_251 = tpu.memref_slice %arg11[%dma_wait3A_249, %dma_wait3A_250] : memref<10240x128xf32, #tpu.memory_space<vmem_shared>> -> memref<10240x128xf32, #tpu.memory_space<vmem_shared>>
      tpu.wait_indirect_dma semaphore(%arg15 : memref<!tpu.dma_semaphore, #tpu.memory_space<semaphore_mem>>) src(%arg10 : memref<80x128xf32, #tpu.memory_space<vmem>>) dst(%dma_wait3A_251 : memref<10240x128xf32, #tpu.memory_space<vmem_shared>>)
      %dma_wait3A_252 = arith.constant 320 : i32
      %dma_wait3A_253 = tpu.memref_slice %arg6[%dma_wait3A_252] : memref<560xi32, #tpu.memory_space<vmem>> -> memref<80xi32, #tpu.memory_space<vmem>>
      %dma_wait3A_254 = arith.constant 0 : i32
      %dma_wait3A_255 = arith.constant 0 : i32
      %dma_wait3A_256 = tpu.memref_slice %arg2[%dma_wait3A_254, %dma_wait3A_255] : memref<10000x128xf32, #tpu.memory_space<hbm>> -> memref<10000x128xf32, #tpu.memory_space<hbm>>
      tpu.wait_indirect_dma semaphore(%arg12 : memref<!tpu.dma_semaphore, #tpu.memory_space<semaphore_mem>>) src(%dma_wait3A_256 : memref<10000x128xf32, #tpu.memory_space<hbm>>) dst(%arg9 : memref<80x128xf32, #tpu.memory_space<vmem>>)
      %dma_start3A_257 = arith.constant 400 : i32
      %dma_start3A_258 = tpu.memref_slice %arg6[%dma_start3A_257] : memref<560xi32, #tpu.memory_space<vmem>> -> memref<80xi32, #tpu.memory_space<vmem>>
      %dma_start3A_259 = arith.constant 0 : i32
      %dma_start3A_260 = arith.constant 0 : i32
      %dma_start3A_261 = tpu.memref_slice %arg2[%dma_start3A_259, %dma_start3A_260] : memref<10000x128xf32, #tpu.memory_space<hbm>> -> memref<10000x128xf32, #tpu.memory_space<hbm>>
      tpu.enqueue_indirect_dma source(%dma_start3A_261 : memref<10000x128xf32, #tpu.memory_space<hbm>>) target(%arg10 : memref<80x128xf32, #tpu.memory_space<vmem>>) offsets(%dma_start3A_258 : memref<80xi32, #tpu.memory_space<vmem>>) semaphore(%arg13 : memref<!tpu.dma_semaphore, #tpu.memory_space<semaphore_mem>>)
      %get3A_262 = arith.constant 320 : index
      %get3A_263 = tpu.vector_load %arg7[%get3A_262] {strides = array<i32>} : memref<480xi32, #tpu.memory_space<vmem>>, vector<16xi32>,
      %swap3A_264 = arith.constant 0 : index
      %swap3A_265 = tpu.vector_load %arg8[%swap3A_264] {strides = array<i32>} : memref<80xi32, #tpu.memory_space<vmem>>, vector<16xi32>,
      tpu.vector_store %arg8[%swap3A_264], %get3A_263 {strides = array<i32>} : memref<80xi32, #tpu.memory_space<vmem>>, vector<16xi32>,
      %get3A_266 = arith.constant 336 : index
      %get3A_267 = tpu.vector_load %arg7[%get3A_266] {strides = array<i32>} : memref<480xi32, #tpu.memory_space<vmem>>, vector<16xi32>,
      %swap3A_268 = arith.constant 16 : index
      %swap3A_269 = tpu.vector_load %arg8[%swap3A_268] {strides = array<i32>} : memref<80xi32, #tpu.memory_space<vmem>>, vector<16xi32>,
      tpu.vector_store %arg8[%swap3A_268], %get3A_267 {strides = array<i32>} : memref<80xi32, #tpu.memory_space<vmem>>, vector<16xi32>,
      %get3A_270 = arith.constant 352 : index
      %get3A_271 = tpu.vector_load %arg7[%get3A_270] {strides = array<i32>} : memref<480xi32, #tpu.memory_space<vmem>>, vector<16xi32>,
      %swap3A_272 = arith.constant 32 : index
      %swap3A_273 = tpu.vector_load %arg8[%swap3A_272] {strides = array<i32>} : memref<80xi32, #tpu.memory_space<vmem>>, vector<16xi32>,
      tpu.vector_store %arg8[%swap3A_272], %get3A_271 {strides = array<i32>} : memref<80xi32, #tpu.memory_space<vmem>>, vector<16xi32>,
      %get3A_274 = arith.constant 368 : index
      %get3A_275 = tpu.vector_load %arg7[%get3A_274] {strides = array<i32>} : memref<480xi32, #tpu.memory_space<vmem>>, vector<16xi32>,
      %swap3A_276 = arith.constant 48 : index
      %swap3A_277 = tpu.vector_load %arg8[%swap3A_276] {strides = array<i32>} : memref<80xi32, #tpu.memory_space<vmem>>, vector<16xi32>,
      tpu.vector_store %arg8[%swap3A_276], %get3A_275 {strides = array<i32>} : memref<80xi32, #tpu.memory_space<vmem>>, vector<16xi32>,
      %get3A_278 = arith.constant 384 : index
      %get3A_279 = tpu.vector_load %arg7[%get3A_278] {strides = array<i32>} : memref<480xi32, #tpu.memory_space<vmem>>, vector<16xi32>,
      %swap3A_280 = arith.constant 64 : index
      %swap3A_281 = tpu.vector_load %arg8[%swap3A_280] {strides = array<i32>} : memref<80xi32, #tpu.memory_space<vmem>>, vector<16xi32>,
      tpu.vector_store %arg8[%swap3A_280], %get3A_279 {strides = array<i32>} : memref<80xi32, #tpu.memory_space<vmem>>, vector<16xi32>,
      %dma_start3A_282 = arith.constant 0 : i32
      %dma_start3A_283 = arith.constant 0 : i32
      %dma_start3A_284 = tpu.memref_slice %arg11[%dma_start3A_282, %dma_start3A_283] : memref<10240x128xf32, #tpu.memory_space<vmem_shared>> -> memref<10240x128xf32, #tpu.memory_space<vmem_shared>>
      tpu.enqueue_indirect_dma source(%arg9 : memref<80x128xf32, #tpu.memory_space<vmem>>) target(%dma_start3A_284 : memref<10240x128xf32, #tpu.memory_space<vmem_shared>>) offsets(%arg8 : memref<80xi32, #tpu.memory_space<vmem>>) semaphore(%arg15 : memref<!tpu.dma_semaphore, #tpu.memory_space<semaphore_mem>>) {add = true}
      %dma_wait3A_285 = arith.constant 0 : i32
      %dma_wait3A_286 = arith.constant 0 : i32
      %dma_wait3A_287 = tpu.memref_slice %arg11[%dma_wait3A_285, %dma_wait3A_286] : memref<10240x128xf32, #tpu.memory_space<vmem_shared>> -> memref<10240x128xf32, #tpu.memory_space<vmem_shared>>
      tpu.wait_indirect_dma semaphore(%arg15 : memref<!tpu.dma_semaphore, #tpu.memory_space<semaphore_mem>>) src(%arg9 : memref<80x128xf32, #tpu.memory_space<vmem>>) dst(%dma_wait3A_287 : memref<10240x128xf32, #tpu.memory_space<vmem_shared>>)
      %dma_wait3A_288 = arith.constant 400 : i32
      %dma_wait3A_289 = tpu.memref_slice %arg6[%dma_wait3A_288] : memref<560xi32, #tpu.memory_space<vmem>> -> memref<80xi32, #tpu.memory_space<vmem>>
      %dma_wait3A_290 = arith.constant 0 : i32
      %dma_wait3A_291 = arith.constant 0 : i32
      %dma_wait3A_292 = tpu.memref_slice %arg2[%dma_wait3A_290, %dma_wait3A_291] : memref<10000x128xf32, #tpu.memory_space<hbm>> -> memref<10000x128xf32, #tpu.memory_space<hbm>>
      tpu.wait_indirect_dma semaphore(%arg13 : memref<!tpu.dma_semaphore, #tpu.memory_space<semaphore_mem>>) src(%dma_wait3A_292 : memref<10000x128xf32, #tpu.memory_space<hbm>>) dst(%arg10 : memref<80x128xf32, #tpu.memory_space<vmem>>)
      %lt3A = arith.constant 20 : i32
      %lt3A_293 = arith.cmpi slt, %scan3A_105, %lt3A : i32
      %convert_element_type3A = arith.extui %lt3A_293 : i1 to i32
      %cond3A = arith.constant 0 : i32
      %cond3A_294 = arith.cmpi ne, %convert_element_type3A, %cond3A : i32
      scf.if %cond3A_294 {
        %add3A_322 = arith.constant 1 : i32
        %add3A_323 = arith.addi %scan3A_105, %add3A_322 : i32
        %mul3A_324 = arith.constant 480 : i32
        %mul3A_325 = arith.muli %add3A_323, %mul3A_324 : i32
        %add3A_326 = arith.addi %mul3A_91, %mul3A_325 : i32
        %multiple_of3A_327 = tpu.assume_multiple %add3A_326, 8 : i32
        "tpu.region"() ({
          %run_scoped3A = tpu.sem_alloc : memref<!tpu.dma_semaphore, #tpu.memory_space<semaphore_mem>>
          %dma_start3A_333 = arith.constant 480 : i32
          %dma_start3A_334 = tpu.memref_slice %arg6[%dma_start3A_333] : memref<560xi32, #tpu.memory_space<vmem>> -> memref<80xi32, #tpu.memory_space<vmem>>
          %dma_start3A_335 = tpu.memref_slice %arg3[%multiple_of3A_327] : memref<322560xi32, #tpu.memory_space<hbm>> -> memref<80xi32, #tpu.memory_space<hbm>>
          %dma_start3A_336 = arith.constant 480 : i32
          %dma_start3A_337 = tpu.memref_slice %arg6[%dma_start3A_336] : memref<560xi32, #tpu.memory_space<vmem>> -> memref<80xi32, #tpu.memory_space<vmem>>
          %dma_start3A_338 = tpu.memref_slice %arg3[%multiple_of3A_327] : memref<322560xi32, #tpu.memory_space<hbm>> -> memref<80xi32, #tpu.memory_space<hbm>>
          tpu.enqueue_dma source(%dma_start3A_338 : memref<80xi32, #tpu.memory_space<hbm>>) target(%dma_start3A_337 : memref<80xi32, #tpu.memory_space<vmem>>) target_semaphore(%run_scoped3A : memref<!tpu.dma_semaphore, #tpu.memory_space<semaphore_mem>>)
          %dma_wait3A_339 = arith.constant 480 : i32
          %dma_wait3A_340 = tpu.memref_slice %arg6[%dma_wait3A_339] : memref<560xi32, #tpu.memory_space<vmem>> -> memref<80xi32, #tpu.memory_space<vmem>>
          %dma_wait3A_341 = tpu.memref_slice %arg3[%multiple_of3A_327] : memref<322560xi32, #tpu.memory_space<hbm>> -> memref<80xi32, #tpu.memory_space<hbm>>
          %dma_wait3A_342 = arith.constant 480 : i32
          %dma_wait3A_343 = tpu.memref_slice %arg6[%dma_wait3A_342] : memref<560xi32, #tpu.memory_space<vmem>> -> memref<80xi32, #tpu.memory_space<vmem>>
          %dma_wait3A_344 = tpu.memref_slice %arg3[%multiple_of3A_327] : memref<322560xi32, #tpu.memory_space<hbm>> -> memref<80xi32, #tpu.memory_space<hbm>>
          tpu.wait_dma2 semaphore(%run_scoped3A : memref<!tpu.dma_semaphore, #tpu.memory_space<semaphore_mem>>) src(%dma_wait3A_344 : memref<80xi32, #tpu.memory_space<hbm>>) dst(%dma_wait3A_343 : memref<80xi32, #tpu.memory_space<vmem>>)
          tpu.yield
        }) : () -> ()
        %dma_start3A_328 = arith.constant 480 : i32
        %dma_start3A_329 = tpu.memref_slice %arg6[%dma_start3A_328] : memref<560xi32, #tpu.memory_space<vmem>> -> memref<80xi32, #tpu.memory_space<vmem>>
        %dma_start3A_330 = arith.constant 0 : i32
        %dma_start3A_331 = arith.constant 0 : i32
        %dma_start3A_332 = tpu.memref_slice %arg2[%dma_start3A_330, %dma_start3A_331] : memref<10000x128xf32, #tpu.memory_space<hbm>> -> memref<10000x128xf32, #tpu.memory_space<hbm>>
        tpu.enqueue_indirect_dma source(%dma_start3A_332 : memref<10000x128xf32, #tpu.memory_space<hbm>>) target(%arg9 : memref<80x128xf32, #tpu.memory_space<vmem>>) offsets(%dma_start3A_329 : memref<80xi32, #tpu.memory_space<vmem>>) semaphore(%arg12 : memref<!tpu.dma_semaphore, #tpu.memory_space<semaphore_mem>>)
      } else {
      }
      %get3A_295 = arith.constant 400 : index
      %get3A_296 = tpu.vector_load %arg7[%get3A_295] {strides = array<i32>} : memref<480xi32, #tpu.memory_space<vmem>>, vector<16xi32>,
      %swap3A_297 = arith.constant 0 : index
      %swap3A_298 = tpu.vector_load %arg8[%swap3A_297] {strides = array<i32>} : memref<80xi32, #tpu.memory_space<vmem>>, vector<16xi32>,
      tpu.vector_store %arg8[%swap3A_297], %get3A_296 {strides = array<i32>} : memref<80xi32, #tpu.memory_space<vmem>>, vector<16xi32>,
      %get3A_299 = arith.constant 416 : index
      %get3A_300 = tpu.vector_load %arg7[%get3A_299] {strides = array<i32>} : memref<480xi32, #tpu.memory_space<vmem>>, vector<16xi32>,
      %swap3A_301 = arith.constant 16 : index
      %swap3A_302 = tpu.vector_load %arg8[%swap3A_301] {strides = array<i32>} : memref<80xi32, #tpu.memory_space<vmem>>, vector<16xi32>,
      tpu.vector_store %arg8[%swap3A_301], %get3A_300 {strides = array<i32>} : memref<80xi32, #tpu.memory_space<vmem>>, vector<16xi32>,
      %get3A_303 = arith.constant 432 : index
      %get3A_304 = tpu.vector_load %arg7[%get3A_303] {strides = array<i32>} : memref<480xi32, #tpu.memory_space<vmem>>, vector<16xi32>,
      %swap3A_305 = arith.constant 32 : index
      %swap3A_306 = tpu.vector_load %arg8[%swap3A_305] {strides = array<i32>} : memref<80xi32, #tpu.memory_space<vmem>>, vector<16xi32>,
      tpu.vector_store %arg8[%swap3A_305], %get3A_304 {strides = array<i32>} : memref<80xi32, #tpu.memory_space<vmem>>, vector<16xi32>,
      %get3A_307 = arith.constant 448 : index
      %get3A_308 = tpu.vector_load %arg7[%get3A_307] {strides = array<i32>} : memref<480xi32, #tpu.memory_space<vmem>>, vector<16xi32>,
      %swap3A_309 = arith.constant 48 : index
      %swap3A_310 = tpu.vector_load %arg8[%swap3A_309] {strides = array<i32>} : memref<80xi32, #tpu.memory_space<vmem>>, vector<16xi32>,
      tpu.vector_store %arg8[%swap3A_309], %get3A_308 {strides = array<i32>} : memref<80xi32, #tpu.memory_space<vmem>>, vector<16xi32>,
      %get3A_311 = arith.constant 464 : index
      %get3A_312 = tpu.vector_load %arg7[%get3A_311] {strides = array<i32>} : memref<480xi32, #tpu.memory_space<vmem>>, vector<16xi32>,
      %swap3A_313 = arith.constant 64 : index
      %swap3A_314 = tpu.vector_load %arg8[%swap3A_313] {strides = array<i32>} : memref<80xi32, #tpu.memory_space<vmem>>, vector<16xi32>,
      tpu.vector_store %arg8[%swap3A_313], %get3A_312 {strides = array<i32>} : memref<80xi32, #tpu.memory_space<vmem>>, vector<16xi32>,
      %dma_start3A_315 = arith.constant 0 : i32
      %dma_start3A_316 = arith.constant 0 : i32
      %dma_start3A_317 = tpu.memref_slice %arg11[%dma_start3A_315, %dma_start3A_316] : memref<10240x128xf32, #tpu.memory_space<vmem_shared>> -> memref<10240x128xf32, #tpu.memory_space<vmem_shared>>
      tpu.enqueue_indirect_dma source(%arg10 : memref<80x128xf32, #tpu.memory_space<vmem>>) target(%dma_start3A_317 : memref<10240x128xf32, #tpu.memory_space<vmem_shared>>) offsets(%arg8 : memref<80xi32, #tpu.memory_space<vmem>>) semaphore(%arg15 : memref<!tpu.dma_semaphore, #tpu.memory_space<semaphore_mem>>) {add = true}
      %dma_wait3A_318 = arith.constant 0 : i32
      %dma_wait3A_319 = arith.constant 0 : i32
      %dma_wait3A_320 = tpu.memref_slice %arg11[%dma_wait3A_318, %dma_wait3A_319] : memref<10240x128xf32, #tpu.memory_space<vmem_shared>> -> memref<10240x128xf32, #tpu.memory_space<vmem_shared>>
      tpu.wait_indirect_dma semaphore(%arg15 : memref<!tpu.dma_semaphore, #tpu.memory_space<semaphore_mem>>) src(%arg10 : memref<80x128xf32, #tpu.memory_space<vmem>>) dst(%dma_wait3A_320 : memref<10240x128xf32, #tpu.memory_space<vmem_shared>>)
      %scan3A_321 = arith.constant 0 : i32
      scf.yield %scan3A_321 : i32
    }
    %scan3A_103 = arith.constant 21 : i32
    %barrier3A_104 = arith.constant 0 : index
    tpu.barrier barrier_id(%barrier3A_104)
    "tpu.region"() ({
      %run_scoped3A = tpu.sem_alloc : memref<!tpu.dma_semaphore, #tpu.memory_space<semaphore_mem>>
      %dma_start3A_105 = arith.constant 0 : i32
      %dma_start3A_106 = tpu.memref_slice %arg5[%arg0, %mul3A_9, %dma_start3A_105] : memref<2x10240x128xf32, #tpu.memory_space<hbm>> -> memref<1x640x128xf32, #tpu.memory_space<hbm>>
      %dma_start3A_107 = tpu.memref_squeeze %dma_start3A_106 : memref<1x640x128xf32, #tpu.memory_space<hbm>> -> memref<640x128xf32, #tpu.memory_space<hbm>>
      %dma_start3A_108 = arith.constant 0 : i32
      %dma_start3A_109 = tpu.memref_slice %arg11[%mul3A_9, %dma_start3A_108] : memref<10240x128xf32, #tpu.memory_space<vmem_shared>> -> memref<640x128xf32, #tpu.memory_space<vmem_shared>>
      tpu.enqueue_dma source(%dma_start3A_109 : memref<640x128xf32, #tpu.memory_space<vmem_shared>>) target(%dma_start3A_107 : memref<640x128xf32, #tpu.memory_space<hbm>>) target_semaphore(%run_scoped3A : memref<!tpu.dma_semaphore, #tpu.memory_space<semaphore_mem>>)
      %dma_wait3A_110 = arith.constant 0 : i32
      %dma_wait3A_111 = tpu.memref_slice %arg5[%arg0, %mul3A_9, %dma_wait3A_110] : memref<2x10240x128xf32, #tpu.memory_space<hbm>> -> memref<1x640x128xf32, #tpu.memory_space<hbm>>
      %dma_wait3A_112 = tpu.memref_squeeze %dma_wait3A_111 : memref<1x640x128xf32, #tpu.memory_space<hbm>> -> memref<640x128xf32, #tpu.memory_space<hbm>>
      %dma_wait3A_113 = arith.constant 0 : i32
      %dma_wait3A_114 = tpu.memref_slice %arg11[%mul3A_9, %dma_wait3A_113] : memref<10240x128xf32, #tpu.memory_space<vmem_shared>> -> memref<640x128xf32, #tpu.memory_space<vmem_shared>>
      tpu.wait_dma2 semaphore(%run_scoped3A : memref<!tpu.dma_semaphore, #tpu.memory_space<semaphore_mem>>) src(%dma_wait3A_114 : memref<640x128xf32, #tpu.memory_space<vmem_shared>>) dst(%dma_wait3A_112 : memref<640x128xf32, #tpu.memory_space<hbm>>)
      tpu.yield
    }) : () -> ()
    return
  }
}

module attributes {stable_mosaic.version = 14 : i64} {
  func.func @_tc_layer_body(%arg0: i32, %arg1: memref<2x1000x128xf32, #tpu.memory_space<vmem>>, %arg2: memref<2x1000x1xf32, #tpu.memory_space<vmem>>, %arg3: memref<1000x128xf32, #tpu.memory_space<vmem>>, %arg4: memref<128x128xf32, #tpu.memory_space<vmem>>, %arg5: memref<1x128xf32, #tpu.memory_space<vmem>>, %arg6: memref<128x128xf32, #tpu.memory_space<vmem>>, %arg7: memref<1000x128xf32, #tpu.memory_space<vmem>>) attributes {dimension_semantics = [#tpu.dimension_semantics<arbitrary>], iteration_bounds = array<i64: 10>, scalar_prefetch = 0 : i64, scratch_operands = 0 : i64, tpu.core_type = #tpu.core_type<tc>, window_params = [{transform_indices = @transform_0, window_bounds = array<i64: 2, 1000, 128>}, {transform_indices = @transform_1, window_bounds = array<i64: 2, 1000, 1>}, {transform_indices = @transform_2, window_bounds = array<i64: 1000, 128>}, {pipeline_mode = #tpu.pipeline_mode<synchronous>, transform_indices = @transform_3, window_bounds = array<i64: 128, 128>}, {pipeline_mode = #tpu.pipeline_mode<synchronous>, transform_indices = @transform_4, window_bounds = array<i64: 1, 128>}, {pipeline_mode = #tpu.pipeline_mode<synchronous>, transform_indices = @transform_5, window_bounds = array<i64: 128, 128>}, {transform_indices = @transform_6, window_bounds = array<i64: 1000, 128>}]} {
    %get3A = arith.constant 0 : index
    %get3A_0 = arith.constant 0 : index
    %get3A_1 = arith.constant 0 : index
    %get3A_2 = vector.load %arg1[%get3A, %get3A_0, %get3A_1] : memref<2x1000x128xf32, #tpu.memory_space<vmem>>, vector<1x1000x128xf32>
    %get3A_3 = vector.shape_cast %get3A_2 : vector<1x1000x128xf32> to vector<1000x128xf32>
    %get3A_4 = arith.constant 1 : index
    %get3A_5 = arith.constant 0 : index
    %get3A_6 = arith.constant 0 : index
    %get3A_7 = vector.load %arg1[%get3A_4, %get3A_5, %get3A_6] : memref<2x1000x128xf32, #tpu.memory_space<vmem>>, vector<1x1000x128xf32>
    %get3A_8 = vector.shape_cast %get3A_7 : vector<1x1000x128xf32> to vector<1000x128xf32>
    %add3A = arith.addf %get3A_3, %get3A_8 : vector<1000x128xf32>
    %get3A_9 = arith.constant 0 : index
    %get3A_10 = arith.constant 0 : index
    %get3A_11 = arith.constant 0 : index
    %get3A_12 = vector.load %arg2[%get3A_9, %get3A_10, %get3A_11] : memref<2x1000x1xf32, #tpu.memory_space<vmem>>, vector<1x1000x1xf32>
    %get3A_13 = vector.shape_cast %get3A_12 : vector<1x1000x1xf32> to vector<1000x1xf32>
    %get3A_14 = arith.constant 1 : index
    %get3A_15 = arith.constant 0 : index
    %get3A_16 = arith.constant 0 : index
    %get3A_17 = vector.load %arg2[%get3A_14, %get3A_15, %get3A_16] : memref<2x1000x1xf32, #tpu.memory_space<vmem>>, vector<1x1000x1xf32>
    %get3A_18 = vector.shape_cast %get3A_17 : vector<1x1000x1xf32> to vector<1000x1xf32>
    %add3A_19 = arith.addf %get3A_13, %get3A_18 : vector<1000x1xf32>
    %max3A = arith.constant 1.000000e+00 : f32
    %max3A_20 = vector.broadcast %max3A : f32 to vector<1000x1xf32>
    %max3A_21 = arith.maximumf %add3A_19, %max3A_20 : vector<1000x1xf32>
    %div3A = vector.broadcast %max3A_21 : vector<1000x1xf32> to vector<1000x128xf32>
    %div3A_22 = arith.divf %add3A, %div3A : vector<1000x128xf32>
    %get3A_23 = arith.constant 0 : index
    %get3A_24 = arith.constant 0 : index
    %get3A_25 = vector.load %arg4[%get3A_23, %get3A_24] : memref<128x128xf32, #tpu.memory_space<vmem>>, vector<128x128xf32>
    %dot_general3A = arith.constant dense<0.000000e+00> : vector<1000x128xf32>
    %dot_general3A_26 = tpu.matmul %div3A_22, %get3A_25, %dot_general3A {dimension_numbers = #tpu.dot_dimension_numbers<[1], [0], [0], [1], [0, 0, 1, 1], [], []>, transpose_lhs_hint = false} : vector<1000x128xf32>, vector<128x128xf32>, vector<1000x128xf32> -> vector<1000x128xf32>
    %get3A_27 = arith.constant 0 : index
    %get3A_28 = arith.constant 0 : index
    %get3A_29 = vector.load %arg5[%get3A_27, %get3A_28] : memref<1x128xf32, #tpu.memory_space<vmem>>, vector<1x128xf32>
    %add3A_30 = vector.broadcast %get3A_29 : vector<1x128xf32> to vector<1000x128xf32>
    %add3A_31 = arith.addf %dot_general3A_26, %add3A_30 : vector<1000x128xf32>
    %get3A_32 = arith.constant 0 : index
    %get3A_33 = arith.constant 0 : index
    %get3A_34 = vector.load %arg3[%get3A_32, %get3A_33] : memref<1000x128xf32, #tpu.memory_space<vmem>>, vector<1000x128xf32>
    %get3A_35 = arith.constant 0 : index
    %get3A_36 = arith.constant 0 : index
    %get3A_37 = vector.load %arg6[%get3A_35, %get3A_36] : memref<128x128xf32, #tpu.memory_space<vmem>>, vector<128x128xf32>
    %dot_general3A_38 = arith.constant dense<0.000000e+00> : vector<1000x128xf32>
    %dot_general3A_39 = tpu.matmul %get3A_34, %get3A_37, %dot_general3A_38 {dimension_numbers = #tpu.dot_dimension_numbers<[1], [0], [0], [1], [0, 0, 1, 1], [], []>, transpose_lhs_hint = false} : vector<1000x128xf32>, vector<128x128xf32>, vector<1000x128xf32> -> vector<1000x128xf32>
    %add3A_40 = arith.addf %add3A_31, %dot_general3A_39 : vector<1000x128xf32>
    %mul3A = arith.mulf %add3A_40, %add3A_40 : vector<1000x128xf32>
    %reduce_sum3A = arith.constant dense<0.000000e+00> : vector<1000xf32>
    %reduce_sum3A_41 = vector.multi_reduction <add>, %mul3A, %reduce_sum3A [1] : vector<1000x128xf32> to vector<1000xf32>
    %broadcast_in_dim3A = vector.shape_cast %reduce_sum3A_41 : vector<1000xf32> to vector<1000x1xf32>
    %sqrt3A = math.sqrt %broadcast_in_dim3A : vector<1000x1xf32>
    %max3A_42 = arith.constant 9.99999996E-13 : f32
    %max3A_43 = vector.broadcast %max3A_42 : f32 to vector<1000x1xf32>
    %max3A_44 = arith.maximumf %sqrt3A, %max3A_43 : vector<1000x1xf32>
    %div3A_45 = vector.broadcast %max3A_44 : vector<1000x1xf32> to vector<1000x128xf32>
    %div3A_46 = arith.divf %add3A_40, %div3A_45 : vector<1000x128xf32>
    %max3A_47 = arith.constant 0.000000e+00 : f32
    %max3A_48 = vector.broadcast %max3A_47 : f32 to vector<1000x128xf32>
    %max3A_49 = arith.maximumf %div3A_46, %max3A_48 : vector<1000x128xf32>
    %swap3A = arith.constant 0 : index
    %swap3A_50 = arith.constant 0 : index
    %swap3A_51 = vector.load %arg7[%swap3A, %swap3A_50] : memref<1000x128xf32, #tpu.memory_space<vmem>>, vector<1000x128xf32>
    tpu.vector_store %arg7[%swap3A, %swap3A_50], %max3A_49 {strides = array<i32>} : memref<1000x128xf32, #tpu.memory_space<vmem>>, vector<1000x128xf32>,
    return
  }
  func.func @transform_0(%arg0: i32) -> (i32, i32, i32) {
    %c0_i32 = arith.constant 0 : i32
    %c0_i32_0 = arith.constant 0 : i32
    %c0_i32_1 = arith.constant 0 : i32
    return %c0_i32, %arg0, %c0_i32_0 : i32, i32, i32
  }
  func.func @transform_1(%arg0: i32) -> (i32, i32, i32) {
    %c0_i32 = arith.constant 0 : i32
    %c0_i32_0 = arith.constant 0 : i32
    %c0_i32_1 = arith.constant 0 : i32
    return %c0_i32, %arg0, %c0_i32_0 : i32, i32, i32
  }
  func.func @transform_2(%arg0: i32) -> (i32, i32) {
    %c0_i32 = arith.constant 0 : i32
    %c0_i32_0 = arith.constant 0 : i32
    return %arg0, %c0_i32 : i32, i32
  }
  func.func @transform_3(%arg0: i32) -> (i32, i32) {
    %c0_i32 = arith.constant 0 : i32
    %c0_i32_0 = arith.constant 0 : i32
    %c0_i32_1 = arith.constant 0 : i32
    return %c0_i32, %c0_i32_0 : i32, i32
  }
  func.func @transform_4(%arg0: i32) -> (i32, i32) {
    %c0_i32 = arith.constant 0 : i32
    %c0_i32_0 = arith.constant 0 : i32
    %c0_i32_1 = arith.constant 0 : i32
    return %c0_i32, %c0_i32_0 : i32, i32
  }
  func.func @transform_5(%arg0: i32) -> (i32, i32) {
    %c0_i32 = arith.constant 0 : i32
    %c0_i32_0 = arith.constant 0 : i32
    %c0_i32_1 = arith.constant 0 : i32
    return %c0_i32, %c0_i32_0 : i32, i32
  }
  func.func @transform_6(%arg0: i32) -> (i32, i32) {
    %c0_i32 = arith.constant 0 : i32
    %c0_i32_0 = arith.constant 0 : i32
    return %arg0, %c0_i32 : i32, i32
  }
}

module attributes {stable_mosaic.version = 14 : i64} {
  func.func @_tc_layer_body(%arg0: i32, %arg1: memref<2x1000x128xf32, #tpu.memory_space<vmem>>, %arg2: memref<2x1000x1xf32, #tpu.memory_space<vmem>>, %arg3: memref<1000x128xf32, #tpu.memory_space<vmem>>, %arg4: memref<128x128xf32, #tpu.memory_space<vmem>>, %arg5: memref<1x128xf32, #tpu.memory_space<vmem>>, %arg6: memref<128x128xf32, #tpu.memory_space<vmem>>, %arg7: memref<1000x128xf32, #tpu.memory_space<vmem>>) attributes {dimension_semantics = [#tpu.dimension_semantics<arbitrary>], iteration_bounds = array<i64: 10>, scalar_prefetch = 0 : i64, scratch_operands = 0 : i64, tpu.core_type = #tpu.core_type<tc>, window_params = [{transform_indices = @transform_0, window_bounds = array<i64: 2, 1000, 128>}, {transform_indices = @transform_1, window_bounds = array<i64: 2, 1000, 1>}, {transform_indices = @transform_2, window_bounds = array<i64: 1000, 128>}, {pipeline_mode = #tpu.pipeline_mode<synchronous>, transform_indices = @transform_3, window_bounds = array<i64: 128, 128>}, {pipeline_mode = #tpu.pipeline_mode<synchronous>, transform_indices = @transform_4, window_bounds = array<i64: 1, 128>}, {pipeline_mode = #tpu.pipeline_mode<synchronous>, transform_indices = @transform_5, window_bounds = array<i64: 128, 128>}, {transform_indices = @transform_6, window_bounds = array<i64: 1000, 128>}]} {
    %get3A = arith.constant 0 : index
    %get3A_0 = arith.constant 0 : index
    %get3A_1 = arith.constant 0 : index
    %get3A_2 = vector.load %arg1[%get3A, %get3A_0, %get3A_1] : memref<2x1000x128xf32, #tpu.memory_space<vmem>>, vector<1x1000x128xf32>
    %get3A_3 = vector.shape_cast %get3A_2 : vector<1x1000x128xf32> to vector<1000x128xf32>
    %get3A_4 = arith.constant 1 : index
    %get3A_5 = arith.constant 0 : index
    %get3A_6 = arith.constant 0 : index
    %get3A_7 = vector.load %arg1[%get3A_4, %get3A_5, %get3A_6] : memref<2x1000x128xf32, #tpu.memory_space<vmem>>, vector<1x1000x128xf32>
    %get3A_8 = vector.shape_cast %get3A_7 : vector<1x1000x128xf32> to vector<1000x128xf32>
    %add3A = arith.addf %get3A_3, %get3A_8 : vector<1000x128xf32>
    %get3A_9 = arith.constant 0 : index
    %get3A_10 = arith.constant 0 : index
    %get3A_11 = arith.constant 0 : index
    %get3A_12 = vector.load %arg2[%get3A_9, %get3A_10, %get3A_11] : memref<2x1000x1xf32, #tpu.memory_space<vmem>>, vector<1x1000x1xf32>
    %get3A_13 = vector.shape_cast %get3A_12 : vector<1x1000x1xf32> to vector<1000x1xf32>
    %get3A_14 = arith.constant 1 : index
    %get3A_15 = arith.constant 0 : index
    %get3A_16 = arith.constant 0 : index
    %get3A_17 = vector.load %arg2[%get3A_14, %get3A_15, %get3A_16] : memref<2x1000x1xf32, #tpu.memory_space<vmem>>, vector<1x1000x1xf32>
    %get3A_18 = vector.shape_cast %get3A_17 : vector<1x1000x1xf32> to vector<1000x1xf32>
    %add3A_19 = arith.addf %get3A_13, %get3A_18 : vector<1000x1xf32>
    %max3A = arith.constant 1.000000e+00 : f32
    %max3A_20 = vector.broadcast %max3A : f32 to vector<1000x1xf32>
    %max3A_21 = arith.maximumf %add3A_19, %max3A_20 : vector<1000x1xf32>
    %div3A = vector.broadcast %max3A_21 : vector<1000x1xf32> to vector<1000x128xf32>
    %div3A_22 = arith.divf %add3A, %div3A : vector<1000x128xf32>
    %get3A_23 = arith.constant 0 : index
    %get3A_24 = arith.constant 0 : index
    %get3A_25 = vector.load %arg4[%get3A_23, %get3A_24] : memref<128x128xf32, #tpu.memory_space<vmem>>, vector<128x128xf32>
    %dot_general3A = arith.constant dense<0.000000e+00> : vector<1000x128xf32>
    %dot_general3A_26 = tpu.matmul %div3A_22, %get3A_25, %dot_general3A {dimension_numbers = #tpu.dot_dimension_numbers<[1], [0], [0], [1], [0, 0, 1, 1], [], []>, transpose_lhs_hint = false} : vector<1000x128xf32>, vector<128x128xf32>, vector<1000x128xf32> -> vector<1000x128xf32>
    %get3A_27 = arith.constant 0 : index
    %get3A_28 = arith.constant 0 : index
    %get3A_29 = vector.load %arg5[%get3A_27, %get3A_28] : memref<1x128xf32, #tpu.memory_space<vmem>>, vector<1x128xf32>
    %add3A_30 = vector.broadcast %get3A_29 : vector<1x128xf32> to vector<1000x128xf32>
    %add3A_31 = arith.addf %dot_general3A_26, %add3A_30 : vector<1000x128xf32>
    %get3A_32 = arith.constant 0 : index
    %get3A_33 = arith.constant 0 : index
    %get3A_34 = vector.load %arg3[%get3A_32, %get3A_33] : memref<1000x128xf32, #tpu.memory_space<vmem>>, vector<1000x128xf32>
    %get3A_35 = arith.constant 0 : index
    %get3A_36 = arith.constant 0 : index
    %get3A_37 = vector.load %arg6[%get3A_35, %get3A_36] : memref<128x128xf32, #tpu.memory_space<vmem>>, vector<128x128xf32>
    %dot_general3A_38 = arith.constant dense<0.000000e+00> : vector<1000x128xf32>
    %dot_general3A_39 = tpu.matmul %get3A_34, %get3A_37, %dot_general3A_38 {dimension_numbers = #tpu.dot_dimension_numbers<[1], [0], [0], [1], [0, 0, 1, 1], [], []>, transpose_lhs_hint = false} : vector<1000x128xf32>, vector<128x128xf32>, vector<1000x128xf32> -> vector<1000x128xf32>
    %add3A_40 = arith.addf %add3A_31, %dot_general3A_39 : vector<1000x128xf32>
    %mul3A = arith.mulf %add3A_40, %add3A_40 : vector<1000x128xf32>
    %reduce_sum3A = arith.constant dense<0.000000e+00> : vector<1000xf32>
    %reduce_sum3A_41 = vector.multi_reduction <add>, %mul3A, %reduce_sum3A [1] : vector<1000x128xf32> to vector<1000xf32>
    %broadcast_in_dim3A = vector.shape_cast %reduce_sum3A_41 : vector<1000xf32> to vector<1000x1xf32>
    %sqrt3A = math.sqrt %broadcast_in_dim3A : vector<1000x1xf32>
    %max3A_42 = arith.constant 9.99999996E-13 : f32
    %max3A_43 = vector.broadcast %max3A_42 : f32 to vector<1000x1xf32>
    %max3A_44 = arith.maximumf %sqrt3A, %max3A_43 : vector<1000x1xf32>
    %div3A_45 = vector.broadcast %max3A_44 : vector<1000x1xf32> to vector<1000x128xf32>
    %div3A_46 = arith.divf %add3A_40, %div3A_45 : vector<1000x128xf32>
    %swap3A = arith.constant 0 : index
    %swap3A_47 = arith.constant 0 : index
    %swap3A_48 = vector.load %arg7[%swap3A, %swap3A_47] : memref<1000x128xf32, #tpu.memory_space<vmem>>, vector<1000x128xf32>
    tpu.vector_store %arg7[%swap3A, %swap3A_47], %div3A_46 {strides = array<i32>} : memref<1000x128xf32, #tpu.memory_space<vmem>>, vector<1000x128xf32>,
    return
  }
  func.func @transform_0(%arg0: i32) -> (i32, i32, i32) {
    %c0_i32 = arith.constant 0 : i32
    %c0_i32_0 = arith.constant 0 : i32
    %c0_i32_1 = arith.constant 0 : i32
    return %c0_i32, %arg0, %c0_i32_0 : i32, i32, i32
  }
  func.func @transform_1(%arg0: i32) -> (i32, i32, i32) {
    %c0_i32 = arith.constant 0 : i32
    %c0_i32_0 = arith.constant 0 : i32
    %c0_i32_1 = arith.constant 0 : i32
    return %c0_i32, %arg0, %c0_i32_0 : i32, i32, i32
  }
  func.func @transform_2(%arg0: i32) -> (i32, i32) {
    %c0_i32 = arith.constant 0 : i32
    %c0_i32_0 = arith.constant 0 : i32
    return %arg0, %c0_i32 : i32, i32
  }
  func.func @transform_3(%arg0: i32) -> (i32, i32) {
    %c0_i32 = arith.constant 0 : i32
    %c0_i32_0 = arith.constant 0 : i32
    %c0_i32_1 = arith.constant 0 : i32
    return %c0_i32, %c0_i32_0 : i32, i32
  }
  func.func @transform_4(%arg0: i32) -> (i32, i32) {
    %c0_i32 = arith.constant 0 : i32
    %c0_i32_0 = arith.constant 0 : i32
    %c0_i32_1 = arith.constant 0 : i32
    return %c0_i32, %c0_i32_0 : i32, i32
  }
  func.func @transform_5(%arg0: i32) -> (i32, i32) {
    %c0_i32 = arith.constant 0 : i32
    %c0_i32_0 = arith.constant 0 : i32
    %c0_i32_1 = arith.constant 0 : i32
    return %c0_i32, %c0_i32_0 : i32, i32
  }
  func.func @transform_6(%arg0: i32) -> (i32, i32) {
    %c0_i32 = arith.constant 0 : i32
    %c0_i32_0 = arith.constant 0 : i32
    return %arg0, %c0_i32 : i32, i32
  }
}

</mosaic_0001>

<sc_bundles>
// kernel: kernel.6.cloned.1.call-start
scs
__scs_entry_jumppad:
0x0: {  	(pc) =	sbr.rel $0x88, $3  }
0x1: {  	(tag) =	ssettag $0x0;
	lr =	simm.s32 $0x1  }
0x2: {  	[smem:$0x3F99] =	sst lr;
	_ =	strace $0xD0000000  }
0x3: {  	_ = 	snop  }
0x4: {  	_ = 	snop  }
0x5: {  	_ = 	snop  }
0x6: {  	_ = 	snop  }
0x7: {  	_ = 	snop  }
__scs_overlays_trampoline_lowered:
0x8: {  	[smem:$0x3FA8] =	sst s0  }
0x9: {  	[smem:$0x3FA9] =	sst s1  }
0xa: {  	[smem:$0x3FAA] =	sst s2  }
0xb: {  	[smem:$0x3FAB] =	sst s3  }
0xc: {  	[smem:$0x3FAC] =	sst s4  }
0xd: {  	[smem:$0x3FAD] =	sst s5  }
0xe: {  	[smem:$0x3FAE] =	sst s6  }
0xf: {  	[smem:$0x3FAF] =	sst s7  }
0x10: {  	[smem:$0x3FB0] =	sst s8  }
0x11: {  	[smem:$0x3FB1] =	sst s9;
	s0 =	simm.s32 @!p0 $0x0  }
0x12: {  	s1 =	sld [smem:$0x3F97];
	s0 =	simm.s32 @p0 $0x1  }
0x13: {  	[smem:$0x3FB2] =	sst s0;
	s0 =	simm.s32 @!p1 $0x0  }
0x14: {  	s2 =	sld [smem:$0x3F96];
	s0 =	simm.s32 @p1 $0x1  }
0x15: {  	[smem:$0x3FB3] =	sst s0;
	s0 =	simm.s32 @!p2 $0x0  }
0x16: {  	s3 =	sld [smem:$0x3FDB];
	s0 =	simm.s32 @p2 $0x1  }
0x17: {  	s4 =	simm.s32 $0x1BF5;
	[smem:$0x3FB5] =	sst s0  }
0x18: {  	s0 =	sld [smem:$0x3F98];
	_ =	swait.ge [sflag:s4], $0x0  }
0x19: {  	s7 =	sld [smem:$0x3F99]  }
0x1a: {  	s8 =	sadd.s32 $0xFFFFE003, lr  }
0x1b: {  	s9 =	sadd.s32 $0xFFFFFEF7, lr;
	s5 =	simm.s32 $0xFFFFFFFF;
	p2 =	slt.u32 s8, $0xFFFFF086  }
0x1c: {  	p1 =	slt.u32 s9, $0xF7A;
	s5 =	simm.s32 @!p2 $0x0  }
0x1d: {  	s5 =	simm.s32 @p1 $0x1;
	p0 =	seq.s32 s7, s2  }
0x1e: {  	s7 =	smul.u32 @!p0 $0xF7A, s2;
	p2 =	seq.s32 @!p0 s5, $0x0  }
0x1f: {  	s9 =	smul.u32 $0xF7A, s1;
	s8 =	simm.s32 @!p0 $0x1BF5;
	p2 =	por !p2, p0  }
0x20: {  	[sflag:s8] =	ssyncset.s32 @!p0 $0xFFFFF086;
	s6 =	sadd.s32 @!p0 s3, s7;
	s7 =	simm.s32 @!p0 $0x108  }
0x21: {  	s3 =	sadd.s32 s3, s9;
	s6 =	sadd.s32 @!p0 $0x88, s6;
	s7 =	simm.s32 @p2 $0x1082  }
0x22: {  	[simem:s7], [sflag:s8] =	dma.local @!p0 [hbm:s6], $0xF7A  }
0x23: {  	s9 =	sor.u32 $0xD0000000, s2;
	s6 =	simm.s32 $0x108;
	_ =	swait.ge @!p0 [sflag:s8], $0x0  }
0x24: {  	s3 =	sadd.s32 $0x88, s3;
	s6 =	simm.s32 @!p1 $0x1082;
	[sflag:s4] =	ssyncset.s32 $0xFFFFF086  }
0x25: {  	[simem:s6], [sflag:s4] =	dma.local [hbm:s3], $0xF7A  }
0x26: {  	[smem:$0x3F99] =	sst s1;
	(tag) =	ssettag s2;
	_ =	strace s9  }
0x27: {  	s1 =	sld [smem:$0x3FA9]  }
0x28: {  	s2 =	sld [smem:$0x3FAA]  }
0x29: {  	s4 =	sld [smem:$0x3FAC]  }
0x2a: {  	p0 =	seq.s32 s5, $0x0;
	s5 =	sld [smem:$0x3FAD]  }
0x2b: {  	s6 =	sld [smem:$0x3FAE]  }
0x2c: {  	s7 =	sld [smem:$0x3FAF]  }
0x2d: {  	s3 =	simm.s32 $0x108;
	s8 =	sld [smem:$0x3FB0]  }
0x2e: {  	s3 =	simm.s32 @!p0 $0x1082;
	s9 =	sld [smem:$0x3FB1]  }
0x2f: {  	lr =	sadd.s32 s0, s3;
	s0 =	sld [smem:$0x3FA8]  }
0x30: {  	s3 =	sld [smem:$0x3FAB]  }
0x31: {  	[smem:$0x3FB4] =	sst s10  }
0x32: {  	s10 =	sld [smem:$0x3FB2];
	_ =	sdelay $0x3  }
0x33: {  	p0 =	seq.s32 s10, $0x1;
	s10 =	sld [smem:$0x3FB4];
	_ =	sdelay $0x3  }
0x34: {  	[smem:$0x3FB4] =	sst s10  }
0x35: {  	s10 =	sld [smem:$0x3FB3];
	_ =	sdelay $0x3  }
0x36: {  	p1 =	seq.s32 s10, $0x1;
	s10 =	sld [smem:$0x3FB4];
	_ =	sdelay $0x3  }
0x37: {  	[smem:$0x3FB4] =	sst s10  }
0x38: {  	s10 =	sld [smem:$0x3FB5]  }
0x39: {  	_ = 	snop;
	(pc) =	sbr.ind lr, $3  }
0x3a: {  	_ = 	snop  }
0x3b: {  	_ = 	snop  }
0x3c: {  	p2 =	seq.s32 s10, $0x1;
	s10 =	sld [smem:$0x3FB4]  }
0x3d: {  	_ =	shalt  }
0x3e: {  	_ =	shalt  }
0x3f: {  	_ =	shalt  }
0x40: {  	_ =	shalt  }
0x41: {  	_ =	shalt  }
0x42: {  	_ =	shalt  }
0x43: {  	_ =	shalt  }
0x44: {  	_ =	shalt  }
0x45: {  	_ =	shalt  }
0x46: {  	_ =	shalt  }
0x47: {  	_ =	shalt  }
0x48: {  	_ =	shalt  }
0x49: {  	_ =	shalt  }
0x4a: {  	_ =	shalt  }
0x4b: {  	_ =	shalt  }
0x4c: {  	_ =	shalt  }
0x4d: {  	_ =	shalt  }
0x4e: {  	_ =	shalt  }
0x4f: {  	_ =	shalt  }
0x50: {  	_ =	shalt  }
0x51: {  	_ =	shalt  }
0x52: {  	_ =	shalt  }
0x53: {  	_ =	shalt  }
0x54: {  	_ =	shalt  }
0x55: {  	_ =	shalt  }
0x56: {  	_ =	shalt  }
0x57: {  	_ =	shalt  }
0x58: {  	_ =	shalt  }
0x59: {  	_ =	shalt  }
0x5a: {  	_ =	shalt  }
0x5b: {  	_ =	shalt  }
0x5c: {  	_ =	shalt  }
0x5d: {  	_ =	shalt  }
0x5e: {  	_ =	shalt  }
0x5f: {  	_ =	shalt  }
0x60: {  	_ =	shalt  }
0x61: {  	_ =	shalt  }
0x62: {  	_ =	shalt  }
0x63: {  	_ =	shalt  }
0x64: {  	_ =	shalt  }
0x65: {  	_ =	shalt  }
0x66: {  	_ =	shalt  }
0x67: {  	_ =	shalt  }
0x68: {  	_ =	shalt  }
0x69: {  	_ =	shalt  }
0x6a: {  	_ =	shalt  }
0x6b: {  	_ =	shalt  }
0x6c: {  	_ =	shalt  }
0x6d: {  	_ =	shalt  }
0x6e: {  	_ =	shalt  }
0x6f: {  	_ =	shalt  }
0x70: {  	_ =	shalt  }
0x71: {  	_ =	shalt  }
0x72: {  	_ =	shalt  }
0x73: {  	_ =	shalt  }
0x74: {  	_ =	shalt  }
0x75: {  	_ =	shalt  }
0x76: {  	_ =	shalt  }
0x77: {  	_ =	shalt  }
0x78: {  	_ =	shalt  }
0x79: {  	_ =	shalt  }
0x7a: {  	_ =	shalt  }
0x7b: {  	_ =	shalt  }
0x7c: {  	_ =	shalt  }
0x7d: {  	_ =	shalt  }
0x7e: {  	_ =	shalt  }
0x7f: {  	_ =	shalt  }
0x80: {  	_ =	shalt  }
0x81: {  	_ =	shalt  }
0x82: {  	_ =	shalt  }
0x83: {  	_ =	shalt  }
0x84: {  	_ =	shalt  }
0x85: {  	_ =	shalt  }
0x86: {  	_ =	shalt  }
0x87: {  	_ =	shalt  }
.Lfunc_end0:
.L_simem_size_0:
called_computation_lowered:
.L_overlay_start_0:
0x88: {  	s2 =	sld [smem:$0x3FD9]  }
0x89: {  	s3 =	sld [smem:$0x3FFE];
	_ =	sdelay $0x1  }
0x8a: {  	s1 =	srdreg.scid  }
0x8b: {  	s0 =	sand.u32 $0x1, s1  }
0x8c: {  	s17 =	sshll.u32 s0, $0xA;
	s2 =	sadd.s32 s3, s2  }
0x8d: {  	s2 =	sadd.s32 s2, s17  }
0x8e: {  	[smem:$0x3FC0] =	sst s2  }
0x8f: {  	_ = 	snop  }
0x90: {  	s2 =	sld [smem:$0x3FC9]  }
0x91: {  	s18 =	sld [smem:$0x3FD0];
	(tm) =	ssettm $0x1  }
0x92: {  	s4 =	sld [smem:$0x3FFB];
	_ =	sdelay $0x3  }
0x93: {  	_ =	strace s4  }
0x94: {  	s4 =	sld [smem:$0x3FFC];
	_ =	sdelay $0x3  }
0x95: {  	_ =	strace s4  }
0x96: {  	s4 =	sld [smem:$0x3FFD];
	_ =	sdelay $0x3  }
0x97: {  	_ =	strace s4  }
0x98: {  	_ =	strace $0x8FFFFFFF  }
0x99: {  	s19 =	sld [smem:$0x3FDB];
	_ =	sdelay $0x1  }
0x9a: {  	s5 =	simm.s32 $_scs_section_size  }
0x9b: {  	s6 =	simm.s32 $_size__tile_overlayer_lowered;
	s7 =	simm.s32 $_tile_overlayer_lowered  }
0x9c: {  	s22 =	simm.s32 $0x1BFF;
	s21 =	sshll.u32 s7, $0x1;
	s4 =	sadd.s32 s5, s19  }
0x9d: {  	s8 =	simm.s32 $0x0;
	s20 =	sshll.u32 s6, $0x1;
	s6 =	sadd.s32 s21, s4  }
0x9e: {  	[timem:s8], [sflag:s22] =	dma.local [hbm:s6], s20  }
0x9f: {  	_ =	swait.ge [sflag:s22], s20  }
0xa0: {  	s5 =	ssub.s32 $0x0, s20;
	[sflag:s22] =	ssyncset.done $0x0  }
0xa1: {  	[sflag:s22] =	ssyncadd.s32 s5;
	_ =	sdelay $0x1  }
0xa2: {  	s23 =	simm.s32 $0x1B8B  }
0xa3: {  	_ =	swait.ge [sflag:s23], $0x1  }
0xa4: {  	[sflag:s23] =	ssyncset.done $0x0  }
0xa5: {  	s25 =	simm.s32 $0x1B8E;
	s24 =	sld [smem:$0x3FFE];
	[sflag:s23] =	ssyncadd.s32 $0xFFFFFFFF  }
0xa6: {  	s26 =	simm.s32 $execute0_lowered;
	[smem:$0x3FD2] =	sst s25  }
0xa7: {  	s6 =	sshll.u32 s26, $0x1;
	_ =	strace $0x80000046;
	[dreg:$0x1] =	wrdreg $0xFFFFFFFF  }
0xa8: {  	s28 =	simm.s32 $_size_execute0_lowered;
	s4 =	sadd.s32 s4, s6;
	[dreg:$0x0] =	wrdreg $0x0  }
0xa9: {  	s6 =	sshll.u32 s28, $0x1;
	[dreg:$0x2] =	wrdreg s4  }
0xaa: {  	[dreg:$0x3] =	wrdreg s6  }
0xab: {  	[dreg:$0x4] =	wrdreg $0xC0  }
0xac: {  	_ =	task [dreg:s8], $0x5FFFF  }
0xad: {  	[dreg:$0x1] =	wrdreg $0xFFFFFFFF  }
0xae: {  	[dreg:$0x0] =	wrdreg $0x60  }
0xaf: {  	[dreg:$0x2] =	wrdreg s2  }
0xb0: {  	[dreg:$0x3] =	wrdreg s24  }
0xb1: {  	[dreg:$0x4] =	wrdreg s18  }
0xb2: {  	[dreg:$0x5] =	wrdreg $0x55000  }
0xb3: {  	[dreg:$0x6] =	wrdreg $0x9  }
0xb4: {  	_ =	task.clear_ibuf [dreg:s8], $0x7FFFF;
	_ =	strace $0x90000046  }
0xb5: {  	s29 =	simm.s32 $0x9;
	_ =	strace $0x80000048  }
0xb6: {  	_ =	swait.ge [sflag:s29], $0x1  }
0xb7: {  	[sflag:s29] =	ssyncadd.s32 $0xFFFFFFFF  }
0xb8: {  	_ =	strace $0x90000048  }
0xb9: {  	_ =	sfence  }
0xba: {  	s30 =	sld [smem:$0x0];
	_ =	sdelay $0x2  }
0xbb: {  	s31 =	sshll.u32 s1, $0xD;
	s1 =	sshrl.u32 s1, $0x2  }
0xbc: {  	s3 =	sand.u32 $0x4000, s31;
	s1 =	sadd.s32 s1, s30  }
0xbd: {  	s0 =	sor.u32 s3, s0;
	s1 =	sshll.u32 s1, $0x11  }
0xbe: {  	s0 =	sor.u32 s1, s0  }
0xbf: {  	s0 =	sadd.s32 $0x8F2B, s0  }
0xc0: {  	[sflag:s0] =	ssyncadd.remote.s32 $0x1  }
0xc1: {  	_ =	sfence.sel $0xFFFF  }
0xc2: {  	[dreg:$0x0] =	wrdreg $0xFFFFFFFF;
	(pc) =	sbr.abs _section_cstart, $3  }
0xc3: {  	[dreg:$0x1] =	wrdreg $0xFFFFFFFF  }
0xc4: {  	_ =	task.clear_ibuf [dreg:s8], $0x2FFFF;
	_ =	strace $0x9FFFFFFF  }
0xc5: {  	(tm) =	ssettm $0x7FFFFFFF  }
tec
execute0_lowered:
.L_overlay_start_1:
0x0: {  	(tag) =	ssettag $0x1  }
0x1: {  	s0 =	rddreg [dreg:$0x0]  }
0x2: {  	s1 =	rddreg [dreg:$0x1]  }
0x3: {  	s2 =	srdreg.scid;
	s14 =	stileid.u32  }
0x4: {  	s7 =	rddreg [dreg:$0x2];
	s8 =	smul.u32 $0x2760, s14  }
0x5: {  	s3 =	rddreg [dreg:$0x3];
	s4 =	simm.s32 $0x0;
	s10 =	smul.u32 $0x14000, s14  }
0x6: {  	s28 =	simm.s32 $0x3;
	s2 =	sand.u32 $0x1, s2;
	s24 =	smul.u32 $0x50000, s14  }
0x7: {  	s30 =	simm.s32 $0x5;
	s31 =	simm.s32 $0x50;
	s6 =	smul.u32 $0x27600, s2  }
0x8: {  	[smem:$0x7FF] =	sst s4;
	s9 =	smul.u32 $0x140000, s2;
	s13 =	sshll.u32 s2, $0x4  }
0x9: {  	s5 =	sadd.s32 $0xBE00, s1;
	s26 =	sor.u32 s14, s13;
	s8 =	sadd.s32 s8, s6  }
0xa: {  	s23 =	sadd.s32 s10, s9;
	s10 =	sshrl.u32 s24, $0x2;
	s9 =	sshrl.u32 s8, $0x3  }
0xb: {  	s6 =	sshrl.u32 s23, $0x3;
	s23 =	sshll.u32 s14, $0xA;
	s11 =	sadd.s32 s9, s1  }
0xc: {  	s1 =	sadd.s32 s6, s1;
	s6 =	sadd.s32 s10, s3;
	s13 =	sadd.s32 s23, s3  }
0xd: {  	_ =	strace $0x80000047;
	s15 =	sadd.s32 $0x2800, s6;
	[dreg:$0xf] =	wrdreg s13  }
0xe: {  	s29 =	simm.s32 $0xF0;
	s16 =	sadd.s32 $0x5000, s6;
	[dreg:$0x6] =	wrdreg s15  }
0xf: {  	p0 =	sgt.u32 s14, $0x9;
	s17 =	sadd.s32 $0x7800, s6;
	[dreg:$0x7] =	wrdreg s16  }
0x10: {  	s25 =	ssub.s32 $0x2, s2;
	s18 =	sadd.s32 $0xA000, s6;
	[dreg:$0x8] =	wrdreg s17  }
0x11: {  	s2 =	smul.u32 $0x2800, s2;
	s19 =	sadd.s32 $0xC800, s6;
	[dreg:$0x9] =	wrdreg s18  }
0x12: {  	s12 =	sshrl.u32 s25, $0x1;
	s20 =	sadd.s32 $0xF000, s6;
	[dreg:$0xa] =	wrdreg s19  }
0x13: {  	s12 =	ssub.s32 s25, s12;
	s21 =	sadd.s32 $0x11800, s6;
	[dreg:$0xb] =	wrdreg s20  }
0x14: {  	s10 =	smul.u32 $0x2760, s26;
	s1 =	sadd.s32 $0x15C00, s1;
	[dreg:$0xc] =	wrdreg s21  }
0x15: {  	s24 =	sadd.s32 s23, s2;
	s25 =	sadd.s32 $0x2800, s13;
	[dreg:$0xe] =	wrdreg s1  }
0x16: {  	s23 =	smax.u32 s12, $0x1;
	s26 =	sadd.s32 $0x5000, s13;
	[dreg:$0x10] =	wrdreg s25  }
0x17: {  	s12 =	sadd.s32 $0x1E0, s8;
	s2 =	sadd.s32 $0x7800, s13;
	[dreg:$0x11] =	wrdreg s26  }
0x18: {  	s16 =	smul.u32 $0xA000, s14;
	[dreg:$0x13] =	wrdreg s2;
	s14 =	sadd.s32 $0xF000, s13  }
0x19: {  	s8 =	simm.s32 $0x190;
	s15 =	sadd.s32 $0x11800, s13;
	[dreg:$0x16] =	wrdreg s14  }
0x1a: {  	s10 =	sshrl.u32 s10, $0x3;
	s17 =	sadd.s32 $0x14000, s13;
	[dreg:$0x17] =	wrdreg s15  }
0x1b: {  	s1 =	sshrl.u32 s24, $0x3;
	s18 =	sadd.s32 $0x16800, s13;
	[dreg:$0x18] =	wrdreg s17  }
0x1c: {  	s25 =	sadd.s32 s9, s5;
	s19 =	sadd.s32 $0x19000, s13;
	[dreg:$0x19] =	wrdreg s18  }
0x1d: {  	s20 =	sadd.s32 $0x1B800, s13;
	s21 =	sadd.s32 $0x1E000, s13;
	[dreg:$0x1a] =	wrdreg s19  }
0x1e: {  	s24 =	sadd.s32 $0x23000, s13;
	s26 =	sadd.s32 $0x25800, s13;
	[dreg:$0x1b] =	wrdreg s20  }
0x1f: {  	s2 =	simm.s32 $0x280;
	s9 =	simm.s32 $0x1BD00;
	[dreg:$0x1c] =	wrdreg s21  }
0x20: {  	s10 =	sadd.s32 s5, s10;
	s1 =	sadd.s32 s7, s1;
	[dreg:$0x1e] =	wrdreg s24  }
0x21: {  	s7 =	sadd.s32 $0x2000, s11;
	s11 =	sadd.s32 $0xC800, s13;
	[dreg:$0x1f] =	wrdreg s26  }
0x22: {  	s26 =	simm.s32 $0x500;
	s18 =	simm.s32 $0x1;
	s19 =	simm.s32 $0x2D00  }
0x23: {  	s20 =	simm.s32 $0x480;
	s21 =	simm.s32 $0x19500;
	[dreg:$0xd] =	wrdreg s10  }
.Ltmp0:
0x24: {  	s17 =	simm.s32 $0xA0;
	[dreg:$0x12] =	wrdreg s1;
	(pc) =	sbr.rel .LBB2_1-.Ltmp0, $4  }
0x25: {  	s22 =	sshrl.u32 s16, $0x2;
	[dreg:$0x5] =	wrdreg s7;
	s10 =	sadd.s32 $0xA000, s13  }
0x26: {  	[dreg:$0x15] =	wrdreg s11;
	s1 =	simm.s32 $0x2;
	s7 =	simm.s32 $0x140  }
0x27: {  	s16 =	sadd.s32 s22, s3;
	[dreg:$0x14] =	wrdreg s10;
	s22 =	sadd.s32 $0x20800, s13  }
0x28: {  	v0 =	vimm.f32 $0.0e+00;
	v1 =	vimm.f32 $1.000000000e+00;
	s10 =	simm.s32 $0x0;
	[dreg:$0x1d] =	wrdreg s22;
	s22 =	simm.s32 $0x4  }
.LBB2_9:
0x29: {  	s10 =	sadd.s32 $0x1, s10  }
0x2a: {  	p1 =	sne.s32 s10, s23  }
.Ltmp1:
0x2b: {  	_ = 	snop;
	(pc) =	sbr.rel @!p1 .LBB2_10-.Ltmp1, $1  }
0x2c: {  	_ =	sdelay $0x3  }
.LBB2_1:
0x2d: {  	s11 =	simm.s32 $0x70;
	s24 =	simm.s32 $0x3C0  }
.LBB2_2:
0x2e: {  	p1 =	sne.s32 s24, $0x9FC0;
	[tilespmem:s11+$0x500] =	vst v0  }
0x2f: {  	[tilespmem:s11+$0x490] =	vst v0  }
0x30: {  	[tilespmem:s11+$0x4A0] =	vst v0  }
.Ltmp2:
0x31: {  	[tilespmem:s11+$0x4B0] =	vst v0;
	(pc) =	sbr.rel @p1 .LBB2_2-.Ltmp2, $4  }
0x32: {  	[tilespmem:s11+$0x4C0] =	vst v0  }
0x33: {  	[tilespmem:s11+$0x4D0] =	vst v0  }
0x34: {  	[tilespmem:s11+$0x4E0] =	vst v0  }
0x35: {  	[tilespmem:s11+$0x4F0] =	vst v0;
	s11 =	sshra.s32 s24, $0x2;
	s24 =	sadd.s32 $0x200, s24  }
0x36: {  	[tilespmem:s11+$0x500] =	vst v0  }
0x37: {  	[tilespmem:s11+$0x490] =	vst v0  }
0x38: {  	[tilespmem:s11+$0x4A0] =	vst v0  }
0x39: {  	[tilespmem:s11+$0x4B0] =	vst v0  }
0x3a: {  	[tilespmem:s11+$0x4C0] =	vst v0  }
0x3b: {  	[tilespmem:s11+$0x4D0] =	vst v0  }
0x3c: {  	[tilespmem:s11+$0x4E0] =	vst v0  }
0x3d: {  	[tilespmem:s11+$0x4F0] =	vst v0  }
0x3e: {  	[spmem:s6] =	stream.linear.scatter [tilespmem:s26], [sflag:$0x3], $0x2800, $0x38;
	[tilespmem:$0x1C500] =	vst v63  }
0x3f: {  	s14 =	rddreg [dreg:$0x6]  }
0x40: {  	[spmem:s14] =	stream.linear.scatter [tilespmem:s26], [sflag:$0x3], $0x2800, $0x38;
	[tilespmem:$0x1C500] =	vst v63  }
0x41: {  	s15 =	rddreg [dreg:$0x7]  }
0x42: {  	[spmem:s15] =	stream.linear.scatter [tilespmem:s26], [sflag:$0x3], $0x2800, $0x38;
	[tilespmem:$0x1C500] =	vst v63  }
0x43: {  	s24 =	rddreg [dreg:$0x8]  }
0x44: {  	[spmem:s24] =	stream.linear.scatter [tilespmem:s26], [sflag:$0x3], $0x2800, $0x38;
	[tilespmem:$0x1C500] =	vst v63  }
0x45: {  	s13 =	rddreg [dreg:$0x9]  }
0x46: {  	[spmem:s13] =	stream.linear.scatter [tilespmem:s26], [sflag:$0x3], $0x2800, $0x38;
	[tilespmem:$0x1C500] =	vst v63  }
0x47: {  	s14 =	rddreg [dreg:$0xa]  }
0x48: {  	[spmem:s14] =	stream.linear.scatter [tilespmem:s26], [sflag:$0x3], $0x2800, $0x38;
	[tilespmem:$0x1C500] =	vst v63  }
0x49: {  	s15 =	rddreg [dreg:$0xb]  }
0x4a: {  	[spmem:s15] =	stream.linear.scatter [tilespmem:s26], [sflag:$0x3], $0x2800, $0x38;
	[tilespmem:$0x1C500] =	vst v63  }
0x4b: {  	s24 =	rddreg [dreg:$0xc]  }
0x4c: {  	[spmem:s24] =	stream.linear.scatter [tilespmem:s26], [sflag:$0x3], $0x2800, $0x38;
	[tilespmem:$0x1C500] =	vst v63  }
0x4d: {  	s11 =	simm.s32 $0x70;
	s24 =	simm.s32 $0x3C0  }
.LBB2_4:
0x4e: {  	p1 =	sne.s32 s24, $0x9FC0;
	[tilespmem:s11+$0x19500] =	vst v0  }
0x4f: {  	[tilespmem:s11+$0x19490] =	vst v0  }
0x50: {  	[tilespmem:s11+$0x194A0] =	vst v0  }
.Ltmp3:
0x51: {  	[tilespmem:s11+$0x194B0] =	vst v0;
	(pc) =	sbr.rel @p1 .LBB2_4-.Ltmp3, $4  }
0x52: {  	[tilespmem:s11+$0x194C0] =	vst v0  }
0x53: {  	[tilespmem:s11+$0x194D0] =	vst v0  }
0x54: {  	[tilespmem:s11+$0x194E0] =	vst v0  }
0x55: {  	[tilespmem:s11+$0x194F0] =	vst v0;
	s11 =	sshra.s32 s24, $0x2;
	s24 =	sadd.s32 $0x200, s24  }
0x56: {  	[tilespmem:s11+$0x19500] =	vst v0  }
0x57: {  	[tilespmem:s11+$0x19490] =	vst v0  }
0x58: {  	[tilespmem:s11+$0x194A0] =	vst v0  }
0x59: {  	[tilespmem:s11+$0x194B0] =	vst v0  }
0x5a: {  	[tilespmem:s11+$0x194C0] =	vst v0  }
0x5b: {  	[tilespmem:s11+$0x194D0] =	vst v0  }
0x5c: {  	[tilespmem:s11+$0x194E0] =	vst v0  }
0x5d: {  	[tilespmem:s11+$0x194F0] =	vst v0  }
0x5e: {  	_ =	swait.ge [sflag:s28], $0x2800  }
0x5f: {  	[sflag:s28] =	ssyncset.done $0x0  }
0x60: {  	[sflag:s28] =	ssyncadd.s32 $0xFFFFD800  }
0x61: {  	_ =	swait.ge [sflag:s28], $0x2800  }
0x62: {  	[sflag:s28] =	ssyncset.done $0x0  }
0x63: {  	[sflag:s28] =	ssyncadd.s32 $0xFFFFD800  }
0x64: {  	_ =	swait.ge [sflag:s28], $0x2800  }
0x65: {  	[sflag:s28] =	ssyncset.done $0x0  }
0x66: {  	[sflag:s28] =	ssyncadd.s32 $0xFFFFD800  }
0x67: {  	_ =	swait.ge [sflag:s28], $0x2800  }
0x68: {  	[sflag:s28] =	ssyncset.done $0x0  }
0x69: {  	[sflag:s28] =	ssyncadd.s32 $0xFFFFD800  }
0x6a: {  	_ =	swait.ge [sflag:s28], $0x2800  }
0x6b: {  	[sflag:s28] =	ssyncset.done $0x0  }
0x6c: {  	[sflag:s28] =	ssyncadd.s32 $0xFFFFD800  }
0x6d: {  	_ =	swait.ge [sflag:s28], $0x2800  }
0x6e: {  	[sflag:s28] =	ssyncset.done $0x0  }
0x6f: {  	[sflag:s28] =	ssyncadd.s32 $0xFFFFD800  }
0x70: {  	_ =	swait.ge [sflag:s28], $0x2800  }
0x71: {  	[sflag:s28] =	ssyncset.done $0x0  }
0x72: {  	[sflag:s28] =	ssyncadd.s32 $0xFFFFD800  }
0x73: {  	_ =	swait.ge [sflag:s28], $0x2800  }
0x74: {  	[sflag:s28] =	ssyncset.done $0x0  }
0x75: {  	[sflag:s28] =	ssyncadd.s32 $0xFFFFD800  }
0x76: {  	[bflag:$0x0] =	sbarrier.arrive $0xFFFF  }
0x77: {  	s11 =	simm.s32 $0x0;
	s14 =	simm.s32 $0x1E0;
	s13 =	rddreg [dreg:$0xd]  }
0x78: {  	[tilespmem:s14], [sflag:$0x5] =	stream.linear.gather [hbm4b:s13+s11], $0x50, $0x38;
	[tilespmem:$0x1C500] =	vst v63  }
0x79: {  	_ =	swait.ge [sflag:s30], $0x50  }
0x7a: {  	[sflag:s30] =	ssyncset.done $0x0  }
0x7b: {  	s24 =	smov.u32 s12;
	[sflag:s30] =	ssyncadd.s32 $0xFFFFFFB0  }
0x7c: {  	[tilespmem:s26], [sflag:$0x1] =	stream.indirect.gather [hbm4b:s0+s31], $0x80, s14, s31, $0xb8;
	[tilespmem:$0x1C500] =	vst v63  }
.LBB2_6:
0x7d: {  	s13 =	sadd.s32 s11, s25  }
0x7e: {  	[tilespmem:s4], [sflag:$0x5] =	stream.linear.gather [hbm4b:s13+s4], $0x1E0, $0x38;
	[tilespmem:$0x1C500] =	vst v63  }
0x7f: {  	_ =	swait.ge [sflag:s30], $0x1E0  }
0x80: {  	s15 =	rddreg [dreg:$0x5];
	[sflag:s30] =	ssyncset.done $0x0  }
0x81: {  	[sflag:s30] =	ssyncadd.s32 $0xFFFFFE20;
	s13 =	sadd.s32 s11, s15  }
0x82: {  	[tilespmem:s2], [sflag:$0x5] =	stream.linear.gather [hbm4b:s13+s4], $0x1E0, $0x38;
	[tilespmem:$0x1C500] =	vst v63  }
0x83: {  	_ =	swait.ge [sflag:s30], $0x1E0  }
0x84: {  	[sflag:s30] =	ssyncset.done $0x0  }
0x85: {  	[sflag:s30] =	ssyncadd.s32 $0xFFFFFE20  }
0x86: {  	_ =	swait.ge [sflag:s18], $0x2800  }
0x87: {  	[sflag:s18] =	ssyncset.done $0x0  }
0x88: {  	[sflag:s18] =	ssyncadd.s32 $0xFFFFD800  }
0x89: {  	[tilespmem:s19], [sflag:$0x2] =	stream.indirect.gather [hbm4b:s0+s31], $0x80, s31, s31, $0xb8;
	[tilespmem:$0x1C500] =	vst v63  }
0x8a: {  	v2 =	vld [tilespmem:$0x280]  }
0x8b: {  	v3 =	vld [tilespmem:$0x290]  }
0x8c: {  	v4 =	vld [tilespmem:$0x2A0]  }
0x8d: {  	v5 =	vld [tilespmem:$0x2B0]  }
0x8e: {  	v6 =	vld [tilespmem:$0x2C0]  }
0x8f: {  	[tilespmem:$0x480] =	vst v2  }
0x90: {  	[tilespmem:$0x490] =	vst v3  }
0x91: {  	[tilespmem:$0x4A0] =	vst v4  }
0x92: {  	[tilespmem:$0x4B0] =	vst v5  }
0x93: {  	[tilespmem:$0x4C0] =	vst v6  }
0x94: {  	[spmem:s3] =	stream.indirect.scatter.add.f32 [tilespmem:s26], [sflag:$0x4], $0x80, s20, s31, $0xb8;
	[tilespmem:$0x1C500] =	vst v63  }
0x95: {  	v2 =	vld [tilespmem:$0x480];
	_ =	sdelay $0x7  }
0x96: {  	[tilespmem:v2+s21+$0x0] =	vst.idx.add.f32.msk $0xffff, v1  }
0x97: {  	v2 =	vld [tilespmem:$0x490];
	_ =	sdelay $0x7  }
0x98: {  	[tilespmem:v2+s21+$0x0] =	vst.idx.add.f32.msk $0xffff, v1  }
0x99: {  	v2 =	vld [tilespmem:$0x4A0];
	_ =	sdelay $0x7  }
0x9a: {  	[tilespmem:v2+s21+$0x0] =	vst.idx.add.f32.msk $0xffff, v1  }
0x9b: {  	v2 =	vld [tilespmem:$0x4B0];
	_ =	sdelay $0x7  }
0x9c: {  	[tilespmem:v2+s21+$0x0] =	vst.idx.add.f32.msk $0xffff, v1  }
0x9d: {  	v2 =	vld [tilespmem:$0x4C0];
	_ =	sdelay $0x7  }
0x9e: {  	[tilespmem:v2+s21+$0x0] =	vst.idx.add.f32.msk $0xffff, v1  }
0x9f: {  	_ =	swait.ge [sflag:s22], $0x2800  }
0xa0: {  	[sflag:s22] =	ssyncset.done $0x0  }
0xa1: {  	[sflag:s22] =	ssyncadd.s32 $0xFFFFD800  }
0xa2: {  	_ =	swait.ge [sflag:s1], $0x2800  }
0xa3: {  	[sflag:s1] =	ssyncset.done $0x0  }
0xa4: {  	[sflag:s1] =	ssyncadd.s32 $0xFFFFD800  }
0xa5: {  	[tilespmem:s26], [sflag:$0x1] =	stream.indirect.gather [hbm4b:s0+s31], $0x80, s17, s31, $0xb8;
	[tilespmem:$0x1C500] =	vst v63  }
0xa6: {  	v2 =	vld [tilespmem:$0x2D0]  }
0xa7: {  	v3 =	vld [tilespmem:$0x2E0]  }
0xa8: {  	v49 =	vld [tilespmem:$0x2F0]  }
0xa9: {  	v50 =	vld [tilespmem:$0x300]  }
0xaa: {  	v51 =	vld [tilespmem:$0x310]  }
0xab: {  	[tilespmem:$0x480] =	vst v2  }
0xac: {  	[tilespmem:$0x490] =	vst v3  }
0xad: {  	[tilespmem:$0x4A0] =	vst v49  }
0xae: {  	[tilespmem:$0x4B0] =	vst v50  }
0xaf: {  	[tilespmem:$0x4C0] =	vst v51  }
0xb0: {  	[spmem:s3] =	stream.indirect.scatter.add.f32 [tilespmem:s19], [sflag:$0x4], $0x80, s20, s31, $0xb8;
	[tilespmem:$0x1C500] =	vst v63  }
0xb1: {  	v2 =	vld [tilespmem:$0x480];
	_ =	sdelay $0x7  }
0xb2: {  	[tilespmem:v2+s21+$0x0] =	vst.idx.add.f32.msk $0xffff, v1  }
0xb3: {  	v2 =	vld [tilespmem:$0x490];
	_ =	sdelay $0x7  }
0xb4: {  	[tilespmem:v2+s21+$0x0] =	vst.idx.add.f32.msk $0xffff, v1  }
0xb5: {  	v2 =	vld [tilespmem:$0x4A0];
	_ =	sdelay $0x7  }
0xb6: {  	[tilespmem:v2+s21+$0x0] =	vst.idx.add.f32.msk $0xffff, v1  }
0xb7: {  	v2 =	vld [tilespmem:$0x4B0];
	_ =	sdelay $0x7  }
0xb8: {  	[tilespmem:v2+s21+$0x0] =	vst.idx.add.f32.msk $0xffff, v1  }
0xb9: {  	v2 =	vld [tilespmem:$0x4C0];
	_ =	sdelay $0x7  }
0xba: {  	[tilespmem:v2+s21+$0x0] =	vst.idx.add.f32.msk $0xffff, v1  }
0xbb: {  	_ =	swait.ge [sflag:s22], $0x2800  }
0xbc: {  	[sflag:s22] =	ssyncset.done $0x0  }
0xbd: {  	[sflag:s22] =	ssyncadd.s32 $0xFFFFD800  }
0xbe: {  	_ =	swait.ge [sflag:s18], $0x2800  }
0xbf: {  	[sflag:s18] =	ssyncset.done $0x0  }
0xc0: {  	[sflag:s18] =	ssyncadd.s32 $0xFFFFD800  }
0xc1: {  	[tilespmem:s19], [sflag:$0x2] =	stream.indirect.gather [hbm4b:s0+s31], $0x80, s29, s31, $0xb8;
	[tilespmem:$0x1C500] =	vst v63  }
0xc2: {  	v2 =	vld [tilespmem:$0x320]  }
0xc3: {  	v3 =	vld [tilespmem:$0x330]  }
0xc4: {  	v52 =	vld [tilespmem:$0x340]  }
0xc5: {  	v53 =	vld [tilespmem:$0x350]  }
0xc6: {  	v54 =	vld [tilespmem:$0x360]  }
0xc7: {  	[tilespmem:$0x480] =	vst v2  }
0xc8: {  	[tilespmem:$0x490] =	vst v3  }
0xc9: {  	[tilespmem:$0x4A0] =	vst v52  }
0xca: {  	[tilespmem:$0x4B0] =	vst v53  }
0xcb: {  	[tilespmem:$0x4C0] =	vst v54  }
0xcc: {  	[spmem:s3] =	stream.indirect.scatter.add.f32 [tilespmem:s26], [sflag:$0x4], $0x80, s20, s31, $0xb8;
	[tilespmem:$0x1C500] =	vst v63  }
0xcd: {  	v2 =	vld [tilespmem:$0x480];
	_ =	sdelay $0x7  }
0xce: {  	[tilespmem:v2+s21+$0x0] =	vst.idx.add.f32.msk $0xffff, v1  }
0xcf: {  	v2 =	vld [tilespmem:$0x490];
	_ =	sdelay $0x7  }
0xd0: {  	[tilespmem:v2+s21+$0x0] =	vst.idx.add.f32.msk $0xffff, v1  }
0xd1: {  	v2 =	vld [tilespmem:$0x4A0];
	_ =	sdelay $0x7  }
0xd2: {  	[tilespmem:v2+s21+$0x0] =	vst.idx.add.f32.msk $0xffff, v1  }
0xd3: {  	v2 =	vld [tilespmem:$0x4B0];
	_ =	sdelay $0x7  }
0xd4: {  	[tilespmem:v2+s21+$0x0] =	vst.idx.add.f32.msk $0xffff, v1  }
0xd5: {  	v2 =	vld [tilespmem:$0x4C0];
	_ =	sdelay $0x7  }
0xd6: {  	[tilespmem:v2+s21+$0x0] =	vst.idx.add.f32.msk $0xffff, v1  }
0xd7: {  	_ =	swait.ge [sflag:s22], $0x2800  }
0xd8: {  	[sflag:s22] =	ssyncset.done $0x0  }
0xd9: {  	[sflag:s22] =	ssyncadd.s32 $0xFFFFD800  }
0xda: {  	_ =	swait.ge [sflag:s1], $0x2800  }
0xdb: {  	[sflag:s1] =	ssyncset.done $0x0  }
0xdc: {  	[sflag:s1] =	ssyncadd.s32 $0xFFFFD800  }
0xdd: {  	[tilespmem:s26], [sflag:$0x1] =	stream.indirect.gather [hbm4b:s0+s31], $0x80, s7, s31, $0xb8;
	[tilespmem:$0x1C500] =	vst v63  }
0xde: {  	v2 =	vld [tilespmem:$0x370]  }
0xdf: {  	v3 =	vld [tilespmem:$0x380]  }
0xe0: {  	v55 =	vld [tilespmem:$0x390]  }
0xe1: {  	v56 =	vld [tilespmem:$0x3A0]  }
0xe2: {  	v57 =	vld [tilespmem:$0x3B0]  }
0xe3: {  	[tilespmem:$0x480] =	vst v2  }
0xe4: {  	[tilespmem:$0x490] =	vst v3  }
0xe5: {  	[tilespmem:$0x4A0] =	vst v55  }
0xe6: {  	[tilespmem:$0x4B0] =	vst v56  }
0xe7: {  	[tilespmem:$0x4C0] =	vst v57  }
0xe8: {  	[spmem:s3] =	stream.indirect.scatter.add.f32 [tilespmem:s19], [sflag:$0x4], $0x80, s20, s31, $0xb8;
	[tilespmem:$0x1C500] =	vst v63  }
0xe9: {  	v2 =	vld [tilespmem:$0x480];
	_ =	sdelay $0x7  }
0xea: {  	[tilespmem:v2+s21+$0x0] =	vst.idx.add.f32.msk $0xffff, v1  }
0xeb: {  	v2 =	vld [tilespmem:$0x490];
	_ =	sdelay $0x7  }
0xec: {  	[tilespmem:v2+s21+$0x0] =	vst.idx.add.f32.msk $0xffff, v1  }
0xed: {  	v2 =	vld [tilespmem:$0x4A0];
	_ =	sdelay $0x7  }
0xee: {  	[tilespmem:v2+s21+$0x0] =	vst.idx.add.f32.msk $0xffff, v1  }
0xef: {  	v2 =	vld [tilespmem:$0x4B0];
	_ =	sdelay $0x7  }
0xf0: {  	[tilespmem:v2+s21+$0x0] =	vst.idx.add.f32.msk $0xffff, v1  }
0xf1: {  	v2 =	vld [tilespmem:$0x4C0];
	_ =	sdelay $0x7  }
0xf2: {  	[tilespmem:v2+s21+$0x0] =	vst.idx.add.f32.msk $0xffff, v1  }
0xf3: {  	_ =	swait.ge [sflag:s22], $0x2800  }
0xf4: {  	[sflag:s22] =	ssyncset.done $0x0  }
0xf5: {  	[sflag:s22] =	ssyncadd.s32 $0xFFFFD800  }
0xf6: {  	_ =	swait.ge [sflag:s18], $0x2800  }
0xf7: {  	[sflag:s18] =	ssyncset.done $0x0  }
0xf8: {  	[sflag:s18] =	ssyncadd.s32 $0xFFFFD800  }
0xf9: {  	[tilespmem:s19], [sflag:$0x2] =	stream.indirect.gather [hbm4b:s0+s31], $0x80, s8, s31, $0xb8;
	[tilespmem:$0x1C500] =	vst v63  }
0xfa: {  	v2 =	vld [tilespmem:$0x3C0]  }
0xfb: {  	v3 =	vld [tilespmem:$0x3D0]  }
0xfc: {  	v58 =	vld [tilespmem:$0x3E0]  }
0xfd: {  	v59 =	vld [tilespmem:$0x3F0]  }
0xfe: {  	v60 =	vld [tilespmem:$0x400]  }
0xff: {  	[tilespmem:$0x480] =	vst v2  }
0x100: {  	[tilespmem:$0x490] =	vst v3  }
0x101: {  	[tilespmem:$0x4A0] =	vst v58  }
0x102: {  	[tilespmem:$0x4B0] =	vst v59  }
0x103: {  	[tilespmem:$0x4C0] =	vst v60  }
0x104: {  	[spmem:s3] =	stream.indirect.scatter.add.f32 [tilespmem:s26], [sflag:$0x4], $0x80, s20, s31, $0xb8;
	[tilespmem:$0x1C500] =	vst v63  }
0x105: {  	v2 =	vld [tilespmem:$0x480];
	_ =	sdelay $0x7  }
0x106: {  	[tilespmem:v2+s21+$0x0] =	vst.idx.add.f32.msk $0xffff, v1  }
0x107: {  	v2 =	vld [tilespmem:$0x490];
	_ =	sdelay $0x7  }
0x108: {  	[tilespmem:v2+s21+$0x0] =	vst.idx.add.f32.msk $0xffff, v1  }
0x109: {  	v2 =	vld [tilespmem:$0x4A0];
	_ =	sdelay $0x7  }
0x10a: {  	[tilespmem:v2+s21+$0x0] =	vst.idx.add.f32.msk $0xffff, v1  }
0x10b: {  	v2 =	vld [tilespmem:$0x4B0];
	_ =	sdelay $0x7  }
0x10c: {  	[tilespmem:v2+s21+$0x0] =	vst.idx.add.f32.msk $0xffff, v1  }
0x10d: {  	v2 =	vld [tilespmem:$0x4C0];
	_ =	sdelay $0x7  }
0x10e: {  	[tilespmem:v2+s21+$0x0] =	vst.idx.add.f32.msk $0xffff, v1  }
0x10f: {  	_ =	swait.ge [sflag:s22], $0x2800  }
0x110: {  	[sflag:s22] =	ssyncset.done $0x0  }
0x111: {  	[sflag:s22] =	ssyncadd.s32 $0xFFFFD800  }
0x112: {  	p1 =	seq.s32 s11, $0x4B0;
	_ =	swait.ge [sflag:s1], $0x2800  }
0x113: {  	s14 =	simm.s32 @!p1 $0x0;
	s13 =	sshrl.u32 @!p1 s24, $0x3;
	[sflag:s1] =	ssyncset.done $0x0  }
0x114: {  	s15 =	simm.s32 @!p1 $0x1E0;
	s13 =	sadd.s32 @!p1 s5, s13;
	[sflag:s1] =	ssyncadd.s32 $0xFFFFD800  }
0x115: {  	[tilespmem:s15], [sflag:$0x5] =	stream.linear.gather @!p1 [hbm4b:s13+s14], $0x50, $0x38;
	[tilespmem:$0x1C500] =	vst v63  }
0x116: {  	s13 =	simm.s32 @!p1 $0x5  }
0x117: {  	_ =	swait.ge @!p1 [sflag:s13], $0x50  }
0x118: {  	[sflag:s13] =	ssyncset.done @!p1 $0x0  }
0x119: {  	s14 =	simm.s32 @!p1 $0x500;
	[sflag:s13] =	ssyncadd.s32 @!p1 $0xFFFFFFB0;
	s13 =	simm.s32 @!p1 $0x50  }
0x11a: {  	[tilespmem:s14], [sflag:$0x1] =	stream.indirect.gather @!p1 [hbm4b:s0+s13], $0x80, s15, s13, $0xb8;
	[tilespmem:$0x1C500] =	vst v63  }
0x11b: {  	v2 =	vld [tilespmem:$0x410]  }
0x11c: {  	v3 =	vld [tilespmem:$0x420]  }
0x11d: {  	v61 =	vld [tilespmem:$0x430]  }
0x11e: {  	v62 =	vld [tilespmem:$0x440]  }
0x11f: {  	v63 =	vld [tilespmem:$0x450]  }
0x120: {  	[tilespmem:$0x480] =	vst v2  }
0x121: {  	[tilespmem:$0x490] =	vst v3  }
0x122: {  	[tilespmem:$0x4A0] =	vst v61  }
0x123: {  	[tilespmem:$0x4B0] =	vst v62  }
0x124: {  	[tilespmem:$0x4C0] =	vst v63  }
0x125: {  	[spmem:s3] =	stream.indirect.scatter.add.f32 [tilespmem:s19], [sflag:$0x4], $0x80, s20, s31, $0xb8;
	[tilespmem:$0x1C500] =	vst v63  }
0x126: {  	v2 =	vld [tilespmem:$0x480];
	_ =	sdelay $0x7  }
0x127: {  	[tilespmem:v2+s21+$0x0] =	vst.idx.add.f32.msk $0xffff, v1  }
0x128: {  	v2 =	vld [tilespmem:$0x490];
	_ =	sdelay $0x7  }
0x129: {  	[tilespmem:v2+s21+$0x0] =	vst.idx.add.f32.msk $0xffff, v1  }
0x12a: {  	v2 =	vld [tilespmem:$0x4A0];
	_ =	sdelay $0x7  }
0x12b: {  	[tilespmem:v2+s21+$0x0] =	vst.idx.add.f32.msk $0xffff, v1  }
0x12c: {  	v2 =	vld [tilespmem:$0x4B0];
	_ =	sdelay $0x7  }
0x12d: {  	[tilespmem:v2+s21+$0x0] =	vst.idx.add.f32.msk $0xffff, v1  }
0x12e: {  	v2 =	vld [tilespmem:$0x4C0];
	_ =	sdelay $0x4  }
0x12f: {  	s11 =	sadd.s32 $0x3C, s11  }
0x130: {  	p1 =	sne.s32 s11, $0x4EC  }
.Ltmp4:
0x131: {  	_ = 	snop;
	(pc) =	sbr.rel @p1 .LBB2_6-.Ltmp4, $4  }
0x132: {  	[tilespmem:v2+s21+$0x0] =	vst.idx.add.f32.msk $0xffff, v1  }
0x133: {  	_ =	swait.ge [sflag:s22], $0x2800  }
0x134: {  	[sflag:s22] =	ssyncset.done $0x0  }
0x135: {  	s24 =	sadd.s32 $0x1E0, s24;
	[sflag:s22] =	ssyncadd.s32 $0xFFFFD800  }
0x136: {  	s11 =	stileid.u32  }
0x137: {  	[bflag:$0x0] =	sbarrier.arrive $0xFFFF;
	s11 =	sshll.u32 s11, $0x6  }
0x138: {  	s13 =	sshrl.u32 s6, $0x3;
	s14 =	rddreg [dreg:$0xe];
	s11 =	sor.u32 $0x1C05, s11  }
0x139: {  	[hbm:s14], [sflag:s11] =	dma.local [spmem:s13], $0x2800  }
0x13a: {  	_ =	swait.ge [sflag:s30], $0x2800  }
0x13b: {  	[sflag:s30] =	ssyncset.done $0x0  }
0x13c: {  	[sflag:s30] =	ssyncadd.s32 $0xFFFFD800  }
0x13d: {  	[bflag:$0x0] =	sbarrier.arrive $0xFFFF  }
0x13e: {  	[spmem:s16] =	stream.linear.scatter [tilespmem:s21], [sflag:$0x5], $0x2800, $0x38;
	[tilespmem:$0x1C500] =	vst v63  }
.Ltmp5:
0x13f: {  	_ =	swait.ge [sflag:s30], $0x2800;
	(pc) =	sbr.rel @p0 .LBB2_9-.Ltmp5, $3  }
0x140: {  	[sflag:s30] =	ssyncset.done $0x0  }
0x141: {  	[sflag:s30] =	ssyncadd.s32 $0xFFFFD800  }
0x142: {  	[bflag:$0x0] =	sbarrier.arrive $0xFFFF;
	_ =	sdelay $0x1  }
0x143: {  	[tilespmem:$0x1C100] =	vst v0  }
0x144: {  	[tilespmem:$0x1C110] =	vst v0  }
0x145: {  	[tilespmem:$0x1C120] =	vst v0  }
0x146: {  	[tilespmem:$0x1C130] =	vst v0  }
0x147: {  	[tilespmem:$0x1C140] =	vst v0  }
0x148: {  	[tilespmem:$0x1C150] =	vst v0  }
0x149: {  	[tilespmem:$0x1C160] =	vst v0  }
0x14a: {  	[tilespmem:$0x1C170] =	vst v0  }
0x14b: {  	[tilespmem:$0x1C180] =	vst v0  }
0x14c: {  	[tilespmem:$0x1C190] =	vst v0  }
0x14d: {  	[tilespmem:$0x1C1A0] =	vst v0  }
0x14e: {  	[tilespmem:$0x1C1B0] =	vst v0  }
0x14f: {  	[tilespmem:$0x1C1C0] =	vst v0  }
0x150: {  	[tilespmem:$0x1C1D0] =	vst v0  }
0x151: {  	[tilespmem:$0x1C1E0] =	vst v0  }
0x152: {  	[tilespmem:$0x1C1F0] =	vst v0  }
0x153: {  	[tilespmem:$0x1C200] =	vst v0  }
0x154: {  	[tilespmem:$0x1C210] =	vst v0  }
0x155: {  	[tilespmem:$0x1C220] =	vst v0  }
0x156: {  	[tilespmem:$0x1C230] =	vst v0  }
0x157: {  	[tilespmem:$0x1C240] =	vst v0  }
0x158: {  	[tilespmem:$0x1C250] =	vst v0  }
0x159: {  	[tilespmem:$0x1C260] =	vst v0  }
0x15a: {  	[tilespmem:$0x1C270] =	vst v0  }
0x15b: {  	[tilespmem:$0x1C280] =	vst v0  }
0x15c: {  	[tilespmem:$0x1C290] =	vst v0  }
0x15d: {  	[tilespmem:$0x1C2A0] =	vst v0  }
0x15e: {  	[tilespmem:$0x1C2B0] =	vst v0  }
0x15f: {  	[tilespmem:$0x1C2C0] =	vst v0  }
0x160: {  	[tilespmem:$0x1C2D0] =	vst v0  }
0x161: {  	[tilespmem:$0x1C2E0] =	vst v0  }
0x162: {  	[tilespmem:$0x1C2F0] =	vst v0  }
0x163: {  	[tilespmem:$0x1C300] =	vst v0  }
0x164: {  	[tilespmem:$0x1C310] =	vst v0  }
0x165: {  	[tilespmem:$0x1C320] =	vst v0  }
0x166: {  	[tilespmem:$0x1C330] =	vst v0  }
0x167: {  	[tilespmem:$0x1C340] =	vst v0  }
0x168: {  	[tilespmem:$0x1C350] =	vst v0  }
0x169: {  	[tilespmem:$0x1C360] =	vst v0  }
0x16a: {  	[tilespmem:$0x1C370] =	vst v0  }
0x16b: {  	[tilespmem:$0x1C380] =	vst v0  }
0x16c: {  	[tilespmem:$0x1C390] =	vst v0  }
0x16d: {  	[tilespmem:$0x1C3A0] =	vst v0  }
0x16e: {  	[tilespmem:$0x1C3B0] =	vst v0  }
0x16f: {  	[tilespmem:$0x1C3C0] =	vst v0  }
0x170: {  	[tilespmem:$0x1C3D0] =	vst v0  }
0x171: {  	[tilespmem:$0x1C3E0] =	vst v0  }
0x172: {  	[tilespmem:$0x1C3F0] =	vst v0  }
0x173: {  	[tilespmem:$0x1C400] =	vst v0  }
0x174: {  	[tilespmem:$0x1C410] =	vst v0  }
0x175: {  	[tilespmem:$0x1C420] =	vst v0  }
0x176: {  	[tilespmem:$0x1C430] =	vst v0  }
0x177: {  	[tilespmem:$0x1C440] =	vst v0  }
0x178: {  	[tilespmem:$0x1C450] =	vst v0  }
0x179: {  	[tilespmem:$0x1C460] =	vst v0  }
0x17a: {  	[tilespmem:$0x1C470] =	vst v0  }
0x17b: {  	[tilespmem:$0x1C480] =	vst v0  }
0x17c: {  	[tilespmem:$0x1C490] =	vst v0  }
0x17d: {  	[tilespmem:$0x1C4A0] =	vst v0  }
0x17e: {  	[tilespmem:$0x1C4B0] =	vst v0  }
0x17f: {  	[tilespmem:$0x1C4C0] =	vst v0  }
0x180: {  	[tilespmem:$0x1C4D0] =	vst v0  }
0x181: {  	[tilespmem:$0x1C4E0] =	vst v0  }
0x182: {  	[tilespmem:$0x1C4F0] =	vst v0;
	s11 =	rddreg [dreg:$0xf]  }
0x183: {  	[tilespmem:s9], [sflag:$0x5] =	stream.linear.gather [spmem:s11], $0x400, $0x38;
	[tilespmem:$0x1C500] =	vst v63  }
0x184: {  	_ =	swait.ge [sflag:s30], $0x400  }
0x185: {  	[sflag:s30] =	ssyncset.done $0x0  }
0x186: {  	[sflag:s30] =	ssyncadd.s32 $0xFFFFFC00  }
0x187: {  	v2 =	vld [tilespmem:$0x1C100]  }
0x188: {  	v3 =	vld [tilespmem:$0x1BD00]  }
0x189: {  	v4 =	vld [tilespmem:$0x1C110]  }
0x18a: {  	v5 =	vld [tilespmem:$0x1BD10]  }
0x18b: {  	v6 =	vld [tilespmem:$0x1C120]  }
0x18c: {  	v7 =	vld [tilespmem:$0x1BD20]  }
0x18d: {  	v8 =	vld [tilespmem:$0x1C130]  }
0x18e: {  	v9 =	vld [tilespmem:$0x1BD30]  }
0x18f: {  	v10 =	vld [tilespmem:$0x1C140]  }
0x190: {  	v11 =	vld [tilespmem:$0x1BD40]  }
0x191: {  	v12 =	vld [tilespmem:$0x1C150]  }
0x192: {  	v13 =	vld [tilespmem:$0x1BD50]  }
0x193: {  	v14 =	vld [tilespmem:$0x1C160]  }
0x194: {  	v15 =	vld [tilespmem:$0x1BD60]  }
0x195: {  	v16 =	vld [tilespmem:$0x1C170]  }
0x196: {  	v17 =	vld [tilespmem:$0x1BD70]  }
0x197: {  	v18 =	vld [tilespmem:$0x1C180]  }
0x198: {  	v19 =	vld [tilespmem:$0x1BD80]  }
0x199: {  	v20 =	vld [tilespmem:$0x1C190]  }
0x19a: {  	v21 =	vld [tilespmem:$0x1BD90]  }
0x19b: {  	v22 =	vld [tilespmem:$0x1C1A0]  }
0x19c: {  	v23 =	vld [tilespmem:$0x1BDA0]  }
0x19d: {  	v24 =	vld [tilespmem:$0x1C1B0]  }
0x19e: {  	v25 =	vld [tilespmem:$0x1BDB0]  }
0x19f: {  	v26 =	vld [tilespmem:$0x1C1C0]  }
0x1a0: {  	v27 =	vld [tilespmem:$0x1BDC0]  }
0x1a1: {  	v28 =	vld [tilespmem:$0x1C1D0]  }
0x1a2: {  	v29 =	vld [tilespmem:$0x1BDD0]  }
0x1a3: {  	v30 =	vld [tilespmem:$0x1C1E0]  }
0x1a4: {  	v31 =	vld [tilespmem:$0x1BDE0]  }
0x1a5: {  	v32 =	vld [tilespmem:$0x1C1F0]  }
0x1a6: {  	v33 =	vld [tilespmem:$0x1BDF0]  }
0x1a7: {  	v34 =	vld [tilespmem:$0x1C200]  }
0x1a8: {  	v35 =	vld [tilespmem:$0x1BE00]  }
0x1a9: {  	v36 =	vld [tilespmem:$0x1C210]  }
0x1aa: {  	v37 =	vld [tilespmem:$0x1BE10]  }
0x1ab: {  	v38 =	vld [tilespmem:$0x1C220]  }
0x1ac: {  	v39 =	vld [tilespmem:$0x1BE20]  }
0x1ad: {  	v40 =	vld [tilespmem:$0x1C230]  }
0x1ae: {  	v41 =	vld [tilespmem:$0x1BE30]  }
0x1af: {  	v42 =	vld [tilespmem:$0x1C240]  }
0x1b0: {  	v43 =	vld [tilespmem:$0x1BE40]  }
0x1b1: {  	v44 =	vld [tilespmem:$0x1C250]  }
0x1b2: {  	v45 =	vld [tilespmem:$0x1BE50]  }
0x1b3: {  	v46 =	vld [tilespmem:$0x1C260]  }
0x1b4: {  	v61 =	vld [tilespmem:$0x1BE70]  }
0x1b5: {  	v63 =	vld [tilespmem:$0x1BE80]  }
0x1b6: {  	v48 =	vld [tilespmem:$0x1C2D0]  }
0x1b7: {  	v49 =	vld [tilespmem:$0x1BED0]  }
0x1b8: {  	v51 =	vld [tilespmem:$0x1C2E0]  }
0x1b9: {  	v52 =	vld [tilespmem:$0x1BEE0]  }
0x1ba: {  	v54 =	vld [tilespmem:$0x1C2F0]  }
0x1bb: {  	v55 =	vld [tilespmem:$0x1BEF0]  }
0x1bc: {  	v57 =	vld [tilespmem:$0x1C300]  }
0x1bd: {  	v58 =	vld [tilespmem:$0x1BF00]  }
0x1be: {  	v60 =	vld [tilespmem:$0x1C310]  }
0x1bf: {  	v2 =	vadd.f32 v3, v2;
	v3 =	vld [tilespmem:$0x1BE60]  }
0x1c0: {  	v4 =	vadd.f32 v5, v4;
	v5 =	vld [tilespmem:$0x1C270]  }
0x1c1: {  	v62 =	vadd.f32 v9, v8;
	v9 =	vld [tilespmem:$0x1C290]  }
0x1c2: {  	v13 =	vadd.f32 v13, v12;
	v12 =	vld [tilespmem:$0x1BEA0]  }
0x1c3: {  	v17 =	vadd.f32 v17, v16;
	v16 =	vld [tilespmem:$0x1BEC0]  }
0x1c4: {  	v47 =	vadd.f32 v29, v28;
	v28 =	vld [tilespmem:$0x1BF30]  }
0x1c5: {  	v50 =	vadd.f32 v33, v32;
	v33 =	vld [tilespmem:$0x1C350]  }
0x1c6: {  	v53 =	vadd.f32 v37, v36;
	v36 =	vld [tilespmem:$0x1C360]  }
0x1c7: {  	v37 =	vld [tilespmem:$0x1BF60]  }
0x1c8: {  	v56 =	vadd.f32 v41, v40;
	v40 =	vld [tilespmem:$0x1C390]  }
0x1c9: {  	v41 =	vld [tilespmem:$0x1BF90];
	[tilespmem:$0x1C100] =	vst v2  }
0x1ca: {  	v59 =	vadd.f32 v45, v44;
	v44 =	vld [tilespmem:$0x1C3B0];
	v2 =	vadd.f32 v7, v6;
	[tilespmem:$0x1C130] =	vst v62  }
0x1cb: {  	v45 =	vld [tilespmem:$0x1BFB0];
	[tilespmem:$0x1C150] =	vst v13  }
0x1cc: {  	v32 =	vadd.f32 v49, v48;
	v48 =	vld [tilespmem:$0x1C3D0];
	[tilespmem:$0x1C120] =	vst v2;
	v2 =	vadd.f32 v11, v10  }
0x1cd: {  	v49 =	vld [tilespmem:$0x1BFD0];
	[tilespmem:$0x1C1D0] =	vst v47  }
0x1ce: {  	v7 =	vld [tilespmem:$0x1C280];
	[tilespmem:$0x1C140] =	vst v2;
	v2 =	vadd.f32 v15, v14  }
0x1cf: {  	v13 =	vld [tilespmem:$0x1C2B0];
	[tilespmem:$0x1C1F0] =	vst v50  }
0x1d0: {  	v62 =	vld [tilespmem:$0x1C320];
	[tilespmem:$0x1C160] =	vst v2;
	v2 =	vadd.f32 v19, v18  }
0x1d1: {  	[tilespmem:$0x1C210] =	vst v53;
	v47 =	vld [tilespmem:$0x1BFC0]  }
0x1d2: {  	v50 =	vld [tilespmem:$0x1C3E0];
	[tilespmem:$0x1C180] =	vst v2;
	v2 =	vadd.f32 v23, v22  }
0x1d3: {  	[tilespmem:$0x1C230] =	vst v56;
	v53 =	vld [tilespmem:$0x1BFF0]  }
0x1d4: {  	v56 =	vld [tilespmem:$0x1C410];
	[tilespmem:$0x1C1A0] =	vst v2;
	v2 =	vadd.f32 v27, v26  }
0x1d5: {  	[tilespmem:$0x1C250] =	vst v59;
	v59 =	vld [tilespmem:$0x1C020]  }
0x1d6: {  	v10 =	vld [tilespmem:$0x1BE90];
	[tilespmem:$0x1C1C0] =	vst v2;
	v2 =	vadd.f32 v31, v30  }
0x1d7: {  	[tilespmem:$0x1C110] =	vst v4;
	v11 =	vld [tilespmem:$0x1C2A0]  }
0x1d8: {  	v4 =	vadd.f32 v41, v40;
	v40 =	vld [tilespmem:$0x1C080];
	[tilespmem:$0x1C1E0] =	vst v2;
	v2 =	vadd.f32 v35, v34  }
0x1d9: {  	v41 =	vadd.f32 v49, v48;
	v48 =	vld [tilespmem:$0x1C4B0]  }
0x1da: {  	v49 =	vld [tilespmem:$0x1C0B0];
	[tilespmem:$0x1C200] =	vst v2;
	v2 =	vadd.f32 v39, v38  }
0x1db: {  	v61 =	vadd.f32 v61, v5;
	v14 =	vld [tilespmem:$0x1BEB0]  }
0x1dc: {  	v15 =	vld [tilespmem:$0x1C2C0];
	[tilespmem:$0x1C220] =	vst v2;
	v2 =	vadd.f32 v43, v42  }
0x1dd: {  	[tilespmem:$0x1C270] =	vst v61;
	v61 =	vld [tilespmem:$0x1C030]  }
0x1de: {  	v27 =	vld [tilespmem:$0x1C330];
	[tilespmem:$0x1C240] =	vst v2;
	v2 =	vadd.f32 v3, v46  }
0x1df: {  	v30 =	vld [tilespmem:$0x1C340]  }
0x1e0: {  	v31 =	vld [tilespmem:$0x1BF40];
	[tilespmem:$0x1C260] =	vst v2;
	v2 =	vadd.f32 v63, v7  }
0x1e1: {  	v34 =	vld [tilespmem:$0x1BF50]  }
0x1e2: {  	v3 =	vld [tilespmem:$0x1BF10];
	[tilespmem:$0x1C280] =	vst v2;
	v2 =	vadd.f32 v12, v11  }
0x1e3: {  	v35 =	vadd.f32 v55, v54;
	v54 =	vld [tilespmem:$0x1C400]  }
0x1e4: {  	v55 =	vld [tilespmem:$0x1C000];
	[tilespmem:$0x1C2A0] =	vst v2;
	v2 =	vadd.f32 v16, v15  }
0x1e5: {  	[tilespmem:$0x1C170] =	vst v17;
	v63 =	vld [tilespmem:$0x1BF20]  }
0x1e6: {  	v38 =	vld [tilespmem:$0x1C370];
	[tilespmem:$0x1C2C0] =	vst v2;
	v2 =	vadd.f32 v52, v51  }
0x1e7: {  	[tilespmem:$0x1C2F0] =	vst v35;
	v39 =	vld [tilespmem:$0x1BF70];
	v3 =	vadd.f32 v3, v60  }
0x1e8: {  	v35 =	vld [tilespmem:$0x1C460];
	[tilespmem:$0x1C2E0] =	vst v2;
	v2 =	vadd.f32 v58, v57  }
0x1e9: {  	v42 =	vld [tilespmem:$0x1C3A0];
	[tilespmem:$0x1C310] =	vst v3;
	v3 =	vadd.f32 v28, v27  }
0x1ea: {  	v43 =	vld [tilespmem:$0x1BFA0];
	[tilespmem:$0x1C300] =	vst v2;
	v2 =	vadd.f32 v63, v62  }
0x1eb: {  	v46 =	vld [tilespmem:$0x1C3C0];
	[tilespmem:$0x1C330] =	vst v3;
	v3 =	vadd.f32 v34, v33  }
0x1ec: {  	v60 =	vld [tilespmem:$0x1C430];
	[tilespmem:$0x1C320] =	vst v2;
	v2 =	vadd.f32 v31, v30  }
0x1ed: {  	v51 =	vld [tilespmem:$0x1BFE0];
	[tilespmem:$0x1C350] =	vst v3;
	v3 =	vadd.f32 v39, v38  }
0x1ee: {  	v52 =	vld [tilespmem:$0x1C3F0];
	[tilespmem:$0x1C340] =	vst v2;
	v2 =	vadd.f32 v37, v36  }
0x1ef: {  	v21 =	vadd.f32 v21, v20;
	[tilespmem:$0x1C370] =	vst v3;
	v3 =	vld [tilespmem:$0x1BF80]  }
0x1f0: {  	v25 =	vadd.f32 v25, v24;
	[tilespmem:$0x1C360] =	vst v2;
	v2 =	vld [tilespmem:$0x1C380]  }
0x1f1: {  	[tilespmem:$0x1C190] =	vst v21;
	v33 =	vld [tilespmem:$0x1C450]  }
0x1f2: {  	[tilespmem:$0x1C1B0] =	vst v25;
	v34 =	vld [tilespmem:$0x1C050]  }
0x1f3: {  	[tilespmem:$0x1C2D0] =	vst v32;
	v57 =	vld [tilespmem:$0x1C010]  }
0x1f4: {  	[tilespmem:$0x1C390] =	vst v4;
	v29 =	vadd.f32 v14, v13;
	v58 =	vld [tilespmem:$0x1C420]  }
0x1f5: {  	[tilespmem:$0x1C3D0] =	vst v41;
	v39 =	vld [tilespmem:$0x1C480];
	v2 =	vadd.f32 v3, v2  }
0x1f6: {  	v26 =	vadd.f32 v10, v9;
	[tilespmem:$0x1C2B0] =	vst v29;
	v38 =	vadd.f32 v45, v44;
	v45 =	vld [tilespmem:$0x1C4A0]  }
0x1f7: {  	v62 =	vld [tilespmem:$0x1C440];
	[tilespmem:$0x1C380] =	vst v2;
	v2 =	vadd.f32 v43, v42  }
0x1f8: {  	[tilespmem:$0x1C290] =	vst v26;
	v63 =	vld [tilespmem:$0x1C040]  }
0x1f9: {  	v44 =	vadd.f32 v53, v52;
	v52 =	vld [tilespmem:$0x1C0C0];
	[tilespmem:$0x1C3A0] =	vst v2;
	v2 =	vadd.f32 v47, v46  }
0x1fa: {  	[tilespmem:$0x1C3B0] =	vst v38;
	v36 =	vld [tilespmem:$0x1C470]  }
0x1fb: {  	v37 =	vld [tilespmem:$0x1C070];
	[tilespmem:$0x1C3C0] =	vst v2;
	v2 =	vadd.f32 v51, v50  }
0x1fc: {  	v53 =	vadd.f32 v34, v33;
	[tilespmem:$0x1C3F0] =	vst v44;
	v3 =	vld [tilespmem:$0x1C060]  }
0x1fd: {  	v42 =	vld [tilespmem:$0x1C490];
	[tilespmem:$0x1C3E0] =	vst v2;
	v2 =	vadd.f32 v55, v54  }
0x1fe: {  	[tilespmem:$0x1C450] =	vst v53;
	v43 =	vld [tilespmem:$0x1C090];
	v47 =	vadd.f32 v57, v56  }
0x1ff: {  	v46 =	vld [tilespmem:$0x1C0A0];
	[tilespmem:$0x1C400] =	vst v2;
	v2 =	vadd.f32 v59, v58  }
0x200: {  	v56 =	vld [tilespmem:$0x1C4E0];
	[tilespmem:$0x1C410] =	vst v47;
	v50 =	vadd.f32 v61, v60  }
0x201: {  	v51 =	vld [tilespmem:$0x1C4C0];
	[tilespmem:$0x1C420] =	vst v2;
	v2 =	vadd.f32 v63, v62  }
0x202: {  	v61 =	vadd.f32 v49, v48;
	[tilespmem:$0x1C430] =	vst v50;
	v54 =	vld [tilespmem:$0x1C4D0]  }
0x203: {  	[tilespmem:$0x1C440] =	vst v2;
	v2 =	vadd.f32 v3, v35;
	v3 =	vld [tilespmem:$0x1C0D0]  }
0x204: {  	v60 =	vld [tilespmem:$0x1C0F0];
	v55 =	vadd.f32 v37, v36;
	[tilespmem:$0x1C4B0] =	vst v61  }
0x205: {  	v59 =	vld [tilespmem:$0x1C4F0];
	[tilespmem:$0x1C460] =	vst v2;
	v2 =	vadd.f32 v40, v39  }
0x206: {  	v57 =	vld [tilespmem:$0x1C0E0];
	[tilespmem:$0x1C470] =	vst v55;
	v58 =	vadd.f32 v43, v42  }
0x207: {  	[tilespmem:$0x1C480] =	vst v2;
	v2 =	vadd.f32 v46, v45  }
0x208: {  	[tilespmem:$0x1C490] =	vst v58;
	v3 =	vadd.f32 v3, v54  }
0x209: {  	[tilespmem:$0x1C4A0] =	vst v2;
	v2 =	vadd.f32 v52, v51  }
0x20a: {  	[tilespmem:$0x1C4D0] =	vst v3;
	v3 =	vadd.f32 v60, v59  }
0x20b: {  	[tilespmem:$0x1C4C0] =	vst v2;
	v2 =	vadd.f32 v57, v56  }
0x20c: {  	[tilespmem:$0x1C4F0] =	vst v3  }
0x20d: {  	s13 =	rddreg [dreg:$0x10];
	[tilespmem:$0x1C4E0] =	vst v2  }
0x20e: {  	[tilespmem:s9], [sflag:$0x5] =	stream.linear.gather [spmem:s13], $0x400, $0x38;
	[tilespmem:$0x1C500] =	vst v63  }
0x20f: {  	_ =	swait.ge [sflag:s30], $0x400  }
0x210: {  	[sflag:s30] =	ssyncset.done $0x0  }
0x211: {  	[sflag:s30] =	ssyncadd.s32 $0xFFFFFC00  }
0x212: {  	v2 =	vld [tilespmem:$0x1C100]  }
0x213: {  	v3 =	vld [tilespmem:$0x1BD00]  }
0x214: {  	v4 =	vld [tilespmem:$0x1C110]  }
0x215: {  	v5 =	vld [tilespmem:$0x1BD10]  }
0x216: {  	v6 =	vld [tilespmem:$0x1C120]  }
0x217: {  	v7 =	vld [tilespmem:$0x1BD20]  }
0x218: {  	v8 =	vld [tilespmem:$0x1C130]  }
0x219: {  	v9 =	vld [tilespmem:$0x1BD30]  }
0x21a: {  	v10 =	vld [tilespmem:$0x1C140]  }
0x21b: {  	v11 =	vld [tilespmem:$0x1BD40]  }
0x21c: {  	v12 =	vld [tilespmem:$0x1C150]  }
0x21d: {  	v13 =	vld [tilespmem:$0x1BD50]  }
0x21e: {  	v14 =	vld [tilespmem:$0x1C160]  }
0x21f: {  	v15 =	vld [tilespmem:$0x1BD60]  }
0x220: {  	v16 =	vld [tilespmem:$0x1C170]  }
0x221: {  	v17 =	vld [tilespmem:$0x1BD70]  }
0x222: {  	v18 =	vld [tilespmem:$0x1C180]  }
0x223: {  	v19 =	vld [tilespmem:$0x1BD80]  }
0x224: {  	v20 =	vld [tilespmem:$0x1C190]  }
0x225: {  	v21 =	vld [tilespmem:$0x1BD90]  }
0x226: {  	v22 =	vld [tilespmem:$0x1C1A0]  }
0x227: {  	v23 =	vld [tilespmem:$0x1BDA0]  }
0x228: {  	v24 =	vld [tilespmem:$0x1C1B0]  }
0x229: {  	v25 =	vld [tilespmem:$0x1BDB0]  }
0x22a: {  	v26 =	vld [tilespmem:$0x1C1C0]  }
0x22b: {  	v27 =	vld [tilespmem:$0x1BDC0]  }
0x22c: {  	v28 =	vld [tilespmem:$0x1C1D0]  }
0x22d: {  	v29 =	vld [tilespmem:$0x1BDD0]  }
0x22e: {  	v30 =	vld [tilespmem:$0x1C1E0]  }
0x22f: {  	v31 =	vld [tilespmem:$0x1BDE0]  }
0x230: {  	v32 =	vld [tilespmem:$0x1C1F0]  }
0x231: {  	v33 =	vld [tilespmem:$0x1BDF0]  }
0x232: {  	v34 =	vld [tilespmem:$0x1C200]  }
0x233: {  	v35 =	vld [tilespmem:$0x1BE00]  }
0x234: {  	v36 =	vld [tilespmem:$0x1C210]  }
0x235: {  	v37 =	vld [tilespmem:$0x1BE10]  }
0x236: {  	v38 =	vld [tilespmem:$0x1C220]  }
0x237: {  	v39 =	vld [tilespmem:$0x1BE20]  }
0x238: {  	v62 =	vld [tilespmem:$0x1C2E0]  }
0x239: {  	v40 =	vld [tilespmem:$0x1C230]  }
0x23a: {  	v41 =	vld [tilespmem:$0x1BE30]  }
0x23b: {  	v42 =	vld [tilespmem:$0x1C240]  }
0x23c: {  	v43 =	vld [tilespmem:$0x1BE40]  }
0x23d: {  	[tilespmem:$0x1FB00] =	vst v62;
	v62 =	vld [tilespmem:$0x1C2F0]  }
0x23e: {  	v44 =	vld [tilespmem:$0x1C250]  }
0x23f: {  	v45 =	vld [tilespmem:$0x1BE50]  }
0x240: {  	v46 =	vld [tilespmem:$0x1C260]  }
0x241: {  	v47 =	vld [tilespmem:$0x1BE60]  }
0x242: {  	[tilespmem:$0x1FB10] =	vst v62;
	v62 =	vld [tilespmem:$0x1BEF0]  }
0x243: {  	v48 =	vld [tilespmem:$0x1C270]  }
0x244: {  	v49 =	vld [tilespmem:$0x1BE70]  }
0x245: {  	v50 =	vld [tilespmem:$0x1C280]  }
0x246: {  	v51 =	vld [tilespmem:$0x1BE80]  }
0x247: {  	[tilespmem:$0x1FB20] =	vst v62;
	v62 =	vld [tilespmem:$0x1C300]  }
0x248: {  	v52 =	vld [tilespmem:$0x1C290]  }
0x249: {  	v53 =	vld [tilespmem:$0x1BE90]  }
0x24a: {  	v54 =	vld [tilespmem:$0x1C2A0]  }
0x24b: {  	v55 =	vld [tilespmem:$0x1BEA0]  }
0x24c: {  	[tilespmem:$0x1FB30] =	vst v62;
	v62 =	vld [tilespmem:$0x1BF00]  }
0x24d: {  	v56 =	vld [tilespmem:$0x1C2B0]  }
0x24e: {  	v57 =	vld [tilespmem:$0x1BEB0]  }
0x24f: {  	v58 =	vld [tilespmem:$0x1C2C0]  }
0x250: {  	v59 =	vld [tilespmem:$0x1BEC0]  }
0x251: {  	[tilespmem:$0x1FB40] =	vst v62;
	v62 =	vld [tilespmem:$0x1C310]  }
0x252: {  	v60 =	vld [tilespmem:$0x1C2D0]  }
0x253: {  	v61 =	vld [tilespmem:$0x1BED0];
	v2 =	vadd.f32 v3, v2  }
0x254: {  	v63 =	vld [tilespmem:$0x1BEE0]  }
0x255: {  	v3 =	vld [tilespmem:$0x1BF20];
	v4 =	vadd.f32 v5, v4;
	[tilespmem:$0x1C100] =	vst v2  }
0x256: {  	v2 =	vadd.f32 v7, v6;
	[tilespmem:$0x1FB50] =	vst v62;
	v62 =	vld [tilespmem:$0x1BF10]  }
0x257: {  	v5 =	vld [tilespmem:$0x1C330];
	v13 =	vadd.f32 v13, v12;
	[tilespmem:$0x1C110] =	vst v4  }
0x258: {  	v12 =	vld [tilespmem:$0x1BF60];
	[tilespmem:$0x1C120] =	vst v2;
	v2 =	vadd.f32 v11, v10  }
0x259: {  	v6 =	vld [tilespmem:$0x1BF30];
	[tilespmem:$0x1C150] =	vst v13  }
0x25a: {  	v17 =	vadd.f32 v17, v16;
	v7 =	vld [tilespmem:$0x1C340];
	[tilespmem:$0x1C140] =	vst v2  }
0x25b: {  	v2 =	vadd.f32 v15, v14;
	[tilespmem:$0x1FB60] =	vst v62;
	v62 =	vld [tilespmem:$0x1C320]  }
0x25c: {  	v21 =	vadd.f32 v21, v20;
	[tilespmem:$0x1C170] =	vst v17;
	v13 =	vld [tilespmem:$0x1C370]  }
0x25d: {  	v10 =	vld [tilespmem:$0x1BF50];
	[tilespmem:$0x1C160] =	vst v2;
	v2 =	vadd.f32 v19, v18  }
0x25e: {  	[tilespmem:$0x1C190] =	vst v21;
	v11 =	vld [tilespmem:$0x1C360]  }
0x25f: {  	v15 =	vld [tilespmem:$0x1C380];
	[tilespmem:$0x1C180] =	vst v2;
	v2 =	vadd.f32 v23, v22  }
0x260: {  	[tilespmem:$0x1FB70] =	vst v62;
	v62 =	vadd.f32 v9, v8;
	v8 =	vld [tilespmem:$0x1BF40]  }
0x261: {  	[tilespmem:$0x1C1A0] =	vst v2;
	v2 =	vadd.f32 v27, v26;
	v9 =	vld [tilespmem:$0x1C350]  }
0x262: {  	[tilespmem:$0x1C130] =	vst v62;
	v62 =	vld [tilespmem:$0x1BF70]  }
0x263: {  	v16 =	vld [tilespmem:$0x1BF80];
	[tilespmem:$0x1C1C0] =	vst v2;
	v2 =	vadd.f32 v31, v30;
	_ =	sdelay $0x1  }
0x264: {  	[tilespmem:$0x1C1E0] =	vst v2;
	v2 =	vadd.f32 v35, v34;
	_ =	sdelay $0x1  }
0x265: {  	[tilespmem:$0x1C200] =	vst v2;
	v2 =	vadd.f32 v39, v38  }
0x266: {  	v17 =	vld [tilespmem:$0x1C390]  }
0x267: {  	v18 =	vld [tilespmem:$0x1BF90];
	[tilespmem:$0x1C220] =	vst v2;
	v2 =	vadd.f32 v43, v42  }
0x268: {  	v19 =	vld [tilespmem:$0x1C3A0]  }
0x269: {  	v20 =	vld [tilespmem:$0x1BFA0];
	[tilespmem:$0x1C240] =	vst v2;
	v2 =	vadd.f32 v47, v46  }
0x26a: {  	v21 =	vld [tilespmem:$0x1C3B0]  }
0x26b: {  	v22 =	vld [tilespmem:$0x1BFB0];
	[tilespmem:$0x1C260] =	vst v2;
	v2 =	vadd.f32 v51, v50  }
0x26c: {  	v25 =	vadd.f32 v25, v24;
	v23 =	vld [tilespmem:$0x1C3C0]  }
0x26d: {  	v24 =	vld [tilespmem:$0x1BFC0];
	[tilespmem:$0x1C280] =	vst v2;
	v2 =	vadd.f32 v55, v54  }
0x26e: {  	[tilespmem:$0x1C1B0] =	vst v25;
	v25 =	vld [tilespmem:$0x1C3D0]  }
0x26f: {  	v44 =	vadd.f32 v45, v44;
	v45 =	vld [tilespmem:$0x1BFD0];
	[tilespmem:$0x1C2A0] =	vst v2;
	v2 =	vadd.f32 v59, v58  }
0x270: {  	v27 =	vld [tilespmem:$0x1C3E0]  }
0x271: {  	v29 =	vadd.f32 v29, v28;
	[tilespmem:$0x1C2C0] =	vst v2;
	v2 =	vld [tilespmem:$0x1FB00]  }
0x272: {  	v28 =	vld [tilespmem:$0x1BFE0]  }
0x273: {  	[tilespmem:$0x1C1D0] =	vst v29;
	v29 =	vld [tilespmem:$0x1C3F0]  }
0x274: {  	v30 =	vld [tilespmem:$0x1BFF0]  }
0x275: {  	v31 =	vld [tilespmem:$0x1C400]  }
0x276: {  	v33 =	vadd.f32 v33, v32;
	v32 =	vld [tilespmem:$0x1C000];
	v2 =	vadd.f32 v63, v2  }
0x277: {  	v47 =	vadd.f32 v53, v52;
	v52 =	vld [tilespmem:$0x1FB40]  }
0x278: {  	[tilespmem:$0x1C2E0] =	vst v2;
	v2 =	vld [tilespmem:$0x1FB30]  }
0x279: {  	v37 =	vadd.f32 v37, v36;
	[tilespmem:$0x1C1F0] =	vst v33;
	v33 =	vld [tilespmem:$0x1C410]  }
0x27a: {  	v41 =	vadd.f32 v41, v40;
	v36 =	vld [tilespmem:$0x1C020]  }
0x27b: {  	[tilespmem:$0x1C210] =	vst v37;
	v40 =	vld [tilespmem:$0x1C470]  }
0x27c: {  	[tilespmem:$0x1C230] =	vst v41;
	v41 =	vld [tilespmem:$0x1C070];
	v62 =	vadd.f32 v62, v13  }
0x27d: {  	[tilespmem:$0x1C250] =	vst v44;
	v44 =	vld [tilespmem:$0x1C080];
	v2 =	vadd.f32 v52, v2  }
0x27e: {  	v34 =	vld [tilespmem:$0x1C010];
	v39 =	vadd.f32 v18, v17;
	[tilespmem:$0x1C370] =	vst v62  }
0x27f: {  	v45 =	vadd.f32 v45, v25;
	[tilespmem:$0x1C300] =	vst v2;
	v2 =	vld [tilespmem:$0x1FB70]  }
0x280: {  	v35 =	vld [tilespmem:$0x1C420];
	v42 =	vadd.f32 v22, v21;
	[tilespmem:$0x1C390] =	vst v39  }
0x281: {  	v38 =	vld [tilespmem:$0x1C060];
	[tilespmem:$0x1C3D0] =	vst v45;
	v46 =	vadd.f32 v49, v48  }
0x282: {  	v43 =	vld [tilespmem:$0x1C480];
	[tilespmem:$0x1C3B0] =	vst v42  }
0x283: {  	v48 =	vadd.f32 v57, v56;
	v53 =	vld [tilespmem:$0x1FB50];
	[tilespmem:$0x1C270] =	vst v46  }
0x284: {  	v57 =	vld [tilespmem:$0x1C440];
	[tilespmem:$0x1C290] =	vst v47;
	v2 =	vadd.f32 v3, v2  }
0x285: {  	v49 =	vadd.f32 v61, v60;
	v60 =	vld [tilespmem:$0x1C450];
	[tilespmem:$0x1C2B0] =	vst v48  }
0x286: {  	v61 =	vld [tilespmem:$0x1C050];
	[tilespmem:$0x1C320] =	vst v2;
	v2 =	vadd.f32 v8, v7  }
0x287: {  	v56 =	vadd.f32 v6, v5;
	[tilespmem:$0x1C2D0] =	vst v49;
	v50 =	vld [tilespmem:$0x1FB10]  }
0x288: {  	v51 =	vld [tilespmem:$0x1FB20];
	[tilespmem:$0x1C340] =	vst v2;
	v2 =	vadd.f32 v12, v11  }
0x289: {  	[tilespmem:$0x1C330] =	vst v56;
	v46 =	vld [tilespmem:$0x1C490];
	v48 =	vadd.f32 v30, v29  }
0x28a: {  	v47 =	vld [tilespmem:$0x1C090];
	[tilespmem:$0x1C360] =	vst v2;
	v2 =	vadd.f32 v16, v15  }
0x28b: {  	v49 =	vld [tilespmem:$0x1C4A0];
	[tilespmem:$0x1C3F0] =	vst v48;
	v59 =	vadd.f32 v10, v9  }
0x28c: {  	v54 =	vld [tilespmem:$0x1FB60];
	[tilespmem:$0x1C380] =	vst v2;
	v2 =	vadd.f32 v20, v19  }
0x28d: {  	v55 =	vld [tilespmem:$0x1C430];
	v4 =	vadd.f32 v51, v50;
	[tilespmem:$0x1C350] =	vst v59  }
0x28e: {  	v3 =	vld [tilespmem:$0x1C030];
	[tilespmem:$0x1C3A0] =	vst v2;
	v2 =	vadd.f32 v24, v23  }
0x28f: {  	v56 =	vld [tilespmem:$0x1C4D0];
	v51 =	vadd.f32 v34, v33;
	[tilespmem:$0x1C2F0] =	vst v4  }
0x290: {  	v58 =	vld [tilespmem:$0x1C040];
	[tilespmem:$0x1C3C0] =	vst v2;
	v2 =	vadd.f32 v28, v27  }
0x291: {  	v50 =	vld [tilespmem:$0x1C0A0];
	v4 =	vadd.f32 v54, v53;
	[tilespmem:$0x1C410] =	vst v51  }
0x292: {  	v59 =	vld [tilespmem:$0x1C0E0];
	[tilespmem:$0x1C3E0] =	vst v2;
	v2 =	vadd.f32 v32, v31  }
0x293: {  	[tilespmem:$0x1C310] =	vst v4;
	v63 =	vld [tilespmem:$0x1C460];
	v3 =	vadd.f32 v3, v55  }
0x294: {  	v53 =	vld [tilespmem:$0x1C0B0];
	[tilespmem:$0x1C400] =	vst v2;
	v2 =	vadd.f32 v36, v35  }
0x295: {  	v54 =	vld [tilespmem:$0x1C4C0];
	[tilespmem:$0x1C430] =	vst v3;
	v3 =	vadd.f32 v61, v60  }
0x296: {  	v52 =	vld [tilespmem:$0x1C4B0];
	[tilespmem:$0x1C420] =	vst v2;
	v2 =	vadd.f32 v58, v57  }
0x297: {  	v55 =	vld [tilespmem:$0x1C0C0];
	[tilespmem:$0x1C450] =	vst v3;
	v3 =	vadd.f32 v41, v40  }
0x298: {  	v57 =	vld [tilespmem:$0x1C0D0];
	[tilespmem:$0x1C440] =	vst v2;
	v2 =	vadd.f32 v38, v63  }
0x299: {  	v60 =	vld [tilespmem:$0x1C4F0];
	[tilespmem:$0x1C470] =	vst v3;
	v3 =	vadd.f32 v47, v46  }
0x29a: {  	v61 =	vld [tilespmem:$0x1C0F0];
	[tilespmem:$0x1C460] =	vst v2;
	v2 =	vadd.f32 v44, v43  }
0x29b: {  	[tilespmem:$0x1C490] =	vst v3;
	v3 =	vadd.f32 v53, v52;
	v58 =	vld [tilespmem:$0x1C4E0]  }
0x29c: {  	[tilespmem:$0x1C480] =	vst v2;
	v2 =	vadd.f32 v50, v49  }
0x29d: {  	[tilespmem:$0x1C4B0] =	vst v3;
	v3 =	vadd.f32 v57, v56  }
0x29e: {  	[tilespmem:$0x1C4A0] =	vst v2;
	v2 =	vadd.f32 v55, v54  }
0x29f: {  	[tilespmem:$0x1C4D0] =	vst v3;
	v3 =	vadd.f32 v61, v60  }
0x2a0: {  	[tilespmem:$0x1C4C0] =	vst v2;
	v2 =	vadd.f32 v59, v58  }
0x2a1: {  	[tilespmem:$0x1C4F0] =	vst v3  }
0x2a2: {  	s14 =	rddreg [dreg:$0x11];
	[tilespmem:$0x1C4E0] =	vst v2  }
0x2a3: {  	[tilespmem:s9], [sflag:$0x5] =	stream.linear.gather [spmem:s14], $0x400, $0x38;
	[tilespmem:$0x1C500] =	vst v63  }
0x2a4: {  	_ =	swait.ge [sflag:s30], $0x400  }
0x2a5: {  	[sflag:s30] =	ssyncset.done $0x0  }
0x2a6: {  	[sflag:s30] =	ssyncadd.s32 $0xFFFFFC00  }
0x2a7: {  	v2 =	vld [tilespmem:$0x1C100]  }
0x2a8: {  	v3 =	vld [tilespmem:$0x1BD00]  }
0x2a9: {  	v4 =	vld [tilespmem:$0x1C110]  }
0x2aa: {  	v5 =	vld [tilespmem:$0x1BD10]  }
0x2ab: {  	v6 =	vld [tilespmem:$0x1C120]  }
0x2ac: {  	v7 =	vld [tilespmem:$0x1BD20]  }
0x2ad: {  	v8 =	vld [tilespmem:$0x1C130]  }
0x2ae: {  	v9 =	vld [tilespmem:$0x1BD30]  }
0x2af: {  	v10 =	vld [tilespmem:$0x1C140]  }
0x2b0: {  	v11 =	vld [tilespmem:$0x1BD40]  }
0x2b1: {  	v12 =	vld [tilespmem:$0x1C150]  }
0x2b2: {  	v13 =	vld [tilespmem:$0x1BD50]  }
0x2b3: {  	v14 =	vld [tilespmem:$0x1C160]  }
0x2b4: {  	v15 =	vld [tilespmem:$0x1BD60]  }
0x2b5: {  	v16 =	vld [tilespmem:$0x1C170]  }
0x2b6: {  	v17 =	vld [tilespmem:$0x1BD70]  }
0x2b7: {  	v18 =	vld [tilespmem:$0x1C180]  }
0x2b8: {  	v19 =	vld [tilespmem:$0x1BD80]  }
0x2b9: {  	v20 =	vld [tilespmem:$0x1C190]  }
0x2ba: {  	v21 =	vld [tilespmem:$0x1BD90]  }
0x2bb: {  	v22 =	vld [tilespmem:$0x1C1A0]  }
0x2bc: {  	v23 =	vld [tilespmem:$0x1BDA0]  }
0x2bd: {  	v24 =	vld [tilespmem:$0x1C1B0]  }
0x2be: {  	v25 =	vld [tilespmem:$0x1BDB0]  }
0x2bf: {  	v26 =	vld [tilespmem:$0x1C1C0]  }
0x2c0: {  	v27 =	vld [tilespmem:$0x1BDC0]  }
0x2c1: {  	v28 =	vld [tilespmem:$0x1C1D0]  }
0x2c2: {  	v29 =	vld [tilespmem:$0x1BDD0]  }
0x2c3: {  	v30 =	vld [tilespmem:$0x1C1E0]  }
0x2c4: {  	v31 =	vld [tilespmem:$0x1BDE0]  }
0x2c5: {  	v32 =	vld [tilespmem:$0x1C1F0]  }
0x2c6: {  	v33 =	vld [tilespmem:$0x1BDF0]  }
0x2c7: {  	v34 =	vld [tilespmem:$0x1C200]  }
0x2c8: {  	v35 =	vld [tilespmem:$0x1BE00]  }
0x2c9: {  	v36 =	vld [tilespmem:$0x1C210]  }
0x2ca: {  	v37 =	vld [tilespmem:$0x1BE10]  }
0x2cb: {  	v38 =	vld [tilespmem:$0x1C220]  }
0x2cc: {  	v39 =	vld [tilespmem:$0x1BE20]  }
0x2cd: {  	v40 =	vld [tilespmem:$0x1C230]  }
0x2ce: {  	v41 =	vld [tilespmem:$0x1BE30]  }
0x2cf: {  	v42 =	vld [tilespmem:$0x1C240]  }
0x2d0: {  	v43 =	vld [tilespmem:$0x1BE40]  }
0x2d1: {  	v44 =	vld [tilespmem:$0x1C250]  }
0x2d2: {  	v45 =	vld [tilespmem:$0x1BE50]  }
0x2d3: {  	v46 =	vld [tilespmem:$0x1C260]  }
0x2d4: {  	v47 =	vld [tilespmem:$0x1BE60]  }
0x2d5: {  	v48 =	vld [tilespmem:$0x1C270]  }
0x2d6: {  	v49 =	vld [tilespmem:$0x1BE70]  }
0x2d7: {  	v50 =	vld [tilespmem:$0x1C280]  }
0x2d8: {  	v51 =	vld [tilespmem:$0x1BE80]  }
0x2d9: {  	v52 =	vld [tilespmem:$0x1C290]  }
0x2da: {  	v53 =	vld [tilespmem:$0x1BE90]  }
0x2db: {  	v54 =	vld [tilespmem:$0x1C2A0]  }
0x2dc: {  	v55 =	vld [tilespmem:$0x1BEA0]  }
0x2dd: {  	v56 =	vld [tilespmem:$0x1C2B0]  }
0x2de: {  	v57 =	vld [tilespmem:$0x1BEB0]  }
0x2df: {  	v58 =	vld [tilespmem:$0x1C2C0]  }
0x2e0: {  	v62 =	vld [tilespmem:$0x1C2E0]  }
0x2e1: {  	v59 =	vld [tilespmem:$0x1BEC0]  }
0x2e2: {  	v60 =	vld [tilespmem:$0x1C2D0]  }
0x2e3: {  	v61 =	vld [tilespmem:$0x1BED0]  }
0x2e4: {  	v63 =	vld [tilespmem:$0x1BEE0];
	v2 =	vadd.f32 v3, v2  }
0x2e5: {  	[tilespmem:$0x1FB80] =	vst v62;
	v62 =	vld [tilespmem:$0x1C2F0];
	v13 =	vadd.f32 v13, v12  }
0x2e6: {  	v3 =	vld [tilespmem:$0x1BF20];
	v17 =	vadd.f32 v17, v16;
	[tilespmem:$0x1C100] =	vst v2  }
0x2e7: {  	v4 =	vadd.f32 v5, v4;
	v5 =	vld [tilespmem:$0x1C330];
	v21 =	vadd.f32 v21, v20;
	[tilespmem:$0x1C150] =	vst v13  }
0x2e8: {  	v12 =	vld [tilespmem:$0x1BF60];
	v2 =	vadd.f32 v7, v6;
	[tilespmem:$0x1C170] =	vst v17  }
0x2e9: {  	v25 =	vadd.f32 v25, v24;
	v16 =	vld [tilespmem:$0x1BF80];
	[tilespmem:$0x1C190] =	vst v21  }
0x2ea: {  	v20 =	vld [tilespmem:$0x1BFA0];
	[tilespmem:$0x1C120] =	vst v2;
	v2 =	vadd.f32 v11, v10  }
0x2eb: {  	v29 =	vadd.f32 v29, v28;
	v24 =	vld [tilespmem:$0x1BFC0];
	[tilespmem:$0x1C1B0] =	vst v25  }
0x2ec: {  	v28 =	vld [tilespmem:$0x1BFE0];
	[tilespmem:$0x1C140] =	vst v2;
	v2 =	vadd.f32 v15, v14  }
0x2ed: {  	v33 =	vadd.f32 v33, v32;
	v37 =	vadd.f32 v37, v36;
	v32 =	vld [tilespmem:$0x1C000];
	[tilespmem:$0x1C1D0] =	vst v29  }
0x2ee: {  	v36 =	vadd.f32 v53, v52;
	v52 =	vld [tilespmem:$0x1C050];
	[tilespmem:$0x1C160] =	vst v2;
	v2 =	vadd.f32 v19, v18  }
0x2ef: {  	v6 =	vld [tilespmem:$0x1BF30];
	[tilespmem:$0x1FB90] =	vst v62  }
0x2f0: {  	v62 =	vld [tilespmem:$0x1BEF0];
	[tilespmem:$0x1C180] =	vst v2;
	v2 =	vadd.f32 v23, v22  }
0x2f1: {  	v7 =	vld [tilespmem:$0x1C340];
	[tilespmem:$0x1C1F0] =	vst v33  }
0x2f2: {  	v13 =	vld [tilespmem:$0x1C370];
	[tilespmem:$0x1C1A0] =	vst v2;
	v2 =	vadd.f32 v27, v26  }
0x2f3: {  	v17 =	vld [tilespmem:$0x1C390];
	[tilespmem:$0x1C210] =	vst v37  }
0x2f4: {  	v21 =	vld [tilespmem:$0x1C3B0];
	[tilespmem:$0x1C1C0] =	vst v2;
	v2 =	vadd.f32 v31, v30  }
0x2f5: {  	v41 =	vadd.f32 v41, v40;
	v25 =	vld [tilespmem:$0x1C3D0];
	[tilespmem:$0x1FBA0] =	vst v62  }
0x2f6: {  	v62 =	vld [tilespmem:$0x1C300];
	[tilespmem:$0x1C1E0] =	vst v2;
	v2 =	vadd.f32 v35, v34  }
0x2f7: {  	[tilespmem:$0x1C230] =	vst v41;
	v29 =	vld [tilespmem:$0x1C3F0]  }
0x2f8: {  	v33 =	vld [tilespmem:$0x1C410];
	[tilespmem:$0x1C200] =	vst v2;
	v2 =	vadd.f32 v39, v38  }
0x2f9: {  	[tilespmem:$0x1C290] =	vst v36;
	v41 =	vld [tilespmem:$0x1C420]  }
0x2fa: {  	v37 =	vadd.f32 v57, v56;
	v57 =	vld [tilespmem:$0x1C470];
	[tilespmem:$0x1C220] =	vst v2;
	v2 =	vadd.f32 v43, v42  }
0x2fb: {  	v36 =	vld [tilespmem:$0x1C0E0];
	[tilespmem:$0x1FBB0] =	vst v62  }
0x2fc: {  	v62 =	vld [tilespmem:$0x1BF00];
	[tilespmem:$0x1C240] =	vst v2;
	v2 =	vadd.f32 v47, v46  }
0x2fd: {  	v10 =	vld [tilespmem:$0x1BF50]  }
0x2fe: {  	v11 =	vld [tilespmem:$0x1C360];
	[tilespmem:$0x1C260] =	vst v2;
	v2 =	vadd.f32 v51, v50  }
0x2ff: {  	[tilespmem:$0x1C2B0] =	vst v37;
	v37 =	vld [tilespmem:$0x1C4F0]  }
0x300: {  	v14 =	vld [tilespmem:$0x1BF70];
	[tilespmem:$0x1C280] =	vst v2;
	v2 =	vadd.f32 v55, v54  }
0x301: {  	v15 =	vld [tilespmem:$0x1C380];
	[tilespmem:$0x1FBC0] =	vst v62  }
0x302: {  	v62 =	vld [tilespmem:$0x1C310];
	[tilespmem:$0x1C2A0] =	vst v2;
	v2 =	vadd.f32 v59, v58  }
0x303: {  	v18 =	vld [tilespmem:$0x1BF90]  }
0x304: {  	[tilespmem:$0x1C2C0] =	vst v2;
	v2 =	vld [tilespmem:$0x1FB80]  }
0x305: {  	v19 =	vld [tilespmem:$0x1C3A0]  }
0x306: {  	v22 =	vld [tilespmem:$0x1BFB0]  }
0x307: {  	[tilespmem:$0x1FBD0] =	vst v62;
	v62 =	vld [tilespmem:$0x1BF10]  }
0x308: {  	v23 =	vld [tilespmem:$0x1C3C0]  }
0x309: {  	v40 =	vld [tilespmem:$0x1FBA0];
	v2 =	vadd.f32 v63, v2  }
0x30a: {  	v42 =	vld [tilespmem:$0x1FBC0]  }
0x30b: {  	[tilespmem:$0x1C2E0] =	vst v2;
	v2 =	vld [tilespmem:$0x1FBB0]  }
0x30c: {  	[tilespmem:$0x1FBE0] =	vst v62;
	v62 =	vld [tilespmem:$0x1C320]  }
0x30d: {  	v27 =	vld [tilespmem:$0x1C3E0]  }
0x30e: {  	v45 =	vadd.f32 v45, v44;
	v26 =	vld [tilespmem:$0x1C4A0]  }
0x30f: {  	[tilespmem:$0x1C110] =	vst v4;
	v30 =	vld [tilespmem:$0x1BFF0]  }
0x310: {  	[tilespmem:$0x1C250] =	vst v45;
	v31 =	vld [tilespmem:$0x1C400];
	v2 =	vadd.f32 v42, v2  }
0x311: {  	v53 =	vadd.f32 v14, v13;
	v39 =	vld [tilespmem:$0x1FB90];
	[tilespmem:$0x1FBF0] =	vst v62  }
0x312: {  	v56 =	vadd.f32 v18, v17;
	[tilespmem:$0x1C300] =	vst v2;
	v2 =	vld [tilespmem:$0x1FBF0]  }
0x313: {  	[tilespmem:$0x1C370] =	vst v53;
	v35 =	vadd.f32 v49, v48;
	v34 =	vld [tilespmem:$0x1C010]  }
0x314: {  	[tilespmem:$0x1C390] =	vst v56;
	v38 =	vadd.f32 v61, v60;
	v62 =	vadd.f32 v9, v8;
	v8 =	vld [tilespmem:$0x1BF40]  }
0x315: {  	v48 =	vld [tilespmem:$0x1C440];
	[tilespmem:$0x1C270] =	vst v35;
	v47 =	vadd.f32 v6, v5  }
0x316: {  	[tilespmem:$0x1C2D0] =	vst v38;
	v4 =	vadd.f32 v40, v39;
	v44 =	vld [tilespmem:$0x1FBD0]  }
0x317: {  	[tilespmem:$0x1C330] =	vst v47;
	v45 =	vld [tilespmem:$0x1FBE0];
	v2 =	vadd.f32 v3, v2  }
0x318: {  	v49 =	vld [tilespmem:$0x1C040];
	[tilespmem:$0x1C2F0] =	vst v4  }
0x319: {  	v9 =	vld [tilespmem:$0x1C350];
	[tilespmem:$0x1C320] =	vst v2;
	v2 =	vadd.f32 v8, v7  }
0x31a: {  	v60 =	vld [tilespmem:$0x1C480];
	v59 =	vadd.f32 v22, v21;
	[tilespmem:$0x1C130] =	vst v62  }
0x31b: {  	v62 =	vld [tilespmem:$0x1BFD0];
	[tilespmem:$0x1C340] =	vst v2;
	v2 =	vadd.f32 v12, v11  }
0x31c: {  	v61 =	vld [tilespmem:$0x1C080];
	[tilespmem:$0x1C3B0] =	vst v59;
	v4 =	vadd.f32 v45, v44  }
0x31d: {  	v43 =	vld [tilespmem:$0x1C020];
	[tilespmem:$0x1C360] =	vst v2;
	v2 =	vadd.f32 v16, v15  }
0x31e: {  	v46 =	vld [tilespmem:$0x1C430];
	[tilespmem:$0x1C310] =	vst v4;
	v50 =	vadd.f32 v10, v9  }
0x31f: {  	v3 =	vld [tilespmem:$0x1C030];
	[tilespmem:$0x1C380] =	vst v2;
	v2 =	vadd.f32 v20, v19  }
0x320: {  	v51 =	vld [tilespmem:$0x1C450];
	[tilespmem:$0x1C350] =	vst v50;
	v62 =	vadd.f32 v62, v25  }
0x321: {  	v54 =	vld [tilespmem:$0x1C460];
	[tilespmem:$0x1C3A0] =	vst v2;
	v2 =	vadd.f32 v24, v23  }
0x322: {  	v55 =	vld [tilespmem:$0x1C060];
	v25 =	vadd.f32 v30, v29;
	[tilespmem:$0x1C3D0] =	vst v62  }
0x323: {  	v58 =	vld [tilespmem:$0x1C070];
	[tilespmem:$0x1C3C0] =	vst v2;
	v2 =	vadd.f32 v28, v27  }
0x324: {  	v63 =	vld [tilespmem:$0x1C490];
	[tilespmem:$0x1C3F0] =	vst v25;
	v3 =	vadd.f32 v3, v46  }
0x325: {  	v29 =	vld [tilespmem:$0x1C4B0];
	[tilespmem:$0x1C3E0] =	vst v2;
	v2 =	vadd.f32 v32, v31  }
0x326: {  	v30 =	vld [tilespmem:$0x1C0B0];
	[tilespmem:$0x1C430] =	vst v3;
	v3 =	vadd.f32 v52, v51  }
0x327: {  	v24 =	vld [tilespmem:$0x1C090];
	[tilespmem:$0x1C400] =	vst v2;
	v2 =	vadd.f32 v43, v41  }
0x328: {  	[tilespmem:$0x1C450] =	vst v3;
	v3 =	vadd.f32 v58, v57;
	v27 =	vld [tilespmem:$0x1C0A0]  }
0x329: {  	v28 =	vadd.f32 v34, v33;
	v33 =	vld [tilespmem:$0x1C4D0];
	[tilespmem:$0x1C420] =	vst v2;
	v2 =	vadd.f32 v49, v48  }
0x32a: {  	[tilespmem:$0x1C470] =	vst v3;
	v34 =	vld [tilespmem:$0x1C0D0]  }
0x32b: {  	v31 =	vld [tilespmem:$0x1C4C0];
	[tilespmem:$0x1C440] =	vst v2;
	v2 =	vadd.f32 v55, v54  }
0x32c: {  	[tilespmem:$0x1C410] =	vst v28;
	v32 =	vld [tilespmem:$0x1C0C0];
	v3 =	vadd.f32 v24, v63  }
0x32d: {  	v38 =	vld [tilespmem:$0x1C0F0];
	[tilespmem:$0x1C460] =	vst v2;
	v2 =	vadd.f32 v61, v60  }
0x32e: {  	v35 =	vld [tilespmem:$0x1C4E0];
	[tilespmem:$0x1C490] =	vst v3;
	v3 =	vadd.f32 v30, v29  }
0x32f: {  	[tilespmem:$0x1C480] =	vst v2;
	v2 =	vadd.f32 v27, v26  }
0x330: {  	[tilespmem:$0x1C4B0] =	vst v3;
	v3 =	vadd.f32 v34, v33  }
0x331: {  	[tilespmem:$0x1C4A0] =	vst v2;
	v2 =	vadd.f32 v32, v31  }
0x332: {  	[tilespmem:$0x1C4D0] =	vst v3;
	v3 =	vadd.f32 v38, v37  }
0x333: {  	[tilespmem:$0x1C4C0] =	vst v2;
	v2 =	vadd.f32 v36, v35  }
0x334: {  	[tilespmem:$0x1C4F0] =	vst v3  }
0x335: {  	s15 =	rddreg [dreg:$0x13];
	[tilespmem:$0x1C4E0] =	vst v2  }
0x336: {  	[tilespmem:s9], [sflag:$0x5] =	stream.linear.gather [spmem:s15], $0x400, $0x38;
	[tilespmem:$0x1C500] =	vst v63  }
0x337: {  	_ =	swait.ge [sflag:s30], $0x400  }
0x338: {  	[sflag:s30] =	ssyncset.done $0x0  }
0x339: {  	[sflag:s30] =	ssyncadd.s32 $0xFFFFFC00  }
0x33a: {  	v2 =	vld [tilespmem:$0x1C100]  }
0x33b: {  	v3 =	vld [tilespmem:$0x1BD00]  }
0x33c: {  	v39 =	vld [tilespmem:$0x1C110]  }
0x33d: {  	v40 =	vld [tilespmem:$0x1BD10]  }
0x33e: {  	v41 =	vld [tilespmem:$0x1C120]  }
0x33f: {  	v42 =	vld [tilespmem:$0x1BD20]  }
0x340: {  	v43 =	vld [tilespmem:$0x1C130]  }
0x341: {  	v44 =	vld [tilespmem:$0x1BD30]  }
0x342: {  	v45 =	vld [tilespmem:$0x1C140]  }
0x343: {  	v46 =	vld [tilespmem:$0x1BD40]  }
0x344: {  	v47 =	vld [tilespmem:$0x1C150]  }
0x345: {  	v48 =	vld [tilespmem:$0x1BD50]  }
0x346: {  	v49 =	vld [tilespmem:$0x1C160]  }
0x347: {  	v50 =	vld [tilespmem:$0x1BD60]  }
0x348: {  	v51 =	vld [tilespmem:$0x1C170]  }
0x349: {  	v52 =	vld [tilespmem:$0x1BD70]  }
0x34a: {  	v53 =	vld [tilespmem:$0x1C180]  }
0x34b: {  	v54 =	vld [tilespmem:$0x1C190]  }
0x34c: {  	v55 =	vld [tilespmem:$0x1BD90]  }
0x34d: {  	v57 =	vld [tilespmem:$0x1C1A0]  }
0x34e: {  	v58 =	vld [tilespmem:$0x1BDA0]  }
0x34f: {  	v60 =	vld [tilespmem:$0x1C1B0]  }
0x350: {  	v61 =	vld [tilespmem:$0x1BDB0]  }
0x351: {  	v5 =	vld [tilespmem:$0x1BDD0]  }
0x352: {  	v6 =	vld [tilespmem:$0x1C1E0]  }
0x353: {  	v7 =	vld [tilespmem:$0x1BDE0]  }
0x354: {  	v8 =	vld [tilespmem:$0x1C1F0]  }
0x355: {  	v63 =	vld [tilespmem:$0x1BDF0]  }
0x356: {  	v10 =	vld [tilespmem:$0x1C200]  }
0x357: {  	v11 =	vld [tilespmem:$0x1BE00]  }
0x358: {  	v12 =	vld [tilespmem:$0x1C210]  }
0x359: {  	v13 =	vld [tilespmem:$0x1BE10]  }
0x35a: {  	v14 =	vld [tilespmem:$0x1C220]  }
0x35b: {  	v15 =	vld [tilespmem:$0x1BE20]  }
0x35c: {  	v16 =	vld [tilespmem:$0x1C230]  }
0x35d: {  	v17 =	vld [tilespmem:$0x1BE30]  }
0x35e: {  	v18 =	vld [tilespmem:$0x1C240]  }
0x35f: {  	v19 =	vld [tilespmem:$0x1BE40]  }
0x360: {  	v20 =	vld [tilespmem:$0x1C250]  }
0x361: {  	v21 =	vld [tilespmem:$0x1BE50]  }
0x362: {  	v22 =	vld [tilespmem:$0x1C260]  }
0x363: {  	v23 =	vld [tilespmem:$0x1BE60]  }
0x364: {  	v24 =	vld [tilespmem:$0x1C270]  }
0x365: {  	v25 =	vld [tilespmem:$0x1BE70]  }
0x366: {  	v26 =	vld [tilespmem:$0x1C280]  }
0x367: {  	v27 =	vld [tilespmem:$0x1BE80]  }
0x368: {  	v28 =	vld [tilespmem:$0x1C290]  }
0x369: {  	v29 =	vld [tilespmem:$0x1BE90]  }
0x36a: {  	v30 =	vld [tilespmem:$0x1C2A0]  }
0x36b: {  	v31 =	vld [tilespmem:$0x1BEA0]  }
0x36c: {  	v32 =	vld [tilespmem:$0x1C2B0]  }
0x36d: {  	v33 =	vld [tilespmem:$0x1BEB0]  }
0x36e: {  	v34 =	vld [tilespmem:$0x1C2C0]  }
0x36f: {  	v35 =	vld [tilespmem:$0x1BEC0]  }
0x370: {  	v36 =	vld [tilespmem:$0x1C2D0]  }
0x371: {  	v37 =	vld [tilespmem:$0x1BED0]  }
0x372: {  	v38 =	vld [tilespmem:$0x1C2E0]  }
0x373: {  	v9 =	vld [tilespmem:$0x1C3B0]  }
0x374: {  	v2 =	vadd.f32 v3, v2;
	v3 =	vld [tilespmem:$0x1BD80]  }
0x375: {  	v4 =	vadd.f32 v40, v39;
	v39 =	vld [tilespmem:$0x1BEE0]  }
0x376: {  	v40 =	vld [tilespmem:$0x1C2F0]  }
0x377: {  	v56 =	vadd.f32 v44, v43;
	v43 =	vld [tilespmem:$0x1BF00]  }
0x378: {  	v44 =	vld [tilespmem:$0x1C310]  }
0x379: {  	v59 =	vadd.f32 v48, v47;
	v47 =	vld [tilespmem:$0x1BF20]  }
0x37a: {  	v48 =	vld [tilespmem:$0x1C330];
	[tilespmem:$0x1C100] =	vst v2;
	v2 =	vadd.f32 v42, v41  }
0x37b: {  	v63 =	vadd.f32 v63, v8;
	v8 =	vld [tilespmem:$0x1BFA0]  }
0x37c: {  	v13 =	vadd.f32 v13, v12;
	v12 =	vld [tilespmem:$0x1BFC0];
	[tilespmem:$0x1C120] =	vst v2;
	v2 =	vadd.f32 v46, v45  }
0x37d: {  	v17 =	vadd.f32 v17, v16;
	v16 =	vld [tilespmem:$0x1BFE0]  }
0x37e: {  	v21 =	vadd.f32 v21, v20;
	v20 =	vld [tilespmem:$0x1C000];
	[tilespmem:$0x1C140] =	vst v2;
	v2 =	vadd.f32 v50, v49  }
0x37f: {  	v25 =	vadd.f32 v25, v24;
	v24 =	vld [tilespmem:$0x1C020];
	[tilespmem:$0x1C110] =	vst v4  }
0x380: {  	v37 =	vadd.f32 v37, v36;
	v36 =	vld [tilespmem:$0x1C470];
	[tilespmem:$0x1C160] =	vst v2;
	v2 =	vadd.f32 v3, v53  }
0x381: {  	v62 =	vadd.f32 v52, v51;
	v51 =	vld [tilespmem:$0x1C4C0];
	[tilespmem:$0x1C130] =	vst v56;
	v3 =	vadd.f32 v55, v54  }
0x382: {  	v52 =	vld [tilespmem:$0x1C0C0];
	[tilespmem:$0x1C180] =	vst v2;
	v2 =	vadd.f32 v58, v57  }
0x383: {  	v4 =	vld [tilespmem:$0x1C1D0];
	[tilespmem:$0x1C190] =	vst v3;
	v3 =	vadd.f32 v61, v60  }
0x384: {  	[tilespmem:$0x1C1A0] =	vst v2;
	v2 =	vld [tilespmem:$0x1C1C0]  }
0x385: {  	[tilespmem:$0x1C1B0] =	vst v3;
	v3 =	vld [tilespmem:$0x1BDC0]  }
0x386: {  	[tilespmem:$0x1C150] =	vst v59;
	v41 =	vld [tilespmem:$0x1BEF0]  }
0x387: {  	[tilespmem:$0x1C170] =	vst v62;
	v42 =	vld [tilespmem:$0x1C300]  }
0x388: {  	v62 =	vld [tilespmem:$0x1BF50];
	[tilespmem:$0x1C1F0] =	vst v63  }
0x389: {  	v56 =	vld [tilespmem:$0x1C370];
	[tilespmem:$0x1C210] =	vst v13  }
0x38a: {  	[tilespmem:$0x1C230] =	vst v17;
	v13 =	vld [tilespmem:$0x1C3D0];
	v2 =	vadd.f32 v3, v2  }
0x38b: {  	[tilespmem:$0x1C250] =	vst v21;
	v17 =	vld [tilespmem:$0x1C3F0]  }
0x38c: {  	v21 =	vld [tilespmem:$0x1C410];
	[tilespmem:$0x1C1C0] =	vst v2;
	v2 =	vadd.f32 v7, v6  }
0x38d: {  	[tilespmem:$0x1C270] =	vst v25;
	v25 =	vld [tilespmem:$0x1C430]  }
0x38e: {  	v59 =	vld [tilespmem:$0x1C440];
	[tilespmem:$0x1C1E0] =	vst v2;
	v2 =	vadd.f32 v11, v10  }
0x38f: {  	[tilespmem:$0x1C2D0] =	vst v37;
	v63 =	vld [tilespmem:$0x1C050]  }
0x390: {  	v37 =	vld [tilespmem:$0x1C070];
	[tilespmem:$0x1C200] =	vst v2;
	v2 =	vadd.f32 v15, v14  }
0x391: {  	v45 =	vld [tilespmem:$0x1BF10]  }
0x392: {  	v46 =	vld [tilespmem:$0x1C320];
	[tilespmem:$0x1C220] =	vst v2;
	v2 =	vadd.f32 v19, v18  }
0x393: {  	v49 =	vld [tilespmem:$0x1BF30]  }
0x394: {  	v50 =	vld [tilespmem:$0x1C340];
	[tilespmem:$0x1C240] =	vst v2;
	v2 =	vadd.f32 v23, v22  }
0x395: {  	v4 =	vadd.f32 v5, v4;
	v5 =	vld [tilespmem:$0x1C390]  }
0x396: {  	v41 =	vadd.f32 v41, v40;
	v40 =	vld [tilespmem:$0x1C080];
	[tilespmem:$0x1C260] =	vst v2;
	v2 =	vadd.f32 v27, v26  }
0x397: {  	v29 =	vadd.f32 v29, v28;
	v54 =	vld [tilespmem:$0x1C360]  }
0x398: {  	v55 =	vld [tilespmem:$0x1BF60];
	[tilespmem:$0x1C280] =	vst v2;
	v2 =	vadd.f32 v31, v30  }
0x399: {  	v33 =	vadd.f32 v33, v32;
	[tilespmem:$0x1C290] =	vst v29;
	v60 =	vld [tilespmem:$0x1BF40]  }
0x39a: {  	v61 =	vld [tilespmem:$0x1C350];
	[tilespmem:$0x1C2A0] =	vst v2;
	v2 =	vadd.f32 v35, v34  }
0x39b: {  	[tilespmem:$0x1C2B0] =	vst v33;
	v45 =	vadd.f32 v45, v44;
	v57 =	vld [tilespmem:$0x1BF70]  }
0x39c: {  	v58 =	vld [tilespmem:$0x1C380];
	[tilespmem:$0x1C2C0] =	vst v2;
	v2 =	vadd.f32 v39, v38  }
0x39d: {  	[tilespmem:$0x1C310] =	vst v45;
	v49 =	vadd.f32 v49, v48;
	v45 =	vld [tilespmem:$0x1C4A0]  }
0x39e: {  	v48 =	vld [tilespmem:$0x1C4B0];
	[tilespmem:$0x1C2E0] =	vst v2;
	v2 =	vadd.f32 v43, v42  }
0x39f: {  	[tilespmem:$0x1C330] =	vst v49;
	v49 =	vld [tilespmem:$0x1C0B0]  }
0x3a0: {  	v61 =	vadd.f32 v62, v61;
	v62 =	vld [tilespmem:$0x1C450];
	[tilespmem:$0x1C300] =	vst v2;
	v2 =	vadd.f32 v47, v46  }
0x3a1: {  	[tilespmem:$0x1C1D0] =	vst v4;
	v3 =	vld [tilespmem:$0x1BF80]  }
0x3a2: {  	v14 =	vld [tilespmem:$0x1BFD0];
	[tilespmem:$0x1C320] =	vst v2;
	v2 =	vadd.f32 v60, v50  }
0x3a3: {  	[tilespmem:$0x1C2F0] =	vst v41;
	v7 =	vld [tilespmem:$0x1C3A0]  }
0x3a4: {  	v18 =	vld [tilespmem:$0x1BFF0];
	[tilespmem:$0x1C340] =	vst v2;
	v2 =	vadd.f32 v55, v54  }
0x3a5: {  	v33 =	vadd.f32 v57, v56;
	[tilespmem:$0x1C350] =	vst v61;
	v11 =	vld [tilespmem:$0x1C3C0]  }
0x3a6: {  	v6 =	vld [tilespmem:$0x1BF90];
	[tilespmem:$0x1C360] =	vst v2;
	v2 =	vadd.f32 v3, v58  }
0x3a7: {  	[tilespmem:$0x1C370] =	vst v33;
	v15 =	vld [tilespmem:$0x1C3E0];
	v41 =	vadd.f32 v14, v13  }
0x3a8: {  	v10 =	vld [tilespmem:$0x1BFB0];
	[tilespmem:$0x1C380] =	vst v2;
	v2 =	vadd.f32 v8, v7  }
0x3a9: {  	v19 =	vld [tilespmem:$0x1C400];
	[tilespmem:$0x1C3D0] =	vst v41;
	v44 =	vadd.f32 v18, v17  }
0x3aa: {  	v22 =	vld [tilespmem:$0x1C010];
	[tilespmem:$0x1C3A0] =	vst v2;
	v2 =	vadd.f32 v12, v11  }
0x3ab: {  	v23 =	vld [tilespmem:$0x1C420];
	[tilespmem:$0x1C3F0] =	vst v44;
	v35 =	vadd.f32 v6, v5  }
0x3ac: {  	v26 =	vld [tilespmem:$0x1C030];
	[tilespmem:$0x1C3C0] =	vst v2;
	v2 =	vadd.f32 v16, v15  }
0x3ad: {  	[tilespmem:$0x1C390] =	vst v35;
	v38 =	vadd.f32 v10, v9;
	v60 =	vld [tilespmem:$0x1C040]  }
0x3ae: {  	v34 =	vld [tilespmem:$0x1C460];
	[tilespmem:$0x1C3E0] =	vst v2;
	v2 =	vadd.f32 v20, v19  }
0x3af: {  	v39 =	vld [tilespmem:$0x1C480];
	[tilespmem:$0x1C3B0] =	vst v38;
	v47 =	vadd.f32 v22, v21  }
0x3b0: {  	v3 =	vld [tilespmem:$0x1C060];
	[tilespmem:$0x1C400] =	vst v2;
	v2 =	vadd.f32 v24, v23  }
0x3b1: {  	v42 =	vld [tilespmem:$0x1C490];
	[tilespmem:$0x1C410] =	vst v47;
	v50 =	vadd.f32 v26, v25  }
0x3b2: {  	v43 =	vld [tilespmem:$0x1C090];
	[tilespmem:$0x1C420] =	vst v2;
	v2 =	vadd.f32 v60, v59  }
0x3b3: {  	v46 =	vld [tilespmem:$0x1C0A0];
	[tilespmem:$0x1C430] =	vst v50  }
0x3b4: {  	v53 =	vadd.f32 v63, v62;
	v54 =	vld [tilespmem:$0x1C4D0];
	[tilespmem:$0x1C440] =	vst v2  }
0x3b5: {  	v2 =	vadd.f32 v3, v34;
	v3 =	vld [tilespmem:$0x1C0D0]  }
0x3b6: {  	v55 =	vadd.f32 v37, v36;
	[tilespmem:$0x1C450] =	vst v53;
	v56 =	vld [tilespmem:$0x1C4E0]  }
0x3b7: {  	v57 =	vld [tilespmem:$0x1C0E0];
	[tilespmem:$0x1C460] =	vst v2;
	v2 =	vadd.f32 v40, v39  }
0x3b8: {  	v58 =	vadd.f32 v43, v42;
	[tilespmem:$0x1C470] =	vst v55;
	v59 =	vld [tilespmem:$0x1C4F0]  }
0x3b9: {  	v60 =	vld [tilespmem:$0x1C0F0];
	[tilespmem:$0x1C480] =	vst v2;
	v2 =	vadd.f32 v46, v45  }
0x3ba: {  	v61 =	vadd.f32 v49, v48;
	[tilespmem:$0x1C490] =	vst v58  }
0x3bb: {  	[tilespmem:$0x1C4A0] =	vst v2;
	v2 =	vadd.f32 v52, v51  }
0x3bc: {  	[tilespmem:$0x1C4B0] =	vst v61;
	v3 =	vadd.f32 v3, v54  }
0x3bd: {  	[tilespmem:$0x1C4C0] =	vst v2;
	v2 =	vadd.f32 v57, v56  }
0x3be: {  	[tilespmem:$0x1C4D0] =	vst v3;
	v3 =	vadd.f32 v60, v59  }
0x3bf: {  	[tilespmem:$0x1C4E0] =	vst v2  }
0x3c0: {  	s24 =	rddreg [dreg:$0x14];
	[tilespmem:$0x1C4F0] =	vst v3  }
0x3c1: {  	[tilespmem:s9], [sflag:$0x5] =	stream.linear.gather [spmem:s24], $0x400, $0x38;
	[tilespmem:$0x1C500] =	vst v63  }
0x3c2: {  	_ =	swait.ge [sflag:s30], $0x400  }
0x3c3: {  	[sflag:s30] =	ssyncset.done $0x0  }
0x3c4: {  	[sflag:s30] =	ssyncadd.s32 $0xFFFFFC00  }
0x3c5: {  	v2 =	vld [tilespmem:$0x1C100]  }
0x3c6: {  	v3 =	vld [tilespmem:$0x1BD00]  }
0x3c7: {  	v4 =	vld [tilespmem:$0x1C110]  }
0x3c8: {  	v5 =	vld [tilespmem:$0x1BD10]  }
0x3c9: {  	v6 =	vld [tilespmem:$0x1C120]  }
0x3ca: {  	v7 =	vld [tilespmem:$0x1BD20]  }
0x3cb: {  	v8 =	vld [tilespmem:$0x1C130]  }
0x3cc: {  	v9 =	vld [tilespmem:$0x1BD30]  }
0x3cd: {  	v10 =	vld [tilespmem:$0x1C140]  }
0x3ce: {  	v11 =	vld [tilespmem:$0x1BD40]  }
0x3cf: {  	v12 =	vld [tilespmem:$0x1C150]  }
0x3d0: {  	v13 =	vld [tilespmem:$0x1BD50]  }
0x3d1: {  	v14 =	vld [tilespmem:$0x1C160]  }
0x3d2: {  	v15 =	vld [tilespmem:$0x1BD60]  }
0x3d3: {  	v16 =	vld [tilespmem:$0x1C170]  }
0x3d4: {  	v17 =	vld [tilespmem:$0x1BD70]  }
0x3d5: {  	v18 =	vld [tilespmem:$0x1C180]  }
0x3d6: {  	v19 =	vld [tilespmem:$0x1BD80]  }
0x3d7: {  	v20 =	vld [tilespmem:$0x1C190]  }
0x3d8: {  	v21 =	vld [tilespmem:$0x1BD90]  }
0x3d9: {  	v22 =	vld [tilespmem:$0x1C1A0]  }
0x3da: {  	v23 =	vld [tilespmem:$0x1BDA0]  }
0x3db: {  	v24 =	vld [tilespmem:$0x1C1B0]  }
0x3dc: {  	v25 =	vld [tilespmem:$0x1BDB0]  }
0x3dd: {  	v26 =	vld [tilespmem:$0x1C1C0]  }
0x3de: {  	v27 =	vld [tilespmem:$0x1BDC0]  }
0x3df: {  	v28 =	vld [tilespmem:$0x1C1D0]  }
0x3e0: {  	v29 =	vld [tilespmem:$0x1BDD0]  }
0x3e1: {  	v30 =	vld [tilespmem:$0x1C1E0]  }
0x3e2: {  	v31 =	vld [tilespmem:$0x1BDE0]  }
0x3e3: {  	v32 =	vld [tilespmem:$0x1C1F0]  }
0x3e4: {  	v33 =	vld [tilespmem:$0x1BDF0]  }
0x3e5: {  	v34 =	vld [tilespmem:$0x1C200]  }
0x3e6: {  	v35 =	vld [tilespmem:$0x1BE00]  }
0x3e7: {  	v36 =	vld [tilespmem:$0x1C210]  }
0x3e8: {  	v37 =	vld [tilespmem:$0x1BE10]  }
0x3e9: {  	v38 =	vld [tilespmem:$0x1C220]  }
0x3ea: {  	v39 =	vld [tilespmem:$0x1BE20]  }
0x3eb: {  	v40 =	vld [tilespmem:$0x1C230]  }
0x3ec: {  	v41 =	vld [tilespmem:$0x1BE30]  }
0x3ed: {  	v42 =	vld [tilespmem:$0x1C240]  }
0x3ee: {  	v43 =	vld [tilespmem:$0x1BE40]  }
0x3ef: {  	v44 =	vld [tilespmem:$0x1C250]  }
0x3f0: {  	v45 =	vld [tilespmem:$0x1BE50]  }
0x3f1: {  	v46 =	vld [tilespmem:$0x1C260]  }
0x3f2: {  	v47 =	vld [tilespmem:$0x1BE60]  }
0x3f3: {  	v48 =	vld [tilespmem:$0x1C270]  }
0x3f4: {  	v49 =	vld [tilespmem:$0x1BE70]  }
0x3f5: {  	v50 =	vld [tilespmem:$0x1C280]  }
0x3f6: {  	v51 =	vld [tilespmem:$0x1BE80]  }
0x3f7: {  	v52 =	vld [tilespmem:$0x1C290]  }
0x3f8: {  	v53 =	vld [tilespmem:$0x1BE90]  }
0x3f9: {  	v54 =	vld [tilespmem:$0x1C2A0]  }
0x3fa: {  	v55 =	vld [tilespmem:$0x1BEA0]  }
0x3fb: {  	v56 =	vld [tilespmem:$0x1C2B0]  }
0x3fc: {  	v57 =	vld [tilespmem:$0x1BEB0]  }
0x3fd: {  	v58 =	vld [tilespmem:$0x1C2C0]  }
0x3fe: {  	v62 =	vld [tilespmem:$0x1C2E0]  }
0x3ff: {  	v59 =	vld [tilespmem:$0x1BEC0]  }
0x400: {  	v60 =	vld [tilespmem:$0x1C2D0]  }
0x401: {  	v61 =	vld [tilespmem:$0x1BED0]  }
0x402: {  	v63 =	vld [tilespmem:$0x1BEE0]  }
0x403: {  	[tilespmem:$0x1FC00] =	vst v62;
	v62 =	vld [tilespmem:$0x1C2F0];
	v2 =	vadd.f32 v3, v2  }
0x404: {  	v3 =	vld [tilespmem:$0x1BF20];
	v13 =	vadd.f32 v13, v12  }
0x405: {  	v4 =	vadd.f32 v5, v4;
	v5 =	vld [tilespmem:$0x1C330];
	v17 =	vadd.f32 v17, v16;
	[tilespmem:$0x1C100] =	vst v2  }
0x406: {  	v12 =	vld [tilespmem:$0x1BF60];
	v2 =	vadd.f32 v7, v6;
	[tilespmem:$0x1C150] =	vst v13  }
0x407: {  	v21 =	vadd.f32 v21, v20;
	v16 =	vld [tilespmem:$0x1BF80];
	[tilespmem:$0x1C170] =	vst v17  }
0x408: {  	v20 =	vld [tilespmem:$0x1BFA0];
	[tilespmem:$0x1C120] =	vst v2;
	v2 =	vadd.f32 v11, v10  }
0x409: {  	v25 =	vadd.f32 v25, v24;
	v24 =	vld [tilespmem:$0x1BFC0];
	[tilespmem:$0x1C190] =	vst v21  }
0x40a: {  	v29 =	vadd.f32 v29, v28;
	v28 =	vld [tilespmem:$0x1BFE0];
	[tilespmem:$0x1C140] =	vst v2;
	v2 =	vadd.f32 v15, v14  }
0x40b: {  	v33 =	vadd.f32 v33, v32;
	v32 =	vld [tilespmem:$0x1C000];
	[tilespmem:$0x1C1B0] =	vst v25  }
0x40c: {  	v45 =	vadd.f32 v45, v44;
	v44 =	vld [tilespmem:$0x1C480];
	[tilespmem:$0x1C160] =	vst v2;
	v2 =	vadd.f32 v19, v18  }
0x40d: {  	v6 =	vld [tilespmem:$0x1BF30];
	[tilespmem:$0x1FC10] =	vst v62  }
0x40e: {  	v62 =	vld [tilespmem:$0x1BEF0];
	[tilespmem:$0x1C180] =	vst v2;
	v2 =	vadd.f32 v23, v22  }
0x40f: {  	v7 =	vld [tilespmem:$0x1C340];
	[tilespmem:$0x1C1D0] =	vst v29  }
0x410: {  	v13 =	vld [tilespmem:$0x1C370];
	[tilespmem:$0x1C1A0] =	vst v2;
	v2 =	vadd.f32 v27, v26  }
0x411: {  	v17 =	vld [tilespmem:$0x1C390];
	[tilespmem:$0x1C1F0] =	vst v33  }
0x412: {  	v21 =	vld [tilespmem:$0x1C3B0];
	[tilespmem:$0x1C1C0] =	vst v2;
	v2 =	vadd.f32 v31, v30  }
0x413: {  	v41 =	vadd.f32 v41, v40;
	v25 =	vld [tilespmem:$0x1C3D0];
	[tilespmem:$0x1FC20] =	vst v62  }
0x414: {  	v62 =	vld [tilespmem:$0x1C300];
	[tilespmem:$0x1C1E0] =	vst v2;
	v2 =	vadd.f32 v35, v34  }
0x415: {  	[tilespmem:$0x1C230] =	vst v41;
	v29 =	vld [tilespmem:$0x1C3F0]  }
0x416: {  	v33 =	vld [tilespmem:$0x1C410];
	[tilespmem:$0x1C200] =	vst v2;
	v2 =	vadd.f32 v39, v38  }
0x417: {  	[tilespmem:$0x1C250] =	vst v45;
	v41 =	vld [tilespmem:$0x1C470]  }
0x418: {  	v45 =	vld [tilespmem:$0x1C080];
	[tilespmem:$0x1C220] =	vst v2;
	v2 =	vadd.f32 v43, v42  }
0x419: {  	v11 =	vld [tilespmem:$0x1C360];
	[tilespmem:$0x1FC30] =	vst v62  }
0x41a: {  	v62 =	vld [tilespmem:$0x1BF00];
	[tilespmem:$0x1C240] =	vst v2;
	v2 =	vadd.f32 v47, v46  }
0x41b: {  	v14 =	vld [tilespmem:$0x1BF70]  }
0x41c: {  	v15 =	vld [tilespmem:$0x1C380];
	[tilespmem:$0x1C260] =	vst v2;
	v2 =	vadd.f32 v51, v50  }
0x41d: {  	v18 =	vld [tilespmem:$0x1BF90]  }
0x41e: {  	v19 =	vld [tilespmem:$0x1C3A0];
	[tilespmem:$0x1C280] =	vst v2;
	v2 =	vadd.f32 v55, v54  }
0x41f: {  	v22 =	vld [tilespmem:$0x1BFB0];
	[tilespmem:$0x1FC40] =	vst v62  }
0x420: {  	v62 =	vld [tilespmem:$0x1C310];
	[tilespmem:$0x1C2A0] =	vst v2;
	v2 =	vadd.f32 v59, v58  }
0x421: {  	v23 =	vld [tilespmem:$0x1C3C0]  }
0x422: {  	[tilespmem:$0x1C2C0] =	vst v2;
	v2 =	vld [tilespmem:$0x1FC00]  }
0x423: {  	v27 =	vld [tilespmem:$0x1C3E0]  }
0x424: {  	v30 =	vld [tilespmem:$0x1BFF0]  }
0x425: {  	[tilespmem:$0x1FC50] =	vst v62;
	v62 =	vld [tilespmem:$0x1BF10]  }
0x426: {  	v31 =	vld [tilespmem:$0x1C400]  }
0x427: {  	v34 =	vld [tilespmem:$0x1C010];
	v2 =	vadd.f32 v63, v2  }
0x428: {  	v47 =	vadd.f32 v49, v48;
	v48 =	vadd.f32 v53, v52;
	v53 =	vld [tilespmem:$0x1FC40]  }
0x429: {  	[tilespmem:$0x1C2E0] =	vst v2;
	v2 =	vld [tilespmem:$0x1FC30]  }
0x42a: {  	v37 =	vadd.f32 v37, v36;
	[tilespmem:$0x1FC60] =	vst v62;
	v62 =	vld [tilespmem:$0x1C320]  }
0x42b: {  	[tilespmem:$0x1C110] =	vst v4;
	v14 =	vadd.f32 v14, v13;
	v35 =	vld [tilespmem:$0x1C420]  }
0x42c: {  	[tilespmem:$0x1C210] =	vst v37;
	v40 =	vadd.f32 v18, v17;
	v38 =	vld [tilespmem:$0x1C460]  }
0x42d: {  	[tilespmem:$0x1C370] =	vst v14;
	v39 =	vld [tilespmem:$0x1C060]  }
0x42e: {  	[tilespmem:$0x1C390] =	vst v40;
	v42 =	vld [tilespmem:$0x1C070];
	v2 =	vadd.f32 v53, v2  }
0x42f: {  	v43 =	vadd.f32 v22, v21;
	v46 =	vld [tilespmem:$0x1BFD0];
	[tilespmem:$0x1FC70] =	vst v62  }
0x430: {  	[tilespmem:$0x1C300] =	vst v2;
	v2 =	vld [tilespmem:$0x1FC70]  }
0x431: {  	v52 =	vld [tilespmem:$0x1FC20];
	[tilespmem:$0x1C3B0] =	vst v43  }
0x432: {  	v49 =	vadd.f32 v57, v56;
	[tilespmem:$0x1C270] =	vst v47;
	v62 =	vadd.f32 v9, v8;
	v8 =	vld [tilespmem:$0x1BF40]  }
0x433: {  	v57 =	vld [tilespmem:$0x1C430];
	[tilespmem:$0x1C290] =	vst v48;
	v50 =	vadd.f32 v61, v60  }
0x434: {  	[tilespmem:$0x1C2B0] =	vst v49;
	v51 =	vld [tilespmem:$0x1FC10];
	v49 =	vadd.f32 v30, v29  }
0x435: {  	v60 =	vld [tilespmem:$0x1C040];
	[tilespmem:$0x1C2D0] =	vst v50;
	v2 =	vadd.f32 v3, v2  }
0x436: {  	v47 =	vld [tilespmem:$0x1C490];
	[tilespmem:$0x1C3F0] =	vst v49;
	v46 =	vadd.f32 v46, v25  }
0x437: {  	v48 =	vld [tilespmem:$0x1C090];
	[tilespmem:$0x1C320] =	vst v2;
	v2 =	vadd.f32 v8, v7  }
0x438: {  	v54 =	vld [tilespmem:$0x1C020];
	v58 =	vadd.f32 v6, v5;
	[tilespmem:$0x1C3D0] =	vst v46  }
0x439: {  	v55 =	vld [tilespmem:$0x1FC50];
	[tilespmem:$0x1C340] =	vst v2;
	v2 =	vadd.f32 v12, v11  }
0x43a: {  	[tilespmem:$0x1C330] =	vst v58;
	v56 =	vld [tilespmem:$0x1FC60]  }
0x43b: {  	v9 =	vld [tilespmem:$0x1C350];
	[tilespmem:$0x1C360] =	vst v2;
	v2 =	vadd.f32 v16, v15  }
0x43c: {  	v4 =	vadd.f32 v52, v51;
	[tilespmem:$0x1C130] =	vst v62;
	v62 =	vld [tilespmem:$0x1BF50]  }
0x43d: {  	v50 =	vld [tilespmem:$0x1C4A0];
	[tilespmem:$0x1C380] =	vst v2;
	v2 =	vadd.f32 v20, v19  }
0x43e: {  	v59 =	vld [tilespmem:$0x1C440];
	v52 =	vadd.f32 v34, v33;
	[tilespmem:$0x1C2F0] =	vst v4  }
0x43f: {  	v3 =	vld [tilespmem:$0x1C030];
	[tilespmem:$0x1C3A0] =	vst v2;
	v2 =	vadd.f32 v24, v23  }
0x440: {  	[tilespmem:$0x1C410] =	vst v52;
	v63 =	vld [tilespmem:$0x1C050];
	v4 =	vadd.f32 v56, v55  }
0x441: {  	v61 =	vadd.f32 v62, v9;
	v62 =	vld [tilespmem:$0x1C450];
	[tilespmem:$0x1C3C0] =	vst v2;
	v2 =	vadd.f32 v28, v27  }
0x442: {  	v51 =	vld [tilespmem:$0x1C0A0];
	[tilespmem:$0x1C310] =	vst v4  }
0x443: {  	v58 =	vld [tilespmem:$0x1C0D0];
	[tilespmem:$0x1C3E0] =	vst v2;
	v2 =	vadd.f32 v32, v31  }
0x444: {  	v55 =	vld [tilespmem:$0x1C4C0];
	[tilespmem:$0x1C350] =	vst v61;
	v3 =	vadd.f32 v3, v57  }
0x445: {  	v56 =	vld [tilespmem:$0x1C0C0];
	[tilespmem:$0x1C400] =	vst v2;
	v2 =	vadd.f32 v54, v35  }
0x446: {  	v53 =	vld [tilespmem:$0x1C4B0];
	[tilespmem:$0x1C430] =	vst v3;
	v3 =	vadd.f32 v63, v62  }
0x447: {  	v54 =	vld [tilespmem:$0x1C0B0];
	[tilespmem:$0x1C420] =	vst v2;
	v2 =	vadd.f32 v60, v59  }
0x448: {  	v61 =	vld [tilespmem:$0x1C4F0];
	[tilespmem:$0x1C450] =	vst v3;
	v3 =	vadd.f32 v42, v41  }
0x449: {  	v57 =	vld [tilespmem:$0x1C4D0];
	[tilespmem:$0x1C440] =	vst v2;
	v2 =	vadd.f32 v39, v38  }
0x44a: {  	v62 =	vld [tilespmem:$0x1C0F0];
	[tilespmem:$0x1C470] =	vst v3;
	v3 =	vadd.f32 v48, v47  }
0x44b: {  	v59 =	vld [tilespmem:$0x1C4E0];
	[tilespmem:$0x1C460] =	vst v2;
	v2 =	vadd.f32 v45, v44  }
0x44c: {  	[tilespmem:$0x1C490] =	vst v3;
	v60 =	vld [tilespmem:$0x1C0E0];
	v3 =	vadd.f32 v54, v53  }
0x44d: {  	[tilespmem:$0x1C480] =	vst v2;
	v2 =	vadd.f32 v51, v50  }
0x44e: {  	[tilespmem:$0x1C4B0] =	vst v3;
	v3 =	vadd.f32 v58, v57  }
0x44f: {  	[tilespmem:$0x1C4A0] =	vst v2;
	v2 =	vadd.f32 v56, v55  }
0x450: {  	[tilespmem:$0x1C4D0] =	vst v3;
	v3 =	vadd.f32 v62, v61  }
0x451: {  	[tilespmem:$0x1C4C0] =	vst v2;
	v2 =	vadd.f32 v60, v59  }
0x452: {  	[tilespmem:$0x1C4F0] =	vst v3  }
0x453: {  	s13 =	rddreg [dreg:$0x15];
	[tilespmem:$0x1C4E0] =	vst v2  }
0x454: {  	[tilespmem:s9], [sflag:$0x5] =	stream.linear.gather [spmem:s13], $0x400, $0x38;
	[tilespmem:$0x1C500] =	vst v63  }
0x455: {  	_ =	swait.ge [sflag:s30], $0x400  }
0x456: {  	[sflag:s30] =	ssyncset.done $0x0  }
0x457: {  	[sflag:s30] =	ssyncadd.s32 $0xFFFFFC00  }
0x458: {  	v2 =	vld [tilespmem:$0x1C100]  }
0x459: {  	v3 =	vld [tilespmem:$0x1BD00]  }
0x45a: {  	v4 =	vld [tilespmem:$0x1C110]  }
0x45b: {  	v5 =	vld [tilespmem:$0x1BD10]  }
0x45c: {  	v6 =	vld [tilespmem:$0x1C120]  }
0x45d: {  	v7 =	vld [tilespmem:$0x1BD20]  }
0x45e: {  	v8 =	vld [tilespmem:$0x1C130]  }
0x45f: {  	v63 =	vld [tilespmem:$0x1BD30]  }
0x460: {  	v10 =	vld [tilespmem:$0x1C140]  }
0x461: {  	v11 =	vld [tilespmem:$0x1BD40]  }
0x462: {  	v12 =	vld [tilespmem:$0x1C150]  }
0x463: {  	v13 =	vld [tilespmem:$0x1BD50]  }
0x464: {  	v14 =	vld [tilespmem:$0x1C160]  }
0x465: {  	v15 =	vld [tilespmem:$0x1BD60]  }
0x466: {  	v16 =	vld [tilespmem:$0x1C170]  }
0x467: {  	v17 =	vld [tilespmem:$0x1BD70]  }
0x468: {  	v18 =	vld [tilespmem:$0x1C180]  }
0x469: {  	v19 =	vld [tilespmem:$0x1BD80]  }
0x46a: {  	v20 =	vld [tilespmem:$0x1C190]  }
0x46b: {  	v21 =	vld [tilespmem:$0x1BD90]  }
0x46c: {  	v22 =	vld [tilespmem:$0x1C1A0]  }
0x46d: {  	v57 =	vld [tilespmem:$0x1BDA0]  }
0x46e: {  	v58 =	vld [tilespmem:$0x1C1B0]  }
0x46f: {  	v59 =	vld [tilespmem:$0x1BDB0]  }
0x470: {  	v26 =	vld [tilespmem:$0x1C1C0]  }
0x471: {  	v60 =	vld [tilespmem:$0x1BDC0]  }
0x472: {  	v61 =	vld [tilespmem:$0x1C1D0]  }
0x473: {  	v62 =	vld [tilespmem:$0x1BDD0]  }
0x474: {  	v30 =	vld [tilespmem:$0x1C1E0]  }
0x475: {  	v31 =	vld [tilespmem:$0x1BDE0]  }
0x476: {  	v32 =	vld [tilespmem:$0x1C1F0]  }
0x477: {  	v33 =	vld [tilespmem:$0x1BDF0]  }
0x478: {  	v34 =	vld [tilespmem:$0x1C200]  }
0x479: {  	v35 =	vld [tilespmem:$0x1BE00]  }
0x47a: {  	v36 =	vld [tilespmem:$0x1C210]  }
0x47b: {  	v37 =	vld [tilespmem:$0x1BE10]  }
0x47c: {  	v38 =	vld [tilespmem:$0x1C220]  }
0x47d: {  	v39 =	vld [tilespmem:$0x1BE20]  }
0x47e: {  	v40 =	vld [tilespmem:$0x1C230]  }
0x47f: {  	v41 =	vld [tilespmem:$0x1BE30]  }
0x480: {  	v42 =	vld [tilespmem:$0x1C240]  }
0x481: {  	v43 =	vld [tilespmem:$0x1BE40]  }
0x482: {  	v44 =	vld [tilespmem:$0x1C250]  }
0x483: {  	v45 =	vld [tilespmem:$0x1BE50]  }
0x484: {  	v46 =	vld [tilespmem:$0x1C260]  }
0x485: {  	v47 =	vld [tilespmem:$0x1BE60]  }
0x486: {  	v48 =	vld [tilespmem:$0x1C270]  }
0x487: {  	v49 =	vld [tilespmem:$0x1BE70]  }
0x488: {  	v50 =	vld [tilespmem:$0x1C280]  }
0x489: {  	v51 =	vld [tilespmem:$0x1BE80]  }
0x48a: {  	v52 =	vld [tilespmem:$0x1C290]  }
0x48b: {  	v53 =	vld [tilespmem:$0x1BE90]  }
0x48c: {  	v54 =	vld [tilespmem:$0x1C2A0]  }
0x48d: {  	v9 =	vld [tilespmem:$0x1C2D0]  }
0x48e: {  	v56 =	vld [tilespmem:$0x1C2F0]  }
0x48f: {  	v23 =	vld [tilespmem:$0x1BFD0]  }
0x490: {  	v24 =	vld [tilespmem:$0x1C3E0]  }
0x491: {  	v25 =	vld [tilespmem:$0x1BFE0]  }
0x492: {  	v27 =	vld [tilespmem:$0x1BFF0]  }
0x493: {  	v28 =	vld [tilespmem:$0x1C410]  }
0x494: {  	v29 =	vld [tilespmem:$0x1C010]  }
0x495: {  	v2 =	vadd.f32 v3, v2;
	v3 =	vld [tilespmem:$0x1BEA0]  }
0x496: {  	v4 =	vadd.f32 v5, v4;
	v5 =	vld [tilespmem:$0x1C2B0]  }
0x497: {  	v63 =	vadd.f32 v63, v8;
	v8 =	vld [tilespmem:$0x1BEC0]  }
0x498: {  	v13 =	vadd.f32 v13, v12;
	v12 =	vld [tilespmem:$0x1BEE0]  }
0x499: {  	v58 =	vadd.f32 v59, v58;
	v59 =	vld [tilespmem:$0x1C300]  }
0x49a: {  	v61 =	vadd.f32 v62, v61;
	v62 =	vld [tilespmem:$0x1C310];
	[tilespmem:$0x1C100] =	vst v2;
	v2 =	vadd.f32 v7, v6  }
0x49b: {  	v55 =	vadd.f32 v21, v20;
	v32 =	vadd.f32 v33, v32;
	v33 =	vld [tilespmem:$0x1C320];
	[tilespmem:$0x1C130] =	vst v63  }
0x49c: {  	v36 =	vadd.f32 v37, v36;
	v37 =	vld [tilespmem:$0x1C330];
	[tilespmem:$0x1C120] =	vst v2;
	v2 =	vadd.f32 v11, v10  }
0x49d: {  	v20 =	vld [tilespmem:$0x1BFC0];
	[tilespmem:$0x1C190] =	vst v55  }
0x49e: {  	v6 =	vld [tilespmem:$0x1BEB0];
	[tilespmem:$0x1C140] =	vst v2;
	v2 =	vadd.f32 v15, v14  }
0x49f: {  	v7 =	vld [tilespmem:$0x1C2C0];
	[tilespmem:$0x1C1B0] =	vst v58  }
0x4a0: {  	v63 =	vld [tilespmem:$0x1BF10];
	[tilespmem:$0x1C160] =	vst v2;
	v2 =	vadd.f32 v19, v18  }
0x4a1: {  	[tilespmem:$0x1C1D0] =	vst v61;
	v55 =	vld [tilespmem:$0x1BF90]  }
0x4a2: {  	v58 =	vld [tilespmem:$0x1BFA0];
	[tilespmem:$0x1C180] =	vst v2;
	v2 =	vadd.f32 v57, v22  }
0x4a3: {  	[tilespmem:$0x1C1F0] =	vst v32;
	v61 =	vld [tilespmem:$0x1BFB0]  }
0x4a4: {  	v32 =	vld [tilespmem:$0x1C430];
	[tilespmem:$0x1C1A0] =	vst v2;
	v2 =	vadd.f32 v60, v26  }
0x4a5: {  	[tilespmem:$0x1C210] =	vst v36;
	v36 =	vld [tilespmem:$0x1C450]  }
0x4a6: {  	v10 =	vld [tilespmem:$0x1BED0];
	[tilespmem:$0x1C1C0] =	vst v2;
	v2 =	vadd.f32 v31, v30  }
0x4a7: {  	v11 =	vld [tilespmem:$0x1C2E0]  }
0x4a8: {  	v57 =	vld [tilespmem:$0x1BEF0];
	[tilespmem:$0x1C1E0] =	vst v2;
	v2 =	vadd.f32 v35, v34  }
0x4a9: {  	v22 =	vld [tilespmem:$0x1C3D0]  }
0x4aa: {  	v60 =	vld [tilespmem:$0x1BF00];
	[tilespmem:$0x1C200] =	vst v2;
	v2 =	vadd.f32 v39, v38  }
0x4ab: {  	v26 =	vld [tilespmem:$0x1C3F0]  }
0x4ac: {  	v30 =	vld [tilespmem:$0x1C420];
	[tilespmem:$0x1C220] =	vst v2;
	v2 =	vadd.f32 v43, v42  }
0x4ad: {  	v31 =	vld [tilespmem:$0x1C020]  }
0x4ae: {  	v56 =	vadd.f32 v57, v56;
	v57 =	vld [tilespmem:$0x1C3A0];
	[tilespmem:$0x1C240] =	vst v2;
	v2 =	vadd.f32 v47, v46  }
0x4af: {  	v35 =	vld [tilespmem:$0x1BF20]  }
0x4b0: {  	v34 =	vld [tilespmem:$0x1C440];
	[tilespmem:$0x1C260] =	vst v2;
	v2 =	vadd.f32 v51, v50  }
0x4b1: {  	[tilespmem:$0x1C2F0] =	vst v56;
	v56 =	vld [tilespmem:$0x1C4E0]  }
0x4b2: {  	v38 =	vld [tilespmem:$0x1BF30];
	[tilespmem:$0x1C280] =	vst v2;
	v2 =	vadd.f32 v3, v54  }
0x4b3: {  	[tilespmem:$0x1C110] =	vst v4;
	v39 =	vadd.f32 v41, v40;
	v40 =	vld [tilespmem:$0x1C340]  }
0x4b4: {  	v41 =	vld [tilespmem:$0x1BF40];
	[tilespmem:$0x1C2A0] =	vst v2;
	v2 =	vadd.f32 v8, v7  }
0x4b5: {  	[tilespmem:$0x1C230] =	vst v39;
	v42 =	vadd.f32 v45, v44;
	v45 =	vadd.f32 v49, v48;
	v49 =	vld [tilespmem:$0x1C370]  }
0x4b6: {  	v48 =	vadd.f32 v53, v52;
	v52 =	vld [tilespmem:$0x1BF80];
	[tilespmem:$0x1C2C0] =	vst v2;
	v2 =	vadd.f32 v12, v11  }
0x4b7: {  	[tilespmem:$0x1C250] =	vst v42;
	v46 =	vld [tilespmem:$0x1C360]  }
0x4b8: {  	v3 =	vld [tilespmem:$0x1BF70];
	[tilespmem:$0x1C2E0] =	vst v2;
	v2 =	vadd.f32 v60, v59  }
0x4b9: {  	v47 =	vld [tilespmem:$0x1BF60];
	[tilespmem:$0x1C270] =	vst v45  }
0x4ba: {  	v54 =	vld [tilespmem:$0x1C390];
	[tilespmem:$0x1C300] =	vst v2;
	v2 =	vadd.f32 v35, v33  }
0x4bb: {  	v53 =	vadd.f32 v10, v9;
	[tilespmem:$0x1C290] =	vst v48;
	v51 =	vld [tilespmem:$0x1C380]  }
0x4bc: {  	v60 =	vld [tilespmem:$0x1C3B0];
	[tilespmem:$0x1C320] =	vst v2;
	v2 =	vadd.f32 v41, v40  }
0x4bd: {  	v43 =	vld [tilespmem:$0x1C350];
	[tilespmem:$0x1C2D0] =	vst v53;
	v3 =	vadd.f32 v3, v49  }
0x4be: {  	v44 =	vld [tilespmem:$0x1BF50];
	[tilespmem:$0x1C340] =	vst v2;
	v2 =	vadd.f32 v47, v46  }
0x4bf: {  	v59 =	vadd.f32 v63, v62;
	v63 =	vld [tilespmem:$0x1C3C0];
	[tilespmem:$0x1C370] =	vst v3;
	v3 =	vadd.f32 v55, v54  }
0x4c0: {  	v39 =	vld [tilespmem:$0x1C060];
	[tilespmem:$0x1C360] =	vst v2;
	v2 =	vadd.f32 v52, v51  }
0x4c1: {  	v42 =	vld [tilespmem:$0x1C480];
	[tilespmem:$0x1C390] =	vst v3;
	v3 =	vadd.f32 v61, v60  }
0x4c2: {  	v45 =	vld [tilespmem:$0x1C090];
	[tilespmem:$0x1C380] =	vst v2;
	v2 =	vadd.f32 v58, v57  }
0x4c3: {  	v48 =	vld [tilespmem:$0x1C0B0];
	[tilespmem:$0x1C3B0] =	vst v3;
	v3 =	vadd.f32 v23, v22  }
0x4c4: {  	v53 =	vld [tilespmem:$0x1C4D0];
	[tilespmem:$0x1C3A0] =	vst v2;
	v2 =	vadd.f32 v20, v63  }
0x4c5: {  	v21 =	vadd.f32 v44, v43;
	v43 =	vld [tilespmem:$0x1C080];
	[tilespmem:$0x1C3D0] =	vst v3;
	v3 =	vadd.f32 v27, v26  }
0x4c6: {  	v44 =	vld [tilespmem:$0x1C490];
	[tilespmem:$0x1C3C0] =	vst v2;
	v2 =	vadd.f32 v25, v24  }
0x4c7: {  	v50 =	vadd.f32 v6, v5;
	[tilespmem:$0x1C3F0] =	vst v3;
	v3 =	vld [tilespmem:$0x1C000]  }
0x4c8: {  	[tilespmem:$0x1C3E0] =	vst v2;
	v2 =	vld [tilespmem:$0x1C400]  }
0x4c9: {  	v17 =	vadd.f32 v17, v16;
	[tilespmem:$0x1C2B0] =	vst v50;
	v50 =	vld [tilespmem:$0x1C4C0]  }
0x4ca: {  	[tilespmem:$0x1C150] =	vst v13;
	v4 =	vadd.f32 v29, v28;
	v62 =	vadd.f32 v38, v37;
	v37 =	vld [tilespmem:$0x1C050]  }
0x4cb: {  	[tilespmem:$0x1C170] =	vst v17;
	v54 =	vld [tilespmem:$0x1C0D0]  }
0x4cc: {  	[tilespmem:$0x1C410] =	vst v4;
	v35 =	vld [tilespmem:$0x1C040]  }
0x4cd: {  	[tilespmem:$0x1C350] =	vst v21;
	v33 =	vld [tilespmem:$0x1C030];
	v2 =	vadd.f32 v3, v2  }
0x4ce: {  	v38 =	vld [tilespmem:$0x1C460];
	[tilespmem:$0x1C310] =	vst v59  }
0x4cf: {  	v40 =	vld [tilespmem:$0x1C470];
	[tilespmem:$0x1C400] =	vst v2;
	v2 =	vadd.f32 v31, v30  }
0x4d0: {  	[tilespmem:$0x1C330] =	vst v62;
	v41 =	vld [tilespmem:$0x1C070];
	v61 =	vadd.f32 v54, v53  }
0x4d1: {  	v46 =	vld [tilespmem:$0x1C4A0];
	[tilespmem:$0x1C420] =	vst v2;
	v2 =	vadd.f32 v35, v34  }
0x4d2: {  	v49 =	vadd.f32 v33, v32;
	[tilespmem:$0x1C4D0] =	vst v61;
	v3 =	vld [tilespmem:$0x1C0A0]  }
0x4d3: {  	v59 =	vld [tilespmem:$0x1C4F0];
	[tilespmem:$0x1C440] =	vst v2;
	v2 =	vadd.f32 v39, v38  }
0x4d4: {  	v51 =	vld [tilespmem:$0x1C0C0];
	v52 =	vadd.f32 v37, v36;
	[tilespmem:$0x1C430] =	vst v49  }
0x4d5: {  	v47 =	vld [tilespmem:$0x1C4B0];
	[tilespmem:$0x1C460] =	vst v2;
	v2 =	vadd.f32 v43, v42  }
0x4d6: {  	v55 =	vadd.f32 v41, v40;
	[tilespmem:$0x1C450] =	vst v52;
	v57 =	vld [tilespmem:$0x1C0E0]  }
0x4d7: {  	[tilespmem:$0x1C480] =	vst v2;
	v2 =	vadd.f32 v3, v46;
	v3 =	vld [tilespmem:$0x1C0F0]  }
0x4d8: {  	v58 =	vadd.f32 v45, v44;
	[tilespmem:$0x1C470] =	vst v55  }
0x4d9: {  	[tilespmem:$0x1C4A0] =	vst v2;
	v2 =	vadd.f32 v51, v50  }
0x4da: {  	v60 =	vadd.f32 v48, v47;
	[tilespmem:$0x1C490] =	vst v58  }
0x4db: {  	[tilespmem:$0x1C4C0] =	vst v2;
	v2 =	vadd.f32 v57, v56  }
0x4dc: {  	[tilespmem:$0x1C4B0] =	vst v60;
	v3 =	vadd.f32 v3, v59  }
0x4dd: {  	[tilespmem:$0x1C4E0] =	vst v2  }
0x4de: {  	s14 =	rddreg [dreg:$0x16];
	[tilespmem:$0x1C4F0] =	vst v3  }
0x4df: {  	[tilespmem:s9], [sflag:$0x5] =	stream.linear.gather [spmem:s14], $0x400, $0x38;
	[tilespmem:$0x1C500] =	vst v63  }
0x4e0: {  	_ =	swait.ge [sflag:s30], $0x400  }
0x4e1: {  	[sflag:s30] =	ssyncset.done $0x0  }
0x4e2: {  	[sflag:s30] =	ssyncadd.s32 $0xFFFFFC00  }
0x4e3: {  	v2 =	vld [tilespmem:$0x1C100]  }
0x4e4: {  	v3 =	vld [tilespmem:$0x1BD00]  }
0x4e5: {  	v4 =	vld [tilespmem:$0x1C110]  }
0x4e6: {  	v5 =	vld [tilespmem:$0x1BD10]  }
0x4e7: {  	v6 =	vld [tilespmem:$0x1C120]  }
0x4e8: {  	v7 =	vld [tilespmem:$0x1BD20]  }
0x4e9: {  	v8 =	vld [tilespmem:$0x1C130]  }
0x4ea: {  	v9 =	vld [tilespmem:$0x1BD30]  }
0x4eb: {  	v10 =	vld [tilespmem:$0x1C140]  }
0x4ec: {  	v11 =	vld [tilespmem:$0x1BD40]  }
0x4ed: {  	v12 =	vld [tilespmem:$0x1C150]  }
0x4ee: {  	v13 =	vld [tilespmem:$0x1BD50]  }
0x4ef: {  	v14 =	vld [tilespmem:$0x1C160]  }
0x4f0: {  	v15 =	vld [tilespmem:$0x1BD60]  }
0x4f1: {  	v16 =	vld [tilespmem:$0x1C170]  }
0x4f2: {  	v17 =	vld [tilespmem:$0x1BD70]  }
0x4f3: {  	v18 =	vld [tilespmem:$0x1C180]  }
0x4f4: {  	v19 =	vld [tilespmem:$0x1BD80]  }
0x4f5: {  	v20 =	vld [tilespmem:$0x1C190]  }
0x4f6: {  	v21 =	vld [tilespmem:$0x1BD90]  }
0x4f7: {  	v22 =	vld [tilespmem:$0x1C1A0]  }
0x4f8: {  	v23 =	vld [tilespmem:$0x1BDA0]  }
0x4f9: {  	v24 =	vld [tilespmem:$0x1C1B0]  }
0x4fa: {  	v25 =	vld [tilespmem:$0x1BDB0]  }
0x4fb: {  	v26 =	vld [tilespmem:$0x1C1C0]  }
0x4fc: {  	v27 =	vld [tilespmem:$0x1BDC0]  }
0x4fd: {  	v28 =	vld [tilespmem:$0x1C1D0]  }
0x4fe: {  	v29 =	vld [tilespmem:$0x1BDD0]  }
0x4ff: {  	v30 =	vld [tilespmem:$0x1C1E0]  }
0x500: {  	v31 =	vld [tilespmem:$0x1BDE0]  }
0x501: {  	v32 =	vld [tilespmem:$0x1C1F0]  }
0x502: {  	v33 =	vld [tilespmem:$0x1BDF0]  }
0x503: {  	v34 =	vld [tilespmem:$0x1C200]  }
0x504: {  	v35 =	vld [tilespmem:$0x1BE00]  }
0x505: {  	v36 =	vld [tilespmem:$0x1C210]  }
0x506: {  	v37 =	vld [tilespmem:$0x1BE10]  }
0x507: {  	v62 =	vld [tilespmem:$0x1C2E0]  }
0x508: {  	v38 =	vld [tilespmem:$0x1C220]  }
0x509: {  	v39 =	vld [tilespmem:$0x1BE20]  }
0x50a: {  	v40 =	vld [tilespmem:$0x1C230]  }
0x50b: {  	v41 =	vld [tilespmem:$0x1BE30]  }
0x50c: {  	[tilespmem:$0x1FC80] =	vst v62;
	v62 =	vld [tilespmem:$0x1C2F0]  }
0x50d: {  	v42 =	vld [tilespmem:$0x1C240]  }
0x50e: {  	v43 =	vld [tilespmem:$0x1BE40]  }
0x50f: {  	v44 =	vld [tilespmem:$0x1C250]  }
0x510: {  	v45 =	vld [tilespmem:$0x1BE50]  }
0x511: {  	[tilespmem:$0x1FC90] =	vst v62;
	v62 =	vld [tilespmem:$0x1BEF0]  }
0x512: {  	v46 =	vld [tilespmem:$0x1C260]  }
0x513: {  	v47 =	vld [tilespmem:$0x1BE60]  }
0x514: {  	v48 =	vld [tilespmem:$0x1C270]  }
0x515: {  	v49 =	vld [tilespmem:$0x1BE70]  }
0x516: {  	[tilespmem:$0x1FCA0] =	vst v62;
	v62 =	vld [tilespmem:$0x1C300]  }
0x517: {  	v50 =	vld [tilespmem:$0x1C280]  }
0x518: {  	v51 =	vld [tilespmem:$0x1BE80]  }
0x519: {  	v52 =	vld [tilespmem:$0x1C290]  }
0x51a: {  	v53 =	vld [tilespmem:$0x1BE90]  }
0x51b: {  	[tilespmem:$0x1FCB0] =	vst v62;
	v62 =	vld [tilespmem:$0x1BF00]  }
0x51c: {  	v54 =	vld [tilespmem:$0x1C2A0]  }
0x51d: {  	v55 =	vld [tilespmem:$0x1BEA0]  }
0x51e: {  	v56 =	vld [tilespmem:$0x1C2B0]  }
0x51f: {  	v57 =	vld [tilespmem:$0x1BEB0]  }
0x520: {  	[tilespmem:$0x1FCC0] =	vst v62;
	v62 =	vld [tilespmem:$0x1C310]  }
0x521: {  	v58 =	vld [tilespmem:$0x1C2C0]  }
0x522: {  	v59 =	vld [tilespmem:$0x1BEC0]  }
0x523: {  	v60 =	vld [tilespmem:$0x1C2D0]  }
0x524: {  	v61 =	vld [tilespmem:$0x1BED0];
	v2 =	vadd.f32 v3, v2  }
0x525: {  	v63 =	vld [tilespmem:$0x1BEE0];
	[tilespmem:$0x1FCD0] =	vst v62  }
0x526: {  	[tilespmem:$0x1C100] =	vst v2;
	v2 =	vadd.f32 v7, v6;
	_ =	sdelay $0x1  }
0x527: {  	v62 =	vld [tilespmem:$0x1BF10];
	[tilespmem:$0x1C120] =	vst v2;
	v2 =	vadd.f32 v11, v10  }
0x528: {  	v3 =	vld [tilespmem:$0x1BF20]  }
0x529: {  	v4 =	vadd.f32 v5, v4;
	v5 =	vld [tilespmem:$0x1C330];
	[tilespmem:$0x1C140] =	vst v2;
	v2 =	vadd.f32 v15, v14  }
0x52a: {  	v13 =	vadd.f32 v13, v12;
	v6 =	vld [tilespmem:$0x1BF30]  }
0x52b: {  	v7 =	vld [tilespmem:$0x1C340];
	[tilespmem:$0x1C160] =	vst v2;
	v2 =	vadd.f32 v19, v18  }
0x52c: {  	v17 =	vadd.f32 v17, v16;
	[tilespmem:$0x1C150] =	vst v13;
	v12 =	vld [tilespmem:$0x1BF60]  }
0x52d: {  	v13 =	vld [tilespmem:$0x1C370];
	[tilespmem:$0x1C180] =	vst v2;
	v2 =	vadd.f32 v23, v22  }
0x52e: {  	v21 =	vadd.f32 v21, v20;
	[tilespmem:$0x1C170] =	vst v17;
	v16 =	vld [tilespmem:$0x1BF80]  }
0x52f: {  	v17 =	vld [tilespmem:$0x1C390];
	[tilespmem:$0x1C1A0] =	vst v2;
	v2 =	vadd.f32 v27, v26  }
0x530: {  	v25 =	vadd.f32 v25, v24;
	[tilespmem:$0x1C190] =	vst v21;
	v20 =	vld [tilespmem:$0x1BFA0]  }
0x531: {  	v21 =	vld [tilespmem:$0x1C3B0];
	[tilespmem:$0x1C1C0] =	vst v2;
	v2 =	vadd.f32 v31, v30  }
0x532: {  	[tilespmem:$0x1C1B0] =	vst v25;
	v24 =	vld [tilespmem:$0x1BFC0]  }
0x533: {  	v25 =	vld [tilespmem:$0x1C3D0];
	[tilespmem:$0x1C1E0] =	vst v2;
	v2 =	vadd.f32 v35, v34  }
0x534: {  	v29 =	vadd.f32 v29, v28;
	v44 =	vadd.f32 v45, v44;
	v45 =	vld [tilespmem:$0x1BFD0]  }
0x535: {  	v28 =	vld [tilespmem:$0x1BFE0];
	[tilespmem:$0x1C200] =	vst v2;
	v2 =	vadd.f32 v39, v38  }
0x536: {  	v33 =	vadd.f32 v33, v32;
	[tilespmem:$0x1C1D0] =	vst v29;
	v29 =	vld [tilespmem:$0x1C3F0]  }
0x537: {  	v32 =	vld [tilespmem:$0x1C000];
	[tilespmem:$0x1C220] =	vst v2;
	v2 =	vadd.f32 v43, v42  }
0x538: {  	v41 =	vadd.f32 v41, v40;
	[tilespmem:$0x1C1F0] =	vst v33;
	v33 =	vld [tilespmem:$0x1C410]  }
0x539: {  	v37 =	vadd.f32 v37, v36;
	v36 =	vld [tilespmem:$0x1C020];
	[tilespmem:$0x1C240] =	vst v2;
	v2 =	vadd.f32 v47, v46  }
0x53a: {  	[tilespmem:$0x1C230] =	vst v41;
	v40 =	vld [tilespmem:$0x1C470]  }
0x53b: {  	v41 =	vld [tilespmem:$0x1C070];
	[tilespmem:$0x1C260] =	vst v2;
	v2 =	vadd.f32 v51, v50  }
0x53c: {  	[tilespmem:$0x1C250] =	vst v44;
	v44 =	vld [tilespmem:$0x1C080]  }
0x53d: {  	v10 =	vld [tilespmem:$0x1BF50];
	[tilespmem:$0x1C280] =	vst v2;
	v2 =	vadd.f32 v55, v54  }
0x53e: {  	v11 =	vld [tilespmem:$0x1C360]  }
0x53f: {  	v15 =	vld [tilespmem:$0x1C380];
	[tilespmem:$0x1C2A0] =	vst v2;
	v2 =	vadd.f32 v59, v58  }
0x540: {  	[tilespmem:$0x1FCE0] =	vst v62;
	v62 =	vld [tilespmem:$0x1C320]  }
0x541: {  	[tilespmem:$0x1C2C0] =	vst v2;
	v2 =	vld [tilespmem:$0x1FC80]  }
0x542: {  	v18 =	vld [tilespmem:$0x1BF90]  }
0x543: {  	v19 =	vld [tilespmem:$0x1C3A0]  }
0x544: {  	v22 =	vld [tilespmem:$0x1BFB0]  }
0x545: {  	v23 =	vld [tilespmem:$0x1C3C0]  }
0x546: {  	v27 =	vld [tilespmem:$0x1C3E0];
	v2 =	vadd.f32 v63, v2  }
0x547: {  	[tilespmem:$0x1FCF0] =	vst v62;
	v47 =	vadd.f32 v53, v52;
	v52 =	vld [tilespmem:$0x1FCC0]  }
0x548: {  	v62 =	vadd.f32 v9, v8;
	[tilespmem:$0x1C2E0] =	vst v2;
	v2 =	vld [tilespmem:$0x1FCB0]  }
0x549: {  	v8 =	vld [tilespmem:$0x1BF40]  }
0x54a: {  	[tilespmem:$0x1C130] =	vst v62;
	v62 =	vld [tilespmem:$0x1BF70]  }
0x54b: {  	v9 =	vld [tilespmem:$0x1C350]  }
0x54c: {  	[tilespmem:$0x1C110] =	vst v4;
	v45 =	vadd.f32 v45, v25;
	v30 =	vld [tilespmem:$0x1BFF0]  }
0x54d: {  	[tilespmem:$0x1C210] =	vst v37;
	v31 =	vld [tilespmem:$0x1C400];
	v2 =	vadd.f32 v52, v2  }
0x54e: {  	[tilespmem:$0x1C3D0] =	vst v45;
	v34 =	vld [tilespmem:$0x1C010];
	v39 =	vadd.f32 v18, v17  }
0x54f: {  	v62 =	vadd.f32 v62, v13;
	[tilespmem:$0x1C300] =	vst v2;
	v2 =	vld [tilespmem:$0x1FCF0]  }
0x550: {  	v35 =	vld [tilespmem:$0x1C420];
	[tilespmem:$0x1C390] =	vst v39;
	v42 =	vadd.f32 v22, v21  }
0x551: {  	v38 =	vld [tilespmem:$0x1C060];
	v46 =	vadd.f32 v49, v48;
	[tilespmem:$0x1C370] =	vst v62  }
0x552: {  	v43 =	vld [tilespmem:$0x1C480];
	[tilespmem:$0x1C3B0] =	vst v42  }
0x553: {  	v48 =	vadd.f32 v57, v56;
	v53 =	vld [tilespmem:$0x1FCD0];
	[tilespmem:$0x1C270] =	vst v46  }
0x554: {  	v57 =	vld [tilespmem:$0x1C440];
	[tilespmem:$0x1C290] =	vst v47;
	v2 =	vadd.f32 v3, v2  }
0x555: {  	v49 =	vadd.f32 v61, v60;
	v60 =	vld [tilespmem:$0x1C450];
	[tilespmem:$0x1C2B0] =	vst v48  }
0x556: {  	v61 =	vld [tilespmem:$0x1C050];
	[tilespmem:$0x1C320] =	vst v2;
	v2 =	vadd.f32 v8, v7  }
0x557: {  	v56 =	vadd.f32 v6, v5;
	[tilespmem:$0x1C2D0] =	vst v49;
	v50 =	vld [tilespmem:$0x1FC90]  }
0x558: {  	v51 =	vld [tilespmem:$0x1FCA0];
	[tilespmem:$0x1C340] =	vst v2;
	v2 =	vadd.f32 v12, v11  }
0x559: {  	[tilespmem:$0x1C330] =	vst v56;
	v46 =	vld [tilespmem:$0x1C490];
	v48 =	vadd.f32 v30, v29  }
0x55a: {  	v47 =	vld [tilespmem:$0x1C090];
	[tilespmem:$0x1C360] =	vst v2;
	v2 =	vadd.f32 v16, v15  }
0x55b: {  	v49 =	vld [tilespmem:$0x1C4A0];
	[tilespmem:$0x1C3F0] =	vst v48;
	v59 =	vadd.f32 v10, v9  }
0x55c: {  	v54 =	vld [tilespmem:$0x1FCE0];
	[tilespmem:$0x1C380] =	vst v2;
	v2 =	vadd.f32 v20, v19  }
0x55d: {  	v55 =	vld [tilespmem:$0x1C430];
	v4 =	vadd.f32 v51, v50;
	[tilespmem:$0x1C350] =	vst v59  }
0x55e: {  	v3 =	vld [tilespmem:$0x1C030];
	[tilespmem:$0x1C3A0] =	vst v2;
	v2 =	vadd.f32 v24, v23  }
0x55f: {  	v56 =	vld [tilespmem:$0x1C4D0];
	v51 =	vadd.f32 v34, v33;
	[tilespmem:$0x1C2F0] =	vst v4  }
0x560: {  	v58 =	vld [tilespmem:$0x1C040];
	[tilespmem:$0x1C3C0] =	vst v2;
	v2 =	vadd.f32 v28, v27  }
0x561: {  	v50 =	vld [tilespmem:$0x1C0A0];
	v4 =	vadd.f32 v54, v53;
	[tilespmem:$0x1C410] =	vst v51  }
0x562: {  	v59 =	vld [tilespmem:$0x1C0E0];
	[tilespmem:$0x1C3E0] =	vst v2;
	v2 =	vadd.f32 v32, v31  }
0x563: {  	[tilespmem:$0x1C310] =	vst v4;
	v63 =	vld [tilespmem:$0x1C460];
	v3 =	vadd.f32 v3, v55  }
0x564: {  	v53 =	vld [tilespmem:$0x1C0B0];
	[tilespmem:$0x1C400] =	vst v2;
	v2 =	vadd.f32 v36, v35  }
0x565: {  	v54 =	vld [tilespmem:$0x1C4C0];
	[tilespmem:$0x1C430] =	vst v3;
	v3 =	vadd.f32 v61, v60  }
0x566: {  	v52 =	vld [tilespmem:$0x1C4B0];
	[tilespmem:$0x1C420] =	vst v2;
	v2 =	vadd.f32 v58, v57  }
0x567: {  	v55 =	vld [tilespmem:$0x1C0C0];
	[tilespmem:$0x1C450] =	vst v3;
	v3 =	vadd.f32 v41, v40  }
0x568: {  	v57 =	vld [tilespmem:$0x1C0D0];
	[tilespmem:$0x1C440] =	vst v2;
	v2 =	vadd.f32 v38, v63  }
0x569: {  	v60 =	vld [tilespmem:$0x1C4F0];
	[tilespmem:$0x1C470] =	vst v3;
	v3 =	vadd.f32 v47, v46  }
0x56a: {  	v61 =	vld [tilespmem:$0x1C0F0];
	[tilespmem:$0x1C460] =	vst v2;
	v2 =	vadd.f32 v44, v43  }
0x56b: {  	[tilespmem:$0x1C490] =	vst v3;
	v3 =	vadd.f32 v53, v52;
	v58 =	vld [tilespmem:$0x1C4E0]  }
0x56c: {  	[tilespmem:$0x1C480] =	vst v2;
	v2 =	vadd.f32 v50, v49  }
0x56d: {  	[tilespmem:$0x1C4B0] =	vst v3;
	v3 =	vadd.f32 v57, v56  }
0x56e: {  	[tilespmem:$0x1C4A0] =	vst v2;
	v2 =	vadd.f32 v55, v54  }
0x56f: {  	[tilespmem:$0x1C4D0] =	vst v3;
	v3 =	vadd.f32 v61, v60  }
0x570: {  	[tilespmem:$0x1C4C0] =	vst v2;
	v2 =	vadd.f32 v59, v58  }
0x571: {  	[tilespmem:$0x1C4F0] =	vst v3  }
0x572: {  	s15 =	rddreg [dreg:$0x17];
	[tilespmem:$0x1C4E0] =	vst v2  }
0x573: {  	[tilespmem:s9], [sflag:$0x5] =	stream.linear.gather [spmem:s15], $0x400, $0x38;
	[tilespmem:$0x1C500] =	vst v63  }
0x574: {  	_ =	swait.ge [sflag:s30], $0x400  }
0x575: {  	[sflag:s30] =	ssyncset.done $0x0  }
0x576: {  	[sflag:s30] =	ssyncadd.s32 $0xFFFFFC00  }
0x577: {  	v2 =	vld [tilespmem:$0x1C100]  }
0x578: {  	v3 =	vld [tilespmem:$0x1BD00]  }
0x579: {  	v4 =	vld [tilespmem:$0x1C110]  }
0x57a: {  	v5 =	vld [tilespmem:$0x1BD10]  }
0x57b: {  	v6 =	vld [tilespmem:$0x1C120]  }
0x57c: {  	v7 =	vld [tilespmem:$0x1BD20]  }
0x57d: {  	v8 =	vld [tilespmem:$0x1C130]  }
0x57e: {  	v9 =	vld [tilespmem:$0x1BD30]  }
0x57f: {  	v10 =	vld [tilespmem:$0x1C140]  }
0x580: {  	v11 =	vld [tilespmem:$0x1BD40]  }
0x581: {  	v12 =	vld [tilespmem:$0x1C150]  }
0x582: {  	v13 =	vld [tilespmem:$0x1BD50]  }
0x583: {  	v14 =	vld [tilespmem:$0x1C160]  }
0x584: {  	v15 =	vld [tilespmem:$0x1BD60]  }
0x585: {  	v16 =	vld [tilespmem:$0x1C170]  }
0x586: {  	v17 =	vld [tilespmem:$0x1BD70]  }
0x587: {  	v18 =	vld [tilespmem:$0x1C180]  }
0x588: {  	v19 =	vld [tilespmem:$0x1BD80]  }
0x589: {  	v20 =	vld [tilespmem:$0x1C190]  }
0x58a: {  	v21 =	vld [tilespmem:$0x1BD90]  }
0x58b: {  	v22 =	vld [tilespmem:$0x1C1A0]  }
0x58c: {  	v23 =	vld [tilespmem:$0x1BDA0]  }
0x58d: {  	v24 =	vld [tilespmem:$0x1C1B0]  }
0x58e: {  	v25 =	vld [tilespmem:$0x1BDB0]  }
0x58f: {  	v26 =	vld [tilespmem:$0x1C1C0]  }
0x590: {  	v27 =	vld [tilespmem:$0x1BDC0]  }
0x591: {  	v28 =	vld [tilespmem:$0x1C1D0]  }
0x592: {  	v29 =	vld [tilespmem:$0x1BDD0]  }
0x593: {  	v30 =	vld [tilespmem:$0x1C1E0]  }
0x594: {  	v31 =	vld [tilespmem:$0x1BDE0]  }
0x595: {  	v32 =	vld [tilespmem:$0x1C1F0]  }
0x596: {  	v33 =	vld [tilespmem:$0x1BDF0]  }
0x597: {  	v34 =	vld [tilespmem:$0x1C200]  }
0x598: {  	v35 =	vld [tilespmem:$0x1BE00]  }
0x599: {  	v36 =	vld [tilespmem:$0x1C210]  }
0x59a: {  	v37 =	vld [tilespmem:$0x1BE10]  }
0x59b: {  	v38 =	vld [tilespmem:$0x1C220]  }
0x59c: {  	v39 =	vld [tilespmem:$0x1BE20]  }
0x59d: {  	v40 =	vld [tilespmem:$0x1C230]  }
0x59e: {  	v41 =	vld [tilespmem:$0x1BE30]  }
0x59f: {  	v42 =	vld [tilespmem:$0x1C240]  }
0x5a0: {  	v43 =	vld [tilespmem:$0x1BE40]  }
0x5a1: {  	v44 =	vld [tilespmem:$0x1C250]  }
0x5a2: {  	v45 =	vld [tilespmem:$0x1BE50]  }
0x5a3: {  	v46 =	vld [tilespmem:$0x1C260]  }
0x5a4: {  	v47 =	vld [tilespmem:$0x1BE60]  }
0x5a5: {  	v48 =	vld [tilespmem:$0x1C270]  }
0x5a6: {  	v49 =	vld [tilespmem:$0x1BE70]  }
0x5a7: {  	v50 =	vld [tilespmem:$0x1C280]  }
0x5a8: {  	v51 =	vld [tilespmem:$0x1BE80]  }
0x5a9: {  	v52 =	vld [tilespmem:$0x1C290]  }
0x5aa: {  	v53 =	vld [tilespmem:$0x1BE90]  }
0x5ab: {  	v54 =	vld [tilespmem:$0x1C2A0]  }
0x5ac: {  	v55 =	vld [tilespmem:$0x1BEA0]  }
0x5ad: {  	v56 =	vld [tilespmem:$0x1C2B0]  }
0x5ae: {  	v57 =	vld [tilespmem:$0x1BEB0]  }
0x5af: {  	v58 =	vld [tilespmem:$0x1C2C0]  }
0x5b0: {  	v62 =	vld [tilespmem:$0x1C2E0]  }
0x5b1: {  	v59 =	vld [tilespmem:$0x1BEC0]  }
0x5b2: {  	v60 =	vld [tilespmem:$0x1C2D0]  }
0x5b3: {  	v61 =	vld [tilespmem:$0x1BED0]  }
0x5b4: {  	v63 =	vld [tilespmem:$0x1BEE0]  }
0x5b5: {  	[tilespmem:$0x1FD00] =	vst v62;
	v62 =	vld [tilespmem:$0x1C2F0];
	v2 =	vadd.f32 v3, v2  }
0x5b6: {  	v3 =	vld [tilespmem:$0x1BF20];
	v13 =	vadd.f32 v13, v12  }
0x5b7: {  	v4 =	vadd.f32 v5, v4;
	v5 =	vld [tilespmem:$0x1C330];
	v17 =	vadd.f32 v17, v16;
	[tilespmem:$0x1C100] =	vst v2  }
0x5b8: {  	v12 =	vld [tilespmem:$0x1BF60];
	v2 =	vadd.f32 v7, v6;
	[tilespmem:$0x1C150] =	vst v13  }
0x5b9: {  	v21 =	vadd.f32 v21, v20;
	v16 =	vld [tilespmem:$0x1BF80];
	[tilespmem:$0x1C170] =	vst v17  }
0x5ba: {  	v20 =	vld [tilespmem:$0x1BFA0];
	[tilespmem:$0x1C120] =	vst v2;
	v2 =	vadd.f32 v11, v10  }
0x5bb: {  	v25 =	vadd.f32 v25, v24;
	v24 =	vld [tilespmem:$0x1BFC0];
	[tilespmem:$0x1C190] =	vst v21  }
0x5bc: {  	v29 =	vadd.f32 v29, v28;
	v28 =	vld [tilespmem:$0x1BFE0];
	[tilespmem:$0x1C140] =	vst v2;
	v2 =	vadd.f32 v15, v14  }
0x5bd: {  	v33 =	vadd.f32 v33, v32;
	v32 =	vld [tilespmem:$0x1C000];
	[tilespmem:$0x1C1B0] =	vst v25  }
0x5be: {  	v6 =	vld [tilespmem:$0x1BF30];
	[tilespmem:$0x1C160] =	vst v2;
	v2 =	vadd.f32 v19, v18  }
0x5bf: {  	v7 =	vld [tilespmem:$0x1C340];
	[tilespmem:$0x1FD10] =	vst v62  }
0x5c0: {  	v62 =	vld [tilespmem:$0x1BEF0];
	[tilespmem:$0x1C180] =	vst v2;
	v2 =	vadd.f32 v23, v22  }
0x5c1: {  	v13 =	vld [tilespmem:$0x1C370];
	[tilespmem:$0x1C1D0] =	vst v29  }
0x5c2: {  	v17 =	vld [tilespmem:$0x1C390];
	[tilespmem:$0x1C1A0] =	vst v2;
	v2 =	vadd.f32 v27, v26  }
0x5c3: {  	[tilespmem:$0x1C1F0] =	vst v33;
	v21 =	vld [tilespmem:$0x1C3B0]  }
0x5c4: {  	v25 =	vld [tilespmem:$0x1C3D0];
	[tilespmem:$0x1C1C0] =	vst v2;
	v2 =	vadd.f32 v31, v30  }
0x5c5: {  	v37 =	vadd.f32 v37, v36;
	v29 =	vld [tilespmem:$0x1C3F0];
	[tilespmem:$0x1FD20] =	vst v62  }
0x5c6: {  	v62 =	vld [tilespmem:$0x1C300];
	[tilespmem:$0x1C1E0] =	vst v2;
	v2 =	vadd.f32 v35, v34  }
0x5c7: {  	[tilespmem:$0x1C210] =	vst v37;
	v37 =	vadd.f32 v41, v40;
	v33 =	vld [tilespmem:$0x1C410]  }
0x5c8: {  	v40 =	vadd.f32 v53, v52;
	v52 =	vld [tilespmem:$0x1C040];
	[tilespmem:$0x1C200] =	vst v2;
	v2 =	vadd.f32 v39, v38  }
0x5c9: {  	v41 =	vadd.f32 v57, v56;
	v57 =	vld [tilespmem:$0x1C460]  }
0x5ca: {  	v10 =	vld [tilespmem:$0x1BF50];
	[tilespmem:$0x1C220] =	vst v2;
	v2 =	vadd.f32 v43, v42  }
0x5cb: {  	v11 =	vld [tilespmem:$0x1C360];
	[tilespmem:$0x1FD30] =	vst v62  }
0x5cc: {  	v62 =	vld [tilespmem:$0x1BF00];
	[tilespmem:$0x1C240] =	vst v2;
	v2 =	vadd.f32 v47, v46  }
0x5cd: {  	[tilespmem:$0x1C290] =	vst v40;
	v40 =	vld [tilespmem:$0x1C090]  }
0x5ce: {  	v14 =	vld [tilespmem:$0x1BF70];
	[tilespmem:$0x1C260] =	vst v2;
	v2 =	vadd.f32 v51, v50  }
0x5cf: {  	v15 =	vld [tilespmem:$0x1C380]  }
0x5d0: {  	v18 =	vld [tilespmem:$0x1BF90];
	[tilespmem:$0x1C280] =	vst v2;
	v2 =	vadd.f32 v55, v54  }
0x5d1: {  	v19 =	vld [tilespmem:$0x1C3A0];
	[tilespmem:$0x1FD40] =	vst v62  }
0x5d2: {  	v62 =	vld [tilespmem:$0x1C310];
	[tilespmem:$0x1C2A0] =	vst v2;
	v2 =	vadd.f32 v59, v58  }
0x5d3: {  	v23 =	vld [tilespmem:$0x1C3C0]  }
0x5d4: {  	[tilespmem:$0x1C2C0] =	vst v2;
	v2 =	vld [tilespmem:$0x1FD00]  }
0x5d5: {  	v26 =	vld [tilespmem:$0x1BFD0]  }
0x5d6: {  	v27 =	vld [tilespmem:$0x1C3E0]  }
0x5d7: {  	[tilespmem:$0x1FD50] =	vst v62;
	v62 =	vld [tilespmem:$0x1BF10]  }
0x5d8: {  	v30 =	vld [tilespmem:$0x1BFF0]  }
0x5d9: {  	v31 =	vld [tilespmem:$0x1C400];
	v2 =	vadd.f32 v63, v2  }
0x5da: {  	v38 =	vadd.f32 v45, v44;
	v45 =	vld [tilespmem:$0x1FD40]  }
0x5db: {  	[tilespmem:$0x1C2E0] =	vst v2;
	v2 =	vld [tilespmem:$0x1FD30]  }
0x5dc: {  	[tilespmem:$0x1FD60] =	vst v62;
	v62 =	vld [tilespmem:$0x1C320]  }
0x5dd: {  	[tilespmem:$0x1C110] =	vst v4;
	v34 =	vld [tilespmem:$0x1C010]  }
0x5de: {  	[tilespmem:$0x1C230] =	vst v37;
	v56 =	vadd.f32 v14, v13;
	v35 =	vld [tilespmem:$0x1C420]  }
0x5df: {  	[tilespmem:$0x1C2B0] =	vst v41;
	v44 =	vld [tilespmem:$0x1FD20]  }
0x5e0: {  	[tilespmem:$0x1C370] =	vst v56;
	v39 =	vadd.f32 v49, v48;
	v49 =	vld [tilespmem:$0x1C430];
	v2 =	vadd.f32 v45, v2  }
0x5e1: {  	v43 =	vld [tilespmem:$0x1FD10];
	[tilespmem:$0x1FD70] =	vst v62  }
0x5e2: {  	[tilespmem:$0x1C300] =	vst v2;
	v2 =	vld [tilespmem:$0x1FD70]  }
0x5e3: {  	v41 =	vadd.f32 v30, v29;
	[tilespmem:$0x1C250] =	vst v38;
	v42 =	vadd.f32 v61, v60;
	v60 =	vld [tilespmem:$0x1C470]  }
0x5e4: {  	[tilespmem:$0x1C270] =	vst v39;
	v62 =	vadd.f32 v9, v8;
	v8 =	vld [tilespmem:$0x1BF40]  }
0x5e5: {  	v61 =	vld [tilespmem:$0x1C070];
	v38 =	vadd.f32 v26, v25;
	[tilespmem:$0x1C3F0] =	vst v41  }
0x5e6: {  	v39 =	vld [tilespmem:$0x1C490];
	[tilespmem:$0x1C2D0] =	vst v42;
	v50 =	vadd.f32 v6, v5  }
0x5e7: {  	v46 =	vld [tilespmem:$0x1C020];
	[tilespmem:$0x1C3D0] =	vst v38;
	v2 =	vadd.f32 v3, v2  }
0x5e8: {  	v42 =	vld [tilespmem:$0x1C4A0];
	v4 =	vadd.f32 v44, v43;
	[tilespmem:$0x1C330] =	vst v50  }
0x5e9: {  	v51 =	vld [tilespmem:$0x1C440];
	[tilespmem:$0x1C320] =	vst v2;
	v2 =	vadd.f32 v8, v7  }
0x5ea: {  	v44 =	vadd.f32 v34, v33;
	v47 =	vld [tilespmem:$0x1FD50];
	[tilespmem:$0x1C2F0] =	vst v4  }
0x5eb: {  	v48 =	vld [tilespmem:$0x1FD60];
	[tilespmem:$0x1C340] =	vst v2;
	v2 =	vadd.f32 v12, v11  }
0x5ec: {  	v43 =	vld [tilespmem:$0x1C0A0];
	[tilespmem:$0x1C410] =	vst v44  }
0x5ed: {  	v9 =	vld [tilespmem:$0x1C350];
	[tilespmem:$0x1C360] =	vst v2;
	v2 =	vadd.f32 v16, v15  }
0x5ee: {  	v54 =	vld [tilespmem:$0x1C450];
	v59 =	vadd.f32 v18, v17;
	[tilespmem:$0x1C130] =	vst v62  }
0x5ef: {  	v62 =	vld [tilespmem:$0x1BFB0];
	[tilespmem:$0x1C380] =	vst v2;
	v2 =	vadd.f32 v20, v19  }
0x5f0: {  	v55 =	vld [tilespmem:$0x1C050];
	[tilespmem:$0x1C390] =	vst v59;
	v4 =	vadd.f32 v48, v47  }
0x5f1: {  	v3 =	vld [tilespmem:$0x1C030];
	[tilespmem:$0x1C3A0] =	vst v2;
	v2 =	vadd.f32 v24, v23  }
0x5f2: {  	v50 =	vld [tilespmem:$0x1C0D0];
	[tilespmem:$0x1C310] =	vst v4;
	v53 =	vadd.f32 v10, v9  }
0x5f3: {  	v58 =	vld [tilespmem:$0x1C060];
	[tilespmem:$0x1C3C0] =	vst v2;
	v2 =	vadd.f32 v28, v27  }
0x5f4: {  	v63 =	vld [tilespmem:$0x1C480];
	[tilespmem:$0x1C350] =	vst v53;
	v62 =	vadd.f32 v62, v21  }
0x5f5: {  	v47 =	vld [tilespmem:$0x1C4C0];
	[tilespmem:$0x1C3E0] =	vst v2;
	v2 =	vadd.f32 v32, v31  }
0x5f6: {  	v48 =	vld [tilespmem:$0x1C0C0];
	[tilespmem:$0x1C3B0] =	vst v62;
	v3 =	vadd.f32 v3, v49  }
0x5f7: {  	v45 =	vld [tilespmem:$0x1C4B0];
	[tilespmem:$0x1C400] =	vst v2;
	v2 =	vadd.f32 v46, v35  }
0x5f8: {  	[tilespmem:$0x1C430] =	vst v3;
	v3 =	vadd.f32 v55, v54;
	v24 =	vld [tilespmem:$0x1C080]  }
0x5f9: {  	v46 =	vld [tilespmem:$0x1C0B0];
	[tilespmem:$0x1C420] =	vst v2;
	v2 =	vadd.f32 v52, v51  }
0x5fa: {  	v53 =	vld [tilespmem:$0x1C4F0];
	[tilespmem:$0x1C450] =	vst v3;
	v3 =	vadd.f32 v61, v60  }
0x5fb: {  	v49 =	vld [tilespmem:$0x1C4D0];
	[tilespmem:$0x1C440] =	vst v2;
	v2 =	vadd.f32 v58, v57  }
0x5fc: {  	v54 =	vld [tilespmem:$0x1C0F0];
	[tilespmem:$0x1C470] =	vst v3;
	v3 =	vadd.f32 v40, v39  }
0x5fd: {  	v51 =	vld [tilespmem:$0x1C4E0];
	[tilespmem:$0x1C460] =	vst v2;
	v2 =	vadd.f32 v24, v63  }
0x5fe: {  	[tilespmem:$0x1C490] =	vst v3;
	v52 =	vld [tilespmem:$0x1C0E0];
	v3 =	vadd.f32 v46, v45  }
0x5ff: {  	[tilespmem:$0x1C480] =	vst v2;
	v2 =	vadd.f32 v43, v42  }
0x600: {  	[tilespmem:$0x1C4B0] =	vst v3;
	v3 =	vadd.f32 v50, v49  }
0x601: {  	[tilespmem:$0x1C4A0] =	vst v2;
	v2 =	vadd.f32 v48, v47  }
0x602: {  	[tilespmem:$0x1C4D0] =	vst v3;
	v3 =	vadd.f32 v54, v53  }
0x603: {  	[tilespmem:$0x1C4C0] =	vst v2;
	v2 =	vadd.f32 v52, v51  }
0x604: {  	[tilespmem:$0x1C4F0] =	vst v3  }
0x605: {  	s24 =	rddreg [dreg:$0x18];
	[tilespmem:$0x1C4E0] =	vst v2  }
0x606: {  	[tilespmem:s9], [sflag:$0x5] =	stream.linear.gather [spmem:s24], $0x400, $0x38;
	[tilespmem:$0x1C500] =	vst v63  }
0x607: {  	_ =	swait.ge [sflag:s30], $0x400  }
0x608: {  	[sflag:s30] =	ssyncset.done $0x0  }
0x609: {  	[sflag:s30] =	ssyncadd.s32 $0xFFFFFC00  }
0x60a: {  	v2 =	vld [tilespmem:$0x1C100]  }
0x60b: {  	v3 =	vld [tilespmem:$0x1BD00]  }
0x60c: {  	v55 =	vld [tilespmem:$0x1C110]  }
0x60d: {  	v56 =	vld [tilespmem:$0x1BD10]  }
0x60e: {  	v57 =	vld [tilespmem:$0x1C120]  }
0x60f: {  	v58 =	vld [tilespmem:$0x1BD20]  }
0x610: {  	v59 =	vld [tilespmem:$0x1C130]  }
0x611: {  	v60 =	vld [tilespmem:$0x1BD30]  }
0x612: {  	v61 =	vld [tilespmem:$0x1C140]  }
0x613: {  	v62 =	vld [tilespmem:$0x1BD40]  }
0x614: {  	v63 =	vld [tilespmem:$0x1C150]  }
0x615: {  	v28 =	vld [tilespmem:$0x1BD50]  }
0x616: {  	v29 =	vld [tilespmem:$0x1C160]  }
0x617: {  	v30 =	vld [tilespmem:$0x1BD60]  }
0x618: {  	v31 =	vld [tilespmem:$0x1C170]  }
0x619: {  	v32 =	vld [tilespmem:$0x1BD70]  }
0x61a: {  	v33 =	vld [tilespmem:$0x1C180]  }
0x61b: {  	v34 =	vld [tilespmem:$0x1BD80]  }
0x61c: {  	v35 =	vld [tilespmem:$0x1C190]  }
0x61d: {  	v36 =	vld [tilespmem:$0x1BD90]  }
0x61e: {  	v37 =	vld [tilespmem:$0x1C1A0]  }
0x61f: {  	v38 =	vld [tilespmem:$0x1BDA0]  }
0x620: {  	v39 =	vld [tilespmem:$0x1C1B0]  }
0x621: {  	v40 =	vld [tilespmem:$0x1BDB0]  }
0x622: {  	v41 =	vld [tilespmem:$0x1C1C0]  }
0x623: {  	v42 =	vld [tilespmem:$0x1C1D0]  }
0x624: {  	v43 =	vld [tilespmem:$0x1BDD0]  }
0x625: {  	v45 =	vld [tilespmem:$0x1C1E0]  }
0x626: {  	v46 =	vld [tilespmem:$0x1BDE0]  }
0x627: {  	v48 =	vld [tilespmem:$0x1C1F0]  }
0x628: {  	v49 =	vld [tilespmem:$0x1BDF0]  }
0x629: {  	v51 =	vld [tilespmem:$0x1C200]  }
0x62a: {  	v52 =	vld [tilespmem:$0x1BE00]  }
0x62b: {  	v54 =	vld [tilespmem:$0x1C210]  }
0x62c: {  	v5 =	vld [tilespmem:$0x1BE50]  }
0x62d: {  	v6 =	vld [tilespmem:$0x1C260]  }
0x62e: {  	v7 =	vld [tilespmem:$0x1BE60]  }
0x62f: {  	v8 =	vld [tilespmem:$0x1C270]  }
0x630: {  	v10 =	vld [tilespmem:$0x1C280]  }
0x631: {  	v11 =	vld [tilespmem:$0x1BE80]  }
0x632: {  	v12 =	vld [tilespmem:$0x1C290]  }
0x633: {  	v13 =	vld [tilespmem:$0x1BE90]  }
0x634: {  	v14 =	vld [tilespmem:$0x1C2A0]  }
0x635: {  	v15 =	vld [tilespmem:$0x1BEA0]  }
0x636: {  	v16 =	vld [tilespmem:$0x1C2B0]  }
0x637: {  	v17 =	vld [tilespmem:$0x1BEB0]  }
0x638: {  	v18 =	vld [tilespmem:$0x1C2C0]  }
0x639: {  	v19 =	vld [tilespmem:$0x1BEC0]  }
0x63a: {  	v22 =	vld [tilespmem:$0x1C2E0]  }
0x63b: {  	v26 =	vld [tilespmem:$0x1C300]  }
0x63c: {  	v9 =	vld [tilespmem:$0x1C3F0]  }
0x63d: {  	v2 =	vadd.f32 v3, v2;
	v3 =	vld [tilespmem:$0x1BDC0]  }
0x63e: {  	v4 =	vadd.f32 v56, v55;
	v55 =	vld [tilespmem:$0x1BE10]  }
0x63f: {  	v44 =	vadd.f32 v60, v59;
	v59 =	vld [tilespmem:$0x1C230]  }
0x640: {  	v60 =	vld [tilespmem:$0x1BE30]  }
0x641: {  	v47 =	vadd.f32 v28, v63;
	v63 =	vld [tilespmem:$0x1BE70]  }
0x642: {  	v53 =	vadd.f32 v36, v35;
	v35 =	vld [tilespmem:$0x1BF40]  }
0x643: {  	v36 =	vld [tilespmem:$0x1C350]  }
0x644: {  	v56 =	vadd.f32 v40, v39;
	v39 =	vld [tilespmem:$0x1BF60]  }
0x645: {  	v40 =	vld [tilespmem:$0x1C370]  }
0x646: {  	v50 =	vadd.f32 v32, v31;
	v31 =	vld [tilespmem:$0x1C050];
	[tilespmem:$0x1C100] =	vst v2  }
0x647: {  	v2 =	vadd.f32 v58, v57;
	[tilespmem:$0x1C110] =	vst v4;
	v57 =	vld [tilespmem:$0x1C220]  }
0x648: {  	[tilespmem:$0x1C130] =	vst v44;
	v4 =	vld [tilespmem:$0x1C250]  }
0x649: {  	[tilespmem:$0x1C190] =	vst v53;
	v53 =	vld [tilespmem:$0x1BED0]  }
0x64a: {  	[tilespmem:$0x1C1B0] =	vst v56;
	v56 =	vld [tilespmem:$0x1BEF0]  }
0x64b: {  	[tilespmem:$0x1C150] =	vst v47;
	v58 =	vadd.f32 v43, v42;
	v42 =	vld [tilespmem:$0x1C380]  }
0x64c: {  	v43 =	vld [tilespmem:$0x1BF80];
	[tilespmem:$0x1C120] =	vst v2;
	v2 =	vadd.f32 v62, v61  }
0x64d: {  	[tilespmem:$0x1C170] =	vst v50;
	v44 =	vld [tilespmem:$0x1C390]  }
0x64e: {  	v47 =	vld [tilespmem:$0x1BFA0];
	[tilespmem:$0x1C140] =	vst v2;
	v2 =	vadd.f32 v30, v29  }
0x64f: {  	v50 =	vld [tilespmem:$0x1C3C0];
	[tilespmem:$0x1C1D0] =	vst v58  }
0x650: {  	v58 =	vld [tilespmem:$0x1C310];
	[tilespmem:$0x1C160] =	vst v2;
	v2 =	vadd.f32 v34, v33  }
0x651: {  	v61 =	vadd.f32 v49, v48;
	v48 =	vld [tilespmem:$0x1C3B0]  }
0x652: {  	v49 =	vld [tilespmem:$0x1BFB0];
	[tilespmem:$0x1C180] =	vst v2;
	v2 =	vadd.f32 v38, v37  }
0x653: {  	v62 =	vadd.f32 v55, v54;
	v54 =	vld [tilespmem:$0x1BEE0]  }
0x654: {  	v55 =	vld [tilespmem:$0x1C2F0];
	[tilespmem:$0x1C1A0] =	vst v2;
	v2 =	vadd.f32 v3, v41  }
0x655: {  	v3 =	vld [tilespmem:$0x1BE20]  }
0x656: {  	v63 =	vadd.f32 v63, v8;
	v8 =	vld [tilespmem:$0x1BFE0];
	[tilespmem:$0x1C1C0] =	vst v2;
	v2 =	vadd.f32 v46, v45  }
0x657: {  	[tilespmem:$0x1C1F0] =	vst v61;
	v30 =	vld [tilespmem:$0x1C320]  }
0x658: {  	v61 =	vld [tilespmem:$0x1C330];
	[tilespmem:$0x1C1E0] =	vst v2;
	v2 =	vadd.f32 v52, v51  }
0x659: {  	[tilespmem:$0x1C210] =	vst v62;
	v62 =	vld [tilespmem:$0x1BF30]  }
0x65a: {  	v4 =	vadd.f32 v5, v4;
	v5 =	vld [tilespmem:$0x1C3D0];
	[tilespmem:$0x1C200] =	vst v2;
	v2 =	vadd.f32 v3, v57  }
0x65b: {  	[tilespmem:$0x1C270] =	vst v63;
	v63 =	vld [tilespmem:$0x1C040];
	v3 =	vadd.f32 v60, v59  }
0x65c: {  	[tilespmem:$0x1C220] =	vst v2;
	v2 =	vld [tilespmem:$0x1C240]  }
0x65d: {  	[tilespmem:$0x1C230] =	vst v3;
	v3 =	vld [tilespmem:$0x1BE40]  }
0x65e: {  	v34 =	vld [tilespmem:$0x1C340]  }
0x65f: {  	v33 =	vld [tilespmem:$0x1C460]  }
0x660: {  	v37 =	vld [tilespmem:$0x1BF50]  }
0x661: {  	v38 =	vld [tilespmem:$0x1C360]  }
0x662: {  	v55 =	vadd.f32 v56, v55;
	v56 =	vld [tilespmem:$0x1C420];
	v2 =	vadd.f32 v3, v2  }
0x663: {  	v41 =	vld [tilespmem:$0x1BF70]  }
0x664: {  	v61 =	vadd.f32 v62, v61;
	v62 =	vld [tilespmem:$0x1C440];
	[tilespmem:$0x1C240] =	vst v2;
	v2 =	vadd.f32 v7, v6  }
0x665: {  	v13 =	vadd.f32 v13, v12;
	v45 =	vld [tilespmem:$0x1BF90]  }
0x666: {  	v46 =	vld [tilespmem:$0x1C3A0];
	[tilespmem:$0x1C260] =	vst v2;
	v2 =	vadd.f32 v11, v10  }
0x667: {  	v17 =	vadd.f32 v17, v16;
	[tilespmem:$0x1C290] =	vst v13;
	v52 =	vld [tilespmem:$0x1C2D0]  }
0x668: {  	v59 =	vld [tilespmem:$0x1BF10];
	[tilespmem:$0x1C280] =	vst v2;
	v2 =	vadd.f32 v15, v14  }
0x669: {  	[tilespmem:$0x1C2B0] =	vst v17;
	v57 =	vld [tilespmem:$0x1BF00]  }
0x66a: {  	v51 =	vld [tilespmem:$0x1C000];
	[tilespmem:$0x1C2A0] =	vst v2;
	v2 =	vadd.f32 v19, v18  }
0x66b: {  	[tilespmem:$0x1C250] =	vst v4;
	v60 =	vld [tilespmem:$0x1BF20]  }
0x66c: {  	v52 =	vadd.f32 v53, v52;
	v53 =	vld [tilespmem:$0x1C410];
	[tilespmem:$0x1C2C0] =	vst v2;
	v2 =	vadd.f32 v54, v22  }
0x66d: {  	[tilespmem:$0x1C2F0] =	vst v55;
	v58 =	vadd.f32 v59, v58;
	v59 =	vld [tilespmem:$0x1C430]  }
0x66e: {  	v3 =	vld [tilespmem:$0x1BFC0];
	[tilespmem:$0x1C2E0] =	vst v2;
	v2 =	vadd.f32 v57, v26  }
0x66f: {  	[tilespmem:$0x1C330] =	vst v61;
	v29 =	vadd.f32 v37, v36;
	v6 =	vld [tilespmem:$0x1BFD0]  }
0x670: {  	v7 =	vld [tilespmem:$0x1C3E0];
	[tilespmem:$0x1C300] =	vst v2;
	v2 =	vadd.f32 v60, v30  }
0x671: {  	[tilespmem:$0x1C350] =	vst v29;
	v10 =	vld [tilespmem:$0x1BFF0]  }
0x672: {  	v11 =	vld [tilespmem:$0x1C400];
	[tilespmem:$0x1C320] =	vst v2;
	v2 =	vadd.f32 v35, v34  }
0x673: {  	[tilespmem:$0x1C2D0] =	vst v52;
	v54 =	vld [tilespmem:$0x1C010]  }
0x674: {  	v57 =	vld [tilespmem:$0x1C020];
	[tilespmem:$0x1C340] =	vst v2;
	v2 =	vadd.f32 v39, v38  }
0x675: {  	[tilespmem:$0x1C310] =	vst v58;
	v60 =	vld [tilespmem:$0x1C030]  }
0x676: {  	v32 =	vadd.f32 v41, v40;
	v30 =	vld [tilespmem:$0x1C450];
	[tilespmem:$0x1C360] =	vst v2  }
0x677: {  	v2 =	vadd.f32 v43, v42;
	v34 =	vld [tilespmem:$0x1C060]  }
0x678: {  	v35 =	vadd.f32 v45, v44;
	[tilespmem:$0x1C370] =	vst v32;
	v36 =	vld [tilespmem:$0x1C470]  }
0x679: {  	v37 =	vld [tilespmem:$0x1C070];
	[tilespmem:$0x1C380] =	vst v2;
	v2 =	vadd.f32 v47, v46  }
0x67a: {  	v38 =	vadd.f32 v49, v48;
	[tilespmem:$0x1C390] =	vst v35;
	v39 =	vld [tilespmem:$0x1C480]  }
0x67b: {  	v41 =	vld [tilespmem:$0x1C490];
	[tilespmem:$0x1C3A0] =	vst v2;
	v2 =	vadd.f32 v3, v50  }
0x67c: {  	v40 =	vadd.f32 v6, v5;
	[tilespmem:$0x1C3B0] =	vst v38;
	v42 =	vld [tilespmem:$0x1C090]  }
0x67d: {  	v44 =	vld [tilespmem:$0x1C4A0];
	[tilespmem:$0x1C3C0] =	vst v2;
	v2 =	vadd.f32 v8, v7  }
0x67e: {  	v49 =	vadd.f32 v60, v59;
	[tilespmem:$0x1C3D0] =	vst v40;
	v45 =	vld [tilespmem:$0x1C0A0]  }
0x67f: {  	v48 =	vld [tilespmem:$0x1C0B0];
	[tilespmem:$0x1C3E0] =	vst v2;
	v2 =	vadd.f32 v51, v11  }
0x680: {  	v52 =	vadd.f32 v31, v30;
	[tilespmem:$0x1C430] =	vst v49;
	v58 =	vld [tilespmem:$0x1C4F0]  }
0x681: {  	v47 =	vld [tilespmem:$0x1C4B0];
	[tilespmem:$0x1C400] =	vst v2;
	v2 =	vadd.f32 v57, v56  }
0x682: {  	v43 =	vadd.f32 v10, v9;
	[tilespmem:$0x1C450] =	vst v52;
	v3 =	vld [tilespmem:$0x1C080]  }
0x683: {  	v46 =	vadd.f32 v54, v53;
	v53 =	vld [tilespmem:$0x1C4D0];
	[tilespmem:$0x1C420] =	vst v2;
	v2 =	vadd.f32 v63, v62  }
0x684: {  	[tilespmem:$0x1C3F0] =	vst v43;
	v54 =	vld [tilespmem:$0x1C0D0]  }
0x685: {  	v50 =	vld [tilespmem:$0x1C4C0];
	[tilespmem:$0x1C440] =	vst v2;
	v2 =	vadd.f32 v34, v33  }
0x686: {  	[tilespmem:$0x1C410] =	vst v46;
	v55 =	vadd.f32 v37, v36;
	v51 =	vld [tilespmem:$0x1C0C0]  }
0x687: {  	v56 =	vld [tilespmem:$0x1C4E0];
	[tilespmem:$0x1C460] =	vst v2;
	v2 =	vadd.f32 v3, v39  }
0x688: {  	v60 =	vadd.f32 v48, v47;
	[tilespmem:$0x1C470] =	vst v55;
	v3 =	vld [tilespmem:$0x1C0E0]  }
0x689: {  	v59 =	vld [tilespmem:$0x1C0F0];
	[tilespmem:$0x1C480] =	vst v2;
	v2 =	vadd.f32 v45, v44  }
0x68a: {  	v61 =	vadd.f32 v54, v53;
	[tilespmem:$0x1C4B0] =	vst v60  }
0x68b: {  	[tilespmem:$0x1C4A0] =	vst v2;
	v2 =	vadd.f32 v51, v50  }
0x68c: {  	[tilespmem:$0x1C4D0] =	vst v61;
	v57 =	vadd.f32 v42, v41  }
0x68d: {  	[tilespmem:$0x1C4C0] =	vst v2;
	v2 =	vadd.f32 v3, v56  }
0x68e: {  	[tilespmem:$0x1C490] =	vst v57;
	v3 =	vadd.f32 v59, v58  }
0x68f: {  	[tilespmem:$0x1C4E0] =	vst v2  }
0x690: {  	s13 =	rddreg [dreg:$0x19];
	[tilespmem:$0x1C4F0] =	vst v3  }
0x691: {  	[tilespmem:s9], [sflag:$0x5] =	stream.linear.gather [spmem:s13], $0x400, $0x38;
	[tilespmem:$0x1C500] =	vst v63  }
0x692: {  	_ =	swait.ge [sflag:s30], $0x400  }
0x693: {  	[sflag:s30] =	ssyncset.done $0x0  }
0x694: {  	[sflag:s30] =	ssyncadd.s32 $0xFFFFFC00  }
0x695: {  	v2 =	vld [tilespmem:$0x1C100]  }
0x696: {  	v3 =	vld [tilespmem:$0x1BD00]  }
0x697: {  	v4 =	vld [tilespmem:$0x1C110]  }
0x698: {  	v5 =	vld [tilespmem:$0x1BD10]  }
0x699: {  	v6 =	vld [tilespmem:$0x1C120]  }
0x69a: {  	v7 =	vld [tilespmem:$0x1BD20]  }
0x69b: {  	v8 =	vld [tilespmem:$0x1C130]  }
0x69c: {  	v9 =	vld [tilespmem:$0x1BD30]  }
0x69d: {  	v10 =	vld [tilespmem:$0x1C140]  }
0x69e: {  	v11 =	vld [tilespmem:$0x1BD40]  }
0x69f: {  	v12 =	vld [tilespmem:$0x1C150]  }
0x6a0: {  	v13 =	vld [tilespmem:$0x1BD50]  }
0x6a1: {  	v14 =	vld [tilespmem:$0x1C160]  }
0x6a2: {  	v15 =	vld [tilespmem:$0x1BD60]  }
0x6a3: {  	v16 =	vld [tilespmem:$0x1C170]  }
0x6a4: {  	v17 =	vld [tilespmem:$0x1BD70]  }
0x6a5: {  	v18 =	vld [tilespmem:$0x1C180]  }
0x6a6: {  	v19 =	vld [tilespmem:$0x1BD80]  }
0x6a7: {  	v20 =	vld [tilespmem:$0x1C190]  }
0x6a8: {  	v21 =	vld [tilespmem:$0x1BD90]  }
0x6a9: {  	v22 =	vld [tilespmem:$0x1C1A0]  }
0x6aa: {  	v23 =	vld [tilespmem:$0x1BDA0]  }
0x6ab: {  	v24 =	vld [tilespmem:$0x1C1B0]  }
0x6ac: {  	v25 =	vld [tilespmem:$0x1BDB0]  }
0x6ad: {  	v26 =	vld [tilespmem:$0x1C1C0]  }
0x6ae: {  	v27 =	vld [tilespmem:$0x1BDC0]  }
0x6af: {  	v28 =	vld [tilespmem:$0x1C1D0]  }
0x6b0: {  	v29 =	vld [tilespmem:$0x1BDD0]  }
0x6b1: {  	v30 =	vld [tilespmem:$0x1C1E0]  }
0x6b2: {  	v31 =	vld [tilespmem:$0x1BDE0]  }
0x6b3: {  	v32 =	vld [tilespmem:$0x1C1F0]  }
0x6b4: {  	v33 =	vld [tilespmem:$0x1BDF0]  }
0x6b5: {  	v34 =	vld [tilespmem:$0x1C200]  }
0x6b6: {  	v35 =	vld [tilespmem:$0x1BE00]  }
0x6b7: {  	v36 =	vld [tilespmem:$0x1C210]  }
0x6b8: {  	v37 =	vld [tilespmem:$0x1BE10]  }
0x6b9: {  	v38 =	vld [tilespmem:$0x1C220]  }
0x6ba: {  	v39 =	vld [tilespmem:$0x1BE20]  }
0x6bb: {  	v40 =	vld [tilespmem:$0x1C230]  }
0x6bc: {  	v41 =	vld [tilespmem:$0x1BE30]  }
0x6bd: {  	v42 =	vld [tilespmem:$0x1C240]  }
0x6be: {  	v43 =	vld [tilespmem:$0x1BE40]  }
0x6bf: {  	v44 =	vld [tilespmem:$0x1C250]  }
0x6c0: {  	v45 =	vld [tilespmem:$0x1BE50]  }
0x6c1: {  	v46 =	vld [tilespmem:$0x1C260]  }
0x6c2: {  	v47 =	vld [tilespmem:$0x1BE60]  }
0x6c3: {  	v48 =	vld [tilespmem:$0x1C270]  }
0x6c4: {  	v49 =	vld [tilespmem:$0x1BE70]  }
0x6c5: {  	v50 =	vld [tilespmem:$0x1C280]  }
0x6c6: {  	v51 =	vld [tilespmem:$0x1BE80]  }
0x6c7: {  	v52 =	vld [tilespmem:$0x1C290]  }
0x6c8: {  	v53 =	vld [tilespmem:$0x1BE90]  }
0x6c9: {  	v54 =	vld [tilespmem:$0x1C2A0]  }
0x6ca: {  	v55 =	vld [tilespmem:$0x1BEA0]  }
0x6cb: {  	v56 =	vld [tilespmem:$0x1C2B0]  }
0x6cc: {  	v57 =	vld [tilespmem:$0x1BEB0]  }
0x6cd: {  	v58 =	vld [tilespmem:$0x1C2C0]  }
0x6ce: {  	v62 =	vld [tilespmem:$0x1C2E0]  }
0x6cf: {  	v59 =	vld [tilespmem:$0x1BEC0]  }
0x6d0: {  	v60 =	vld [tilespmem:$0x1C2D0]  }
0x6d1: {  	v61 =	vld [tilespmem:$0x1BED0]  }
0x6d2: {  	v63 =	vld [tilespmem:$0x1BEE0]  }
0x6d3: {  	[tilespmem:$0x1FD80] =	vst v62;
	v62 =	vld [tilespmem:$0x1C2F0]  }
0x6d4: {  	v2 =	vadd.f32 v3, v2;
	v3 =	vld [tilespmem:$0x1BF20]  }
0x6d5: {  	v4 =	vadd.f32 v5, v4;
	v5 =	vld [tilespmem:$0x1C330];
	v13 =	vadd.f32 v13, v12  }
0x6d6: {  	v12 =	vld [tilespmem:$0x1BF60];
	[tilespmem:$0x1C100] =	vst v2;
	v2 =	vadd.f32 v7, v6  }
0x6d7: {  	v17 =	vadd.f32 v17, v16;
	v16 =	vld [tilespmem:$0x1BF80];
	[tilespmem:$0x1C150] =	vst v13  }
0x6d8: {  	v21 =	vadd.f32 v21, v20;
	v20 =	vld [tilespmem:$0x1BFA0];
	[tilespmem:$0x1C120] =	vst v2;
	v2 =	vadd.f32 v11, v10  }
0x6d9: {  	v25 =	vadd.f32 v25, v24;
	v24 =	vld [tilespmem:$0x1BFC0];
	[tilespmem:$0x1C170] =	vst v17  }
0x6da: {  	v29 =	vadd.f32 v29, v28;
	v28 =	vld [tilespmem:$0x1BFE0];
	[tilespmem:$0x1C140] =	vst v2;
	v2 =	vadd.f32 v15, v14  }
0x6db: {  	v33 =	vadd.f32 v33, v32;
	v32 =	vld [tilespmem:$0x1C000];
	[tilespmem:$0x1C190] =	vst v21  }
0x6dc: {  	v37 =	vadd.f32 v37, v36;
	v36 =	vld [tilespmem:$0x1C020];
	[tilespmem:$0x1C160] =	vst v2;
	v2 =	vadd.f32 v19, v18  }
0x6dd: {  	v41 =	vadd.f32 v41, v40;
	v40 =	vld [tilespmem:$0x1C460];
	[tilespmem:$0x1FD90] =	vst v62  }
0x6de: {  	v62 =	vld [tilespmem:$0x1BEF0];
	[tilespmem:$0x1C180] =	vst v2;
	v2 =	vadd.f32 v23, v22  }
0x6df: {  	v45 =	vadd.f32 v45, v44;
	v44 =	vld [tilespmem:$0x1C070];
	[tilespmem:$0x1C1B0] =	vst v25  }
0x6e0: {  	v6 =	vld [tilespmem:$0x1BF30];
	[tilespmem:$0x1C1A0] =	vst v2;
	v2 =	vadd.f32 v27, v26  }
0x6e1: {  	v7 =	vld [tilespmem:$0x1C340];
	[tilespmem:$0x1C1D0] =	vst v29  }
0x6e2: {  	v13 =	vld [tilespmem:$0x1C370];
	[tilespmem:$0x1C1C0] =	vst v2;
	v2 =	vadd.f32 v31, v30  }
0x6e3: {  	v17 =	vld [tilespmem:$0x1C390];
	[tilespmem:$0x1FDA0] =	vst v62  }
0x6e4: {  	v62 =	vld [tilespmem:$0x1C300];
	[tilespmem:$0x1C1E0] =	vst v2;
	v2 =	vadd.f32 v35, v34  }
0x6e5: {  	[tilespmem:$0x1C1F0] =	vst v33;
	v21 =	vld [tilespmem:$0x1C3B0]  }
0x6e6: {  	v25 =	vld [tilespmem:$0x1C3D0];
	[tilespmem:$0x1C200] =	vst v2;
	v2 =	vadd.f32 v39, v38  }
0x6e7: {  	[tilespmem:$0x1C230] =	vst v41;
	v29 =	vld [tilespmem:$0x1C3F0]  }
0x6e8: {  	v33 =	vld [tilespmem:$0x1C410];
	[tilespmem:$0x1C220] =	vst v2;
	v2 =	vadd.f32 v43, v42  }
0x6e9: {  	v49 =	vadd.f32 v49, v48;
	v41 =	vld [tilespmem:$0x1C060];
	[tilespmem:$0x1FDB0] =	vst v62  }
0x6ea: {  	v62 =	vld [tilespmem:$0x1BF00];
	[tilespmem:$0x1C240] =	vst v2;
	v2 =	vadd.f32 v47, v46  }
0x6eb: {  	[tilespmem:$0x1C270] =	vst v49;
	v49 =	vld [tilespmem:$0x1C490]  }
0x6ec: {  	v11 =	vld [tilespmem:$0x1C360];
	[tilespmem:$0x1C260] =	vst v2;
	v2 =	vadd.f32 v51, v50  }
0x6ed: {  	v14 =	vld [tilespmem:$0x1BF70]  }
0x6ee: {  	v15 =	vld [tilespmem:$0x1C380];
	[tilespmem:$0x1C280] =	vst v2;
	v2 =	vadd.f32 v55, v54  }
0x6ef: {  	v18 =	vld [tilespmem:$0x1BF90];
	[tilespmem:$0x1FDC0] =	vst v62  }
0x6f0: {  	v62 =	vld [tilespmem:$0x1C310];
	[tilespmem:$0x1C2A0] =	vst v2;
	v2 =	vadd.f32 v59, v58  }
0x6f1: {  	v19 =	vld [tilespmem:$0x1C3A0]  }
0x6f2: {  	[tilespmem:$0x1C2C0] =	vst v2;
	v2 =	vld [tilespmem:$0x1FD80]  }
0x6f3: {  	v22 =	vld [tilespmem:$0x1BFB0]  }
0x6f4: {  	v23 =	vld [tilespmem:$0x1C3C0]  }
0x6f5: {  	[tilespmem:$0x1FDD0] =	vst v62;
	v62 =	vld [tilespmem:$0x1BF10]  }
0x6f6: {  	v26 =	vld [tilespmem:$0x1BFD0]  }
0x6f7: {  	v27 =	vld [tilespmem:$0x1C3E0];
	v2 =	vadd.f32 v63, v2  }
0x6f8: {  	v55 =	vld [tilespmem:$0x1FDC0]  }
0x6f9: {  	[tilespmem:$0x1C2E0] =	vst v2;
	v2 =	vld [tilespmem:$0x1FDB0]  }
0x6fa: {  	[tilespmem:$0x1FDE0] =	vst v62;
	v62 =	vld [tilespmem:$0x1C320]  }
0x6fb: {  	[tilespmem:$0x1C110] =	vst v4;
	v30 =	vld [tilespmem:$0x1BFF0]  }
0x6fc: {  	[tilespmem:$0x1C250] =	vst v45;
	v31 =	vld [tilespmem:$0x1C400];
	v45 =	vadd.f32 v22, v21  }
0x6fd: {  	[tilespmem:$0x1C210] =	vst v37;
	v34 =	vld [tilespmem:$0x1C010]  }
0x6fe: {  	v35 =	vld [tilespmem:$0x1C420];
	[tilespmem:$0x1C3B0] =	vst v45;
	v2 =	vadd.f32 v55, v2  }
0x6ff: {  	v48 =	vadd.f32 v26, v25;
	v38 =	vld [tilespmem:$0x1C050];
	[tilespmem:$0x1FDF0] =	vst v62  }
0x700: {  	v39 =	vadd.f32 v14, v13;
	[tilespmem:$0x1C300] =	vst v2;
	v2 =	vld [tilespmem:$0x1FDF0]  }
0x701: {  	[tilespmem:$0x1C3D0] =	vst v48;
	v42 =	vadd.f32 v18, v17;
	v43 =	vld [tilespmem:$0x1C470]  }
0x702: {  	[tilespmem:$0x1C370] =	vst v39;
	v50 =	vadd.f32 v53, v52;
	v62 =	vadd.f32 v9, v8;
	v8 =	vld [tilespmem:$0x1BF40]  }
0x703: {  	[tilespmem:$0x1C390] =	vst v42;
	v46 =	vld [tilespmem:$0x1C480];
	v51 =	vadd.f32 v57, v56  }
0x704: {  	v47 =	vld [tilespmem:$0x1C080];
	v52 =	vadd.f32 v61, v60;
	[tilespmem:$0x1C290] =	vst v50  }
0x705: {  	v53 =	vld [tilespmem:$0x1FD90];
	[tilespmem:$0x1C2B0] =	vst v51;
	v2 =	vadd.f32 v3, v2  }
0x706: {  	v60 =	vld [tilespmem:$0x1C440];
	[tilespmem:$0x1C2D0] =	vst v52;
	v51 =	vadd.f32 v30, v29  }
0x707: {  	v54 =	vld [tilespmem:$0x1FDA0];
	[tilespmem:$0x1C320] =	vst v2;
	v2 =	vadd.f32 v8, v7  }
0x708: {  	v61 =	vld [tilespmem:$0x1C040];
	v59 =	vadd.f32 v6, v5;
	[tilespmem:$0x1C3F0] =	vst v51  }
0x709: {  	v56 =	vld [tilespmem:$0x1FDD0];
	[tilespmem:$0x1C340] =	vst v2;
	v2 =	vadd.f32 v12, v11  }
0x70a: {  	v50 =	vld [tilespmem:$0x1C090];
	[tilespmem:$0x1C330] =	vst v59  }
0x70b: {  	v57 =	vld [tilespmem:$0x1FDE0];
	[tilespmem:$0x1C360] =	vst v2;
	v2 =	vadd.f32 v16, v15  }
0x70c: {  	v4 =	vadd.f32 v54, v53;
	v9 =	vld [tilespmem:$0x1C350];
	[tilespmem:$0x1C130] =	vst v62  }
0x70d: {  	v62 =	vld [tilespmem:$0x1BF50];
	[tilespmem:$0x1C380] =	vst v2;
	v2 =	vadd.f32 v20, v19  }
0x70e: {  	v58 =	vld [tilespmem:$0x1C430];
	v54 =	vadd.f32 v34, v33;
	[tilespmem:$0x1C2F0] =	vst v4  }
0x70f: {  	v3 =	vld [tilespmem:$0x1C030];
	[tilespmem:$0x1C3A0] =	vst v2;
	v2 =	vadd.f32 v24, v23  }
0x710: {  	v52 =	vld [tilespmem:$0x1C4A0];
	[tilespmem:$0x1C410] =	vst v54;
	v4 =	vadd.f32 v57, v56  }
0x711: {  	v63 =	vld [tilespmem:$0x1C450];
	[tilespmem:$0x1C3C0] =	vst v2;
	v2 =	vadd.f32 v28, v27  }
0x712: {  	v59 =	vld [tilespmem:$0x1C4D0];
	[tilespmem:$0x1C310] =	vst v4;
	v62 =	vadd.f32 v62, v9  }
0x713: {  	v53 =	vld [tilespmem:$0x1C0A0];
	[tilespmem:$0x1C3E0] =	vst v2;
	v2 =	vadd.f32 v32, v31  }
0x714: {  	v56 =	vld [tilespmem:$0x1C0B0];
	[tilespmem:$0x1C350] =	vst v62;
	v3 =	vadd.f32 v3, v58  }
0x715: {  	v57 =	vld [tilespmem:$0x1C4C0];
	[tilespmem:$0x1C400] =	vst v2;
	v2 =	vadd.f32 v36, v35  }
0x716: {  	v55 =	vld [tilespmem:$0x1C4B0];
	[tilespmem:$0x1C430] =	vst v3;
	v3 =	vadd.f32 v38, v63  }
0x717: {  	v62 =	vld [tilespmem:$0x1C0E0];
	[tilespmem:$0x1C420] =	vst v2;
	v2 =	vadd.f32 v61, v60  }
0x718: {  	v12 =	vld [tilespmem:$0x1C0F0];
	[tilespmem:$0x1C450] =	vst v3;
	v3 =	vadd.f32 v44, v43  }
0x719: {  	v60 =	vld [tilespmem:$0x1C0D0];
	[tilespmem:$0x1C440] =	vst v2;
	v2 =	vadd.f32 v41, v40  }
0x71a: {  	v58 =	vld [tilespmem:$0x1C0C0];
	[tilespmem:$0x1C470] =	vst v3;
	v3 =	vadd.f32 v50, v49  }
0x71b: {  	v63 =	vld [tilespmem:$0x1C4F0];
	[tilespmem:$0x1C460] =	vst v2;
	v2 =	vadd.f32 v47, v46  }
0x71c: {  	[tilespmem:$0x1C490] =	vst v3;
	v3 =	vadd.f32 v56, v55;
	v61 =	vld [tilespmem:$0x1C4E0]  }
0x71d: {  	[tilespmem:$0x1C480] =	vst v2;
	v2 =	vadd.f32 v53, v52  }
0x71e: {  	[tilespmem:$0x1C4B0] =	vst v3;
	v3 =	vadd.f32 v60, v59  }
0x71f: {  	[tilespmem:$0x1C4A0] =	vst v2;
	v2 =	vadd.f32 v58, v57  }
0x720: {  	[tilespmem:$0x1C4D0] =	vst v3;
	v3 =	vadd.f32 v12, v63  }
0x721: {  	[tilespmem:$0x1C4C0] =	vst v2;
	v2 =	vadd.f32 v62, v61  }
0x722: {  	[tilespmem:$0x1C4F0] =	vst v3  }
0x723: {  	s14 =	rddreg [dreg:$0x1a];
	[tilespmem:$0x1C4E0] =	vst v2  }
0x724: {  	[tilespmem:s9], [sflag:$0x5] =	stream.linear.gather [spmem:s14], $0x400, $0x38;
	[tilespmem:$0x1C500] =	vst v63  }
0x725: {  	_ =	swait.ge [sflag:s30], $0x400  }
0x726: {  	[sflag:s30] =	ssyncset.done $0x0  }
0x727: {  	[sflag:s30] =	ssyncadd.s32 $0xFFFFFC00  }
0x728: {  	v2 =	vld [tilespmem:$0x1C100]  }
0x729: {  	v3 =	vld [tilespmem:$0x1BD00]  }
0x72a: {  	v4 =	vld [tilespmem:$0x1C110]  }
0x72b: {  	v5 =	vld [tilespmem:$0x1BD10]  }
0x72c: {  	v6 =	vld [tilespmem:$0x1C120]  }
0x72d: {  	v7 =	vld [tilespmem:$0x1BD20]  }
0x72e: {  	v8 =	vld [tilespmem:$0x1C130]  }
0x72f: {  	v9 =	vld [tilespmem:$0x1BD30]  }
0x730: {  	v10 =	vld [tilespmem:$0x1C140]  }
0x731: {  	v11 =	vld [tilespmem:$0x1BD40]  }
0x732: {  	v12 =	vld [tilespmem:$0x1C150]  }
0x733: {  	v13 =	vld [tilespmem:$0x1BD50]  }
0x734: {  	v14 =	vld [tilespmem:$0x1C160]  }
0x735: {  	v15 =	vld [tilespmem:$0x1BD60]  }
0x736: {  	v16 =	vld [tilespmem:$0x1C170]  }
0x737: {  	v17 =	vld [tilespmem:$0x1BD70]  }
0x738: {  	v18 =	vld [tilespmem:$0x1C180]  }
0x739: {  	v19 =	vld [tilespmem:$0x1BD80]  }
0x73a: {  	v20 =	vld [tilespmem:$0x1C190]  }
0x73b: {  	v21 =	vld [tilespmem:$0x1BD90]  }
0x73c: {  	v22 =	vld [tilespmem:$0x1C1A0]  }
0x73d: {  	v23 =	vld [tilespmem:$0x1BDA0]  }
0x73e: {  	v24 =	vld [tilespmem:$0x1C1B0]  }
0x73f: {  	v25 =	vld [tilespmem:$0x1BDB0]  }
0x740: {  	v26 =	vld [tilespmem:$0x1C1C0]  }
0x741: {  	v27 =	vld [tilespmem:$0x1BDC0]  }
0x742: {  	v28 =	vld [tilespmem:$0x1C1D0]  }
0x743: {  	v29 =	vld [tilespmem:$0x1BDD0]  }
0x744: {  	v30 =	vld [tilespmem:$0x1C1E0]  }
0x745: {  	v31 =	vld [tilespmem:$0x1BDE0]  }
0x746: {  	v32 =	vld [tilespmem:$0x1C1F0]  }
0x747: {  	v33 =	vld [tilespmem:$0x1BDF0]  }
0x748: {  	v34 =	vld [tilespmem:$0x1C200]  }
0x749: {  	v35 =	vld [tilespmem:$0x1BE00]  }
0x74a: {  	v36 =	vld [tilespmem:$0x1C210]  }
0x74b: {  	v37 =	vld [tilespmem:$0x1BE10]  }
0x74c: {  	v38 =	vld [tilespmem:$0x1C220]  }
0x74d: {  	v39 =	vld [tilespmem:$0x1BE20]  }
0x74e: {  	v40 =	vld [tilespmem:$0x1C230]  }
0x74f: {  	v41 =	vld [tilespmem:$0x1BE30]  }
0x750: {  	v42 =	vld [tilespmem:$0x1C240]  }
0x751: {  	v43 =	vld [tilespmem:$0x1BE40]  }
0x752: {  	v44 =	vld [tilespmem:$0x1C250]  }
0x753: {  	v45 =	vld [tilespmem:$0x1BE50]  }
0x754: {  	v46 =	vld [tilespmem:$0x1C260]  }
0x755: {  	v47 =	vld [tilespmem:$0x1BE60]  }
0x756: {  	v48 =	vld [tilespmem:$0x1C270]  }
0x757: {  	v49 =	vld [tilespmem:$0x1BE70]  }
0x758: {  	v50 =	vld [tilespmem:$0x1C280]  }
0x759: {  	v51 =	vld [tilespmem:$0x1BE80]  }
0x75a: {  	v52 =	vld [tilespmem:$0x1C290]  }
0x75b: {  	v53 =	vld [tilespmem:$0x1BE90]  }
0x75c: {  	v54 =	vld [tilespmem:$0x1C2A0]  }
0x75d: {  	v55 =	vld [tilespmem:$0x1BEA0]  }
0x75e: {  	v56 =	vld [tilespmem:$0x1C2B0]  }
0x75f: {  	v57 =	vld [tilespmem:$0x1BEB0]  }
0x760: {  	v58 =	vld [tilespmem:$0x1C2C0]  }
0x761: {  	v59 =	vld [tilespmem:$0x1BEC0]  }
0x762: {  	v60 =	vld [tilespmem:$0x1C2D0]  }
0x763: {  	v61 =	vld [tilespmem:$0x1BED0]  }
0x764: {  	v62 =	vld [tilespmem:$0x1C2E0]  }
0x765: {  	v63 =	vld [tilespmem:$0x1BEE0]  }
0x766: {  	v2 =	vadd.f32 v3, v2;
	v3 =	vld [tilespmem:$0x1C2F0]  }
0x767: {  	v4 =	vadd.f32 v5, v4;
	v5 =	vld [tilespmem:$0x1BEF0]  }
0x768: {  	v13 =	vadd.f32 v13, v12;
	v12 =	vld [tilespmem:$0x1C330]  }
0x769: {  	v17 =	vadd.f32 v17, v16;
	v16 =	vld [tilespmem:$0x1C350];
	[tilespmem:$0x1C100] =	vst v2;
	v2 =	vadd.f32 v7, v6  }
0x76a: {  	v21 =	vadd.f32 v21, v20;
	v20 =	vld [tilespmem:$0x1C370];
	[tilespmem:$0x1C110] =	vst v4  }
0x76b: {  	v36 =	vadd.f32 v37, v36;
	v37 =	vld [tilespmem:$0x1BF70];
	[tilespmem:$0x1C120] =	vst v2;
	v2 =	vadd.f32 v11, v10  }
0x76c: {  	v4 =	vadd.f32 v9, v8;
	v8 =	vld [tilespmem:$0x1C310];
	[tilespmem:$0x1C150] =	vst v13  }
0x76d: {  	v9 =	vld [tilespmem:$0x1BF10];
	[tilespmem:$0x1C140] =	vst v2;
	v2 =	vadd.f32 v15, v14  }
0x76e: {  	v6 =	vld [tilespmem:$0x1C300];
	[tilespmem:$0x1C170] =	vst v17  }
0x76f: {  	v13 =	vld [tilespmem:$0x1BF30];
	[tilespmem:$0x1C160] =	vst v2;
	v2 =	vadd.f32 v19, v18  }
0x770: {  	v7 =	vld [tilespmem:$0x1BF00];
	[tilespmem:$0x1C210] =	vst v36;
	v3 =	vadd.f32 v5, v3  }
0x771: {  	v17 =	vld [tilespmem:$0x1BF50];
	[tilespmem:$0x1C180] =	vst v2;
	v2 =	vadd.f32 v23, v22  }
0x772: {  	v36 =	vld [tilespmem:$0x1C020];
	[tilespmem:$0x1C2F0] =	vst v3;
	v3 =	vadd.f32 v9, v8  }
0x773: {  	v10 =	vld [tilespmem:$0x1C320];
	[tilespmem:$0x1C1A0] =	vst v2;
	v2 =	vadd.f32 v27, v26  }
0x774: {  	v11 =	vld [tilespmem:$0x1BF20];
	[tilespmem:$0x1C310] =	vst v3;
	v3 =	vadd.f32 v13, v12  }
0x775: {  	v14 =	vld [tilespmem:$0x1C340];
	[tilespmem:$0x1C1C0] =	vst v2;
	v2 =	vadd.f32 v31, v30  }
0x776: {  	v15 =	vld [tilespmem:$0x1BF40];
	[tilespmem:$0x1C330] =	vst v3;
	v3 =	vadd.f32 v17, v16  }
0x777: {  	v18 =	vld [tilespmem:$0x1C360];
	[tilespmem:$0x1C1E0] =	vst v2;
	v2 =	vadd.f32 v35, v34  }
0x778: {  	v19 =	vld [tilespmem:$0x1BF60];
	[tilespmem:$0x1C350] =	vst v3  }
0x779: {  	v3 =	vadd.f32 v37, v20;
	v37 =	vld [tilespmem:$0x1C430];
	[tilespmem:$0x1C200] =	vst v2;
	v2 =	vadd.f32 v39, v38  }
0x77a: {  	v35 =	vld [tilespmem:$0x1C420]  }
0x77b: {  	v38 =	vld [tilespmem:$0x1C380];
	[tilespmem:$0x1C220] =	vst v2;
	v2 =	vadd.f32 v43, v42  }
0x77c: {  	v39 =	vadd.f32 v41, v40;
	v40 =	vld [tilespmem:$0x1BF80]  }
0x77d: {  	v41 =	vld [tilespmem:$0x1C390];
	[tilespmem:$0x1C240] =	vst v2;
	v2 =	vadd.f32 v47, v46  }
0x77e: {  	v43 =	vld [tilespmem:$0x1BF90]  }
0x77f: {  	v42 =	vadd.f32 v45, v44;
	v44 =	vld [tilespmem:$0x1C3A0];
	[tilespmem:$0x1C260] =	vst v2;
	v2 =	vadd.f32 v51, v50  }
0x780: {  	v45 =	vadd.f32 v49, v48;
	v49 =	vld [tilespmem:$0x1BFB0]  }
0x781: {  	v48 =	vadd.f32 v53, v52;
	v52 =	vld [tilespmem:$0x1BFC0];
	[tilespmem:$0x1C280] =	vst v2;
	v2 =	vadd.f32 v55, v54  }
0x782: {  	[tilespmem:$0x1C230] =	vst v39;
	v53 =	vld [tilespmem:$0x1C3D0]  }
0x783: {  	v39 =	vld [tilespmem:$0x1C440];
	[tilespmem:$0x1C2A0] =	vst v2;
	v2 =	vadd.f32 v59, v58  }
0x784: {  	[tilespmem:$0x1C250] =	vst v42;
	v46 =	vld [tilespmem:$0x1BFA0]  }
0x785: {  	v47 =	vld [tilespmem:$0x1C3B0];
	[tilespmem:$0x1C2C0] =	vst v2;
	v2 =	vadd.f32 v63, v62  }
0x786: {  	[tilespmem:$0x1C270] =	vst v45;
	v42 =	vld [tilespmem:$0x1C050]  }
0x787: {  	v45 =	vld [tilespmem:$0x1C470];
	[tilespmem:$0x1C2E0] =	vst v2;
	v2 =	vadd.f32 v7, v6  }
0x788: {  	[tilespmem:$0x1C290] =	vst v48;
	v48 =	vld [tilespmem:$0x1C080]  }
0x789: {  	v50 =	vld [tilespmem:$0x1C3C0];
	[tilespmem:$0x1C300] =	vst v2;
	v2 =	vadd.f32 v11, v10  }
0x78a: {  	v51 =	vadd.f32 v57, v56;
	v56 =	vld [tilespmem:$0x1C3E0]  }
0x78b: {  	v57 =	vld [tilespmem:$0x1BFE0];
	[tilespmem:$0x1C320] =	vst v2;
	v2 =	vadd.f32 v15, v14  }
0x78c: {  	[tilespmem:$0x1C370] =	vst v3;
	v3 =	vadd.f32 v43, v41;
	v41 =	vld [tilespmem:$0x1C450]  }
0x78d: {  	v55 =	vld [tilespmem:$0x1BFD0];
	[tilespmem:$0x1C340] =	vst v2;
	v2 =	vadd.f32 v19, v18  }
0x78e: {  	[tilespmem:$0x1C2B0] =	vst v51;
	v54 =	vadd.f32 v61, v60;
	v60 =	vld [tilespmem:$0x1C400]  }
0x78f: {  	v61 =	vld [tilespmem:$0x1C000];
	[tilespmem:$0x1C360] =	vst v2;
	v2 =	vadd.f32 v40, v38  }
0x790: {  	[tilespmem:$0x1C390] =	vst v3;
	v58 =	vld [tilespmem:$0x1C3F0]  }
0x791: {  	v59 =	vld [tilespmem:$0x1BFF0];
	[tilespmem:$0x1C380] =	vst v2;
	v2 =	vadd.f32 v46, v44  }
0x792: {  	v3 =	vadd.f32 v49, v47;
	[tilespmem:$0x1C2D0] =	vst v54;
	v62 =	vld [tilespmem:$0x1C410]  }
0x793: {  	v63 =	vld [tilespmem:$0x1C010];
	[tilespmem:$0x1C3A0] =	vst v2;
	v2 =	vadd.f32 v52, v50  }
0x794: {  	v43 =	vld [tilespmem:$0x1C460];
	[tilespmem:$0x1C3B0] =	vst v3;
	v3 =	vadd.f32 v55, v53  }
0x795: {  	v38 =	vld [tilespmem:$0x1C030];
	[tilespmem:$0x1C3C0] =	vst v2;
	v2 =	vadd.f32 v57, v56  }
0x796: {  	[tilespmem:$0x1C3D0] =	vst v3;
	v3 =	vadd.f32 v59, v58;
	v40 =	vld [tilespmem:$0x1C040]  }
0x797: {  	v51 =	vld [tilespmem:$0x1C4B0];
	[tilespmem:$0x1C3E0] =	vst v2;
	v2 =	vadd.f32 v61, v60  }
0x798: {  	[tilespmem:$0x1C3F0] =	vst v3;
	v3 =	vadd.f32 v63, v62;
	v44 =	vld [tilespmem:$0x1C060]  }
0x799: {  	v46 =	vld [tilespmem:$0x1C070];
	[tilespmem:$0x1C400] =	vst v2;
	v2 =	vadd.f32 v36, v35  }
0x79a: {  	v47 =	vld [tilespmem:$0x1C480];
	[tilespmem:$0x1C410] =	vst v3;
	v3 =	vadd.f32 v38, v37  }
0x79b: {  	v49 =	vld [tilespmem:$0x1C4A0];
	[tilespmem:$0x1C420] =	vst v2;
	v2 =	vadd.f32 v40, v39  }
0x79c: {  	v54 =	vld [tilespmem:$0x1C0C0];
	[tilespmem:$0x1C430] =	vst v3;
	v3 =	vadd.f32 v42, v41  }
0x79d: {  	v53 =	vld [tilespmem:$0x1C4C0];
	[tilespmem:$0x1C440] =	vst v2;
	v2 =	vadd.f32 v44, v43  }
0x79e: {  	v55 =	vld [tilespmem:$0x1C4D0];
	[tilespmem:$0x1C450] =	vst v3;
	v3 =	vadd.f32 v46, v45  }
0x79f: {  	v58 =	vld [tilespmem:$0x1C0E0];
	[tilespmem:$0x1C460] =	vst v2;
	v2 =	vadd.f32 v48, v47  }
0x7a0: {  	[tilespmem:$0x1C470] =	vst v3;
	v3 =	vld [tilespmem:$0x1C090]  }
0x7a1: {  	[tilespmem:$0x1C480] =	vst v2;
	v2 =	vld [tilespmem:$0x1C490]  }
0x7a2: {  	v25 =	vadd.f32 v25, v24;
	v59 =	vld [tilespmem:$0x1C0F0]  }
0x7a3: {  	v29 =	vadd.f32 v29, v28;
	[tilespmem:$0x1C190] =	vst v21;
	v52 =	vld [tilespmem:$0x1C0B0]  }
0x7a4: {  	v33 =	vadd.f32 v33, v32;
	[tilespmem:$0x1C1B0] =	vst v25;
	v50 =	vld [tilespmem:$0x1C0A0]  }
0x7a5: {  	[tilespmem:$0x1C1D0] =	vst v29;
	v56 =	vld [tilespmem:$0x1C0D0]  }
0x7a6: {  	[tilespmem:$0x1C1F0] =	vst v33;
	v57 =	vld [tilespmem:$0x1C4E0];
	v2 =	vadd.f32 v3, v2  }
0x7a7: {  	[tilespmem:$0x1C130] =	vst v4;
	v60 =	vadd.f32 v54, v53;
	v3 =	vld [tilespmem:$0x1C4F0]  }
0x7a8: {  	[tilespmem:$0x1C490] =	vst v2;
	v2 =	vadd.f32 v52, v51  }
0x7a9: {  	v4 =	vadd.f32 v50, v49;
	[tilespmem:$0x1C4C0] =	vst v60  }
0x7aa: {  	[tilespmem:$0x1C4B0] =	vst v2;
	v2 =	vadd.f32 v56, v55  }
0x7ab: {  	[tilespmem:$0x1C4A0] =	vst v4;
	v61 =	vadd.f32 v58, v57  }
0x7ac: {  	[tilespmem:$0x1C4D0] =	vst v2;
	v2 =	vadd.f32 v59, v3  }
0x7ad: {  	[tilespmem:$0x1C4E0] =	vst v61  }
0x7ae: {  	s15 =	rddreg [dreg:$0x1b];
	[tilespmem:$0x1C4F0] =	vst v2  }
0x7af: {  	[tilespmem:s9], [sflag:$0x5] =	stream.linear.gather [spmem:s15], $0x400, $0x38;
	[tilespmem:$0x1C500] =	vst v63  }
0x7b0: {  	_ =	swait.ge [sflag:s30], $0x400  }
0x7b1: {  	[sflag:s30] =	ssyncset.done $0x0  }
0x7b2: {  	[sflag:s30] =	ssyncadd.s32 $0xFFFFFC00  }
0x7b3: {  	v2 =	vld [tilespmem:$0x1C100]  }
0x7b4: {  	v3 =	vld [tilespmem:$0x1BD00]  }
0x7b5: {  	v4 =	vld [tilespmem:$0x1C110]  }
0x7b6: {  	v5 =	vld [tilespmem:$0x1BD10]  }
0x7b7: {  	v6 =	vld [tilespmem:$0x1C120]  }
0x7b8: {  	v7 =	vld [tilespmem:$0x1BD20]  }
0x7b9: {  	v8 =	vld [tilespmem:$0x1C130]  }
0x7ba: {  	v9 =	vld [tilespmem:$0x1BD30]  }
0x7bb: {  	v10 =	vld [tilespmem:$0x1C140]  }
0x7bc: {  	v11 =	vld [tilespmem:$0x1BD40]  }
0x7bd: {  	v12 =	vld [tilespmem:$0x1C150]  }
0x7be: {  	v13 =	vld [tilespmem:$0x1BD50]  }
0x7bf: {  	v14 =	vld [tilespmem:$0x1C160]  }
0x7c0: {  	v15 =	vld [tilespmem:$0x1BD60]  }
0x7c1: {  	v16 =	vld [tilespmem:$0x1C170]  }
0x7c2: {  	v17 =	vld [tilespmem:$0x1BD70]  }
0x7c3: {  	v18 =	vld [tilespmem:$0x1C180]  }
0x7c4: {  	v19 =	vld [tilespmem:$0x1BD80]  }
0x7c5: {  	v20 =	vld [tilespmem:$0x1C190]  }
0x7c6: {  	v21 =	vld [tilespmem:$0x1BD90]  }
0x7c7: {  	v22 =	vld [tilespmem:$0x1C1A0]  }
0x7c8: {  	v23 =	vld [tilespmem:$0x1BDA0]  }
0x7c9: {  	v24 =	vld [tilespmem:$0x1C1B0]  }
0x7ca: {  	v25 =	vld [tilespmem:$0x1BDB0]  }
0x7cb: {  	v26 =	vld [tilespmem:$0x1C1C0]  }
0x7cc: {  	v27 =	vld [tilespmem:$0x1BDC0]  }
0x7cd: {  	v28 =	vld [tilespmem:$0x1C1D0]  }
0x7ce: {  	v29 =	vld [tilespmem:$0x1BDD0]  }
0x7cf: {  	v30 =	vld [tilespmem:$0x1C1E0]  }
0x7d0: {  	v31 =	vld [tilespmem:$0x1BDE0]  }
0x7d1: {  	v32 =	vld [tilespmem:$0x1C1F0]  }
0x7d2: {  	v33 =	vld [tilespmem:$0x1BDF0]  }
0x7d3: {  	v34 =	vld [tilespmem:$0x1C200]  }
0x7d4: {  	v35 =	vld [tilespmem:$0x1BE00]  }
0x7d5: {  	v36 =	vld [tilespmem:$0x1C210]  }
0x7d6: {  	v37 =	vld [tilespmem:$0x1BE10]  }
0x7d7: {  	v38 =	vld [tilespmem:$0x1C220]  }
0x7d8: {  	v39 =	vld [tilespmem:$0x1BE20]  }
0x7d9: {  	v40 =	vld [tilespmem:$0x1C230]  }
0x7da: {  	v41 =	vld [tilespmem:$0x1BE30]  }
0x7db: {  	v42 =	vld [tilespmem:$0x1C240]  }
0x7dc: {  	v43 =	vld [tilespmem:$0x1BE40]  }
0x7dd: {  	v44 =	vld [tilespmem:$0x1C250]  }
0x7de: {  	v45 =	vld [tilespmem:$0x1BE50]  }
0x7df: {  	v46 =	vld [tilespmem:$0x1C260]  }
0x7e0: {  	v47 =	vld [tilespmem:$0x1BE60]  }
0x7e1: {  	v48 =	vld [tilespmem:$0x1C270]  }
0x7e2: {  	v49 =	vld [tilespmem:$0x1BE70]  }
0x7e3: {  	v50 =	vld [tilespmem:$0x1C280]  }
0x7e4: {  	v51 =	vld [tilespmem:$0x1BE80]  }
0x7e5: {  	v52 =	vld [tilespmem:$0x1C290]  }
0x7e6: {  	v53 =	vld [tilespmem:$0x1BE90]  }
0x7e7: {  	v54 =	vld [tilespmem:$0x1C2A0]  }
0x7e8: {  	v55 =	vld [tilespmem:$0x1BEA0]  }
0x7e9: {  	v56 =	vld [tilespmem:$0x1C2B0]  }
0x7ea: {  	v57 =	vld [tilespmem:$0x1BEB0]  }
0x7eb: {  	v58 =	vld [tilespmem:$0x1C2C0]  }
0x7ec: {  	v62 =	vld [tilespmem:$0x1C2E0]  }
0x7ed: {  	v59 =	vld [tilespmem:$0x1BEC0]  }
0x7ee: {  	v60 =	vld [tilespmem:$0x1C2D0]  }
0x7ef: {  	v61 =	vld [tilespmem:$0x1BED0]  }
0x7f0: {  	v63 =	vld [tilespmem:$0x1BEE0]  }
0x7f1: {  	[tilespmem:$0x1FE00] =	vst v62;
	v62 =	vld [tilespmem:$0x1C2F0]  }
0x7f2: {  	v2 =	vadd.f32 v3, v2;
	v3 =	vld [tilespmem:$0x1BF20]  }
0x7f3: {  	v4 =	vadd.f32 v5, v4;
	v5 =	vld [tilespmem:$0x1C330];
	v13 =	vadd.f32 v13, v12  }
0x7f4: {  	v12 =	vld [tilespmem:$0x1BF60];
	[tilespmem:$0x1C100] =	vst v2;
	v2 =	vadd.f32 v7, v6  }
0x7f5: {  	v17 =	vadd.f32 v17, v16;
	v16 =	vld [tilespmem:$0x1BF80];
	[tilespmem:$0x1C150] =	vst v13  }
0x7f6: {  	v21 =	vadd.f32 v21, v20;
	v20 =	vld [tilespmem:$0x1BFA0];
	[tilespmem:$0x1C120] =	vst v2;
	v2 =	vadd.f32 v11, v10  }
0x7f7: {  	v25 =	vadd.f32 v25, v24;
	v24 =	vld [tilespmem:$0x1BFC0];
	[tilespmem:$0x1C170] =	vst v17  }
0x7f8: {  	v44 =	vadd.f32 v45, v44;
	v45 =	vld [tilespmem:$0x1BFD0];
	[tilespmem:$0x1C140] =	vst v2;
	v2 =	vadd.f32 v15, v14  }
0x7f9: {  	v29 =	vadd.f32 v29, v28;
	v28 =	vld [tilespmem:$0x1BFE0];
	[tilespmem:$0x1C190] =	vst v21  }
0x7fa: {  	v33 =	vadd.f32 v33, v32;
	v32 =	vld [tilespmem:$0x1C000];
	[tilespmem:$0x1C160] =	vst v2;
	v2 =	vadd.f32 v19, v18  }
0x7fb: {  	v37 =	vadd.f32 v37, v36;
	v36 =	vld [tilespmem:$0x1C020];
	[tilespmem:$0x1FE10] =	vst v62  }
0x7fc: {  	v62 =	vld [tilespmem:$0x1BEF0];
	[tilespmem:$0x1C180] =	vst v2;
	v2 =	vadd.f32 v23, v22  }
0x7fd: {  	v41 =	vadd.f32 v41, v40;
	v40 =	vld [tilespmem:$0x1C470];
	[tilespmem:$0x1C1B0] =	vst v25  }
0x7fe: {  	v6 =	vld [tilespmem:$0x1BF30];
	[tilespmem:$0x1C1A0] =	vst v2;
	v2 =	vadd.f32 v27, v26  }
0x7ff: {  	v7 =	vld [tilespmem:$0x1C340];
	[tilespmem:$0x1C1D0] =	vst v29  }
0x800: {  	v13 =	vld [tilespmem:$0x1C370];
	[tilespmem:$0x1C1C0] =	vst v2;
	v2 =	vadd.f32 v31, v30  }
0x801: {  	v17 =	vld [tilespmem:$0x1C390];
	[tilespmem:$0x1FE20] =	vst v62  }
0x802: {  	v62 =	vld [tilespmem:$0x1C300];
	[tilespmem:$0x1C1E0] =	vst v2;
	v2 =	vadd.f32 v35, v34  }
0x803: {  	[tilespmem:$0x1C1F0] =	vst v33;
	v21 =	vld [tilespmem:$0x1C3B0]  }
0x804: {  	v25 =	vld [tilespmem:$0x1C3D0];
	[tilespmem:$0x1C200] =	vst v2;
	v2 =	vadd.f32 v39, v38  }
0x805: {  	[tilespmem:$0x1C230] =	vst v41;
	v29 =	vld [tilespmem:$0x1C3F0]  }
0x806: {  	v33 =	vld [tilespmem:$0x1C410];
	[tilespmem:$0x1C220] =	vst v2;
	v2 =	vadd.f32 v43, v42  }
0x807: {  	v41 =	vld [tilespmem:$0x1C070];
	[tilespmem:$0x1FE30] =	vst v62  }
0x808: {  	v62 =	vld [tilespmem:$0x1BF00];
	[tilespmem:$0x1C240] =	vst v2;
	v2 =	vadd.f32 v47, v46  }
0x809: {  	[tilespmem:$0x1C250] =	vst v44;
	v44 =	vld [tilespmem:$0x1C080]  }
0x80a: {  	v10 =	vld [tilespmem:$0x1BF50];
	[tilespmem:$0x1C260] =	vst v2;
	v2 =	vadd.f32 v51, v50  }
0x80b: {  	v11 =	vld [tilespmem:$0x1C360]  }
0x80c: {  	v15 =	vld [tilespmem:$0x1C380];
	[tilespmem:$0x1C280] =	vst v2;
	v2 =	vadd.f32 v55, v54  }
0x80d: {  	v18 =	vld [tilespmem:$0x1BF90];
	[tilespmem:$0x1FE40] =	vst v62  }
0x80e: {  	v62 =	vld [tilespmem:$0x1C310];
	[tilespmem:$0x1C2A0] =	vst v2;
	v2 =	vadd.f32 v59, v58  }
0x80f: {  	v19 =	vld [tilespmem:$0x1C3A0]  }
0x810: {  	[tilespmem:$0x1C2C0] =	vst v2;
	v2 =	vld [tilespmem:$0x1FE00]  }
0x811: {  	v22 =	vld [tilespmem:$0x1BFB0]  }
0x812: {  	v23 =	vld [tilespmem:$0x1C3C0]  }
0x813: {  	[tilespmem:$0x1FE50] =	vst v62;
	v62 =	vld [tilespmem:$0x1BF10]  }
0x814: {  	v27 =	vld [tilespmem:$0x1C3E0]  }
0x815: {  	v30 =	vld [tilespmem:$0x1BFF0];
	v2 =	vadd.f32 v63, v2  }
0x816: {  	v47 =	vadd.f32 v53, v52;
	v52 =	vld [tilespmem:$0x1FE40]  }
0x817: {  	[tilespmem:$0x1C2E0] =	vst v2;
	v2 =	vld [tilespmem:$0x1FE30]  }
0x818: {  	[tilespmem:$0x1FE60] =	vst v62;
	v62 =	vld [tilespmem:$0x1C320]  }
0x819: {  	[tilespmem:$0x1C110] =	vst v4;
	v45 =	vadd.f32 v45, v25;
	v31 =	vld [tilespmem:$0x1C400]  }
0x81a: {  	[tilespmem:$0x1C210] =	vst v37;
	v34 =	vld [tilespmem:$0x1C010];
	v39 =	vadd.f32 v18, v17  }
0x81b: {  	[tilespmem:$0x1C3D0] =	vst v45;
	v35 =	vld [tilespmem:$0x1C420]  }
0x81c: {  	v38 =	vld [tilespmem:$0x1C060];
	[tilespmem:$0x1C390] =	vst v39;
	v2 =	vadd.f32 v52, v2  }
0x81d: {  	v42 =	vadd.f32 v22, v21;
	v43 =	vld [tilespmem:$0x1C480];
	[tilespmem:$0x1FE70] =	vst v62  }
0x81e: {  	v46 =	vadd.f32 v49, v48;
	[tilespmem:$0x1C300] =	vst v2;
	v2 =	vld [tilespmem:$0x1FE70]  }
0x81f: {  	[tilespmem:$0x1C3B0] =	vst v42;
	v50 =	vld [tilespmem:$0x1FE10]  }
0x820: {  	v48 =	vadd.f32 v57, v56;
	[tilespmem:$0x1C270] =	vst v46;
	v62 =	vadd.f32 v9, v8;
	v8 =	vld [tilespmem:$0x1BF40]  }
0x821: {  	v49 =	vadd.f32 v61, v60;
	[tilespmem:$0x1C290] =	vst v47;
	v51 =	vld [tilespmem:$0x1FE20]  }
0x822: {  	v56 =	vadd.f32 v6, v5;
	v57 =	vld [tilespmem:$0x1C440];
	[tilespmem:$0x1C2B0] =	vst v48  }
0x823: {  	v60 =	vld [tilespmem:$0x1C450];
	[tilespmem:$0x1C2D0] =	vst v49;
	v2 =	vadd.f32 v3, v2  }
0x824: {  	v61 =	vld [tilespmem:$0x1C050];
	[tilespmem:$0x1C330] =	vst v56;
	v48 =	vadd.f32 v30, v29  }
0x825: {  	v46 =	vld [tilespmem:$0x1C490];
	[tilespmem:$0x1C320] =	vst v2;
	v2 =	vadd.f32 v8, v7  }
0x826: {  	v53 =	vld [tilespmem:$0x1FE50];
	[tilespmem:$0x1C3F0] =	vst v48;
	v4 =	vadd.f32 v51, v50  }
0x827: {  	v54 =	vld [tilespmem:$0x1FE60];
	[tilespmem:$0x1C340] =	vst v2;
	v2 =	vadd.f32 v12, v11  }
0x828: {  	v47 =	vld [tilespmem:$0x1C090];
	[tilespmem:$0x1C2F0] =	vst v4  }
0x829: {  	v9 =	vld [tilespmem:$0x1C350];
	[tilespmem:$0x1C360] =	vst v2;
	v2 =	vadd.f32 v16, v15  }
0x82a: {  	v49 =	vld [tilespmem:$0x1C4A0];
	v51 =	vadd.f32 v34, v33;
	[tilespmem:$0x1C130] =	vst v62  }
0x82b: {  	v62 =	vld [tilespmem:$0x1BF70];
	[tilespmem:$0x1C380] =	vst v2;
	v2 =	vadd.f32 v20, v19  }
0x82c: {  	v55 =	vld [tilespmem:$0x1C430];
	[tilespmem:$0x1C410] =	vst v51;
	v4 =	vadd.f32 v54, v53  }
0x82d: {  	v3 =	vld [tilespmem:$0x1C030];
	[tilespmem:$0x1C3A0] =	vst v2;
	v2 =	vadd.f32 v24, v23  }
0x82e: {  	v56 =	vld [tilespmem:$0x1C4D0];
	[tilespmem:$0x1C310] =	vst v4;
	v59 =	vadd.f32 v10, v9  }
0x82f: {  	v58 =	vld [tilespmem:$0x1C040];
	[tilespmem:$0x1C3C0] =	vst v2;
	v2 =	vadd.f32 v28, v27  }
0x830: {  	v50 =	vld [tilespmem:$0x1C0A0];
	[tilespmem:$0x1C350] =	vst v59;
	v62 =	vadd.f32 v62, v13  }
0x831: {  	v63 =	vld [tilespmem:$0x1C460];
	[tilespmem:$0x1C3E0] =	vst v2;
	v2 =	vadd.f32 v32, v31  }
0x832: {  	v53 =	vld [tilespmem:$0x1C0B0];
	[tilespmem:$0x1C370] =	vst v62;
	v3 =	vadd.f32 v3, v55  }
0x833: {  	v54 =	vld [tilespmem:$0x1C4C0];
	[tilespmem:$0x1C400] =	vst v2;
	v2 =	vadd.f32 v36, v35  }
0x834: {  	v52 =	vld [tilespmem:$0x1C4B0];
	[tilespmem:$0x1C430] =	vst v3;
	v3 =	vadd.f32 v61, v60  }
0x835: {  	v59 =	vld [tilespmem:$0x1C0E0];
	[tilespmem:$0x1C420] =	vst v2;
	v2 =	vadd.f32 v58, v57  }
0x836: {  	v55 =	vld [tilespmem:$0x1C0C0];
	[tilespmem:$0x1C450] =	vst v3;
	v3 =	vadd.f32 v41, v40  }
0x837: {  	v57 =	vld [tilespmem:$0x1C0D0];
	[tilespmem:$0x1C440] =	vst v2;
	v2 =	vadd.f32 v38, v63  }
0x838: {  	v60 =	vld [tilespmem:$0x1C4F0];
	[tilespmem:$0x1C470] =	vst v3;
	v3 =	vadd.f32 v47, v46  }
0x839: {  	v61 =	vld [tilespmem:$0x1C0F0];
	[tilespmem:$0x1C460] =	vst v2;
	v2 =	vadd.f32 v44, v43  }
0x83a: {  	[tilespmem:$0x1C490] =	vst v3;
	v3 =	vadd.f32 v53, v52;
	v58 =	vld [tilespmem:$0x1C4E0]  }
0x83b: {  	[tilespmem:$0x1C480] =	vst v2;
	v2 =	vadd.f32 v50, v49  }
0x83c: {  	[tilespmem:$0x1C4B0] =	vst v3;
	v3 =	vadd.f32 v57, v56  }
0x83d: {  	[tilespmem:$0x1C4A0] =	vst v2;
	v2 =	vadd.f32 v55, v54  }
0x83e: {  	[tilespmem:$0x1C4D0] =	vst v3;
	v3 =	vadd.f32 v61, v60  }
0x83f: {  	[tilespmem:$0x1C4C0] =	vst v2;
	v2 =	vadd.f32 v59, v58  }
0x840: {  	[tilespmem:$0x1C4F0] =	vst v3  }
0x841: {  	s24 =	rddreg [dreg:$0x1c];
	[tilespmem:$0x1C4E0] =	vst v2  }
0x842: {  	[tilespmem:s9], [sflag:$0x5] =	stream.linear.gather [spmem:s24], $0x400, $0x38;
	[tilespmem:$0x1C500] =	vst v63  }
0x843: {  	_ =	swait.ge [sflag:s30], $0x400  }
0x844: {  	[sflag:s30] =	ssyncset.done $0x0  }
0x845: {  	[sflag:s30] =	ssyncadd.s32 $0xFFFFFC00  }
0x846: {  	v2 =	vld [tilespmem:$0x1C100]  }
0x847: {  	v3 =	vld [tilespmem:$0x1BD00]  }
0x848: {  	v4 =	vld [tilespmem:$0x1C110]  }
0x849: {  	v5 =	vld [tilespmem:$0x1BD10]  }
0x84a: {  	v6 =	vld [tilespmem:$0x1C120]  }
0x84b: {  	v7 =	vld [tilespmem:$0x1BD20]  }
0x84c: {  	v8 =	vld [tilespmem:$0x1C130]  }
0x84d: {  	v9 =	vld [tilespmem:$0x1BD30]  }
0x84e: {  	v10 =	vld [tilespmem:$0x1C140]  }
0x84f: {  	v11 =	vld [tilespmem:$0x1BD40]  }
0x850: {  	v12 =	vld [tilespmem:$0x1C150]  }
0x851: {  	v13 =	vld [tilespmem:$0x1BD50]  }
0x852: {  	v14 =	vld [tilespmem:$0x1C160]  }
0x853: {  	v15 =	vld [tilespmem:$0x1BD60]  }
0x854: {  	v16 =	vld [tilespmem:$0x1C170]  }
0x855: {  	v17 =	vld [tilespmem:$0x1BD70]  }
0x856: {  	v18 =	vld [tilespmem:$0x1C180]  }
0x857: {  	v19 =	vld [tilespmem:$0x1BD80]  }
0x858: {  	v20 =	vld [tilespmem:$0x1C190]  }
0x859: {  	v21 =	vld [tilespmem:$0x1BD90]  }
0x85a: {  	v22 =	vld [tilespmem:$0x1C1A0]  }
0x85b: {  	v23 =	vld [tilespmem:$0x1BDA0]  }
0x85c: {  	v24 =	vld [tilespmem:$0x1C1B0]  }
0x85d: {  	v25 =	vld [tilespmem:$0x1BDB0]  }
0x85e: {  	v26 =	vld [tilespmem:$0x1C1C0]  }
0x85f: {  	v27 =	vld [tilespmem:$0x1BDC0]  }
0x860: {  	v28 =	vld [tilespmem:$0x1C1D0]  }
0x861: {  	v29 =	vld [tilespmem:$0x1BDD0]  }
0x862: {  	v30 =	vld [tilespmem:$0x1C1E0]  }
0x863: {  	v31 =	vld [tilespmem:$0x1BDE0]  }
0x864: {  	v32 =	vld [tilespmem:$0x1C1F0]  }
0x865: {  	v33 =	vld [tilespmem:$0x1BDF0]  }
0x866: {  	v34 =	vld [tilespmem:$0x1C200]  }
0x867: {  	v35 =	vld [tilespmem:$0x1BE00]  }
0x868: {  	v36 =	vld [tilespmem:$0x1C210]  }
0x869: {  	v37 =	vld [tilespmem:$0x1BE10]  }
0x86a: {  	v38 =	vld [tilespmem:$0x1C220]  }
0x86b: {  	v39 =	vld [tilespmem:$0x1BE20]  }
0x86c: {  	v40 =	vld [tilespmem:$0x1C230]  }
0x86d: {  	v41 =	vld [tilespmem:$0x1BE30]  }
0x86e: {  	v42 =	vld [tilespmem:$0x1C240]  }
0x86f: {  	v43 =	vld [tilespmem:$0x1BE40]  }
0x870: {  	v44 =	vld [tilespmem:$0x1C250]  }
0x871: {  	v45 =	vld [tilespmem:$0x1BE50]  }
0x872: {  	v46 =	vld [tilespmem:$0x1C260]  }
0x873: {  	v47 =	vld [tilespmem:$0x1BE60]  }
0x874: {  	v48 =	vld [tilespmem:$0x1C270]  }
0x875: {  	v49 =	vld [tilespmem:$0x1BE70]  }
0x876: {  	v50 =	vld [tilespmem:$0x1C280]  }
0x877: {  	v51 =	vld [tilespmem:$0x1BE80]  }
0x878: {  	v52 =	vld [tilespmem:$0x1C290]  }
0x879: {  	v53 =	vld [tilespmem:$0x1BE90]  }
0x87a: {  	v54 =	vld [tilespmem:$0x1C2A0]  }
0x87b: {  	v55 =	vld [tilespmem:$0x1BEA0]  }
0x87c: {  	v56 =	vld [tilespmem:$0x1C2B0]  }
0x87d: {  	v57 =	vld [tilespmem:$0x1BEB0]  }
0x87e: {  	v58 =	vld [tilespmem:$0x1C2C0]  }
0x87f: {  	v62 =	vld [tilespmem:$0x1C2E0]  }
0x880: {  	v59 =	vld [tilespmem:$0x1BEC0]  }
0x881: {  	v60 =	vld [tilespmem:$0x1C2D0]  }
0x882: {  	v61 =	vld [tilespmem:$0x1BED0]  }
0x883: {  	v63 =	vld [tilespmem:$0x1BEE0]  }
0x884: {  	[tilespmem:$0x1FE80] =	vst v62;
	v62 =	vld [tilespmem:$0x1C2F0];
	v2 =	vadd.f32 v3, v2  }
0x885: {  	v3 =	vld [tilespmem:$0x1BF20];
	v13 =	vadd.f32 v13, v12  }
0x886: {  	v4 =	vadd.f32 v5, v4;
	v5 =	vld [tilespmem:$0x1C330];
	v17 =	vadd.f32 v17, v16;
	[tilespmem:$0x1C100] =	vst v2  }
0x887: {  	v12 =	vld [tilespmem:$0x1BF60];
	v2 =	vadd.f32 v7, v6;
	[tilespmem:$0x1C150] =	vst v13  }
0x888: {  	v21 =	vadd.f32 v21, v20;
	v16 =	vld [tilespmem:$0x1BF80];
	[tilespmem:$0x1C170] =	vst v17  }
0x889: {  	v20 =	vld [tilespmem:$0x1BFA0];
	[tilespmem:$0x1C120] =	vst v2;
	v2 =	vadd.f32 v11, v10  }
0x88a: {  	v25 =	vadd.f32 v25, v24;
	v29 =	vadd.f32 v29, v28;
	v24 =	vld [tilespmem:$0x1BFC0];
	[tilespmem:$0x1C190] =	vst v21  }
0x88b: {  	v33 =	vadd.f32 v33, v32;
	v28 =	vld [tilespmem:$0x1BFE0];
	[tilespmem:$0x1C140] =	vst v2;
	v2 =	vadd.f32 v15, v14  }
0x88c: {  	v37 =	vadd.f32 v37, v36;
	v36 =	vadd.f32 v41, v40;
	v32 =	vld [tilespmem:$0x1C000];
	[tilespmem:$0x1C1B0] =	vst v25  }
0x88d: {  	v40 =	vadd.f32 v57, v56;
	v57 =	vld [tilespmem:$0x1C460];
	[tilespmem:$0x1C160] =	vst v2;
	v2 =	vadd.f32 v19, v18  }
0x88e: {  	v41 =	vadd.f32 v61, v60;
	v60 =	vld [tilespmem:$0x1C470];
	[tilespmem:$0x1FE90] =	vst v62  }
0x88f: {  	v62 =	vld [tilespmem:$0x1BEF0];
	[tilespmem:$0x1C180] =	vst v2;
	v2 =	vadd.f32 v23, v22  }
0x890: {  	v61 =	vld [tilespmem:$0x1C070];
	[tilespmem:$0x1C1D0] =	vst v29  }
0x891: {  	v6 =	vld [tilespmem:$0x1BF30];
	[tilespmem:$0x1C1A0] =	vst v2;
	v2 =	vadd.f32 v27, v26  }
0x892: {  	v7 =	vld [tilespmem:$0x1C340];
	[tilespmem:$0x1C1F0] =	vst v33  }
0x893: {  	v13 =	vld [tilespmem:$0x1C370];
	[tilespmem:$0x1C1C0] =	vst v2;
	v2 =	vadd.f32 v31, v30  }
0x894: {  	v17 =	vld [tilespmem:$0x1C390];
	[tilespmem:$0x1FEA0] =	vst v62  }
0x895: {  	v62 =	vld [tilespmem:$0x1C300];
	[tilespmem:$0x1C1E0] =	vst v2;
	v2 =	vadd.f32 v35, v34  }
0x896: {  	v21 =	vld [tilespmem:$0x1C3B0];
	[tilespmem:$0x1C210] =	vst v37  }
0x897: {  	v25 =	vld [tilespmem:$0x1C3D0];
	[tilespmem:$0x1C200] =	vst v2;
	v2 =	vadd.f32 v39, v38  }
0x898: {  	v29 =	vld [tilespmem:$0x1C3F0];
	[tilespmem:$0x1C2B0] =	vst v40  }
0x899: {  	v33 =	vld [tilespmem:$0x1C410];
	[tilespmem:$0x1C220] =	vst v2;
	v2 =	vadd.f32 v43, v42  }
0x89a: {  	v37 =	vadd.f32 v45, v44;
	v44 =	vld [tilespmem:$0x1C420];
	[tilespmem:$0x1FEB0] =	vst v62  }
0x89b: {  	v62 =	vld [tilespmem:$0x1BF00];
	[tilespmem:$0x1C240] =	vst v2;
	v2 =	vadd.f32 v47, v46  }
0x89c: {  	[tilespmem:$0x1C2D0] =	vst v41;
	v40 =	vld [tilespmem:$0x1C4A0]  }
0x89d: {  	v41 =	vld [tilespmem:$0x1C0A0];
	[tilespmem:$0x1C260] =	vst v2;
	v2 =	vadd.f32 v51, v50  }
0x89e: {  	v10 =	vld [tilespmem:$0x1BF50]  }
0x89f: {  	v11 =	vld [tilespmem:$0x1C360];
	[tilespmem:$0x1C280] =	vst v2;
	v2 =	vadd.f32 v55, v54  }
0x8a0: {  	v14 =	vld [tilespmem:$0x1BF70];
	[tilespmem:$0x1FEC0] =	vst v62  }
0x8a1: {  	v62 =	vld [tilespmem:$0x1C310];
	[tilespmem:$0x1C2A0] =	vst v2;
	v2 =	vadd.f32 v59, v58  }
0x8a2: {  	v15 =	vld [tilespmem:$0x1C380]  }
0x8a3: {  	[tilespmem:$0x1C2C0] =	vst v2;
	v2 =	vld [tilespmem:$0x1FE80]  }
0x8a4: {  	v18 =	vld [tilespmem:$0x1BF90]  }
0x8a5: {  	v19 =	vld [tilespmem:$0x1C3A0]  }
0x8a6: {  	[tilespmem:$0x1FED0] =	vst v62;
	v62 =	vld [tilespmem:$0x1BF10]  }
0x8a7: {  	v23 =	vld [tilespmem:$0x1C3C0]  }
0x8a8: {  	v26 =	vld [tilespmem:$0x1BFD0];
	v2 =	vadd.f32 v63, v2  }
0x8a9: {  	v45 =	vld [tilespmem:$0x1FEC0]  }
0x8aa: {  	[tilespmem:$0x1C2E0] =	vst v2;
	v2 =	vld [tilespmem:$0x1FEB0]  }
0x8ab: {  	[tilespmem:$0x1FEE0] =	vst v62;
	v62 =	vld [tilespmem:$0x1C320]  }
0x8ac: {  	v27 =	vld [tilespmem:$0x1C3E0]  }
0x8ad: {  	[tilespmem:$0x1C110] =	vst v4;
	v30 =	vld [tilespmem:$0x1BFF0]  }
0x8ae: {  	[tilespmem:$0x1C230] =	vst v36;
	v31 =	vld [tilespmem:$0x1C400]  }
0x8af: {  	[tilespmem:$0x1C250] =	vst v37;
	v34 =	vld [tilespmem:$0x1C010];
	v2 =	vadd.f32 v45, v2  }
0x8b0: {  	v56 =	vadd.f32 v14, v13;
	v42 =	vld [tilespmem:$0x1FE90];
	[tilespmem:$0x1FEF0] =	vst v62  }
0x8b1: {  	v25 =	vadd.f32 v26, v25;
	[tilespmem:$0x1C300] =	vst v2;
	v2 =	vld [tilespmem:$0x1FEF0]  }
0x8b2: {  	[tilespmem:$0x1C370] =	vst v56;
	v39 =	vadd.f32 v53, v52;
	v43 =	vld [tilespmem:$0x1FEA0]  }
0x8b3: {  	v38 =	vadd.f32 v49, v48;
	[tilespmem:$0x1C3D0] =	vst v25;
	v62 =	vadd.f32 v9, v8;
	v8 =	vld [tilespmem:$0x1BF40]  }
0x8b4: {  	v26 =	vld [tilespmem:$0x1C490];
	[tilespmem:$0x1C290] =	vst v39;
	v39 =	vadd.f32 v30, v29  }
0x8b5: {  	v49 =	vld [tilespmem:$0x1C430];
	[tilespmem:$0x1C270] =	vst v38;
	v50 =	vadd.f32 v6, v5  }
0x8b6: {  	v52 =	vld [tilespmem:$0x1C040];
	[tilespmem:$0x1C3F0] =	vst v39;
	v2 =	vadd.f32 v3, v2  }
0x8b7: {  	v38 =	vld [tilespmem:$0x1C090];
	v4 =	vadd.f32 v43, v42;
	[tilespmem:$0x1C330] =	vst v50  }
0x8b8: {  	v46 =	vld [tilespmem:$0x1C020];
	[tilespmem:$0x1C320] =	vst v2;
	v2 =	vadd.f32 v8, v7  }
0x8b9: {  	v42 =	vadd.f32 v34, v33;
	v47 =	vld [tilespmem:$0x1FED0];
	[tilespmem:$0x1C2F0] =	vst v4  }
0x8ba: {  	v48 =	vld [tilespmem:$0x1FEE0];
	[tilespmem:$0x1C340] =	vst v2;
	v2 =	vadd.f32 v12, v11  }
0x8bb: {  	v51 =	vld [tilespmem:$0x1C440];
	[tilespmem:$0x1C410] =	vst v42  }
0x8bc: {  	v9 =	vld [tilespmem:$0x1C350];
	[tilespmem:$0x1C360] =	vst v2;
	v2 =	vadd.f32 v16, v15  }
0x8bd: {  	v43 =	vld [tilespmem:$0x1C4B0];
	v59 =	vadd.f32 v18, v17;
	[tilespmem:$0x1C130] =	vst v62  }
0x8be: {  	v62 =	vld [tilespmem:$0x1BFB0];
	[tilespmem:$0x1C380] =	vst v2;
	v2 =	vadd.f32 v20, v19  }
0x8bf: {  	v54 =	vld [tilespmem:$0x1C450];
	[tilespmem:$0x1C390] =	vst v59;
	v4 =	vadd.f32 v48, v47  }
0x8c0: {  	v3 =	vld [tilespmem:$0x1C030];
	[tilespmem:$0x1C3A0] =	vst v2;
	v2 =	vadd.f32 v24, v23  }
0x8c1: {  	v55 =	vld [tilespmem:$0x1C050];
	[tilespmem:$0x1C310] =	vst v4;
	v53 =	vadd.f32 v10, v9  }
0x8c2: {  	v50 =	vld [tilespmem:$0x1C0E0];
	[tilespmem:$0x1C3C0] =	vst v2;
	v2 =	vadd.f32 v28, v27  }
0x8c3: {  	v58 =	vld [tilespmem:$0x1C060];
	[tilespmem:$0x1C350] =	vst v53;
	v62 =	vadd.f32 v62, v21  }
0x8c4: {  	v63 =	vld [tilespmem:$0x1C480];
	[tilespmem:$0x1C3E0] =	vst v2;
	v2 =	vadd.f32 v32, v31  }
0x8c5: {  	v47 =	vld [tilespmem:$0x1C4D0];
	[tilespmem:$0x1C3B0] =	vst v62;
	v3 =	vadd.f32 v3, v49  }
0x8c6: {  	v48 =	vld [tilespmem:$0x1C0D0];
	[tilespmem:$0x1C400] =	vst v2;
	v2 =	vadd.f32 v46, v44  }
0x8c7: {  	[tilespmem:$0x1C430] =	vst v3;
	v3 =	vadd.f32 v55, v54;
	v24 =	vld [tilespmem:$0x1C080]  }
0x8c8: {  	v44 =	vld [tilespmem:$0x1C0B0];
	[tilespmem:$0x1C420] =	vst v2;
	v2 =	vadd.f32 v52, v51  }
0x8c9: {  	v45 =	vld [tilespmem:$0x1C4C0];
	[tilespmem:$0x1C450] =	vst v3;
	v3 =	vadd.f32 v61, v60  }
0x8ca: {  	v46 =	vld [tilespmem:$0x1C0C0];
	[tilespmem:$0x1C440] =	vst v2;
	v2 =	vadd.f32 v58, v57  }
0x8cb: {  	[tilespmem:$0x1C470] =	vst v3;
	v3 =	vadd.f32 v38, v26;
	v51 =	vld [tilespmem:$0x1C4F0]  }
0x8cc: {  	v52 =	vld [tilespmem:$0x1C0F0];
	[tilespmem:$0x1C460] =	vst v2;
	v2 =	vadd.f32 v24, v63  }
0x8cd: {  	v49 =	vld [tilespmem:$0x1C4E0];
	[tilespmem:$0x1C490] =	vst v3;
	v3 =	vadd.f32 v44, v43  }
0x8ce: {  	[tilespmem:$0x1C480] =	vst v2;
	v2 =	vadd.f32 v41, v40  }
0x8cf: {  	[tilespmem:$0x1C4B0] =	vst v3;
	v3 =	vadd.f32 v48, v47  }
0x8d0: {  	[tilespmem:$0x1C4A0] =	vst v2;
	v2 =	vadd.f32 v46, v45  }
0x8d1: {  	[tilespmem:$0x1C4D0] =	vst v3;
	v3 =	vadd.f32 v52, v51  }
0x8d2: {  	[tilespmem:$0x1C4C0] =	vst v2;
	v2 =	vadd.f32 v50, v49  }
0x8d3: {  	[tilespmem:$0x1C4F0] =	vst v3  }
0x8d4: {  	s13 =	rddreg [dreg:$0x1d];
	[tilespmem:$0x1C4E0] =	vst v2  }
0x8d5: {  	[tilespmem:s9], [sflag:$0x5] =	stream.linear.gather [spmem:s13], $0x400, $0x38;
	[tilespmem:$0x1C500] =	vst v63  }
0x8d6: {  	_ =	swait.ge [sflag:s30], $0x400  }
0x8d7: {  	[sflag:s30] =	ssyncset.done $0x0  }
0x8d8: {  	[sflag:s30] =	ssyncadd.s32 $0xFFFFFC00  }
0x8d9: {  	v2 =	vld [tilespmem:$0x1C100]  }
0x8da: {  	v3 =	vld [tilespmem:$0x1BD00]  }
0x8db: {  	v4 =	vld [tilespmem:$0x1C110]  }
0x8dc: {  	v53 =	vld [tilespmem:$0x1BD10]  }
0x8dd: {  	v6 =	vld [tilespmem:$0x1C120]  }
0x8de: {  	v54 =	vld [tilespmem:$0x1BD20]  }
0x8df: {  	v55 =	vld [tilespmem:$0x1C130]  }
0x8e0: {  	v56 =	vld [tilespmem:$0x1BD30]  }
0x8e1: {  	v10 =	vld [tilespmem:$0x1C140]  }
0x8e2: {  	v57 =	vld [tilespmem:$0x1BD40]  }
0x8e3: {  	v58 =	vld [tilespmem:$0x1C150]  }
0x8e4: {  	v59 =	vld [tilespmem:$0x1BD50]  }
0x8e5: {  	v60 =	vld [tilespmem:$0x1C160]  }
0x8e6: {  	v61 =	vld [tilespmem:$0x1BD60]  }
0x8e7: {  	v62 =	vld [tilespmem:$0x1C170]  }
0x8e8: {  	v63 =	vld [tilespmem:$0x1BD70]  }
0x8e9: {  	v36 =	vld [tilespmem:$0x1C180]  }
0x8ea: {  	v37 =	vld [tilespmem:$0x1BD80]  }
0x8eb: {  	v38 =	vld [tilespmem:$0x1C190]  }
0x8ec: {  	v39 =	vld [tilespmem:$0x1BD90]  }
0x8ed: {  	v40 =	vld [tilespmem:$0x1C1A0]  }
0x8ee: {  	v41 =	vld [tilespmem:$0x1BDA0]  }
0x8ef: {  	v42 =	vld [tilespmem:$0x1C1B0]  }
0x8f0: {  	v43 =	vld [tilespmem:$0x1BDB0]  }
0x8f1: {  	v44 =	vld [tilespmem:$0x1C1C0]  }
0x8f2: {  	v45 =	vld [tilespmem:$0x1BDC0]  }
0x8f3: {  	v46 =	vld [tilespmem:$0x1C1D0]  }
0x8f4: {  	v47 =	vld [tilespmem:$0x1BDD0]  }
0x8f5: {  	v48 =	vld [tilespmem:$0x1C1E0]  }
0x8f6: {  	v49 =	vld [tilespmem:$0x1BDE0]  }
0x8f7: {  	v50 =	vld [tilespmem:$0x1C1F0]  }
0x8f8: {  	v51 =	vld [tilespmem:$0x1BDF0]  }
0x8f9: {  	v52 =	vld [tilespmem:$0x1C200]  }
0x8fa: {  	v21 =	vld [tilespmem:$0x1C250]  }
0x8fb: {  	v23 =	vld [tilespmem:$0x1BE50]  }
0x8fc: {  	v25 =	vld [tilespmem:$0x1C260]  }
0x8fd: {  	v27 =	vld [tilespmem:$0x1BE60]  }
0x8fe: {  	v14 =	vld [tilespmem:$0x1C320]  }
0x8ff: {  	v18 =	vld [tilespmem:$0x1C340]  }
0x900: {  	v22 =	vld [tilespmem:$0x1C360]  }
0x901: {  	v26 =	vld [tilespmem:$0x1C380]  }
0x902: {  	v28 =	vld [tilespmem:$0x1C390]  }
0x903: {  	v29 =	vld [tilespmem:$0x1BF90]  }
0x904: {  	v30 =	vld [tilespmem:$0x1C3A0]  }
0x905: {  	v31 =	vld [tilespmem:$0x1BFA0]  }
0x906: {  	v32 =	vld [tilespmem:$0x1C3B0]  }
0x907: {  	v33 =	vld [tilespmem:$0x1BFB0]  }
0x908: {  	v34 =	vld [tilespmem:$0x1C3C0]  }
0x909: {  	v2 =	vadd.f32 v3, v2;
	v3 =	vld [tilespmem:$0x1BE00]  }
0x90a: {  	v4 =	vadd.f32 v53, v4;
	v53 =	vld [tilespmem:$0x1C210]  }
0x90b: {  	v55 =	vadd.f32 v56, v55;
	v56 =	vld [tilespmem:$0x1C220]  }
0x90c: {  	v58 =	vadd.f32 v59, v58;
	v59 =	vld [tilespmem:$0x1C230]  }
0x90d: {  	v20 =	vadd.f32 v39, v38;
	v39 =	vld [tilespmem:$0x1C280]  }
0x90e: {  	v24 =	vadd.f32 v43, v42;
	v42 =	vld [tilespmem:$0x1BE90]  }
0x90f: {  	v35 =	vadd.f32 v47, v46;
	v47 =	vld [tilespmem:$0x1C2B0]  }
0x910: {  	v38 =	vadd.f32 v51, v50;
	v50 =	vld [tilespmem:$0x1BED0]  }
0x911: {  	v51 =	vld [tilespmem:$0x1BEE0]  }
0x912: {  	[tilespmem:$0x1C100] =	vst v2;
	v2 =	vadd.f32 v54, v6;
	v54 =	vld [tilespmem:$0x1BE10]  }
0x913: {  	[tilespmem:$0x1C110] =	vst v4;
	v4 =	vld [tilespmem:$0x1C2D0]  }
0x914: {  	v6 =	vld [tilespmem:$0x1C2E0]  }
0x915: {  	[tilespmem:$0x1C130] =	vst v55;
	v55 =	vld [tilespmem:$0x1C310]  }
0x916: {  	[tilespmem:$0x1C150] =	vst v58;
	v58 =	vld [tilespmem:$0x1C330]  }
0x917: {  	[tilespmem:$0x1C1B0] =	vst v24;
	v24 =	vld [tilespmem:$0x1C370]  }
0x918: {  	[tilespmem:$0x1C1D0] =	vst v35;
	v35 =	vld [tilespmem:$0x1BFC0]  }
0x919: {  	[tilespmem:$0x1C120] =	vst v2;
	v2 =	vadd.f32 v57, v10;
	v57 =	vld [tilespmem:$0x1BE20]  }
0x91a: {  	v10 =	vld [tilespmem:$0x1C300]  }
0x91b: {  	[tilespmem:$0x1C140] =	vst v2;
	v2 =	vadd.f32 v61, v60;
	v60 =	vld [tilespmem:$0x1BE30]  }
0x91c: {  	v61 =	vadd.f32 v63, v62;
	v62 =	vld [tilespmem:$0x1C240]  }
0x91d: {  	v63 =	vld [tilespmem:$0x1BE40]  }
0x91e: {  	[tilespmem:$0x1C160] =	vst v2;
	v2 =	vadd.f32 v37, v36;
	v36 =	vld [tilespmem:$0x1C270]  }
0x91f: {  	v37 =	vld [tilespmem:$0x1BE70]  }
0x920: {  	[tilespmem:$0x1C170] =	vst v61;
	v61 =	vld [tilespmem:$0x1C350]  }
0x921: {  	[tilespmem:$0x1C180] =	vst v2;
	v2 =	vadd.f32 v41, v40;
	v41 =	vld [tilespmem:$0x1C290]  }
0x922: {  	v40 =	vadd.f32 v54, v53;
	v53 =	vld [tilespmem:$0x1BEF0]  }
0x923: {  	v54 =	vld [tilespmem:$0x1BF00];
	[tilespmem:$0x1C1A0] =	vst v2;
	v2 =	vadd.f32 v45, v44  }
0x924: {  	v43 =	vadd.f32 v60, v59;
	v59 =	vld [tilespmem:$0x1BF30]  }
0x925: {  	v60 =	vld [tilespmem:$0x1BF40];
	[tilespmem:$0x1C1C0] =	vst v2;
	v2 =	vadd.f32 v49, v48  }
0x926: {  	[tilespmem:$0x1C190] =	vst v20;
	v44 =	vld [tilespmem:$0x1C2A0]  }
0x927: {  	v45 =	vld [tilespmem:$0x1BEA0];
	[tilespmem:$0x1C1E0] =	vst v2;
	v2 =	vadd.f32 v3, v52  }
0x928: {  	v46 =	vadd.f32 v23, v21;
	[tilespmem:$0x1C1F0] =	vst v38;
	v48 =	vld [tilespmem:$0x1BEB0]  }
0x929: {  	v49 =	vadd.f32 v37, v36;
	v36 =	vld [tilespmem:$0x1C3D0];
	[tilespmem:$0x1C200] =	vst v2;
	v2 =	vadd.f32 v57, v56  }
0x92a: {  	[tilespmem:$0x1C250] =	vst v46;
	v3 =	vld [tilespmem:$0x1BE80]  }
0x92b: {  	v37 =	vld [tilespmem:$0x1BFD0];
	[tilespmem:$0x1C220] =	vst v2;
	v2 =	vadd.f32 v63, v62  }
0x92c: {  	[tilespmem:$0x1C210] =	vst v40;
	v52 =	vld [tilespmem:$0x1C2F0]  }
0x92d: {  	v56 =	vld [tilespmem:$0x1BF10];
	[tilespmem:$0x1C240] =	vst v2;
	v2 =	vadd.f32 v27, v25  }
0x92e: {  	[tilespmem:$0x1C230] =	vst v43;
	v57 =	vld [tilespmem:$0x1BF20]  }
0x92f: {  	v62 =	vld [tilespmem:$0x1BF50];
	[tilespmem:$0x1C260] =	vst v2;
	v2 =	vadd.f32 v3, v39  }
0x930: {  	[tilespmem:$0x1C270] =	vst v49;
	v63 =	vld [tilespmem:$0x1BF60];
	v3 =	vadd.f32 v42, v41  }
0x931: {  	v25 =	vld [tilespmem:$0x1BF70];
	[tilespmem:$0x1C280] =	vst v2;
	v2 =	vadd.f32 v45, v44  }
0x932: {  	v27 =	vld [tilespmem:$0x1BF80];
	[tilespmem:$0x1C290] =	vst v3;
	v3 =	vadd.f32 v48, v47  }
0x933: {  	[tilespmem:$0x1C2A0] =	vst v2;
	v2 =	vld [tilespmem:$0x1C2C0]  }
0x934: {  	[tilespmem:$0x1C2B0] =	vst v3;
	v3 =	vld [tilespmem:$0x1BEC0]  }
0x935: {  	v45 =	vld [tilespmem:$0x1C3E0]  }
0x936: {  	v46 =	vld [tilespmem:$0x1BFE0]  }
0x937: {  	v47 =	vld [tilespmem:$0x1C3F0]  }
0x938: {  	v48 =	vld [tilespmem:$0x1BFF0]  }
0x939: {  	v49 =	vld [tilespmem:$0x1C400]  }
0x93a: {  	v4 =	vadd.f32 v50, v4;
	v50 =	vld [tilespmem:$0x1C410];
	v2 =	vadd.f32 v3, v2  }
0x93b: {  	v52 =	vadd.f32 v53, v52;
	v53 =	vld [tilespmem:$0x1C420]  }
0x93c: {  	v55 =	vadd.f32 v56, v55;
	v56 =	vld [tilespmem:$0x1C430];
	[tilespmem:$0x1C2C0] =	vst v2;
	v2 =	vadd.f32 v51, v6  }
0x93d: {  	v58 =	vadd.f32 v59, v58;
	[tilespmem:$0x1C2D0] =	vst v4;
	v59 =	vld [tilespmem:$0x1C440]  }
0x93e: {  	v61 =	vadd.f32 v62, v61;
	v62 =	vld [tilespmem:$0x1C450];
	[tilespmem:$0x1C2E0] =	vst v2;
	v2 =	vadd.f32 v54, v10  }
0x93f: {  	v24 =	vadd.f32 v25, v24;
	[tilespmem:$0x1C2F0] =	vst v52;
	v25 =	vld [tilespmem:$0x1C460]  }
0x940: {  	v28 =	vadd.f32 v29, v28;
	v29 =	vld [tilespmem:$0x1C470];
	[tilespmem:$0x1C300] =	vst v2;
	v2 =	vadd.f32 v57, v14  }
0x941: {  	v32 =	vadd.f32 v33, v32;
	[tilespmem:$0x1C310] =	vst v55;
	v33 =	vld [tilespmem:$0x1C480]  }
0x942: {  	v36 =	vadd.f32 v37, v36;
	v37 =	vld [tilespmem:$0x1C490];
	[tilespmem:$0x1C320] =	vst v2;
	v2 =	vadd.f32 v60, v18  }
0x943: {  	[tilespmem:$0x1C330] =	vst v58;
	v43 =	vld [tilespmem:$0x1C090]  }
0x944: {  	v3 =	vld [tilespmem:$0x1C000];
	[tilespmem:$0x1C340] =	vst v2;
	v2 =	vadd.f32 v63, v22  }
0x945: {  	[tilespmem:$0x1C350] =	vst v61;
	v44 =	vadd.f32 v48, v47;
	v47 =	vld [tilespmem:$0x1C4B0]  }
0x946: {  	v48 =	vld [tilespmem:$0x1C0B0];
	[tilespmem:$0x1C360] =	vst v2;
	v2 =	vadd.f32 v27, v26  }
0x947: {  	[tilespmem:$0x1C370] =	vst v24;
	v51 =	vld [tilespmem:$0x1C010]  }
0x948: {  	v54 =	vld [tilespmem:$0x1C020];
	[tilespmem:$0x1C380] =	vst v2;
	v2 =	vadd.f32 v31, v30  }
0x949: {  	[tilespmem:$0x1C390] =	vst v28;
	v57 =	vld [tilespmem:$0x1C030]  }
0x94a: {  	v60 =	vld [tilespmem:$0x1C040];
	[tilespmem:$0x1C3A0] =	vst v2;
	v2 =	vadd.f32 v35, v34  }
0x94b: {  	[tilespmem:$0x1C3B0] =	vst v32;
	v63 =	vld [tilespmem:$0x1C050]  }
0x94c: {  	v27 =	vld [tilespmem:$0x1C060];
	[tilespmem:$0x1C3C0] =	vst v2;
	v2 =	vadd.f32 v46, v45  }
0x94d: {  	[tilespmem:$0x1C3D0] =	vst v36;
	v31 =	vld [tilespmem:$0x1C070]  }
0x94e: {  	v35 =	vld [tilespmem:$0x1C080];
	[tilespmem:$0x1C3E0] =	vst v2;
	v2 =	vadd.f32 v3, v49  }
0x94f: {  	v58 =	vadd.f32 v43, v37;
	[tilespmem:$0x1C3F0] =	vst v44;
	v45 =	vld [tilespmem:$0x1C4A0]  }
0x950: {  	v46 =	vadd.f32 v51, v50;
	v50 =	vld [tilespmem:$0x1C4C0];
	[tilespmem:$0x1C400] =	vst v2;
	v2 =	vadd.f32 v54, v53  }
0x951: {  	[tilespmem:$0x1C490] =	vst v58;
	v52 =	vadd.f32 v63, v62;
	v51 =	vld [tilespmem:$0x1C0C0]  }
0x952: {  	v3 =	vld [tilespmem:$0x1C0A0];
	[tilespmem:$0x1C420] =	vst v2;
	v2 =	vadd.f32 v60, v59  }
0x953: {  	[tilespmem:$0x1C450] =	vst v52;
	v49 =	vadd.f32 v57, v56;
	v56 =	vld [tilespmem:$0x1C4E0]  }
0x954: {  	v57 =	vld [tilespmem:$0x1C0E0];
	[tilespmem:$0x1C440] =	vst v2;
	v2 =	vadd.f32 v27, v25  }
0x955: {  	v55 =	vadd.f32 v31, v29;
	[tilespmem:$0x1C410] =	vst v46;
	v53 =	vld [tilespmem:$0x1C4D0]  }
0x956: {  	v54 =	vld [tilespmem:$0x1C0D0];
	[tilespmem:$0x1C460] =	vst v2;
	v2 =	vadd.f32 v35, v33  }
0x957: {  	[tilespmem:$0x1C470] =	vst v55;
	v59 =	vld [tilespmem:$0x1C4F0]  }
0x958: {  	[tilespmem:$0x1C480] =	vst v2;
	v2 =	vadd.f32 v3, v45;
	v3 =	vld [tilespmem:$0x1C0F0]  }
0x959: {  	[tilespmem:$0x1C430] =	vst v49;
	v60 =	vadd.f32 v48, v47  }
0x95a: {  	[tilespmem:$0x1C4A0] =	vst v2;
	v2 =	vadd.f32 v51, v50  }
0x95b: {  	[tilespmem:$0x1C4B0] =	vst v60;
	v61 =	vadd.f32 v54, v53  }
0x95c: {  	[tilespmem:$0x1C4C0] =	vst v2;
	v2 =	vadd.f32 v57, v56  }
0x95d: {  	[tilespmem:$0x1C4D0] =	vst v61;
	v3 =	vadd.f32 v3, v59  }
0x95e: {  	[tilespmem:$0x1C4E0] =	vst v2  }
0x95f: {  	s14 =	rddreg [dreg:$0x1e];
	[tilespmem:$0x1C4F0] =	vst v3  }
0x960: {  	[tilespmem:s9], [sflag:$0x5] =	stream.linear.gather [spmem:s14], $0x400, $0x38;
	[tilespmem:$0x1C500] =	vst v63  }
0x961: {  	_ =	swait.ge [sflag:s30], $0x400  }
0x962: {  	[sflag:s30] =	ssyncset.done $0x0  }
0x963: {  	[sflag:s30] =	ssyncadd.s32 $0xFFFFFC00  }
0x964: {  	v2 =	vld [tilespmem:$0x1C100]  }
0x965: {  	v3 =	vld [tilespmem:$0x1BD00]  }
0x966: {  	v4 =	vld [tilespmem:$0x1C110]  }
0x967: {  	v5 =	vld [tilespmem:$0x1BD10]  }
0x968: {  	v6 =	vld [tilespmem:$0x1C120]  }
0x969: {  	v7 =	vld [tilespmem:$0x1BD20]  }
0x96a: {  	v8 =	vld [tilespmem:$0x1C130]  }
0x96b: {  	v9 =	vld [tilespmem:$0x1BD30]  }
0x96c: {  	v10 =	vld [tilespmem:$0x1C140]  }
0x96d: {  	v11 =	vld [tilespmem:$0x1BD40]  }
0x96e: {  	v12 =	vld [tilespmem:$0x1C150]  }
0x96f: {  	v13 =	vld [tilespmem:$0x1BD50]  }
0x970: {  	v14 =	vld [tilespmem:$0x1C160]  }
0x971: {  	v15 =	vld [tilespmem:$0x1BD60]  }
0x972: {  	v16 =	vld [tilespmem:$0x1C170]  }
0x973: {  	v17 =	vld [tilespmem:$0x1BD70]  }
0x974: {  	v18 =	vld [tilespmem:$0x1C180]  }
0x975: {  	v19 =	vld [tilespmem:$0x1BD80]  }
0x976: {  	v20 =	vld [tilespmem:$0x1C190]  }
0x977: {  	v21 =	vld [tilespmem:$0x1BD90]  }
0x978: {  	v22 =	vld [tilespmem:$0x1C1A0]  }
0x979: {  	v23 =	vld [tilespmem:$0x1BDA0]  }
0x97a: {  	v24 =	vld [tilespmem:$0x1C1B0]  }
0x97b: {  	v25 =	vld [tilespmem:$0x1BDB0]  }
0x97c: {  	v26 =	vld [tilespmem:$0x1C1C0]  }
0x97d: {  	v27 =	vld [tilespmem:$0x1BDC0]  }
0x97e: {  	v28 =	vld [tilespmem:$0x1C1D0]  }
0x97f: {  	v29 =	vld [tilespmem:$0x1BDD0]  }
0x980: {  	v30 =	vld [tilespmem:$0x1C1E0]  }
0x981: {  	v31 =	vld [tilespmem:$0x1BDE0]  }
0x982: {  	v32 =	vld [tilespmem:$0x1C1F0]  }
0x983: {  	v33 =	vld [tilespmem:$0x1BDF0]  }
0x984: {  	v34 =	vld [tilespmem:$0x1C200]  }
0x985: {  	v35 =	vld [tilespmem:$0x1BE00]  }
0x986: {  	v36 =	vld [tilespmem:$0x1C210]  }
0x987: {  	v37 =	vld [tilespmem:$0x1BE10]  }
0x988: {  	v38 =	vld [tilespmem:$0x1C220]  }
0x989: {  	v39 =	vld [tilespmem:$0x1BE20]  }
0x98a: {  	v40 =	vld [tilespmem:$0x1C230]  }
0x98b: {  	v41 =	vld [tilespmem:$0x1BE30]  }
0x98c: {  	v42 =	vld [tilespmem:$0x1C240]  }
0x98d: {  	v43 =	vld [tilespmem:$0x1BE40]  }
0x98e: {  	v44 =	vld [tilespmem:$0x1C250]  }
0x98f: {  	v45 =	vld [tilespmem:$0x1BE50]  }
0x990: {  	v46 =	vld [tilespmem:$0x1C260]  }
0x991: {  	v47 =	vld [tilespmem:$0x1BE60]  }
0x992: {  	v48 =	vld [tilespmem:$0x1C270]  }
0x993: {  	v49 =	vld [tilespmem:$0x1BE70]  }
0x994: {  	v50 =	vld [tilespmem:$0x1C280]  }
0x995: {  	v51 =	vld [tilespmem:$0x1BE80]  }
0x996: {  	v52 =	vld [tilespmem:$0x1C290]  }
0x997: {  	v53 =	vld [tilespmem:$0x1BE90]  }
0x998: {  	v54 =	vld [tilespmem:$0x1C2A0]  }
0x999: {  	v55 =	vld [tilespmem:$0x1BEA0]  }
0x99a: {  	v56 =	vld [tilespmem:$0x1C2B0]  }
0x99b: {  	v57 =	vld [tilespmem:$0x1BEB0]  }
0x99c: {  	v58 =	vld [tilespmem:$0x1C2C0]  }
0x99d: {  	v62 =	vld [tilespmem:$0x1C2E0]  }
0x99e: {  	v59 =	vld [tilespmem:$0x1BEC0]  }
0x99f: {  	v60 =	vld [tilespmem:$0x1C2D0]  }
0x9a0: {  	v61 =	vld [tilespmem:$0x1BED0]  }
0x9a1: {  	v63 =	vld [tilespmem:$0x1BEE0]  }
0x9a2: {  	[tilespmem:$0x1FF00] =	vst v62;
	v62 =	vld [tilespmem:$0x1C2F0]  }
0x9a3: {  	v2 =	vadd.f32 v3, v2;
	v3 =	vld [tilespmem:$0x1BF20]  }
0x9a4: {  	v4 =	vadd.f32 v5, v4;
	v5 =	vld [tilespmem:$0x1C330];
	v13 =	vadd.f32 v13, v12  }
0x9a5: {  	v12 =	vld [tilespmem:$0x1BF60];
	[tilespmem:$0x1C100] =	vst v2;
	v2 =	vadd.f32 v7, v6  }
0x9a6: {  	v17 =	vadd.f32 v17, v16;
	v16 =	vld [tilespmem:$0x1BF80];
	[tilespmem:$0x1C150] =	vst v13  }
0x9a7: {  	v21 =	vadd.f32 v21, v20;
	v20 =	vld [tilespmem:$0x1BFA0];
	[tilespmem:$0x1C120] =	vst v2;
	v2 =	vadd.f32 v11, v10  }
0x9a8: {  	v25 =	vadd.f32 v25, v24;
	v24 =	vld [tilespmem:$0x1BFC0];
	[tilespmem:$0x1C170] =	vst v17  }
0x9a9: {  	v44 =	vadd.f32 v45, v44;
	v45 =	vld [tilespmem:$0x1BFD0];
	[tilespmem:$0x1C140] =	vst v2;
	v2 =	vadd.f32 v15, v14  }
0x9aa: {  	v29 =	vadd.f32 v29, v28;
	v28 =	vld [tilespmem:$0x1BFE0];
	[tilespmem:$0x1C190] =	vst v21  }
0x9ab: {  	v33 =	vadd.f32 v33, v32;
	v32 =	vld [tilespmem:$0x1C000];
	[tilespmem:$0x1C160] =	vst v2;
	v2 =	vadd.f32 v19, v18  }
0x9ac: {  	v37 =	vadd.f32 v37, v36;
	v36 =	vld [tilespmem:$0x1C020];
	[tilespmem:$0x1FF10] =	vst v62  }
0x9ad: {  	v62 =	vld [tilespmem:$0x1BEF0];
	[tilespmem:$0x1C180] =	vst v2;
	v2 =	vadd.f32 v23, v22  }
0x9ae: {  	v41 =	vadd.f32 v41, v40;
	v40 =	vld [tilespmem:$0x1C470];
	[tilespmem:$0x1C1B0] =	vst v25  }
0x9af: {  	v6 =	vld [tilespmem:$0x1BF30];
	[tilespmem:$0x1C1A0] =	vst v2;
	v2 =	vadd.f32 v27, v26  }
0x9b0: {  	v7 =	vld [tilespmem:$0x1C340];
	[tilespmem:$0x1C1D0] =	vst v29  }
0x9b1: {  	v13 =	vld [tilespmem:$0x1C370];
	[tilespmem:$0x1C1C0] =	vst v2;
	v2 =	vadd.f32 v31, v30  }
0x9b2: {  	v17 =	vld [tilespmem:$0x1C390];
	[tilespmem:$0x1FF20] =	vst v62  }
0x9b3: {  	v62 =	vld [tilespmem:$0x1C300];
	[tilespmem:$0x1C1E0] =	vst v2;
	v2 =	vadd.f32 v35, v34  }
0x9b4: {  	[tilespmem:$0x1C1F0] =	vst v33;
	v21 =	vld [tilespmem:$0x1C3B0]  }
0x9b5: {  	v25 =	vld [tilespmem:$0x1C3D0];
	[tilespmem:$0x1C200] =	vst v2;
	v2 =	vadd.f32 v39, v38  }
0x9b6: {  	[tilespmem:$0x1C230] =	vst v41;
	v29 =	vld [tilespmem:$0x1C3F0]  }
0x9b7: {  	v33 =	vld [tilespmem:$0x1C410];
	[tilespmem:$0x1C220] =	vst v2;
	v2 =	vadd.f32 v43, v42  }
0x9b8: {  	v41 =	vld [tilespmem:$0x1C070];
	[tilespmem:$0x1FF30] =	vst v62  }
0x9b9: {  	v62 =	vld [tilespmem:$0x1BF00];
	[tilespmem:$0x1C240] =	vst v2;
	v2 =	vadd.f32 v47, v46  }
0x9ba: {  	[tilespmem:$0x1C250] =	vst v44;
	v44 =	vld [tilespmem:$0x1C080]  }
0x9bb: {  	v10 =	vld [tilespmem:$0x1BF50];
	[tilespmem:$0x1C260] =	vst v2;
	v2 =	vadd.f32 v51, v50  }
0x9bc: {  	v11 =	vld [tilespmem:$0x1C360]  }
0x9bd: {  	v15 =	vld [tilespmem:$0x1C380];
	[tilespmem:$0x1C280] =	vst v2;
	v2 =	vadd.f32 v55, v54  }
0x9be: {  	v18 =	vld [tilespmem:$0x1BF90];
	[tilespmem:$0x1FF40] =	vst v62  }
0x9bf: {  	v62 =	vld [tilespmem:$0x1C310];
	[tilespmem:$0x1C2A0] =	vst v2;
	v2 =	vadd.f32 v59, v58  }
0x9c0: {  	v19 =	vld [tilespmem:$0x1C3A0]  }
0x9c1: {  	[tilespmem:$0x1C2C0] =	vst v2;
	v2 =	vld [tilespmem:$0x1FF00]  }
0x9c2: {  	v22 =	vld [tilespmem:$0x1BFB0]  }
0x9c3: {  	v23 =	vld [tilespmem:$0x1C3C0]  }
0x9c4: {  	[tilespmem:$0x1FF50] =	vst v62;
	v62 =	vld [tilespmem:$0x1BF10]  }
0x9c5: {  	v27 =	vld [tilespmem:$0x1C3E0]  }
0x9c6: {  	v30 =	vld [tilespmem:$0x1BFF0];
	v2 =	vadd.f32 v63, v2  }
0x9c7: {  	v47 =	vadd.f32 v53, v52;
	v52 =	vld [tilespmem:$0x1FF40]  }
0x9c8: {  	[tilespmem:$0x1C2E0] =	vst v2;
	v2 =	vld [tilespmem:$0x1FF30]  }
0x9c9: {  	[tilespmem:$0x1FF60] =	vst v62;
	v62 =	vld [tilespmem:$0x1C320]  }
0x9ca: {  	[tilespmem:$0x1C110] =	vst v4;
	v45 =	vadd.f32 v45, v25;
	v31 =	vld [tilespmem:$0x1C400]  }
0x9cb: {  	[tilespmem:$0x1C210] =	vst v37;
	v34 =	vld [tilespmem:$0x1C010];
	v39 =	vadd.f32 v18, v17  }
0x9cc: {  	[tilespmem:$0x1C3D0] =	vst v45;
	v35 =	vld [tilespmem:$0x1C420]  }
0x9cd: {  	v38 =	vld [tilespmem:$0x1C060];
	[tilespmem:$0x1C390] =	vst v39;
	v2 =	vadd.f32 v52, v2  }
0x9ce: {  	v42 =	vadd.f32 v22, v21;
	v43 =	vld [tilespmem:$0x1C480];
	[tilespmem:$0x1FF70] =	vst v62  }
0x9cf: {  	v46 =	vadd.f32 v49, v48;
	[tilespmem:$0x1C300] =	vst v2;
	v2 =	vld [tilespmem:$0x1FF70]  }
0x9d0: {  	[tilespmem:$0x1C3B0] =	vst v42;
	v50 =	vld [tilespmem:$0x1FF10]  }
0x9d1: {  	v48 =	vadd.f32 v57, v56;
	[tilespmem:$0x1C270] =	vst v46;
	v62 =	vadd.f32 v9, v8;
	v8 =	vld [tilespmem:$0x1BF40]  }
0x9d2: {  	v49 =	vadd.f32 v61, v60;
	[tilespmem:$0x1C290] =	vst v47;
	v51 =	vld [tilespmem:$0x1FF20]  }
0x9d3: {  	v56 =	vadd.f32 v6, v5;
	v57 =	vld [tilespmem:$0x1C440];
	[tilespmem:$0x1C2B0] =	vst v48  }
0x9d4: {  	v60 =	vld [tilespmem:$0x1C450];
	[tilespmem:$0x1C2D0] =	vst v49;
	v2 =	vadd.f32 v3, v2  }
0x9d5: {  	v61 =	vld [tilespmem:$0x1C050];
	[tilespmem:$0x1C330] =	vst v56;
	v48 =	vadd.f32 v30, v29  }
0x9d6: {  	v46 =	vld [tilespmem:$0x1C490];
	[tilespmem:$0x1C320] =	vst v2;
	v2 =	vadd.f32 v8, v7  }
0x9d7: {  	v53 =	vld [tilespmem:$0x1FF50];
	[tilespmem:$0x1C3F0] =	vst v48;
	v4 =	vadd.f32 v51, v50  }
0x9d8: {  	v54 =	vld [tilespmem:$0x1FF60];
	[tilespmem:$0x1C340] =	vst v2;
	v2 =	vadd.f32 v12, v11  }
0x9d9: {  	v47 =	vld [tilespmem:$0x1C090];
	[tilespmem:$0x1C2F0] =	vst v4  }
0x9da: {  	v9 =	vld [tilespmem:$0x1C350];
	[tilespmem:$0x1C360] =	vst v2;
	v2 =	vadd.f32 v16, v15  }
0x9db: {  	v49 =	vld [tilespmem:$0x1C4A0];
	v51 =	vadd.f32 v34, v33;
	[tilespmem:$0x1C130] =	vst v62  }
0x9dc: {  	v62 =	vld [tilespmem:$0x1BF70];
	[tilespmem:$0x1C380] =	vst v2;
	v2 =	vadd.f32 v20, v19  }
0x9dd: {  	v55 =	vld [tilespmem:$0x1C430];
	[tilespmem:$0x1C410] =	vst v51;
	v4 =	vadd.f32 v54, v53  }
0x9de: {  	v3 =	vld [tilespmem:$0x1C030];
	[tilespmem:$0x1C3A0] =	vst v2;
	v2 =	vadd.f32 v24, v23  }
0x9df: {  	v56 =	vld [tilespmem:$0x1C4D0];
	[tilespmem:$0x1C310] =	vst v4;
	v59 =	vadd.f32 v10, v9  }
0x9e0: {  	v58 =	vld [tilespmem:$0x1C040];
	[tilespmem:$0x1C3C0] =	vst v2;
	v2 =	vadd.f32 v28, v27  }
0x9e1: {  	v50 =	vld [tilespmem:$0x1C0A0];
	[tilespmem:$0x1C350] =	vst v59;
	v62 =	vadd.f32 v62, v13  }
0x9e2: {  	v63 =	vld [tilespmem:$0x1C460];
	[tilespmem:$0x1C3E0] =	vst v2;
	v2 =	vadd.f32 v32, v31  }
0x9e3: {  	v53 =	vld [tilespmem:$0x1C0B0];
	[tilespmem:$0x1C370] =	vst v62;
	v3 =	vadd.f32 v3, v55  }
0x9e4: {  	v54 =	vld [tilespmem:$0x1C4C0];
	[tilespmem:$0x1C400] =	vst v2;
	v2 =	vadd.f32 v36, v35  }
0x9e5: {  	v52 =	vld [tilespmem:$0x1C4B0];
	[tilespmem:$0x1C430] =	vst v3;
	v3 =	vadd.f32 v61, v60  }
0x9e6: {  	v59 =	vld [tilespmem:$0x1C0E0];
	[tilespmem:$0x1C420] =	vst v2;
	v2 =	vadd.f32 v58, v57  }
0x9e7: {  	v55 =	vld [tilespmem:$0x1C0C0];
	[tilespmem:$0x1C450] =	vst v3;
	v3 =	vadd.f32 v41, v40  }
0x9e8: {  	v57 =	vld [tilespmem:$0x1C0D0];
	[tilespmem:$0x1C440] =	vst v2;
	v2 =	vadd.f32 v38, v63  }
0x9e9: {  	v60 =	vld [tilespmem:$0x1C4F0];
	[tilespmem:$0x1C470] =	vst v3;
	v3 =	vadd.f32 v47, v46  }
0x9ea: {  	v61 =	vld [tilespmem:$0x1C0F0];
	[tilespmem:$0x1C460] =	vst v2;
	v2 =	vadd.f32 v44, v43  }
0x9eb: {  	[tilespmem:$0x1C490] =	vst v3;
	v3 =	vadd.f32 v53, v52;
	v58 =	vld [tilespmem:$0x1C4E0]  }
0x9ec: {  	[tilespmem:$0x1C480] =	vst v2;
	v2 =	vadd.f32 v50, v49  }
0x9ed: {  	[tilespmem:$0x1C4B0] =	vst v3;
	v3 =	vadd.f32 v57, v56  }
0x9ee: {  	[tilespmem:$0x1C4A0] =	vst v2;
	v2 =	vadd.f32 v55, v54  }
0x9ef: {  	[tilespmem:$0x1C4D0] =	vst v3;
	v3 =	vadd.f32 v61, v60  }
0x9f0: {  	[tilespmem:$0x1C4C0] =	vst v2;
	v2 =	vadd.f32 v59, v58  }
0x9f1: {  	[tilespmem:$0x1C4F0] =	vst v3  }
0x9f2: {  	s15 =	rddreg [dreg:$0x1f];
	[tilespmem:$0x1C4E0] =	vst v2  }
0x9f3: {  	[tilespmem:s9], [sflag:$0x5] =	stream.linear.gather [spmem:s15], $0x400, $0x38;
	[tilespmem:$0x1C500] =	vst v63  }
0x9f4: {  	_ =	swait.ge [sflag:s30], $0x400  }
0x9f5: {  	[sflag:s30] =	ssyncset.done $0x0  }
0x9f6: {  	[sflag:s30] =	ssyncadd.s32 $0xFFFFFC00  }
0x9f7: {  	v2 =	vld [tilespmem:$0x1C100]  }
0x9f8: {  	v3 =	vld [tilespmem:$0x1BD00]  }
0x9f9: {  	v4 =	vld [tilespmem:$0x1C110]  }
0x9fa: {  	v5 =	vld [tilespmem:$0x1BD10]  }
0x9fb: {  	v6 =	vld [tilespmem:$0x1C120]  }
0x9fc: {  	v7 =	vld [tilespmem:$0x1BD20]  }
0x9fd: {  	v8 =	vld [tilespmem:$0x1C130]  }
0x9fe: {  	v9 =	vld [tilespmem:$0x1BD30]  }
0x9ff: {  	v10 =	vld [tilespmem:$0x1C140]  }
0xa00: {  	v11 =	vld [tilespmem:$0x1BD40]  }
0xa01: {  	v12 =	vld [tilespmem:$0x1C150]  }
0xa02: {  	v13 =	vld [tilespmem:$0x1BD50]  }
0xa03: {  	v14 =	vld [tilespmem:$0x1C160]  }
0xa04: {  	v15 =	vld [tilespmem:$0x1BD60]  }
0xa05: {  	v16 =	vld [tilespmem:$0x1C170]  }
0xa06: {  	v17 =	vld [tilespmem:$0x1BD70]  }
0xa07: {  	v18 =	vld [tilespmem:$0x1C180]  }
0xa08: {  	v19 =	vld [tilespmem:$0x1BD80]  }
0xa09: {  	v20 =	vld [tilespmem:$0x1C190]  }
0xa0a: {  	v21 =	vld [tilespmem:$0x1BD90]  }
0xa0b: {  	v22 =	vld [tilespmem:$0x1C1A0]  }
0xa0c: {  	v23 =	vld [tilespmem:$0x1BDA0]  }
0xa0d: {  	v24 =	vld [tilespmem:$0x1C1B0]  }
0xa0e: {  	v25 =	vld [tilespmem:$0x1BDB0]  }
0xa0f: {  	v26 =	vld [tilespmem:$0x1C1C0]  }
0xa10: {  	v27 =	vld [tilespmem:$0x1BDC0]  }
0xa11: {  	v28 =	vld [tilespmem:$0x1C1D0]  }
0xa12: {  	v29 =	vld [tilespmem:$0x1BDD0]  }
0xa13: {  	v30 =	vld [tilespmem:$0x1C1E0]  }
0xa14: {  	v31 =	vld [tilespmem:$0x1BDE0]  }
0xa15: {  	v32 =	vld [tilespmem:$0x1C1F0]  }
0xa16: {  	v33 =	vld [tilespmem:$0x1BDF0]  }
0xa17: {  	v34 =	vld [tilespmem:$0x1C200]  }
0xa18: {  	v35 =	vld [tilespmem:$0x1BE00]  }
0xa19: {  	v36 =	vld [tilespmem:$0x1C210]  }
0xa1a: {  	v37 =	vld [tilespmem:$0x1BE10]  }
0xa1b: {  	v38 =	vld [tilespmem:$0x1C220]  }
0xa1c: {  	v39 =	vld [tilespmem:$0x1BE20]  }
0xa1d: {  	v40 =	vld [tilespmem:$0x1C230]  }
0xa1e: {  	v41 =	vld [tilespmem:$0x1BE30]  }
0xa1f: {  	v42 =	vld [tilespmem:$0x1C240]  }
0xa20: {  	v43 =	vld [tilespmem:$0x1BE40]  }
0xa21: {  	v44 =	vld [tilespmem:$0x1C250]  }
0xa22: {  	v45 =	vld [tilespmem:$0x1BE50]  }
0xa23: {  	v46 =	vld [tilespmem:$0x1C260]  }
0xa24: {  	v47 =	vld [tilespmem:$0x1BE60]  }
0xa25: {  	v48 =	vld [tilespmem:$0x1C270]  }
0xa26: {  	v49 =	vld [tilespmem:$0x1BE70]  }
0xa27: {  	v50 =	vld [tilespmem:$0x1C280]  }
0xa28: {  	v51 =	vld [tilespmem:$0x1BE80]  }
0xa29: {  	v52 =	vld [tilespmem:$0x1C290]  }
0xa2a: {  	v53 =	vld [tilespmem:$0x1BE90]  }
0xa2b: {  	v54 =	vld [tilespmem:$0x1C2A0]  }
0xa2c: {  	v55 =	vld [tilespmem:$0x1BEA0]  }
0xa2d: {  	v56 =	vld [tilespmem:$0x1C2B0]  }
0xa2e: {  	v57 =	vld [tilespmem:$0x1BEB0]  }
0xa2f: {  	v58 =	vld [tilespmem:$0x1C2C0]  }
0xa30: {  	v62 =	vld [tilespmem:$0x1C2E0]  }
0xa31: {  	v59 =	vld [tilespmem:$0x1BEC0]  }
0xa32: {  	v60 =	vld [tilespmem:$0x1C2D0]  }
0xa33: {  	v61 =	vld [tilespmem:$0x1BED0]  }
0xa34: {  	v63 =	vld [tilespmem:$0x1BEE0]  }
0xa35: {  	[tilespmem:$0x1FF80] =	vst v62;
	v62 =	vld [tilespmem:$0x1C2F0];
	v2 =	vadd.f32 v3, v2  }
0xa36: {  	v3 =	vld [tilespmem:$0x1BF20];
	v13 =	vadd.f32 v13, v12  }
0xa37: {  	v4 =	vadd.f32 v5, v4;
	v5 =	vld [tilespmem:$0x1C330];
	v17 =	vadd.f32 v17, v16;
	[tilespmem:$0x1C100] =	vst v2  }
0xa38: {  	v12 =	vld [tilespmem:$0x1BF60];
	v2 =	vadd.f32 v7, v6;
	[tilespmem:$0x1C150] =	vst v13  }
0xa39: {  	v21 =	vadd.f32 v21, v20;
	v16 =	vld [tilespmem:$0x1BF80];
	[tilespmem:$0x1C170] =	vst v17  }
0xa3a: {  	v20 =	vld [tilespmem:$0x1BFA0];
	[tilespmem:$0x1C120] =	vst v2;
	v2 =	vadd.f32 v11, v10  }
0xa3b: {  	v25 =	vadd.f32 v25, v24;
	v24 =	vld [tilespmem:$0x1BFC0];
	[tilespmem:$0x1C190] =	vst v21  }
0xa3c: {  	v29 =	vadd.f32 v29, v28;
	v28 =	vld [tilespmem:$0x1BFE0];
	[tilespmem:$0x1C140] =	vst v2;
	v2 =	vadd.f32 v15, v14  }
0xa3d: {  	v33 =	vadd.f32 v33, v32;
	v32 =	vld [tilespmem:$0x1C000];
	[tilespmem:$0x1C1B0] =	vst v25  }
0xa3e: {  	v37 =	vadd.f32 v37, v36;
	v36 =	vld [tilespmem:$0x1C020];
	[tilespmem:$0x1C160] =	vst v2;
	v2 =	vadd.f32 v19, v18  }
0xa3f: {  	v41 =	vadd.f32 v41, v40;
	v40 =	vld [tilespmem:$0x1C060];
	[tilespmem:$0x1FF90] =	vst v62  }
0xa40: {  	v62 =	vld [tilespmem:$0x1BEF0];
	[tilespmem:$0x1C180] =	vst v2;
	v2 =	vadd.f32 v23, v22  }
0xa41: {  	v6 =	vld [tilespmem:$0x1BF30];
	[tilespmem:$0x1C1D0] =	vst v29  }
0xa42: {  	v7 =	vld [tilespmem:$0x1C340];
	[tilespmem:$0x1C1A0] =	vst v2;
	v2 =	vadd.f32 v27, v26  }
0xa43: {  	v13 =	vld [tilespmem:$0x1C370];
	[tilespmem:$0x1C1F0] =	vst v33  }
0xa44: {  	v17 =	vld [tilespmem:$0x1C390];
	[tilespmem:$0x1C1C0] =	vst v2;
	v2 =	vadd.f32 v31, v30  }
0xa45: {  	v45 =	vadd.f32 v45, v44;
	v21 =	vld [tilespmem:$0x1C3B0];
	[tilespmem:$0x1FFA0] =	vst v62  }
0xa46: {  	v62 =	vld [tilespmem:$0x1C300];
	[tilespmem:$0x1C1E0] =	vst v2;
	v2 =	vadd.f32 v35, v34  }
0xa47: {  	v48 =	vadd.f32 v49, v48;
	v25 =	vld [tilespmem:$0x1C3D0];
	[tilespmem:$0x1C250] =	vst v45  }
0xa48: {  	v29 =	vld [tilespmem:$0x1C3F0];
	[tilespmem:$0x1C200] =	vst v2;
	v2 =	vadd.f32 v39, v38  }
0xa49: {  	[tilespmem:$0x1C270] =	vst v48;
	v33 =	vld [tilespmem:$0x1C410]  }
0xa4a: {  	v45 =	vld [tilespmem:$0x1C480];
	[tilespmem:$0x1C220] =	vst v2;
	v2 =	vadd.f32 v43, v42  }
0xa4b: {  	v49 =	vadd.f32 v53, v52;
	v48 =	vld [tilespmem:$0x1C490];
	[tilespmem:$0x1FFB0] =	vst v62  }
0xa4c: {  	v62 =	vld [tilespmem:$0x1BF00];
	[tilespmem:$0x1C240] =	vst v2;
	v2 =	vadd.f32 v47, v46  }
0xa4d: {  	[tilespmem:$0x1C290] =	vst v49;
	v49 =	vld [tilespmem:$0x1C090]  }
0xa4e: {  	v11 =	vld [tilespmem:$0x1C360];
	[tilespmem:$0x1C260] =	vst v2;
	v2 =	vadd.f32 v51, v50  }
0xa4f: {  	v14 =	vld [tilespmem:$0x1BF70]  }
0xa50: {  	v15 =	vld [tilespmem:$0x1C380];
	[tilespmem:$0x1C280] =	vst v2;
	v2 =	vadd.f32 v55, v54  }
0xa51: {  	v52 =	vld [tilespmem:$0x1FF90];
	[tilespmem:$0x1FFC0] =	vst v62  }
0xa52: {  	v62 =	vld [tilespmem:$0x1C310];
	[tilespmem:$0x1C2A0] =	vst v2;
	v2 =	vadd.f32 v59, v58  }
0xa53: {  	v18 =	vld [tilespmem:$0x1BF90]  }
0xa54: {  	[tilespmem:$0x1C2C0] =	vst v2;
	v2 =	vld [tilespmem:$0x1FF80]  }
0xa55: {  	v19 =	vld [tilespmem:$0x1C3A0]  }
0xa56: {  	v22 =	vld [tilespmem:$0x1BFB0]  }
0xa57: {  	[tilespmem:$0x1FFD0] =	vst v62;
	v62 =	vld [tilespmem:$0x1BF10]  }
0xa58: {  	v23 =	vld [tilespmem:$0x1C3C0]  }
0xa59: {  	v53 =	vld [tilespmem:$0x1FFA0];
	v2 =	vadd.f32 v63, v2  }
0xa5a: {  	v54 =	vld [tilespmem:$0x1FFC0]  }
0xa5b: {  	[tilespmem:$0x1C2E0] =	vst v2;
	v2 =	vld [tilespmem:$0x1FFB0]  }
0xa5c: {  	[tilespmem:$0x1FFE0] =	vst v62;
	v62 =	vld [tilespmem:$0x1C320]  }
0xa5d: {  	v27 =	vld [tilespmem:$0x1C3E0]  }
0xa5e: {  	[tilespmem:$0x1C110] =	vst v4;
	v30 =	vld [tilespmem:$0x1BFF0]  }
0xa5f: {  	[tilespmem:$0x1C210] =	vst v37;
	v31 =	vld [tilespmem:$0x1C400]  }
0xa60: {  	[tilespmem:$0x1C230] =	vst v41;
	v34 =	vld [tilespmem:$0x1C010];
	v2 =	vadd.f32 v54, v2  }
0xa61: {  	v41 =	vadd.f32 v18, v17;
	v35 =	vld [tilespmem:$0x1C420];
	[tilespmem:$0x1FFF0] =	vst v62  }
0xa62: {  	v44 =	vadd.f32 v22, v21;
	[tilespmem:$0x1C300] =	vst v2;
	v2 =	vld [tilespmem:$0x1FFF0]  }
0xa63: {  	[tilespmem:$0x1C390] =	vst v41;
	v4 =	vadd.f32 v53, v52;
	v52 =	vld [tilespmem:$0x1C0A0]  }
0xa64: {  	[tilespmem:$0x1C3B0] =	vst v44;
	v38 =	vadd.f32 v14, v13;
	v62 =	vadd.f32 v9, v8;
	v8 =	vld [tilespmem:$0x1BF40]  }
0xa65: {  	[tilespmem:$0x1C2F0] =	vst v4;
	v39 =	vld [tilespmem:$0x1C460];
	v53 =	vadd.f32 v34, v33  }
0xa66: {  	[tilespmem:$0x1C370] =	vst v38;
	v42 =	vld [tilespmem:$0x1C470];
	v50 =	vadd.f32 v57, v56  }
0xa67: {  	v43 =	vld [tilespmem:$0x1C070];
	[tilespmem:$0x1C410] =	vst v53;
	v2 =	vadd.f32 v3, v2  }
0xa68: {  	v47 =	vld [tilespmem:$0x1BFD0];
	v51 =	vadd.f32 v61, v60;
	[tilespmem:$0x1C2B0] =	vst v50  }
0xa69: {  	v46 =	vld [tilespmem:$0x1C080];
	[tilespmem:$0x1C320] =	vst v2;
	v2 =	vadd.f32 v8, v7  }
0xa6a: {  	v57 =	vld [tilespmem:$0x1C430];
	[tilespmem:$0x1C2D0] =	vst v51;
	v50 =	vadd.f32 v30, v29  }
0xa6b: {  	v55 =	vld [tilespmem:$0x1FFD0];
	[tilespmem:$0x1C340] =	vst v2;
	v2 =	vadd.f32 v12, v11  }
0xa6c: {  	[tilespmem:$0x1C3F0] =	vst v50;
	v56 =	vld [tilespmem:$0x1FFE0]  }
0xa6d: {  	v9 =	vld [tilespmem:$0x1C350];
	[tilespmem:$0x1C360] =	vst v2;
	v2 =	vadd.f32 v16, v15  }
0xa6e: {  	v47 =	vadd.f32 v47, v25;
	[tilespmem:$0x1C130] =	vst v62;
	v62 =	vld [tilespmem:$0x1BF50]  }
0xa6f: {  	v60 =	vld [tilespmem:$0x1C040];
	[tilespmem:$0x1C380] =	vst v2;
	v2 =	vadd.f32 v20, v19  }
0xa70: {  	v51 =	vld [tilespmem:$0x1C4A0];
	v58 =	vadd.f32 v6, v5;
	[tilespmem:$0x1C3D0] =	vst v47  }
0xa71: {  	v3 =	vld [tilespmem:$0x1C030];
	[tilespmem:$0x1C3A0] =	vst v2;
	v2 =	vadd.f32 v24, v23  }
0xa72: {  	[tilespmem:$0x1C330] =	vst v58;
	v63 =	vld [tilespmem:$0x1C050];
	v4 =	vadd.f32 v56, v55  }
0xa73: {  	v61 =	vadd.f32 v62, v9;
	v62 =	vld [tilespmem:$0x1C450];
	[tilespmem:$0x1C3C0] =	vst v2;
	v2 =	vadd.f32 v28, v27  }
0xa74: {  	v59 =	vld [tilespmem:$0x1C440];
	[tilespmem:$0x1C310] =	vst v4  }
0xa75: {  	v58 =	vld [tilespmem:$0x1C4D0];
	[tilespmem:$0x1C3E0] =	vst v2;
	v2 =	vadd.f32 v32, v31  }
0xa76: {  	v55 =	vld [tilespmem:$0x1C0B0];
	[tilespmem:$0x1C350] =	vst v61;
	v3 =	vadd.f32 v3, v57  }
0xa77: {  	v56 =	vld [tilespmem:$0x1C4C0];
	[tilespmem:$0x1C400] =	vst v2;
	v2 =	vadd.f32 v36, v35  }
0xa78: {  	v54 =	vld [tilespmem:$0x1C4B0];
	[tilespmem:$0x1C430] =	vst v3;
	v3 =	vadd.f32 v63, v62  }
0xa79: {  	v61 =	vld [tilespmem:$0x1C0E0];
	[tilespmem:$0x1C420] =	vst v2;
	v2 =	vadd.f32 v60, v59  }
0xa7a: {  	v57 =	vld [tilespmem:$0x1C0C0];
	[tilespmem:$0x1C450] =	vst v3;
	v3 =	vadd.f32 v43, v42  }
0xa7b: {  	v59 =	vld [tilespmem:$0x1C0D0];
	[tilespmem:$0x1C440] =	vst v2;
	v2 =	vadd.f32 v40, v39  }
0xa7c: {  	v62 =	vld [tilespmem:$0x1C4F0];
	[tilespmem:$0x1C470] =	vst v3;
	v3 =	vadd.f32 v49, v48  }
0xa7d: {  	v63 =	vld [tilespmem:$0x1C0F0];
	[tilespmem:$0x1C460] =	vst v2;
	v2 =	vadd.f32 v46, v45  }
0xa7e: {  	[tilespmem:$0x1C490] =	vst v3;
	v3 =	vadd.f32 v55, v54;
	v60 =	vld [tilespmem:$0x1C4E0]  }
0xa7f: {  	[tilespmem:$0x1C480] =	vst v2;
	v2 =	vadd.f32 v52, v51  }
0xa80: {  	[tilespmem:$0x1C4B0] =	vst v3;
	v3 =	vadd.f32 v59, v58  }
0xa81: {  	[tilespmem:$0x1C4A0] =	vst v2;
	v2 =	vadd.f32 v57, v56  }
0xa82: {  	[tilespmem:$0x1C4D0] =	vst v3;
	v3 =	vadd.f32 v63, v62  }
0xa83: {  	[tilespmem:$0x1C4C0] =	vst v2;
	v2 =	vadd.f32 v61, v60  }
0xa84: {  	[tilespmem:$0x1C4F0] =	vst v3  }
.Ltmp6:
0xa85: {  	s13 =	simm.s32 $0x1C100;
	s24 =	rddreg [dreg:$0x12];
	[tilespmem:$0x1C4E0] =	vst v2;
	(pc) =	sbr.rel .LBB2_9-.Ltmp6, $4  }
0xa86: {  	[hbm4b:s24+s4] =	stream.linear.scatter [tilespmem:s13], [sflag:$0x5], $0x400, $0x38;
	[tilespmem:$0x1C500] =	vst v63  }
0xa87: {  	_ =	swait.ge [sflag:s30], $0x400  }
0xa88: {  	[sflag:s30] =	ssyncset.done $0x0  }
0xa89: {  	[sflag:s30] =	ssyncadd.s32 $0xFFFFFC00  }
.LBB2_10:
0xa8a: {  	_ =	sfence.sel $0x180000  }
0xa8b: {  	[bflag:$0x0] =	sbarrier.arrive $0xFFFF  }
0xa8c: {  	_ =	strace $0x90000047  }
0xa8d: {  	s0 =	stileid.u32;
	[bflag:$0x2] =	sbarrier.arrive $0xFFFF  }
0xa8e: {  	p0 =	sne.s32 s0, $0x0;
	s0 =	rddreg [dreg:$0x4]  }
0xa8f: {  	s0 =	sadd.s32 @!p0 $0x100000, s0  }
0xa90: {  	[sflag:s0] =	ssyncadd.tile.s32 @!p0 $0x1;
	_ =	shalt  }
.Lfunc_end2:
_tile_overlayer_lowered:
.L_overlay_start_2:
0xa91: {  	(tag) =	ssettag $0x2  }
0xa92: {  	s0 =	rddreg [dreg:$0x0];
	s2 =	stileid.u32  }
0xa93: {  	s1 =	rddreg [dreg:$0x1];
	p0 =	sne.s32 s2, $0x0  }
0xa94: {  	s3 =	rddreg [dreg:$0x2];
	[bflag:$0x3] =	sbarrier.arrive $0xFFFF;
	s2 =	simm.s32 @!p0 $0x1C05  }
0xa95: {  	[timem:s3], [sflag:s2] =	dma.local @!p0 [hbm:s0], s1  }
0xa96: {  	s0 =	simm.s32 @!p0 $0x5  }
0xa97: {  	_ =	swait.ge @!p0 [sflag:s0], s1  }
0xa98: {  	s1 =	ssub.s32 @!p0 $0x0, s1;
	[sflag:s0] =	ssyncset.done @!p0 $0x0  }
0xa99: {  	[sflag:s0] =	ssyncadd.s32 @!p0 s1  }
0xa9a: {  	[bflag:$0x3] =	sbarrier.arrive $0xFFFF  }
0xa9b: {  	_ =	shalt  }

// kernel: kernel.9.cloned.1.call-start
scs
__scs_entry_jumppad:
0x0: {  	(pc) =	sbr.rel $0x88, $3  }
0x1: {  	(tag) =	ssettag $0x0;
	lr =	simm.s32 $0x1  }
0x2: {  	[smem:$0x3F99] =	sst lr;
	_ =	strace $0xD0000000  }
0x3: {  	_ = 	snop  }
0x4: {  	_ = 	snop  }
0x5: {  	_ = 	snop  }
0x6: {  	_ = 	snop  }
0x7: {  	_ = 	snop  }
__scs_overlays_trampoline_lowered:
0x8: {  	[smem:$0x3FA8] =	sst s0  }
0x9: {  	[smem:$0x3FA9] =	sst s1  }
0xa: {  	[smem:$0x3FAA] =	sst s2  }
0xb: {  	[smem:$0x3FAB] =	sst s3  }
0xc: {  	[smem:$0x3FAC] =	sst s4  }
0xd: {  	[smem:$0x3FAD] =	sst s5  }
0xe: {  	[smem:$0x3FAE] =	sst s6  }
0xf: {  	[smem:$0x3FAF] =	sst s7  }
0x10: {  	[smem:$0x3FB0] =	sst s8  }
0x11: {  	[smem:$0x3FB1] =	sst s9;
	s0 =	simm.s32 @!p0 $0x0  }
0x12: {  	s1 =	sld [smem:$0x3F97];
	s0 =	simm.s32 @p0 $0x1  }
0x13: {  	[smem:$0x3FB2] =	sst s0;
	s0 =	simm.s32 @!p1 $0x0  }
0x14: {  	s2 =	sld [smem:$0x3F96];
	s0 =	simm.s32 @p1 $0x1  }
0x15: {  	[smem:$0x3FB3] =	sst s0;
	s0 =	simm.s32 @!p2 $0x0  }
0x16: {  	s3 =	sld [smem:$0x3FDB];
	s0 =	simm.s32 @p2 $0x1  }
0x17: {  	s4 =	simm.s32 $0x1BF5;
	[smem:$0x3FB5] =	sst s0  }
0x18: {  	s0 =	sld [smem:$0x3F98];
	_ =	swait.ge [sflag:s4], $0x0  }
0x19: {  	s7 =	sld [smem:$0x3F99]  }
0x1a: {  	s8 =	sadd.s32 $0xFFFFE003, lr  }
0x1b: {  	s9 =	sadd.s32 $0xFFFFFEF7, lr;
	s5 =	simm.s32 $0xFFFFFFFF;
	p2 =	slt.u32 s8, $0xFFFFF086  }
0x1c: {  	p1 =	slt.u32 s9, $0xF7A;
	s5 =	simm.s32 @!p2 $0x0  }
0x1d: {  	s5 =	simm.s32 @p1 $0x1;
	p0 =	seq.s32 s7, s2  }
0x1e: {  	s7 =	smul.u32 @!p0 $0xF7A, s2;
	p2 =	seq.s32 @!p0 s5, $0x0  }
0x1f: {  	s9 =	smul.u32 $0xF7A, s1;
	s8 =	simm.s32 @!p0 $0x1BF5;
	p2 =	por !p2, p0  }
0x20: {  	[sflag:s8] =	ssyncset.s32 @!p0 $0xFFFFF086;
	s6 =	sadd.s32 @!p0 s3, s7;
	s7 =	simm.s32 @!p0 $0x108  }
0x21: {  	s3 =	sadd.s32 s3, s9;
	s6 =	sadd.s32 @!p0 $0x88, s6;
	s7 =	simm.s32 @p2 $0x1082  }
0x22: {  	[simem:s7], [sflag:s8] =	dma.local @!p0 [hbm:s6], $0xF7A  }
0x23: {  	s9 =	sor.u32 $0xD0000000, s2;
	s6 =	simm.s32 $0x108;
	_ =	swait.ge @!p0 [sflag:s8], $0x0  }
0x24: {  	s3 =	sadd.s32 $0x88, s3;
	s6 =	simm.s32 @!p1 $0x1082;
	[sflag:s4] =	ssyncset.s32 $0xFFFFF086  }
0x25: {  	[simem:s6], [sflag:s4] =	dma.local [hbm:s3], $0xF7A  }
0x26: {  	[smem:$0x3F99] =	sst s1;
	(tag) =	ssettag s2;
	_ =	strace s9  }
0x27: {  	s1 =	sld [smem:$0x3FA9]  }
0x28: {  	s2 =	sld [smem:$0x3FAA]  }
0x29: {  	s4 =	sld [smem:$0x3FAC]  }
0x2a: {  	p0 =	seq.s32 s5, $0x0;
	s5 =	sld [smem:$0x3FAD]  }
0x2b: {  	s6 =	sld [smem:$0x3FAE]  }
0x2c: {  	s7 =	sld [smem:$0x3FAF]  }
0x2d: {  	s3 =	simm.s32 $0x108;
	s8 =	sld [smem:$0x3FB0]  }
0x2e: {  	s3 =	simm.s32 @!p0 $0x1082;
	s9 =	sld [smem:$0x3FB1]  }
0x2f: {  	lr =	sadd.s32 s0, s3;
	s0 =	sld [smem:$0x3FA8]  }
0x30: {  	s3 =	sld [smem:$0x3FAB]  }
0x31: {  	[smem:$0x3FB4] =	sst s10  }
0x32: {  	s10 =	sld [smem:$0x3FB2];
	_ =	sdelay $0x3  }
0x33: {  	p0 =	seq.s32 s10, $0x1;
	s10 =	sld [smem:$0x3FB4];
	_ =	sdelay $0x3  }
0x34: {  	[smem:$0x3FB4] =	sst s10  }
0x35: {  	s10 =	sld [smem:$0x3FB3];
	_ =	sdelay $0x3  }
0x36: {  	p1 =	seq.s32 s10, $0x1;
	s10 =	sld [smem:$0x3FB4];
	_ =	sdelay $0x3  }
0x37: {  	[smem:$0x3FB4] =	sst s10  }
0x38: {  	s10 =	sld [smem:$0x3FB5]  }
0x39: {  	_ = 	snop;
	(pc) =	sbr.ind lr, $3  }
0x3a: {  	_ = 	snop  }
0x3b: {  	_ = 	snop  }
0x3c: {  	p2 =	seq.s32 s10, $0x1;
	s10 =	sld [smem:$0x3FB4]  }
0x3d: {  	_ =	shalt  }
0x3e: {  	_ =	shalt  }
0x3f: {  	_ =	shalt  }
0x40: {  	_ =	shalt  }
0x41: {  	_ =	shalt  }
0x42: {  	_ =	shalt  }
0x43: {  	_ =	shalt  }
0x44: {  	_ =	shalt  }
0x45: {  	_ =	shalt  }
0x46: {  	_ =	shalt  }
0x47: {  	_ =	shalt  }
0x48: {  	_ =	shalt  }
0x49: {  	_ =	shalt  }
0x4a: {  	_ =	shalt  }
0x4b: {  	_ =	shalt  }
0x4c: {  	_ =	shalt  }
0x4d: {  	_ =	shalt  }
0x4e: {  	_ =	shalt  }
0x4f: {  	_ =	shalt  }
0x50: {  	_ =	shalt  }
0x51: {  	_ =	shalt  }
0x52: {  	_ =	shalt  }
0x53: {  	_ =	shalt  }
0x54: {  	_ =	shalt  }
0x55: {  	_ =	shalt  }
0x56: {  	_ =	shalt  }
0x57: {  	_ =	shalt  }
0x58: {  	_ =	shalt  }
0x59: {  	_ =	shalt  }
0x5a: {  	_ =	shalt  }
0x5b: {  	_ =	shalt  }
0x5c: {  	_ =	shalt  }
0x5d: {  	_ =	shalt  }
0x5e: {  	_ =	shalt  }
0x5f: {  	_ =	shalt  }
0x60: {  	_ =	shalt  }
0x61: {  	_ =	shalt  }
0x62: {  	_ =	shalt  }
0x63: {  	_ =	shalt  }
0x64: {  	_ =	shalt  }
0x65: {  	_ =	shalt  }
0x66: {  	_ =	shalt  }
0x67: {  	_ =	shalt  }
0x68: {  	_ =	shalt  }
0x69: {  	_ =	shalt  }
0x6a: {  	_ =	shalt  }
0x6b: {  	_ =	shalt  }
0x6c: {  	_ =	shalt  }
0x6d: {  	_ =	shalt  }
0x6e: {  	_ =	shalt  }
0x6f: {  	_ =	shalt  }
0x70: {  	_ =	shalt  }
0x71: {  	_ =	shalt  }
0x72: {  	_ =	shalt  }
0x73: {  	_ =	shalt  }
0x74: {  	_ =	shalt  }
0x75: {  	_ =	shalt  }
0x76: {  	_ =	shalt  }
0x77: {  	_ =	shalt  }
0x78: {  	_ =	shalt  }
0x79: {  	_ =	shalt  }
0x7a: {  	_ =	shalt  }
0x7b: {  	_ =	shalt  }
0x7c: {  	_ =	shalt  }
0x7d: {  	_ =	shalt  }
0x7e: {  	_ =	shalt  }
0x7f: {  	_ =	shalt  }
0x80: {  	_ =	shalt  }
0x81: {  	_ =	shalt  }
0x82: {  	_ =	shalt  }
0x83: {  	_ =	shalt  }
0x84: {  	_ =	shalt  }
0x85: {  	_ =	shalt  }
0x86: {  	_ =	shalt  }
0x87: {  	_ =	shalt  }
.Lfunc_end0:
.L_simem_size_0:
called_computation.1_lowered:
.L_overlay_start_0:
0x88: {  	s2 =	sld [smem:$0x3FD9]  }
0x89: {  	s3 =	sld [smem:$0x3FFE];
	_ =	sdelay $0x1  }
0x8a: {  	s1 =	srdreg.scid  }
0x8b: {  	s0 =	sand.u32 $0x1, s1  }
0x8c: {  	s17 =	sshll.u32 s0, $0xA;
	s2 =	sadd.s32 s3, s2  }
0x8d: {  	s2 =	sadd.s32 s2, s17  }
0x8e: {  	[smem:$0x3FC0] =	sst s2  }
0x8f: {  	_ = 	snop  }
0x90: {  	s2 =	sld [smem:$0x3FD0];
	(tm) =	ssettm $0x1  }
0x91: {  	s18 =	sld [smem:$0x3FFB];
	_ =	sdelay $0x3  }
0x92: {  	_ =	strace s18  }
0x93: {  	s3 =	sld [smem:$0x3FFC];
	_ =	sdelay $0x3  }
0x94: {  	_ =	strace s3  }
0x95: {  	s3 =	sld [smem:$0x3FFD];
	_ =	sdelay $0x3  }
0x96: {  	_ =	strace s3  }
0x97: {  	_ =	strace $0x8FFFFFFF  }
0x98: {  	s19 =	sld [smem:$0x3FDB];
	_ =	sdelay $0x1  }
0x99: {  	s4 =	simm.s32 $_scs_section_size  }
0x9a: {  	s5 =	simm.s32 $_size__tile_overlayer_lowered;
	s6 =	simm.s32 $_tile_overlayer_lowered  }
0x9b: {  	s22 =	simm.s32 $0x1BFF;
	s21 =	sshll.u32 s6, $0x1;
	s3 =	sadd.s32 s4, s19  }
0x9c: {  	s7 =	simm.s32 $0x0;
	s20 =	sshll.u32 s5, $0x1;
	s5 =	sadd.s32 s21, s3  }
0x9d: {  	[timem:s7], [sflag:s22] =	dma.local [hbm:s5], s20  }
0x9e: {  	_ =	swait.ge [sflag:s22], s20  }
0x9f: {  	s4 =	ssub.s32 $0x0, s20;
	[sflag:s22] =	ssyncset.done $0x0  }
0xa0: {  	[sflag:s22] =	ssyncadd.s32 s4;
	_ =	sdelay $0x1  }
0xa1: {  	s23 =	simm.s32 $0x1B8B  }
0xa2: {  	_ =	swait.ge [sflag:s23], $0x1  }
0xa3: {  	[sflag:s23] =	ssyncset.done $0x0  }
0xa4: {  	s25 =	simm.s32 $0x1B8E;
	s24 =	sld [smem:$0x3FFE];
	[sflag:s23] =	ssyncadd.s32 $0xFFFFFFFF  }
0xa5: {  	s26 =	simm.s32 $execute0_lowered;
	[smem:$0x3FD2] =	sst s25  }
0xa6: {  	s5 =	sshll.u32 s26, $0x1;
	_ =	strace $0x80000049;
	[dreg:$0x1] =	wrdreg $0xFFFFFFFF  }
0xa7: {  	s28 =	simm.s32 $_size_execute0_lowered;
	s3 =	sadd.s32 s3, s5;
	[dreg:$0x0] =	wrdreg $0x0  }
0xa8: {  	s5 =	sshll.u32 s28, $0x1;
	[dreg:$0x2] =	wrdreg s3  }
0xa9: {  	[dreg:$0x3] =	wrdreg s5  }
0xaa: {  	[dreg:$0x4] =	wrdreg $0xC0  }
0xab: {  	_ =	task [dreg:s7], $0x5FFFF  }
0xac: {  	[dreg:$0x1] =	wrdreg $0xFFFFFFFF  }
0xad: {  	[dreg:$0x0] =	wrdreg $0x60  }
0xae: {  	[dreg:$0x2] =	wrdreg s2  }
0xaf: {  	[dreg:$0x3] =	wrdreg s24  }
0xb0: {  	[dreg:$0x4] =	wrdreg $0x55000  }
0xb1: {  	[dreg:$0x5] =	wrdreg $0x9  }
0xb2: {  	_ =	task.clear_ibuf [dreg:s7], $0x6FFFF;
	_ =	strace $0x90000049  }
0xb3: {  	s29 =	simm.s32 $0x9;
	_ =	strace $0x8000004B  }
0xb4: {  	_ =	swait.ge [sflag:s29], $0x1  }
0xb5: {  	[sflag:s29] =	ssyncadd.s32 $0xFFFFFFFF  }
0xb6: {  	_ =	strace $0x9000004B  }
0xb7: {  	_ =	sfence  }
0xb8: {  	s30 =	sld [smem:$0x0];
	_ =	sdelay $0x2  }
0xb9: {  	s31 =	sshll.u32 s1, $0xD;
	s1 =	sshrl.u32 s1, $0x2  }
0xba: {  	s3 =	sand.u32 $0x4000, s31;
	s1 =	sadd.s32 s1, s30  }
0xbb: {  	s0 =	sor.u32 s3, s0;
	s1 =	sshll.u32 s1, $0x11  }
0xbc: {  	s0 =	sor.u32 s1, s0  }
0xbd: {  	s0 =	sadd.s32 $0x8F2B, s0  }
0xbe: {  	[sflag:s0] =	ssyncadd.remote.s32 $0x1  }
0xbf: {  	_ =	sfence.sel $0xFFFF  }
0xc0: {  	[dreg:$0x0] =	wrdreg $0xFFFFFFFF;
	(pc) =	sbr.abs _section_cstart, $3  }
0xc1: {  	[dreg:$0x1] =	wrdreg $0xFFFFFFFF  }
0xc2: {  	_ =	task.clear_ibuf [dreg:s7], $0x2FFFF;
	_ =	strace $0x9FFFFFFF  }
0xc3: {  	(tm) =	ssettm $0x7FFFFFFF  }
tec
execute0_lowered:
.L_overlay_start_1:
0x0: {  	(tag) =	ssettag $0x1  }
0x1: {  	s1 =	rddreg [dreg:$0x0];
	s0 =	srdreg.scid  }
0x2: {  	s2 =	rddreg [dreg:$0x1];
	s12 =	stileid.u32  }
0x3: {  	s3 =	rddreg [dreg:$0x2];
	s4 =	simm.s32 $0x0;
	s6 =	smul.u32 $0x2760, s12  }
0x4: {  	s28 =	simm.s32 $0x2D00;
	s29 =	simm.s32 $0x480;
	s8 =	smul.u32 $0x14000, s12  }
0x5: {  	s30 =	simm.s32 $0x4;
	s0 =	sand.u32 $0x1, s0;
	s18 =	smul.u32 $0x50000, s12  }
0x6: {  	s31 =	simm.s32 $0x2;
	[smem:$0x7FF] =	sst s4;
	s5 =	smul.u32 $0x27600, s0  }
0x7: {  	s7 =	smul.u32 $0x140000, s0;
	s19 =	ssub.s32 $0x2, s0;
	s0 =	sshll.u32 s0, $0x4  }
0x8: {  	_ =	strace $0x8000004A;
	s11 =	sshrl.u32 s19, $0x1;
	s0 =	sor.u32 s12, s0  }
0x9: {  	s9 =	sadd.s32 s6, s5;
	s5 =	sadd.s32 $0xBE00, s2;
	s16 =	sadd.s32 s8, s7  }
0xa: {  	s8 =	sshrl.u32 s18, $0x2;
	s10 =	sshrl.u32 s9, $0x3;
	s6 =	sshrl.u32 s16, $0x3  }
0xb: {  	s17 =	sadd.s32 s10, s2;
	s2 =	sadd.s32 s6, s2;
	s6 =	sadd.s32 s8, s3  }
0xc: {  	s11 =	ssub.s32 s19, s11;
	s0 =	smul.u32 $0x2760, s0;
	s8 =	sadd.s32 $0x2800, s6  }
0xd: {  	s7 =	simm.s32 $0x140;
	s20 =	sadd.s32 $0x5000, s6;
	[dreg:$0x4] =	wrdreg s8  }
0xe: {  	s16 =	smax.u32 s11, $0x1;
	s21 =	sadd.s32 $0x7800, s6;
	[dreg:$0x5] =	wrdreg s20  }
0xf: {  	s13 =	sadd.s32 $0x1E0, s9;
	s22 =	sadd.s32 $0xA000, s6;
	[dreg:$0x6] =	wrdreg s21  }
0x10: {  	s9 =	simm.s32 $0x0;
	s23 =	sadd.s32 $0xC800, s6;
	[dreg:$0x7] =	wrdreg s22  }
0x11: {  	s0 =	sshrl.u32 s0, $0x3;
	s24 =	sadd.s32 $0xF000, s6;
	[dreg:$0x8] =	wrdreg s23  }
0x12: {  	s19 =	sadd.s32 s10, s5;
	s25 =	sadd.s32 $0x11800, s6;
	[dreg:$0x9] =	wrdreg s24  }
0x13: {  	s0 =	sadd.s32 s5, s0;
	s26 =	sadd.s32 $0x15C00, s2;
	[dreg:$0xa] =	wrdreg s25  }
0x14: {  	s18 =	sadd.s32 $0x2000, s17;
	s2 =	simm.s32 $0xA0;
	[dreg:$0xb] =	wrdreg s0  }
0x15: {  	[dreg:$0xc] =	wrdreg s26;
	s20 =	simm.s32 $0x500;
	s21 =	simm.s32 $0x3  }
0x16: {  	s23 =	simm.s32 $0x5;
	s24 =	simm.s32 $0x50;
	s25 =	simm.s32 $0x280  }
0x17: {  	v0 =	vimm.f32 $0.0e+00;
	s26 =	simm.s32 $0x1;
	s0 =	simm.s32 $0xF0;
	s8 =	simm.s32 $0x190  }
.LBB2_1:
0x18: {  	s10 =	simm.s32 $0x70;
	s11 =	simm.s32 $0x3C0  }
.LBB2_2:
0x19: {  	p0 =	sne.s32 s11, $0x9FC0;
	[tilespmem:s10+$0x500] =	vst v0  }
0x1a: {  	[tilespmem:s10+$0x490] =	vst v0  }
0x1b: {  	[tilespmem:s10+$0x4A0] =	vst v0  }
.Ltmp0:
0x1c: {  	[tilespmem:s10+$0x4B0] =	vst v0;
	(pc) =	sbr.rel @p0 .LBB2_2-.Ltmp0, $4  }
0x1d: {  	[tilespmem:s10+$0x4C0] =	vst v0  }
0x1e: {  	[tilespmem:s10+$0x4D0] =	vst v0  }
0x1f: {  	[tilespmem:s10+$0x4E0] =	vst v0  }
0x20: {  	[tilespmem:s10+$0x4F0] =	vst v0;
	s10 =	sshra.s32 s11, $0x2;
	s11 =	sadd.s32 $0x200, s11  }
0x21: {  	[tilespmem:s10+$0x500] =	vst v0  }
0x22: {  	[tilespmem:s10+$0x490] =	vst v0  }
0x23: {  	[tilespmem:s10+$0x4A0] =	vst v0  }
0x24: {  	[tilespmem:s10+$0x4B0] =	vst v0  }
0x25: {  	[tilespmem:s10+$0x4C0] =	vst v0  }
0x26: {  	[tilespmem:s10+$0x4D0] =	vst v0  }
0x27: {  	[tilespmem:s10+$0x4E0] =	vst v0  }
0x28: {  	[tilespmem:s10+$0x4F0] =	vst v0  }
0x29: {  	[spmem:s6] =	stream.linear.scatter [tilespmem:s20], [sflag:$0x3], $0x2800, $0x38;
	[tilespmem:$0x19500] =	vst v63  }
0x2a: {  	s15 =	rddreg [dreg:$0x4]  }
0x2b: {  	[spmem:s15] =	stream.linear.scatter [tilespmem:s20], [sflag:$0x3], $0x2800, $0x38;
	[tilespmem:$0x19500] =	vst v63  }
0x2c: {  	s17 =	rddreg [dreg:$0x5]  }
0x2d: {  	[spmem:s17] =	stream.linear.scatter [tilespmem:s20], [sflag:$0x3], $0x2800, $0x38;
	[tilespmem:$0x19500] =	vst v63  }
0x2e: {  	s22 =	rddreg [dreg:$0x6]  }
0x2f: {  	[spmem:s22] =	stream.linear.scatter [tilespmem:s20], [sflag:$0x3], $0x2800, $0x38;
	[tilespmem:$0x19500] =	vst v63  }
0x30: {  	s11 =	rddreg [dreg:$0x7]  }
0x31: {  	[spmem:s11] =	stream.linear.scatter [tilespmem:s20], [sflag:$0x3], $0x2800, $0x38;
	[tilespmem:$0x19500] =	vst v63  }
0x32: {  	s12 =	rddreg [dreg:$0x8]  }
0x33: {  	[spmem:s12] =	stream.linear.scatter [tilespmem:s20], [sflag:$0x3], $0x2800, $0x38;
	[tilespmem:$0x19500] =	vst v63  }
0x34: {  	s14 =	rddreg [dreg:$0x9]  }
0x35: {  	[spmem:s14] =	stream.linear.scatter [tilespmem:s20], [sflag:$0x3], $0x2800, $0x38;
	[tilespmem:$0x19500] =	vst v63  }
0x36: {  	s15 =	rddreg [dreg:$0xa]  }
0x37: {  	[spmem:s15] =	stream.linear.scatter [tilespmem:s20], [sflag:$0x3], $0x2800, $0x38;
	[tilespmem:$0x19500] =	vst v63  }
0x38: {  	_ =	swait.ge [sflag:s21], $0x2800  }
0x39: {  	[sflag:s21] =	ssyncset.done $0x0  }
0x3a: {  	[sflag:s21] =	ssyncadd.s32 $0xFFFFD800  }
0x3b: {  	_ =	swait.ge [sflag:s21], $0x2800  }
0x3c: {  	[sflag:s21] =	ssyncset.done $0x0  }
0x3d: {  	[sflag:s21] =	ssyncadd.s32 $0xFFFFD800  }
0x3e: {  	_ =	swait.ge [sflag:s21], $0x2800  }
0x3f: {  	[sflag:s21] =	ssyncset.done $0x0  }
0x40: {  	[sflag:s21] =	ssyncadd.s32 $0xFFFFD800  }
0x41: {  	_ =	swait.ge [sflag:s21], $0x2800  }
0x42: {  	[sflag:s21] =	ssyncset.done $0x0  }
0x43: {  	[sflag:s21] =	ssyncadd.s32 $0xFFFFD800  }
0x44: {  	_ =	swait.ge [sflag:s21], $0x2800  }
0x45: {  	[sflag:s21] =	ssyncset.done $0x0  }
0x46: {  	[sflag:s21] =	ssyncadd.s32 $0xFFFFD800  }
0x47: {  	_ =	swait.ge [sflag:s21], $0x2800  }
0x48: {  	[sflag:s21] =	ssyncset.done $0x0  }
0x49: {  	[sflag:s21] =	ssyncadd.s32 $0xFFFFD800  }
0x4a: {  	_ =	swait.ge [sflag:s21], $0x2800  }
0x4b: {  	[sflag:s21] =	ssyncset.done $0x0  }
0x4c: {  	[sflag:s21] =	ssyncadd.s32 $0xFFFFD800  }
0x4d: {  	_ =	swait.ge [sflag:s21], $0x2800  }
0x4e: {  	[sflag:s21] =	ssyncset.done $0x0  }
0x4f: {  	[sflag:s21] =	ssyncadd.s32 $0xFFFFD800  }
0x50: {  	[bflag:$0x0] =	sbarrier.arrive $0xFFFF  }
0x51: {  	s10 =	simm.s32 $0x0;
	s12 =	simm.s32 $0x1E0;
	s11 =	rddreg [dreg:$0xb]  }
0x52: {  	[tilespmem:s12], [sflag:$0x5] =	stream.linear.gather [hbm4b:s11+s10], $0x50, $0x38;
	[tilespmem:$0x19500] =	vst v63  }
0x53: {  	_ =	swait.ge [sflag:s23], $0x50  }
0x54: {  	[sflag:s23] =	ssyncset.done $0x0  }
0x55: {  	[sflag:s23] =	ssyncadd.s32 $0xFFFFFFB0  }
0x56: {  	[tilespmem:s20], [sflag:$0x1] =	stream.indirect.gather [hbm4b:s1+s24], $0x80, s12, s24, $0xb8;
	[tilespmem:$0x19500] =	vst v63  }
0x57: {  	s17 =	sadd.s32 $0x0, s19  }
0x58: {  	[tilespmem:s4], [sflag:$0x5] =	stream.linear.gather [hbm4b:s17+s4], $0x1E0, $0x38;
	[tilespmem:$0x19500] =	vst v63  }
0x59: {  	_ =	swait.ge [sflag:s23], $0x1E0  }
0x5a: {  	[sflag:s23] =	ssyncset.done $0x0  }
0x5b: {  	s22 =	sadd.s32 $0x0, s18;
	[sflag:s23] =	ssyncadd.s32 $0xFFFFFE20  }
0x5c: {  	[tilespmem:s25], [sflag:$0x5] =	stream.linear.gather [hbm4b:s22+s4], $0x1E0, $0x38;
	[tilespmem:$0x19500] =	vst v63  }
0x5d: {  	_ =	swait.ge [sflag:s23], $0x1E0  }
0x5e: {  	[sflag:s23] =	ssyncset.done $0x0  }
0x5f: {  	[sflag:s23] =	ssyncadd.s32 $0xFFFFFE20  }
0x60: {  	_ =	swait.ge [sflag:s26], $0x2800  }
0x61: {  	[sflag:s26] =	ssyncset.done $0x0  }
0x62: {  	[sflag:s26] =	ssyncadd.s32 $0xFFFFD800  }
0x63: {  	[tilespmem:s28], [sflag:$0x2] =	stream.indirect.gather [hbm4b:s1+s24], $0x80, s24, s24, $0xb8;
	[tilespmem:$0x19500] =	vst v63  }
0x64: {  	v1 =	vld [tilespmem:$0x2C0]  }
0x65: {  	v2 =	vld [tilespmem:$0x2B0]  }
0x66: {  	v3 =	vld [tilespmem:$0x280]  }
0x67: {  	v4 =	vld [tilespmem:$0x2A0]  }
0x68: {  	v5 =	vld [tilespmem:$0x290]  }
0x69: {  	[tilespmem:$0x4C0] =	vst v1  }
0x6a: {  	[tilespmem:$0x4B0] =	vst v2  }
0x6b: {  	[tilespmem:$0x480] =	vst v3  }
0x6c: {  	[tilespmem:$0x4A0] =	vst v4  }
0x6d: {  	[tilespmem:$0x490] =	vst v5  }
0x6e: {  	[spmem:s3] =	stream.indirect.scatter.add.f32 [tilespmem:s20], [sflag:$0x4], $0x80, s29, s24, $0xb8;
	[tilespmem:$0x19500] =	vst v63  }
0x6f: {  	_ =	swait.ge [sflag:s30], $0x2800  }
0x70: {  	[sflag:s30] =	ssyncset.done $0x0  }
0x71: {  	[sflag:s30] =	ssyncadd.s32 $0xFFFFD800  }
0x72: {  	_ =	swait.ge [sflag:s31], $0x2800  }
0x73: {  	[sflag:s31] =	ssyncset.done $0x0  }
0x74: {  	[sflag:s31] =	ssyncadd.s32 $0xFFFFD800  }
0x75: {  	[tilespmem:s20], [sflag:$0x1] =	stream.indirect.gather [hbm4b:s1+s24], $0x80, s2, s24, $0xb8;
	[tilespmem:$0x19500] =	vst v63  }
0x76: {  	v1 =	vld [tilespmem:$0x2E0]  }
0x77: {  	v2 =	vld [tilespmem:$0x310]  }
0x78: {  	v3 =	vld [tilespmem:$0x2F0]  }
0x79: {  	v4 =	vld [tilespmem:$0x300]  }
0x7a: {  	v5 =	vld [tilespmem:$0x2D0]  }
0x7b: {  	[tilespmem:$0x490] =	vst v1  }
0x7c: {  	[tilespmem:$0x4C0] =	vst v2  }
0x7d: {  	[tilespmem:$0x4A0] =	vst v3  }
0x7e: {  	[tilespmem:$0x4B0] =	vst v4  }
0x7f: {  	[tilespmem:$0x480] =	vst v5  }
0x80: {  	[spmem:s3] =	stream.indirect.scatter.add.f32 [tilespmem:s28], [sflag:$0x4], $0x80, s29, s24, $0xb8;
	[tilespmem:$0x19500] =	vst v63  }
0x81: {  	_ =	swait.ge [sflag:s30], $0x2800  }
0x82: {  	[sflag:s30] =	ssyncset.done $0x0  }
0x83: {  	[sflag:s30] =	ssyncadd.s32 $0xFFFFD800  }
0x84: {  	_ =	swait.ge [sflag:s26], $0x2800  }
0x85: {  	[sflag:s26] =	ssyncset.done $0x0  }
0x86: {  	[sflag:s26] =	ssyncadd.s32 $0xFFFFD800  }
0x87: {  	[tilespmem:s28], [sflag:$0x2] =	stream.indirect.gather [hbm4b:s1+s24], $0x80, s0, s24, $0xb8;
	[tilespmem:$0x19500] =	vst v63  }
0x88: {  	v1 =	vld [tilespmem:$0x350]  }
0x89: {  	v2 =	vld [tilespmem:$0x360]  }
0x8a: {  	v3 =	vld [tilespmem:$0x340]  }
0x8b: {  	v4 =	vld [tilespmem:$0x320]  }
0x8c: {  	v5 =	vld [tilespmem:$0x330]  }
0x8d: {  	[tilespmem:$0x4B0] =	vst v1  }
0x8e: {  	[tilespmem:$0x4C0] =	vst v2  }
0x8f: {  	[tilespmem:$0x4A0] =	vst v3  }
0x90: {  	[tilespmem:$0x480] =	vst v4  }
0x91: {  	[tilespmem:$0x490] =	vst v5  }
0x92: {  	[spmem:s3] =	stream.indirect.scatter.add.f32 [tilespmem:s20], [sflag:$0x4], $0x80, s29, s24, $0xb8;
	[tilespmem:$0x19500] =	vst v63  }
0x93: {  	_ =	swait.ge [sflag:s30], $0x2800  }
0x94: {  	[sflag:s30] =	ssyncset.done $0x0  }
0x95: {  	[sflag:s30] =	ssyncadd.s32 $0xFFFFD800  }
0x96: {  	_ =	swait.ge [sflag:s31], $0x2800  }
0x97: {  	[sflag:s31] =	ssyncset.done $0x0  }
0x98: {  	[sflag:s31] =	ssyncadd.s32 $0xFFFFD800  }
0x99: {  	[tilespmem:s20], [sflag:$0x1] =	stream.indirect.gather [hbm4b:s1+s24], $0x80, s7, s24, $0xb8;
	[tilespmem:$0x19500] =	vst v63  }
0x9a: {  	v1 =	vld [tilespmem:$0x380]  }
0x9b: {  	v2 =	vld [tilespmem:$0x3B0]  }
0x9c: {  	v3 =	vld [tilespmem:$0x3A0]  }
0x9d: {  	v4 =	vld [tilespmem:$0x370]  }
0x9e: {  	v5 =	vld [tilespmem:$0x390]  }
0x9f: {  	[tilespmem:$0x490] =	vst v1  }
0xa0: {  	[tilespmem:$0x4C0] =	vst v2  }
0xa1: {  	[tilespmem:$0x4B0] =	vst v3  }
0xa2: {  	[tilespmem:$0x480] =	vst v4  }
0xa3: {  	[tilespmem:$0x4A0] =	vst v5  }
0xa4: {  	[spmem:s3] =	stream.indirect.scatter.add.f32 [tilespmem:s28], [sflag:$0x4], $0x80, s29, s24, $0xb8;
	[tilespmem:$0x19500] =	vst v63  }
0xa5: {  	_ =	swait.ge [sflag:s30], $0x2800  }
0xa6: {  	[sflag:s30] =	ssyncset.done $0x0  }
0xa7: {  	[sflag:s30] =	ssyncadd.s32 $0xFFFFD800  }
0xa8: {  	_ =	swait.ge [sflag:s26], $0x2800  }
0xa9: {  	[sflag:s26] =	ssyncset.done $0x0  }
0xaa: {  	[sflag:s26] =	ssyncadd.s32 $0xFFFFD800  }
0xab: {  	[tilespmem:s28], [sflag:$0x2] =	stream.indirect.gather [hbm4b:s1+s24], $0x80, s8, s24, $0xb8;
	[tilespmem:$0x19500] =	vst v63  }
0xac: {  	v2 =	vld [tilespmem:$0x3F0];
	_ =	sdelay $0x1  }
0xad: {  	v4 =	vld [tilespmem:$0x3D0]  }
0xae: {  	v3 =	vld [tilespmem:$0x3E0]  }
0xaf: {  	v1 =	vld [tilespmem:$0x400]  }
0xb0: {  	[tilespmem:$0x4B0] =	vst v2;
	v2 =	vld [tilespmem:$0x3C0];
	_ =	sdelay $0x1  }
0xb1: {  	s11 =	simm.s32 $0x3C;
	s12 =	smov.u32 s13;
	s17 =	smov.u32 s13;
	[tilespmem:$0x490] =	vst v4  }
.LBB2_4:
0xb2: {  	[tilespmem:$0x4A0] =	vst v3;
	s12 =	sadd.s32 $0x1E0, s12;
	s14 =	smov.u32 s11;
	s11 =	sadd.s32 $0x3C, s11  }
0xb3: {  	p0 =	sne.s32 s11, $0x4EC;
	[tilespmem:$0x4C0] =	vst v1  }
0xb4: {  	[tilespmem:$0x480] =	vst v2  }
0xb5: {  	[spmem:s3] =	stream.indirect.scatter.add.f32 [tilespmem:s20], [sflag:$0x4], $0x80, s29, s24, $0xb8;
	[tilespmem:$0x19500] =	vst v63  }
0xb6: {  	_ =	swait.ge [sflag:s30], $0x2800  }
0xb7: {  	[sflag:s30] =	ssyncset.done $0x0  }
0xb8: {  	[sflag:s30] =	ssyncadd.s32 $0xFFFFD800  }
0xb9: {  	p1 =	seq.s32 s10, $0x4B0;
	s10 =	smov.u32 s14;
	_ =	swait.ge [sflag:s31], $0x2800  }
0xba: {  	s14 =	sshrl.u32 @!p1 s17, $0x3;
	s17 =	simm.s32 @!p1 $0x0;
	[sflag:s31] =	ssyncset.done $0x0  }
0xbb: {  	s22 =	simm.s32 @!p1 $0x1E0;
	s14 =	sadd.s32 @!p1 s5, s14;
	[sflag:s31] =	ssyncadd.s32 $0xFFFFD800  }
0xbc: {  	[tilespmem:s22], [sflag:$0x5] =	stream.linear.gather @!p1 [hbm4b:s14+s17], $0x50, $0x38;
	[tilespmem:$0x19500] =	vst v63  }
0xbd: {  	s14 =	simm.s32 @!p1 $0x5;
	s17 =	smov.u32 s12  }
0xbe: {  	_ =	swait.ge @!p1 [sflag:s14], $0x50  }
0xbf: {  	[sflag:s14] =	ssyncset.done @!p1 $0x0  }
0xc0: {  	s15 =	simm.s32 @!p1 $0x500;
	[sflag:s14] =	ssyncadd.s32 @!p1 $0xFFFFFFB0;
	s14 =	simm.s32 @!p1 $0x50  }
0xc1: {  	[tilespmem:s15], [sflag:$0x1] =	stream.indirect.gather @!p1 [hbm4b:s1+s14], $0x80, s22, s14, $0xb8;
	[tilespmem:$0x19500] =	vst v63  }
0xc2: {  	v1 =	vld [tilespmem:$0x410]  }
0xc3: {  	v2 =	vld [tilespmem:$0x420]  }
0xc4: {  	v3 =	vld [tilespmem:$0x430]  }
0xc5: {  	v4 =	vld [tilespmem:$0x450]  }
0xc6: {  	v5 =	vld [tilespmem:$0x440]  }
0xc7: {  	[tilespmem:$0x480] =	vst v1  }
0xc8: {  	[tilespmem:$0x490] =	vst v2  }
0xc9: {  	[tilespmem:$0x4A0] =	vst v3  }
0xca: {  	[tilespmem:$0x4C0] =	vst v4  }
0xcb: {  	[tilespmem:$0x4B0] =	vst v5  }
0xcc: {  	[spmem:s3] =	stream.indirect.scatter.add.f32 [tilespmem:s28], [sflag:$0x4], $0x80, s29, s24, $0xb8;
	[tilespmem:$0x19500] =	vst v63  }
0xcd: {  	_ =	swait.ge [sflag:s30], $0x2800  }
0xce: {  	[sflag:s30] =	ssyncset.done $0x0  }
0xcf: {  	s14 =	sadd.s32 s10, s19;
	[sflag:s30] =	ssyncadd.s32 $0xFFFFD800  }
0xd0: {  	[tilespmem:s4], [sflag:$0x5] =	stream.linear.gather [hbm4b:s14+s4], $0x1E0, $0x38;
	[tilespmem:$0x19500] =	vst v63  }
0xd1: {  	_ =	swait.ge [sflag:s23], $0x1E0  }
0xd2: {  	[sflag:s23] =	ssyncset.done $0x0  }
0xd3: {  	s14 =	sadd.s32 s10, s18;
	[sflag:s23] =	ssyncadd.s32 $0xFFFFFE20  }
0xd4: {  	[tilespmem:s25], [sflag:$0x5] =	stream.linear.gather [hbm4b:s14+s4], $0x1E0, $0x38;
	[tilespmem:$0x19500] =	vst v63  }
0xd5: {  	_ =	swait.ge [sflag:s23], $0x1E0  }
0xd6: {  	[sflag:s23] =	ssyncset.done $0x0  }
0xd7: {  	[sflag:s23] =	ssyncadd.s32 $0xFFFFFE20  }
0xd8: {  	_ =	swait.ge [sflag:s26], $0x2800  }
0xd9: {  	[sflag:s26] =	ssyncset.done $0x0  }
0xda: {  	[sflag:s26] =	ssyncadd.s32 $0xFFFFD800  }
0xdb: {  	[tilespmem:s28], [sflag:$0x2] =	stream.indirect.gather [hbm4b:s1+s24], $0x80, s24, s24, $0xb8;
	[tilespmem:$0x19500] =	vst v63  }
0xdc: {  	v1 =	vld [tilespmem:$0x2C0]  }
0xdd: {  	v2 =	vld [tilespmem:$0x2B0]  }
0xde: {  	v3 =	vld [tilespmem:$0x280]  }
0xdf: {  	v4 =	vld [tilespmem:$0x2A0]  }
0xe0: {  	v5 =	vld [tilespmem:$0x290]  }
0xe1: {  	[tilespmem:$0x4C0] =	vst v1  }
0xe2: {  	[tilespmem:$0x4B0] =	vst v2  }
0xe3: {  	[tilespmem:$0x480] =	vst v3  }
0xe4: {  	[tilespmem:$0x4A0] =	vst v4  }
0xe5: {  	[tilespmem:$0x490] =	vst v5  }
0xe6: {  	[spmem:s3] =	stream.indirect.scatter.add.f32 [tilespmem:s20], [sflag:$0x4], $0x80, s29, s24, $0xb8;
	[tilespmem:$0x19500] =	vst v63  }
0xe7: {  	_ =	swait.ge [sflag:s30], $0x2800  }
0xe8: {  	[sflag:s30] =	ssyncset.done $0x0  }
0xe9: {  	[sflag:s30] =	ssyncadd.s32 $0xFFFFD800  }
0xea: {  	_ =	swait.ge [sflag:s31], $0x2800  }
0xeb: {  	[sflag:s31] =	ssyncset.done $0x0  }
0xec: {  	[sflag:s31] =	ssyncadd.s32 $0xFFFFD800  }
0xed: {  	[tilespmem:s20], [sflag:$0x1] =	stream.indirect.gather [hbm4b:s1+s24], $0x80, s2, s24, $0xb8;
	[tilespmem:$0x19500] =	vst v63  }
0xee: {  	v1 =	vld [tilespmem:$0x2E0]  }
0xef: {  	v2 =	vld [tilespmem:$0x310]  }
0xf0: {  	v3 =	vld [tilespmem:$0x2F0]  }
0xf1: {  	v4 =	vld [tilespmem:$0x300]  }
0xf2: {  	v5 =	vld [tilespmem:$0x2D0]  }
0xf3: {  	[tilespmem:$0x490] =	vst v1  }
0xf4: {  	[tilespmem:$0x4C0] =	vst v2  }
0xf5: {  	[tilespmem:$0x4A0] =	vst v3  }
0xf6: {  	[tilespmem:$0x4B0] =	vst v4  }
0xf7: {  	[tilespmem:$0x480] =	vst v5  }
0xf8: {  	[spmem:s3] =	stream.indirect.scatter.add.f32 [tilespmem:s28], [sflag:$0x4], $0x80, s29, s24, $0xb8;
	[tilespmem:$0x19500] =	vst v63  }
0xf9: {  	_ =	swait.ge [sflag:s30], $0x2800  }
0xfa: {  	[sflag:s30] =	ssyncset.done $0x0  }
0xfb: {  	[sflag:s30] =	ssyncadd.s32 $0xFFFFD800  }
0xfc: {  	_ =	swait.ge [sflag:s26], $0x2800  }
0xfd: {  	[sflag:s26] =	ssyncset.done $0x0  }
0xfe: {  	[sflag:s26] =	ssyncadd.s32 $0xFFFFD800  }
0xff: {  	[tilespmem:s28], [sflag:$0x2] =	stream.indirect.gather [hbm4b:s1+s24], $0x80, s0, s24, $0xb8;
	[tilespmem:$0x19500] =	vst v63  }
0x100: {  	v1 =	vld [tilespmem:$0x350]  }
0x101: {  	v2 =	vld [tilespmem:$0x360]  }
0x102: {  	v3 =	vld [tilespmem:$0x340]  }
0x103: {  	v4 =	vld [tilespmem:$0x320]  }
0x104: {  	v5 =	vld [tilespmem:$0x330]  }
0x105: {  	[tilespmem:$0x4B0] =	vst v1  }
0x106: {  	[tilespmem:$0x4C0] =	vst v2  }
0x107: {  	[tilespmem:$0x4A0] =	vst v3  }
0x108: {  	[tilespmem:$0x480] =	vst v4  }
0x109: {  	[tilespmem:$0x490] =	vst v5  }
0x10a: {  	[spmem:s3] =	stream.indirect.scatter.add.f32 [tilespmem:s20], [sflag:$0x4], $0x80, s29, s24, $0xb8;
	[tilespmem:$0x19500] =	vst v63  }
0x10b: {  	_ =	swait.ge [sflag:s30], $0x2800  }
0x10c: {  	[sflag:s30] =	ssyncset.done $0x0  }
0x10d: {  	[sflag:s30] =	ssyncadd.s32 $0xFFFFD800  }
0x10e: {  	_ =	swait.ge [sflag:s31], $0x2800  }
0x10f: {  	[sflag:s31] =	ssyncset.done $0x0  }
0x110: {  	[sflag:s31] =	ssyncadd.s32 $0xFFFFD800  }
0x111: {  	[tilespmem:s20], [sflag:$0x1] =	stream.indirect.gather [hbm4b:s1+s24], $0x80, s7, s24, $0xb8;
	[tilespmem:$0x19500] =	vst v63  }
0x112: {  	v1 =	vld [tilespmem:$0x380]  }
0x113: {  	v2 =	vld [tilespmem:$0x3B0]  }
0x114: {  	v3 =	vld [tilespmem:$0x3A0]  }
0x115: {  	v4 =	vld [tilespmem:$0x370]  }
0x116: {  	v5 =	vld [tilespmem:$0x390]  }
0x117: {  	[tilespmem:$0x490] =	vst v1  }
0x118: {  	[tilespmem:$0x4C0] =	vst v2  }
0x119: {  	[tilespmem:$0x4B0] =	vst v3  }
0x11a: {  	[tilespmem:$0x480] =	vst v4  }
0x11b: {  	[tilespmem:$0x4A0] =	vst v5  }
0x11c: {  	[spmem:s3] =	stream.indirect.scatter.add.f32 [tilespmem:s28], [sflag:$0x4], $0x80, s29, s24, $0xb8;
	[tilespmem:$0x19500] =	vst v63  }
0x11d: {  	_ =	swait.ge [sflag:s30], $0x2800  }
0x11e: {  	[sflag:s30] =	ssyncset.done $0x0  }
0x11f: {  	[sflag:s30] =	ssyncadd.s32 $0xFFFFD800  }
0x120: {  	_ =	swait.ge [sflag:s26], $0x2800  }
0x121: {  	[sflag:s26] =	ssyncset.done $0x0  }
0x122: {  	[sflag:s26] =	ssyncadd.s32 $0xFFFFD800  }
0x123: {  	[tilespmem:s28], [sflag:$0x2] =	stream.indirect.gather [hbm4b:s1+s24], $0x80, s8, s24, $0xb8;
	[tilespmem:$0x19500] =	vst v63  }
0x124: {  	v4 =	vld [tilespmem:$0x3F0]  }
0x125: {  	v5 =	vld [tilespmem:$0x3D0]  }
.Ltmp1:
0x126: {  	v3 =	vld [tilespmem:$0x3E0];
	(pc) =	sbr.rel @p0 .LBB2_4-.Ltmp1, $4  }
0x127: {  	v1 =	vld [tilespmem:$0x400]  }
0x128: {  	v2 =	vld [tilespmem:$0x3C0]  }
0x129: {  	[tilespmem:$0x4B0] =	vst v4  }
0x12a: {  	[tilespmem:$0x490] =	vst v5  }
0x12b: {  	[tilespmem:$0x4A0] =	vst v3  }
0x12c: {  	[tilespmem:$0x4C0] =	vst v1  }
0x12d: {  	[tilespmem:$0x480] =	vst v2  }
0x12e: {  	[spmem:s3] =	stream.indirect.scatter.add.f32 [tilespmem:s20], [sflag:$0x4], $0x80, s29, s24, $0xb8;
	[tilespmem:$0x19500] =	vst v63  }
0x12f: {  	_ =	swait.ge [sflag:s30], $0x2800  }
0x130: {  	[sflag:s30] =	ssyncset.done $0x0  }
0x131: {  	[sflag:s30] =	ssyncadd.s32 $0xFFFFD800  }
0x132: {  	p0 =	seq.s32 s10, $0x4B0;
	_ =	swait.ge [sflag:s31], $0x2800  }
0x133: {  	s10 =	sshrl.u32 @!p0 s17, $0x3;
	s11 =	simm.s32 @!p0 $0x0;
	[sflag:s31] =	ssyncset.done $0x0  }
0x134: {  	s12 =	simm.s32 @!p0 $0x1E0;
	s10 =	sadd.s32 @!p0 s5, s10;
	[sflag:s31] =	ssyncadd.s32 $0xFFFFD800  }
0x135: {  	[tilespmem:s12], [sflag:$0x5] =	stream.linear.gather @!p0 [hbm4b:s10+s11], $0x50, $0x38;
	[tilespmem:$0x19500] =	vst v63  }
0x136: {  	s10 =	simm.s32 @!p0 $0x5  }
0x137: {  	_ =	swait.ge @!p0 [sflag:s10], $0x50  }
0x138: {  	[sflag:s10] =	ssyncset.done @!p0 $0x0  }
0x139: {  	s11 =	simm.s32 @!p0 $0x500;
	[sflag:s10] =	ssyncadd.s32 @!p0 $0xFFFFFFB0;
	s10 =	simm.s32 @!p0 $0x50  }
0x13a: {  	[tilespmem:s11], [sflag:$0x1] =	stream.indirect.gather @!p0 [hbm4b:s1+s10], $0x80, s12, s10, $0xb8;
	[tilespmem:$0x19500] =	vst v63  }
0x13b: {  	v1 =	vld [tilespmem:$0x410]  }
0x13c: {  	v2 =	vld [tilespmem:$0x420]  }
0x13d: {  	v3 =	vld [tilespmem:$0x430]  }
0x13e: {  	v4 =	vld [tilespmem:$0x450]  }
0x13f: {  	v5 =	vld [tilespmem:$0x440]  }
0x140: {  	[tilespmem:$0x480] =	vst v1  }
0x141: {  	[tilespmem:$0x490] =	vst v2  }
0x142: {  	[tilespmem:$0x4A0] =	vst v3  }
0x143: {  	[tilespmem:$0x4C0] =	vst v4  }
0x144: {  	[tilespmem:$0x4B0] =	vst v5  }
0x145: {  	[spmem:s3] =	stream.indirect.scatter.add.f32 [tilespmem:s28], [sflag:$0x4], $0x80, s29, s24, $0xb8;
	[tilespmem:$0x19500] =	vst v63  }
0x146: {  	_ =	swait.ge [sflag:s30], $0x2800  }
0x147: {  	s15 =	stileid.u32;
	[sflag:s30] =	ssyncset.done $0x0  }
0x148: {  	s9 =	sadd.s32 $0x1, s9;
	s17 =	sshrl.u32 s6, $0x3;
	[sflag:s30] =	ssyncadd.s32 $0xFFFFD800  }
0x149: {  	s10 =	sshll.u32 s15, $0x6;
	p0 =	sne.s32 s9, s16;
	[bflag:$0x0] =	sbarrier.arrive $0xFFFF  }
.Ltmp2:
0x14a: {  	s10 =	sor.u32 $0x1C05, s10;
	s22 =	rddreg [dreg:$0xc];
	(pc) =	sbr.rel @p0 .LBB2_1-.Ltmp2, $4  }
0x14b: {  	[hbm:s22], [sflag:s10] =	dma.local [spmem:s17], $0x2800  }
0x14c: {  	_ =	swait.ge [sflag:s23], $0x2800  }
0x14d: {  	[sflag:s23] =	ssyncset.done $0x0  }
0x14e: {  	[sflag:s23] =	ssyncadd.s32 $0xFFFFD800  }
0x14f: {  	_ =	sfence.sel $0x180000  }
0x150: {  	[bflag:$0x0] =	sbarrier.arrive $0xFFFF  }
0x151: {  	_ =	strace $0x9000004A  }
0x152: {  	s0 =	stileid.u32;
	[bflag:$0x2] =	sbarrier.arrive $0xFFFF  }
0x153: {  	p0 =	sne.s32 s0, $0x0;
	s0 =	rddreg [dreg:$0x3]  }
0x154: {  	s0 =	sadd.s32 @!p0 $0x100000, s0  }
0x155: {  	[sflag:s0] =	ssyncadd.tile.s32 @!p0 $0x1;
	_ =	shalt  }
.Lfunc_end2:
_tile_overlayer_lowered:
.L_overlay_start_2:
0x156: {  	(tag) =	ssettag $0x2  }
0x157: {  	s0 =	rddreg [dreg:$0x0];
	s2 =	stileid.u32  }
0x158: {  	s1 =	rddreg [dreg:$0x1];
	p0 =	sne.s32 s2, $0x0  }
0x159: {  	s3 =	rddreg [dreg:$0x2];
	[bflag:$0x3] =	sbarrier.arrive $0xFFFF;
	s2 =	simm.s32 @!p0 $0x1C05  }
0x15a: {  	[timem:s3], [sflag:s2] =	dma.local @!p0 [hbm:s0], s1  }
0x15b: {  	s0 =	simm.s32 @!p0 $0x5  }
0x15c: {  	_ =	swait.ge @!p0 [sflag:s0], s1  }
0x15d: {  	s1 =	ssub.s32 @!p0 $0x0, s1;
	[sflag:s0] =	ssyncset.done @!p0 $0x0  }
0x15e: {  	[sflag:s0] =	ssyncadd.s32 @!p0 s1  }
0x15f: {  	[bflag:$0x3] =	sbarrier.arrive $0xFFFF  }
0x160: {  	_ =	shalt  }

</sc_bundles>
